<compile_context>
chip_gen: v7x
topology: tpu7x:2x2x1
jax: 0.10.2.dev20260603
libtpu: 0.0.44.dev20260713+nightly
codegen_flags: <defaults>
</compile_context>

<pallas_src>
import functools

import jax
import jax.numpy as jnp
from jax import lax
from jax.experimental import pallas as pl
from jax.experimental.pallas import tpu as pltpu
from jax.experimental.pallas import tpu_sc as plsc

_NC = 2
_NS = 16
_NW = _NC * _NS
_LANES = 16
_CHUNK_ROWS = 32
_SC_SEGS = 4


def _sc_segsum_body(x_hbm, out_hbm, buf0, buf1, accv, sem0, sem1, row_base,
                    rows_per_w, ncols):
    nvec = ncols // _LANES
    nchunk = rows_per_w // _CHUNK_ROWS
    w_per_seg = _NW // _SC_SEGS
    wid = lax.axis_index("s") * _NC + lax.axis_index("c")
    seg = wid // w_per_seg
    q = wid % w_per_seg
    row0 = row_base + wid * rows_per_w

    bufs = (buf0, buf1)
    sems = (sem0, sem1)

    def chunk_src(i):
        return x_hbm.at[pl.ds(row0 + i * _CHUNK_ROWS, _CHUNK_ROWS), :]

    for c in range(nvec):
        accv[pl.ds(c * _LANES, _LANES)] = jnp.zeros((_LANES,), jnp.float32)

    nhalf = nvec // 2
    pltpu.async_copy(chunk_src(0), bufs[0], sems[0])
    for i in range(nchunk):
        cur, csem = bufs[i % 2], sems[i % 2]
        pltpu.make_async_copy(chunk_src(i), cur, csem).wait()
        if i + 1 < nchunk:
            pltpu.async_copy(chunk_src(i + 1), bufs[(i + 1) % 2],
                             sems[(i + 1) % 2])

        for p in range(2):
            base = p * nhalf

            def body(r, a):
                return tuple(
                    a[c] + cur[r, pl.ds((base + c) * _LANES, _LANES)]
                    for c in range(nhalf))

            part = lax.fori_loop(
                0, _CHUNK_ROWS, body,
                tuple(jnp.zeros((_LANES,), jnp.float32)
                      for _ in range(nhalf)))
            for c in range(nhalf):
                plsc.addupdate(accv.at[pl.ds((base + c) * _LANES, _LANES)],
                               part[c])

    pltpu.sync_copy(accv, out_hbm.at[q, seg])


def _head(segsum, lens_f, Wm, bm, beg, We, be, Wo, bo):
    l = lens_f[:, None]
    summed = jax.lax.dot_general(
        segsum, Wm, (((1,), (1,)), ((), ())),
        preferred_element_type=jnp.float32)
    summed = summed + l * bm[None, :] + beg[None, :]
    pooled = summed / (l + 1.0)
    enc = jnp.tanh(jax.lax.dot_general(
        pooled, We, (((1,), (1,)), ((), ())),
        preferred_element_type=jnp.float32) + be[None, :])
    return jax.lax.dot_general(
        enc, Wo, (((1,), (1,)), ((), ())),
        preferred_element_type=jnp.float32) + bo[None, :]


def _tc_fused_body(x_ref, lens_ref, Wm_ref, bm_ref, beg_ref, We_ref, be_ref,
                   Wo_ref, bo_ref, out_ref, acc_ref, *, tc_segs):
    i = pl.program_id(0)
    acc_ref[pl.ds(i, 1), :] = jnp.sum(x_ref[...], axis=0)[None, :]

    @pl.when(i == tc_segs - 1)
    def _():
        lens_f = lens_ref[...].astype(jnp.float32)[:tc_segs]
        out_ref[...] = _head(acc_ref[...], lens_f, Wm_ref[...], bm_ref[...],
                             beg_ref[...], We_ref[...], be_ref[...],
                             Wo_ref[...], bo_ref[...])


def _sc_head_body(s_ref, lens_ref, Wm_ref, bm_ref, beg_ref, We_ref, be_ref,
                  Wo_ref, bo_ref, out_ref, *, tc_segs):
    segsum = jnp.sum(s_ref[...], axis=0)
    lens_f = lens_ref[...].astype(jnp.float32)[tc_segs:]
    out_ref[...] = _head(segsum, lens_f, Wm_ref[...], bm_ref[...],
                         beg_ref[...], We_ref[...], be_ref[...], Wo_ref[...],
                         bo_ref[...])


def kernel(sent_embs, lengths, W_map, b_map, beg_param, W_enc, b_enc, W_out,
           b_out):
    Bn = lengths.shape[0]
    total, prev = sent_embs.shape
    per_len = total // Bn
    out_dim = W_out.shape[0]
    tc_segs = Bn - _SC_SEGS
    w_per_seg = _NW // _SC_SEGS
    rows_per_w = _SC_SEGS * per_len // _NW

    sc_segsum = functools.partial(
        pl.kernel,
        out_type=jax.ShapeDtypeStruct((w_per_seg, _SC_SEGS, prev),
                                      jnp.float32),
        mesh=plsc.VectorSubcoreMesh(core_axis_name="c", subcore_axis_name="s"),
        scratch_types=[
            pltpu.VMEM((_CHUNK_ROWS, prev), jnp.float32),
            pltpu.VMEM((_CHUNK_ROWS, prev), jnp.float32),
            pltpu.VMEM((prev,), jnp.float32),
            pltpu.SemaphoreType.DMA,
            pltpu.SemaphoreType.DMA,
        ],
    )(functools.partial(_sc_segsum_body, row_base=tc_segs * per_len,
                        rows_per_w=rows_per_w, ncols=prev))
    sc_partials = sc_segsum(sent_embs)

    wspec = [
        pl.BlockSpec(lengths.shape, lambda i: (0,)),
        pl.BlockSpec(W_map.shape, lambda i: (0, 0)),
        pl.BlockSpec(b_map.shape, lambda i: (0,)),
        pl.BlockSpec(beg_param.shape, lambda i: (0,)),
        pl.BlockSpec(W_enc.shape, lambda i: (0, 0)),
        pl.BlockSpec(b_enc.shape, lambda i: (0,)),
        pl.BlockSpec(W_out.shape, lambda i: (0, 0)),
        pl.BlockSpec(b_out.shape, lambda i: (0,)),
    ]
    out_tc = pl.pallas_call(
        functools.partial(_tc_fused_body, tc_segs=tc_segs),
        grid=(tc_segs,),
        in_specs=[pl.BlockSpec((per_len, prev), lambda i: (i, 0))] + wspec,
        out_specs=pl.BlockSpec((tc_segs, out_dim), lambda i: (0, 0)),
        out_shape=jax.ShapeDtypeStruct((tc_segs, out_dim), jnp.float32),
        scratch_shapes=[pltpu.VMEM((tc_segs, prev), jnp.float32)],
    )(sent_embs, lengths, W_map, b_map, beg_param, W_enc, b_enc, W_out, b_out)

    out_sc = pl.pallas_call(
        functools.partial(_sc_head_body, tc_segs=tc_segs),
        out_shape=jax.ShapeDtypeStruct((_SC_SEGS, out_dim), jnp.float32),
    )(sc_partials, lengths, W_map, b_map, beg_param, W_enc, b_enc, W_out,
      b_out)

    return jnp.concatenate([out_tc, out_sc], axis=0)

# --- scband reference (transcript-rebuilt; emitter-appended) ---
"""Pipeline reference for scband-emb-seq-encoder-1554778161454 (READ-ONLY COPY).

The authoritative reference and input builder live on the scoring server;
editing this copy changes nothing except your own understanding.
"""

import jax, jax.numpy as jnp
import numpy as np

B = 16
TOTAL = 16384
PREV = 1024
INPUT = 768
ENC_OUT = 768
OUT = 1024


def setup_inputs(seed: int = 0) -> dict:
    key = jax.random.key(seed)
    ks = jax.random.split(key, 8)
    sent_embs = jax.random.normal(ks[0], (TOTAL, PREV), dtype=jnp.float32)
    # lengths must sum to TOTAL so the ragged scatter is exact; use uniform ragged lengths
    lengths = jnp.full((B,), TOTAL // B, dtype=jnp.int32)
    W_map = jax.random.normal(ks[1], (INPUT, PREV), dtype=jnp.float32) * 0.02
    b_map = jnp.zeros((INPUT,), dtype=jnp.float32)
    beg_param = jax.random.uniform(ks[2], (INPUT,), minval=-0.1, maxval=0.1, dtype=jnp.float32)
    W_enc = jax.random.normal(ks[3], (ENC_OUT, INPUT), dtype=jnp.float32) * 0.02
    b_enc = jnp.zeros((ENC_OUT,), dtype=jnp.float32)
    W_out = jax.random.normal(ks[4], (OUT, ENC_OUT), dtype=jnp.float32) * 0.02
    b_out = jnp.zeros((OUT,), dtype=jnp.float32)
    return {"sent_embs": sent_embs, "lengths": lengths, "W_map": W_map, "b_map": b_map,
            "beg_param": beg_param, "W_enc": W_enc, "b_enc": b_enc, "W_out": W_out, "b_out": b_out}


def _build_scatter_idx(lengths_np, max_len):
    # positions offs+extra_len .. offs+extra_len+l-1 for each sequence, offs = b*max_len
    idx_list = []
    for b in range(lengths_np.shape[0]):
        start = b * max_len + 1  # extra_len = 1 (beg_seq token)
        idx_list.append(np.arange(start, start + int(lengths_np[b]), dtype=np.int32))
    return np.concatenate(idx_list)


def reference(sent_embs, lengths, W_map, b_map, beg_param, W_enc, b_enc, W_out, b_out):
    # emb_to_hidden_mapping (prev_output_size 1024 != input_size 768)
    x = sent_embs @ W_map.T + b_map
    extra_len = 1
    Bn = lengths.shape[0]
    per_len = sent_embs.shape[0] // Bn
    max_len = per_len + extra_len
    emb_sz = x.shape[1]
    L_static = np.full((Bn,), per_len, dtype=np.int32)
    idx = jnp.asarray(_build_scatter_idx(L_static, max_len))
    # scatter ragged tokens into padded buffer [B*max_len, emb]
    padded = jnp.zeros((Bn * max_len, emb_sz), dtype=x.dtype).at[idx].set(x)
    # write beg_seq token at the start of every sequence
    padded = padded.at[0::max_len].set(beg_param)
    seqs = padded.reshape(Bn, max_len, emb_sz)
    len_t = lengths.astype(jnp.int32) + extra_len
    # encoder: length-masked mean pooling + linear + tanh (pooler), returns pooled_out
    mask = (jnp.arange(max_len)[None, :] < len_t[:, None]).astype(x.dtype)
    summed = jnp.einsum('bld,bl->bd', seqs, mask)
    pooled = summed / len_t[:, None].astype(x.dtype)
    enc_pooled = jnp.tanh(pooled @ W_enc.T + b_enc)
    # hidden_dropout (identity in eval) + hidden_to_output_mapping (768 -> 1024)
    out = enc_pooled @ W_out.T + b_out
    return out

if __name__ == "__main__":
    import jax
    _d = setup_inputs()
    print(jax.jit(kernel)(*tuple(_d.values())))

</pallas_src>

<mosaic_0001>
#map = affine_map<(d0, d1) -> (0, 0)>
#map1 = affine_map<(d0, d1) -> (0, 0, 0)>
module attributes {stable_mosaic.version = 14 : i64} {
  func.func @_sc_segsum_body(%arg0: i32, %arg1: i32, %arg2: memref<16384x1024xf32, #tpu.memory_space<hbm>>, %arg3: memref<8x4x1024xf32, #tpu.memory_space<hbm>>, %arg4: memref<32x1024xf32, #tpu.memory_space<vmem>>, %arg5: memref<32x1024xf32, #tpu.memory_space<vmem>>, %arg6: memref<1024xf32, #tpu.memory_space<vmem>>, %arg7: memref<!tpu.dma_semaphore, #tpu.memory_space<semaphore_mem>>, %arg8: memref<!tpu.dma_semaphore, #tpu.memory_space<semaphore_mem>>) attributes {dimension_semantics = [#tpu.dimension_semantics<core_parallel>, #tpu.dimension_semantics<subcore_parallel>], iteration_bounds = array<i64: 2, 16>, scalar_prefetch = 0 : i64, scratch_operands = 5 : i64, tpu.core_type = #tpu.core_type<sc_vector_subcore>, window_params = [{transform_indices = #map}, {transform_indices = #map1}]} {
    %mul3A = arith.constant 2 : i32
    %mul3A_0 = arith.muli %arg1, %mul3A : i32
    %add3A = arith.addi %mul3A_0, %arg0 : i32
    %jit3A = arith.constant 8 : i32
    %div3A = arith.divsi %add3A, %jit3A : i32
    %sign3A = arith.constant 0 : i32
    %sign3A_1 = arith.cmpi sgt, %add3A, %sign3A : i32
    %sign3A_2 = arith.extui %sign3A_1 : i1 to i32
    %sign3A_3 = arith.constant 0 : i32
    %sign3A_4 = arith.cmpi slt, %add3A, %sign3A_3 : i32
    %sign3A_5 = arith.extui %sign3A_4 : i1 to i32
    %sign3A_6 = arith.subi %sign3A_2, %sign3A_5 : i32
    %sign3A_7 = arith.constant 0 : i32
    %sign3A_8 = arith.cmpi sgt, %jit3A, %sign3A_7 : i32
    %sign3A_9 = arith.extui %sign3A_8 : i1 to i32
    %sign3A_10 = arith.constant 0 : i32
    %sign3A_11 = arith.cmpi slt, %jit3A, %sign3A_10 : i32
    %sign3A_12 = arith.extui %sign3A_11 : i1 to i32
    %sign3A_13 = arith.subi %sign3A_9, %sign3A_12 : i32
    %ne3A = arith.cmpi ne, %sign3A_6, %sign3A_13 : i32
    %rem3A = arith.remsi %add3A, %jit3A : i32
    %ne3A_14 = arith.constant 0 : i32
    %ne3A_15 = arith.cmpi ne, %rem3A, %ne3A_14 : i32
    %and3A = arith.andi %ne3A, %ne3A_15 : i1
    %sub3A = arith.constant 1 : i32
    %sub3A_16 = arith.subi %div3A, %sub3A : i32
    %select_n3A = arith.select %and3A, %sub3A_16, %div3A : i32
    %jit3A_17 = arith.constant 8 : i32
    %eq3A = arith.constant 0 : i32
    %eq3A_18 = arith.cmpi eq, %jit3A_17, %eq3A : i32
    %jit3A_19 = arith.constant 1 : i32
    %select_n3A_20 = arith.select %eq3A_18, %jit3A_19, %jit3A_17 : i32
    %rem3A_21 = arith.remsi %add3A, %select_n3A_20 : i32
    %ne3A_22 = arith.constant 0 : i32
    %ne3A_23 = arith.cmpi ne, %rem3A_21, %ne3A_22 : i32
    %lt3A = arith.constant 0 : i32
    %lt3A_24 = arith.cmpi slt, %rem3A_21, %lt3A : i32
    %lt3A_25 = arith.constant 0 : i32
    %lt3A_26 = arith.cmpi slt, %select_n3A_20, %lt3A_25 : i32
    %ne3A_27 = arith.xori %lt3A_24, %lt3A_26 : i1
    %and3A_28 = arith.andi %ne3A_27, %ne3A_23 : i1
    %add3A_29 = arith.addi %rem3A_21, %select_n3A_20 : i32
    %select_n3A_30 = arith.select %and3A_28, %add3A_29, %rem3A_21 : i32
    %mul3A_31 = arith.constant 128 : i32
    %mul3A_32 = arith.muli %add3A, %mul3A_31 : i32
    %add3A_33 = arith.constant 12288 : i32
    %add3A_34 = arith.addi %add3A_33, %mul3A_32 : i32
    %broadcast_in_dim3A = arith.constant 0.000000e+00 : f32
    %broadcast_in_dim3A_35 = vector.broadcast %broadcast_in_dim3A : f32 to vector<16xf32>
    %swap3A = arith.constant 0 : index
    %swap3A_36 = tpu.vector_load %arg6[%swap3A] {strides = array<i32>} : memref<1024xf32, #tpu.memory_space<vmem>>, vector<16xf32>,
    %swap3A_37 = vector.shape_cast %swap3A_36 : vector<16xf32> to vector<16xf32>
    %swap3A_38 = vector.shape_cast %broadcast_in_dim3A_35 : vector<16xf32> to vector<16xf32>
    tpu.vector_store %arg6[%swap3A], %swap3A_38 {strides = array<i32>} : memref<1024xf32, #tpu.memory_space<vmem>>, vector<16xf32>,
    %broadcast_in_dim3A_39 = arith.constant 0.000000e+00 : f32
    %broadcast_in_dim3A_40 = vector.broadcast %broadcast_in_dim3A_39 : f32 to vector<16xf32>
    %swap3A_41 = arith.constant 16 : index
    %swap3A_42 = tpu.vector_load %arg6[%swap3A_41] {strides = array<i32>} : memref<1024xf32, #tpu.memory_space<vmem>>, vector<16xf32>,
    %swap3A_43 = vector.shape_cast %swap3A_42 : vector<16xf32> to vector<16xf32>
    %swap3A_44 = vector.shape_cast %broadcast_in_dim3A_40 : vector<16xf32> to vector<16xf32>
    tpu.vector_store %arg6[%swap3A_41], %swap3A_44 {strides = array<i32>} : memref<1024xf32, #tpu.memory_space<vmem>>, vector<16xf32>,
    %broadcast_in_dim3A_45 = arith.constant 0.000000e+00 : f32
    %broadcast_in_dim3A_46 = vector.broadcast %broadcast_in_dim3A_45 : f32 to vector<16xf32>
    %swap3A_47 = arith.constant 32 : index
    %swap3A_48 = tpu.vector_load %arg6[%swap3A_47] {strides = array<i32>} : memref<1024xf32, #tpu.memory_space<vmem>>, vector<16xf32>,
    %swap3A_49 = vector.shape_cast %swap3A_48 : vector<16xf32> to vector<16xf32>
    %swap3A_50 = vector.shape_cast %broadcast_in_dim3A_46 : vector<16xf32> to vector<16xf32>
    tpu.vector_store %arg6[%swap3A_47], %swap3A_50 {strides = array<i32>} : memref<1024xf32, #tpu.memory_space<vmem>>, vector<16xf32>,
    %broadcast_in_dim3A_51 = arith.constant 0.000000e+00 : f32
    %broadcast_in_dim3A_52 = vector.broadcast %broadcast_in_dim3A_51 : f32 to vector<16xf32>
    %swap3A_53 = arith.constant 48 : index
    %swap3A_54 = tpu.vector_load %arg6[%swap3A_53] {strides = array<i32>} : memref<1024xf32, #tpu.memory_space<vmem>>, vector<16xf32>,
    %swap3A_55 = vector.shape_cast %swap3A_54 : vector<16xf32> to vector<16xf32>
    %swap3A_56 = vector.shape_cast %broadcast_in_dim3A_52 : vector<16xf32> to vector<16xf32>
    tpu.vector_store %arg6[%swap3A_53], %swap3A_56 {strides = array<i32>} : memref<1024xf32, #tpu.memory_space<vmem>>, vector<16xf32>,
    %broadcast_in_dim3A_57 = arith.constant 0.000000e+00 : f32
    %broadcast_in_dim3A_58 = vector.broadcast %broadcast_in_dim3A_57 : f32 to vector<16xf32>
    %swap3A_59 = arith.constant 64 : index
    %swap3A_60 = tpu.vector_load %arg6[%swap3A_59] {strides = array<i32>} : memref<1024xf32, #tpu.memory_space<vmem>>, vector<16xf32>,
    %swap3A_61 = vector.shape_cast %swap3A_60 : vector<16xf32> to vector<16xf32>
    %swap3A_62 = vector.shape_cast %broadcast_in_dim3A_58 : vector<16xf32> to vector<16xf32>
    tpu.vector_store %arg6[%swap3A_59], %swap3A_62 {strides = array<i32>} : memref<1024xf32, #tpu.memory_space<vmem>>, vector<16xf32>,
    %broadcast_in_dim3A_63 = arith.constant 0.000000e+00 : f32
    %broadcast_in_dim3A_64 = vector.broadcast %broadcast_in_dim3A_63 : f32 to vector<16xf32>
    %swap3A_65 = arith.constant 80 : index
    %swap3A_66 = tpu.vector_load %arg6[%swap3A_65] {strides = array<i32>} : memref<1024xf32, #tpu.memory_space<vmem>>, vector<16xf32>,
    %swap3A_67 = vector.shape_cast %swap3A_66 : vector<16xf32> to vector<16xf32>
    %swap3A_68 = vector.shape_cast %broadcast_in_dim3A_64 : vector<16xf32> to vector<16xf32>
    tpu.vector_store %arg6[%swap3A_65], %swap3A_68 {strides = array<i32>} : memref<1024xf32, #tpu.memory_space<vmem>>, vector<16xf32>,
    %broadcast_in_dim3A_69 = arith.constant 0.000000e+00 : f32
    %broadcast_in_dim3A_70 = vector.broadcast %broadcast_in_dim3A_69 : f32 to vector<16xf32>
    %swap3A_71 = arith.constant 96 : index
    %swap3A_72 = tpu.vector_load %arg6[%swap3A_71] {strides = array<i32>} : memref<1024xf32, #tpu.memory_space<vmem>>, vector<16xf32>,
    %swap3A_73 = vector.shape_cast %swap3A_72 : vector<16xf32> to vector<16xf32>
    %swap3A_74 = vector.shape_cast %broadcast_in_dim3A_70 : vector<16xf32> to vector<16xf32>
    tpu.vector_store %arg6[%swap3A_71], %swap3A_74 {strides = array<i32>} : memref<1024xf32, #tpu.memory_space<vmem>>, vector<16xf32>,
    %broadcast_in_dim3A_75 = arith.constant 0.000000e+00 : f32
    %broadcast_in_dim3A_76 = vector.broadcast %broadcast_in_dim3A_75 : f32 to vector<16xf32>
    %swap3A_77 = arith.constant 112 : index
    %swap3A_78 = tpu.vector_load %arg6[%swap3A_77] {strides = array<i32>} : memref<1024xf32, #tpu.memory_space<vmem>>, vector<16xf32>,
    %swap3A_79 = vector.shape_cast %swap3A_78 : vector<16xf32> to vector<16xf32>
    %swap3A_80 = vector.shape_cast %broadcast_in_dim3A_76 : vector<16xf32> to vector<16xf32>
    tpu.vector_store %arg6[%swap3A_77], %swap3A_80 {strides = array<i32>} : memref<1024xf32, #tpu.memory_space<vmem>>, vector<16xf32>,
    %broadcast_in_dim3A_81 = arith.constant 0.000000e+00 : f32
    %broadcast_in_dim3A_82 = vector.broadcast %broadcast_in_dim3A_81 : f32 to vector<16xf32>
    %swap3A_83 = arith.constant 128 : index
    %swap3A_84 = tpu.vector_load %arg6[%swap3A_83] {strides = array<i32>} : memref<1024xf32, #tpu.memory_space<vmem>>, vector<16xf32>,
    %swap3A_85 = vector.shape_cast %swap3A_84 : vector<16xf32> to vector<16xf32>
    %swap3A_86 = vector.shape_cast %broadcast_in_dim3A_82 : vector<16xf32> to vector<16xf32>
    tpu.vector_store %arg6[%swap3A_83], %swap3A_86 {strides = array<i32>} : memref<1024xf32, #tpu.memory_space<vmem>>, vector<16xf32>,
    %broadcast_in_dim3A_87 = arith.constant 0.000000e+00 : f32
    %broadcast_in_dim3A_88 = vector.broadcast %broadcast_in_dim3A_87 : f32 to vector<16xf32>
    %swap3A_89 = arith.constant 144 : index
    %swap3A_90 = tpu.vector_load %arg6[%swap3A_89] {strides = array<i32>} : memref<1024xf32, #tpu.memory_space<vmem>>, vector<16xf32>,
    %swap3A_91 = vector.shape_cast %swap3A_90 : vector<16xf32> to vector<16xf32>
    %swap3A_92 = vector.shape_cast %broadcast_in_dim3A_88 : vector<16xf32> to vector<16xf32>
    tpu.vector_store %arg6[%swap3A_89], %swap3A_92 {strides = array<i32>} : memref<1024xf32, #tpu.memory_space<vmem>>, vector<16xf32>,
    %broadcast_in_dim3A_93 = arith.constant 0.000000e+00 : f32
    %broadcast_in_dim3A_94 = vector.broadcast %broadcast_in_dim3A_93 : f32 to vector<16xf32>
    %swap3A_95 = arith.constant 160 : index
    %swap3A_96 = tpu.vector_load %arg6[%swap3A_95] {strides = array<i32>} : memref<1024xf32, #tpu.memory_space<vmem>>, vector<16xf32>,
    %swap3A_97 = vector.shape_cast %swap3A_96 : vector<16xf32> to vector<16xf32>
    %swap3A_98 = vector.shape_cast %broadcast_in_dim3A_94 : vector<16xf32> to vector<16xf32>
    tpu.vector_store %arg6[%swap3A_95], %swap3A_98 {strides = array<i32>} : memref<1024xf32, #tpu.memory_space<vmem>>, vector<16xf32>,
    %broadcast_in_dim3A_99 = arith.constant 0.000000e+00 : f32
    %broadcast_in_dim3A_100 = vector.broadcast %broadcast_in_dim3A_99 : f32 to vector<16xf32>
    %swap3A_101 = arith.constant 176 : index
    %swap3A_102 = tpu.vector_load %arg6[%swap3A_101] {strides = array<i32>} : memref<1024xf32, #tpu.memory_space<vmem>>, vector<16xf32>,
    %swap3A_103 = vector.shape_cast %swap3A_102 : vector<16xf32> to vector<16xf32>
    %swap3A_104 = vector.shape_cast %broadcast_in_dim3A_100 : vector<16xf32> to vector<16xf32>
    tpu.vector_store %arg6[%swap3A_101], %swap3A_104 {strides = array<i32>} : memref<1024xf32, #tpu.memory_space<vmem>>, vector<16xf32>,
    %broadcast_in_dim3A_105 = arith.constant 0.000000e+00 : f32
    %broadcast_in_dim3A_106 = vector.broadcast %broadcast_in_dim3A_105 : f32 to vector<16xf32>
    %swap3A_107 = arith.constant 192 : index
    %swap3A_108 = tpu.vector_load %arg6[%swap3A_107] {strides = array<i32>} : memref<1024xf32, #tpu.memory_space<vmem>>, vector<16xf32>,
    %swap3A_109 = vector.shape_cast %swap3A_108 : vector<16xf32> to vector<16xf32>
    %swap3A_110 = vector.shape_cast %broadcast_in_dim3A_106 : vector<16xf32> to vector<16xf32>
    tpu.vector_store %arg6[%swap3A_107], %swap3A_110 {strides = array<i32>} : memref<1024xf32, #tpu.memory_space<vmem>>, vector<16xf32>,
    %broadcast_in_dim3A_111 = arith.constant 0.000000e+00 : f32
    %broadcast_in_dim3A_112 = vector.broadcast %broadcast_in_dim3A_111 : f32 to vector<16xf32>
    %swap3A_113 = arith.constant 208 : index
    %swap3A_114 = tpu.vector_load %arg6[%swap3A_113] {strides = array<i32>} : memref<1024xf32, #tpu.memory_space<vmem>>, vector<16xf32>,
    %swap3A_115 = vector.shape_cast %swap3A_114 : vector<16xf32> to vector<16xf32>
    %swap3A_116 = vector.shape_cast %broadcast_in_dim3A_112 : vector<16xf32> to vector<16xf32>
    tpu.vector_store %arg6[%swap3A_113], %swap3A_116 {strides = array<i32>} : memref<1024xf32, #tpu.memory_space<vmem>>, vector<16xf32>,
    %broadcast_in_dim3A_117 = arith.constant 0.000000e+00 : f32
    %broadcast_in_dim3A_118 = vector.broadcast %broadcast_in_dim3A_117 : f32 to vector<16xf32>
    %swap3A_119 = arith.constant 224 : index
    %swap3A_120 = tpu.vector_load %arg6[%swap3A_119] {strides = array<i32>} : memref<1024xf32, #tpu.memory_space<vmem>>, vector<16xf32>,
    %swap3A_121 = vector.shape_cast %swap3A_120 : vector<16xf32> to vector<16xf32>
    %swap3A_122 = vector.shape_cast %broadcast_in_dim3A_118 : vector<16xf32> to vector<16xf32>
    tpu.vector_store %arg6[%swap3A_119], %swap3A_122 {strides = array<i32>} : memref<1024xf32, #tpu.memory_space<vmem>>, vector<16xf32>,
    %broadcast_in_dim3A_123 = arith.constant 0.000000e+00 : f32
    %broadcast_in_dim3A_124 = vector.broadcast %broadcast_in_dim3A_123 : f32 to vector<16xf32>
    %swap3A_125 = arith.constant 240 : index
    %swap3A_126 = tpu.vector_load %arg6[%swap3A_125] {strides = array<i32>} : memref<1024xf32, #tpu.memory_space<vmem>>, vector<16xf32>,
    %swap3A_127 = vector.shape_cast %swap3A_126 : vector<16xf32> to vector<16xf32>
    %swap3A_128 = vector.shape_cast %broadcast_in_dim3A_124 : vector<16xf32> to vector<16xf32>
    tpu.vector_store %arg6[%swap3A_125], %swap3A_128 {strides = array<i32>} : memref<1024xf32, #tpu.memory_space<vmem>>, vector<16xf32>,
    %broadcast_in_dim3A_129 = arith.constant 0.000000e+00 : f32
    %broadcast_in_dim3A_130 = vector.broadcast %broadcast_in_dim3A_129 : f32 to vector<16xf32>
    %swap3A_131 = arith.constant 256 : index
    %swap3A_132 = tpu.vector_load %arg6[%swap3A_131] {strides = array<i32>} : memref<1024xf32, #tpu.memory_space<vmem>>, vector<16xf32>,
    %swap3A_133 = vector.shape_cast %swap3A_132 : vector<16xf32> to vector<16xf32>
    %swap3A_134 = vector.shape_cast %broadcast_in_dim3A_130 : vector<16xf32> to vector<16xf32>
    tpu.vector_store %arg6[%swap3A_131], %swap3A_134 {strides = array<i32>} : memref<1024xf32, #tpu.memory_space<vmem>>, vector<16xf32>,
    %broadcast_in_dim3A_135 = arith.constant 0.000000e+00 : f32
    %broadcast_in_dim3A_136 = vector.broadcast %broadcast_in_dim3A_135 : f32 to vector<16xf32>
    %swap3A_137 = arith.constant 272 : index
    %swap3A_138 = tpu.vector_load %arg6[%swap3A_137] {strides = array<i32>} : memref<1024xf32, #tpu.memory_space<vmem>>, vector<16xf32>,
    %swap3A_139 = vector.shape_cast %swap3A_138 : vector<16xf32> to vector<16xf32>
    %swap3A_140 = vector.shape_cast %broadcast_in_dim3A_136 : vector<16xf32> to vector<16xf32>
    tpu.vector_store %arg6[%swap3A_137], %swap3A_140 {strides = array<i32>} : memref<1024xf32, #tpu.memory_space<vmem>>, vector<16xf32>,
    %broadcast_in_dim3A_141 = arith.constant 0.000000e+00 : f32
    %broadcast_in_dim3A_142 = vector.broadcast %broadcast_in_dim3A_141 : f32 to vector<16xf32>
    %swap3A_143 = arith.constant 288 : index
    %swap3A_144 = tpu.vector_load %arg6[%swap3A_143] {strides = array<i32>} : memref<1024xf32, #tpu.memory_space<vmem>>, vector<16xf32>,
    %swap3A_145 = vector.shape_cast %swap3A_144 : vector<16xf32> to vector<16xf32>
    %swap3A_146 = vector.shape_cast %broadcast_in_dim3A_142 : vector<16xf32> to vector<16xf32>
    tpu.vector_store %arg6[%swap3A_143], %swap3A_146 {strides = array<i32>} : memref<1024xf32, #tpu.memory_space<vmem>>, vector<16xf32>,
    %broadcast_in_dim3A_147 = arith.constant 0.000000e+00 : f32
    %broadcast_in_dim3A_148 = vector.broadcast %broadcast_in_dim3A_147 : f32 to vector<16xf32>
    %swap3A_149 = arith.constant 304 : index
    %swap3A_150 = tpu.vector_load %arg6[%swap3A_149] {strides = array<i32>} : memref<1024xf32, #tpu.memory_space<vmem>>, vector<16xf32>,
    %swap3A_151 = vector.shape_cast %swap3A_150 : vector<16xf32> to vector<16xf32>
    %swap3A_152 = vector.shape_cast %broadcast_in_dim3A_148 : vector<16xf32> to vector<16xf32>
    tpu.vector_store %arg6[%swap3A_149], %swap3A_152 {strides = array<i32>} : memref<1024xf32, #tpu.memory_space<vmem>>, vector<16xf32>,
    %broadcast_in_dim3A_153 = arith.constant 0.000000e+00 : f32
    %broadcast_in_dim3A_154 = vector.broadcast %broadcast_in_dim3A_153 : f32 to vector<16xf32>
    %swap3A_155 = arith.constant 320 : index
    %swap3A_156 = tpu.vector_load %arg6[%swap3A_155] {strides = array<i32>} : memref<1024xf32, #tpu.memory_space<vmem>>, vector<16xf32>,
    %swap3A_157 = vector.shape_cast %swap3A_156 : vector<16xf32> to vector<16xf32>
    %swap3A_158 = vector.shape_cast %broadcast_in_dim3A_154 : vector<16xf32> to vector<16xf32>
    tpu.vector_store %arg6[%swap3A_155], %swap3A_158 {strides = array<i32>} : memref<1024xf32, #tpu.memory_space<vmem>>, vector<16xf32>,
    %broadcast_in_dim3A_159 = arith.constant 0.000000e+00 : f32
    %broadcast_in_dim3A_160 = vector.broadcast %broadcast_in_dim3A_159 : f32 to vector<16xf32>
    %swap3A_161 = arith.constant 336 : index
    %swap3A_162 = tpu.vector_load %arg6[%swap3A_161] {strides = array<i32>} : memref<1024xf32, #tpu.memory_space<vmem>>, vector<16xf32>,
    %swap3A_163 = vector.shape_cast %swap3A_162 : vector<16xf32> to vector<16xf32>
    %swap3A_164 = vector.shape_cast %broadcast_in_dim3A_160 : vector<16xf32> to vector<16xf32>
    tpu.vector_store %arg6[%swap3A_161], %swap3A_164 {strides = array<i32>} : memref<1024xf32, #tpu.memory_space<vmem>>, vector<16xf32>,
    %broadcast_in_dim3A_165 = arith.constant 0.000000e+00 : f32
    %broadcast_in_dim3A_166 = vector.broadcast %broadcast_in_dim3A_165 : f32 to vector<16xf32>
    %swap3A_167 = arith.constant 352 : index
    %swap3A_168 = tpu.vector_load %arg6[%swap3A_167] {strides = array<i32>} : memref<1024xf32, #tpu.memory_space<vmem>>, vector<16xf32>,
    %swap3A_169 = vector.shape_cast %swap3A_168 : vector<16xf32> to vector<16xf32>
    %swap3A_170 = vector.shape_cast %broadcast_in_dim3A_166 : vector<16xf32> to vector<16xf32>
    tpu.vector_store %arg6[%swap3A_167], %swap3A_170 {strides = array<i32>} : memref<1024xf32, #tpu.memory_space<vmem>>, vector<16xf32>,
    %broadcast_in_dim3A_171 = arith.constant 0.000000e+00 : f32
    %broadcast_in_dim3A_172 = vector.broadcast %broadcast_in_dim3A_171 : f32 to vector<16xf32>
    %swap3A_173 = arith.constant 368 : index
    %swap3A_174 = tpu.vector_load %arg6[%swap3A_173] {strides = array<i32>} : memref<1024xf32, #tpu.memory_space<vmem>>, vector<16xf32>,
    %swap3A_175 = vector.shape_cast %swap3A_174 : vector<16xf32> to vector<16xf32>
    %swap3A_176 = vector.shape_cast %broadcast_in_dim3A_172 : vector<16xf32> to vector<16xf32>
    tpu.vector_store %arg6[%swap3A_173], %swap3A_176 {strides = array<i32>} : memref<1024xf32, #tpu.memory_space<vmem>>, vector<16xf32>,
    %broadcast_in_dim3A_177 = arith.constant 0.000000e+00 : f32
    %broadcast_in_dim3A_178 = vector.broadcast %broadcast_in_dim3A_177 : f32 to vector<16xf32>
    %swap3A_179 = arith.constant 384 : index
    %swap3A_180 = tpu.vector_load %arg6[%swap3A_179] {strides = array<i32>} : memref<1024xf32, #tpu.memory_space<vmem>>, vector<16xf32>,
    %swap3A_181 = vector.shape_cast %swap3A_180 : vector<16xf32> to vector<16xf32>
    %swap3A_182 = vector.shape_cast %broadcast_in_dim3A_178 : vector<16xf32> to vector<16xf32>
    tpu.vector_store %arg6[%swap3A_179], %swap3A_182 {strides = array<i32>} : memref<1024xf32, #tpu.memory_space<vmem>>, vector<16xf32>,
    %broadcast_in_dim3A_183 = arith.constant 0.000000e+00 : f32
    %broadcast_in_dim3A_184 = vector.broadcast %broadcast_in_dim3A_183 : f32 to vector<16xf32>
    %swap3A_185 = arith.constant 400 : index
    %swap3A_186 = tpu.vector_load %arg6[%swap3A_185] {strides = array<i32>} : memref<1024xf32, #tpu.memory_space<vmem>>, vector<16xf32>,
    %swap3A_187 = vector.shape_cast %swap3A_186 : vector<16xf32> to vector<16xf32>
    %swap3A_188 = vector.shape_cast %broadcast_in_dim3A_184 : vector<16xf32> to vector<16xf32>
    tpu.vector_store %arg6[%swap3A_185], %swap3A_188 {strides = array<i32>} : memref<1024xf32, #tpu.memory_space<vmem>>, vector<16xf32>,
    %broadcast_in_dim3A_189 = arith.constant 0.000000e+00 : f32
    %broadcast_in_dim3A_190 = vector.broadcast %broadcast_in_dim3A_189 : f32 to vector<16xf32>
    %swap3A_191 = arith.constant 416 : index
    %swap3A_192 = tpu.vector_load %arg6[%swap3A_191] {strides = array<i32>} : memref<1024xf32, #tpu.memory_space<vmem>>, vector<16xf32>,
    %swap3A_193 = vector.shape_cast %swap3A_192 : vector<16xf32> to vector<16xf32>
    %swap3A_194 = vector.shape_cast %broadcast_in_dim3A_190 : vector<16xf32> to vector<16xf32>
    tpu.vector_store %arg6[%swap3A_191], %swap3A_194 {strides = array<i32>} : memref<1024xf32, #tpu.memory_space<vmem>>, vector<16xf32>,
    %broadcast_in_dim3A_195 = arith.constant 0.000000e+00 : f32
    %broadcast_in_dim3A_196 = vector.broadcast %broadcast_in_dim3A_195 : f32 to vector<16xf32>
    %swap3A_197 = arith.constant 432 : index
    %swap3A_198 = tpu.vector_load %arg6[%swap3A_197] {strides = array<i32>} : memref<1024xf32, #tpu.memory_space<vmem>>, vector<16xf32>,
    %swap3A_199 = vector.shape_cast %swap3A_198 : vector<16xf32> to vector<16xf32>
    %swap3A_200 = vector.shape_cast %broadcast_in_dim3A_196 : vector<16xf32> to vector<16xf32>
    tpu.vector_store %arg6[%swap3A_197], %swap3A_200 {strides = array<i32>} : memref<1024xf32, #tpu.memory_space<vmem>>, vector<16xf32>,
    %broadcast_in_dim3A_201 = arith.constant 0.000000e+00 : f32
    %broadcast_in_dim3A_202 = vector.broadcast %broadcast_in_dim3A_201 : f32 to vector<16xf32>
    %swap3A_203 = arith.constant 448 : index
    %swap3A_204 = tpu.vector_load %arg6[%swap3A_203] {strides = array<i32>} : memref<1024xf32, #tpu.memory_space<vmem>>, vector<16xf32>,
    %swap3A_205 = vector.shape_cast %swap3A_204 : vector<16xf32> to vector<16xf32>
    %swap3A_206 = vector.shape_cast %broadcast_in_dim3A_202 : vector<16xf32> to vector<16xf32>
    tpu.vector_store %arg6[%swap3A_203], %swap3A_206 {strides = array<i32>} : memref<1024xf32, #tpu.memory_space<vmem>>, vector<16xf32>,
    %broadcast_in_dim3A_207 = arith.constant 0.000000e+00 : f32
    %broadcast_in_dim3A_208 = vector.broadcast %broadcast_in_dim3A_207 : f32 to vector<16xf32>
    %swap3A_209 = arith.constant 464 : index
    %swap3A_210 = tpu.vector_load %arg6[%swap3A_209] {strides = array<i32>} : memref<1024xf32, #tpu.memory_space<vmem>>, vector<16xf32>,
    %swap3A_211 = vector.shape_cast %swap3A_210 : vector<16xf32> to vector<16xf32>
    %swap3A_212 = vector.shape_cast %broadcast_in_dim3A_208 : vector<16xf32> to vector<16xf32>
    tpu.vector_store %arg6[%swap3A_209], %swap3A_212 {strides = array<i32>} : memref<1024xf32, #tpu.memory_space<vmem>>, vector<16xf32>,
    %broadcast_in_dim3A_213 = arith.constant 0.000000e+00 : f32
    %broadcast_in_dim3A_214 = vector.broadcast %broadcast_in_dim3A_213 : f32 to vector<16xf32>
    %swap3A_215 = arith.constant 480 : index
    %swap3A_216 = tpu.vector_load %arg6[%swap3A_215] {strides = array<i32>} : memref<1024xf32, #tpu.memory_space<vmem>>, vector<16xf32>,
    %swap3A_217 = vector.shape_cast %swap3A_216 : vector<16xf32> to vector<16xf32>
    %swap3A_218 = vector.shape_cast %broadcast_in_dim3A_214 : vector<16xf32> to vector<16xf32>
    tpu.vector_store %arg6[%swap3A_215], %swap3A_218 {strides = array<i32>} : memref<1024xf32, #tpu.memory_space<vmem>>, vector<16xf32>,
    %broadcast_in_dim3A_219 = arith.constant 0.000000e+00 : f32
    %broadcast_in_dim3A_220 = vector.broadcast %broadcast_in_dim3A_219 : f32 to vector<16xf32>
    %swap3A_221 = arith.constant 496 : index
    %swap3A_222 = tpu.vector_load %arg6[%swap3A_221] {strides = array<i32>} : memref<1024xf32, #tpu.memory_space<vmem>>, vector<16xf32>,
    %swap3A_223 = vector.shape_cast %swap3A_222 : vector<16xf32> to vector<16xf32>
    %swap3A_224 = vector.shape_cast %broadcast_in_dim3A_220 : vector<16xf32> to vector<16xf32>
    tpu.vector_store %arg6[%swap3A_221], %swap3A_224 {strides = array<i32>} : memref<1024xf32, #tpu.memory_space<vmem>>, vector<16xf32>,
    %broadcast_in_dim3A_225 = arith.constant 0.000000e+00 : f32
    %broadcast_in_dim3A_226 = vector.broadcast %broadcast_in_dim3A_225 : f32 to vector<16xf32>
    %swap3A_227 = arith.constant 512 : index
    %swap3A_228 = tpu.vector_load %arg6[%swap3A_227] {strides = array<i32>} : memref<1024xf32, #tpu.memory_space<vmem>>, vector<16xf32>,
    %swap3A_229 = vector.shape_cast %swap3A_228 : vector<16xf32> to vector<16xf32>
    %swap3A_230 = vector.shape_cast %broadcast_in_dim3A_226 : vector<16xf32> to vector<16xf32>
    tpu.vector_store %arg6[%swap3A_227], %swap3A_230 {strides = array<i32>} : memref<1024xf32, #tpu.memory_space<vmem>>, vector<16xf32>,
    %broadcast_in_dim3A_231 = arith.constant 0.000000e+00 : f32
    %broadcast_in_dim3A_232 = vector.broadcast %broadcast_in_dim3A_231 : f32 to vector<16xf32>
    %swap3A_233 = arith.constant 528 : index
    %swap3A_234 = tpu.vector_load %arg6[%swap3A_233] {strides = array<i32>} : memref<1024xf32, #tpu.memory_space<vmem>>, vector<16xf32>,
    %swap3A_235 = vector.shape_cast %swap3A_234 : vector<16xf32> to vector<16xf32>
    %swap3A_236 = vector.shape_cast %broadcast_in_dim3A_232 : vector<16xf32> to vector<16xf32>
    tpu.vector_store %arg6[%swap3A_233], %swap3A_236 {strides = array<i32>} : memref<1024xf32, #tpu.memory_space<vmem>>, vector<16xf32>,
    %broadcast_in_dim3A_237 = arith.constant 0.000000e+00 : f32
    %broadcast_in_dim3A_238 = vector.broadcast %broadcast_in_dim3A_237 : f32 to vector<16xf32>
    %swap3A_239 = arith.constant 544 : index
    %swap3A_240 = tpu.vector_load %arg6[%swap3A_239] {strides = array<i32>} : memref<1024xf32, #tpu.memory_space<vmem>>, vector<16xf32>,
    %swap3A_241 = vector.shape_cast %swap3A_240 : vector<16xf32> to vector<16xf32>
    %swap3A_242 = vector.shape_cast %broadcast_in_dim3A_238 : vector<16xf32> to vector<16xf32>
    tpu.vector_store %arg6[%swap3A_239], %swap3A_242 {strides = array<i32>} : memref<1024xf32, #tpu.memory_space<vmem>>, vector<16xf32>,
    %broadcast_in_dim3A_243 = arith.constant 0.000000e+00 : f32
    %broadcast_in_dim3A_244 = vector.broadcast %broadcast_in_dim3A_243 : f32 to vector<16xf32>
    %swap3A_245 = arith.constant 560 : index
    %swap3A_246 = tpu.vector_load %arg6[%swap3A_245] {strides = array<i32>} : memref<1024xf32, #tpu.memory_space<vmem>>, vector<16xf32>,
    %swap3A_247 = vector.shape_cast %swap3A_246 : vector<16xf32> to vector<16xf32>
    %swap3A_248 = vector.shape_cast %broadcast_in_dim3A_244 : vector<16xf32> to vector<16xf32>
    tpu.vector_store %arg6[%swap3A_245], %swap3A_248 {strides = array<i32>} : memref<1024xf32, #tpu.memory_space<vmem>>, vector<16xf32>,
    %broadcast_in_dim3A_249 = arith.constant 0.000000e+00 : f32
    %broadcast_in_dim3A_250 = vector.broadcast %broadcast_in_dim3A_249 : f32 to vector<16xf32>
    %swap3A_251 = arith.constant 576 : index
    %swap3A_252 = tpu.vector_load %arg6[%swap3A_251] {strides = array<i32>} : memref<1024xf32, #tpu.memory_space<vmem>>, vector<16xf32>,
    %swap3A_253 = vector.shape_cast %swap3A_252 : vector<16xf32> to vector<16xf32>
    %swap3A_254 = vector.shape_cast %broadcast_in_dim3A_250 : vector<16xf32> to vector<16xf32>
    tpu.vector_store %arg6[%swap3A_251], %swap3A_254 {strides = array<i32>} : memref<1024xf32, #tpu.memory_space<vmem>>, vector<16xf32>,
    %broadcast_in_dim3A_255 = arith.constant 0.000000e+00 : f32
    %broadcast_in_dim3A_256 = vector.broadcast %broadcast_in_dim3A_255 : f32 to vector<16xf32>
    %swap3A_257 = arith.constant 592 : index
    %swap3A_258 = tpu.vector_load %arg6[%swap3A_257] {strides = array<i32>} : memref<1024xf32, #tpu.memory_space<vmem>>, vector<16xf32>,
    %swap3A_259 = vector.shape_cast %swap3A_258 : vector<16xf32> to vector<16xf32>
    %swap3A_260 = vector.shape_cast %broadcast_in_dim3A_256 : vector<16xf32> to vector<16xf32>
    tpu.vector_store %arg6[%swap3A_257], %swap3A_260 {strides = array<i32>} : memref<1024xf32, #tpu.memory_space<vmem>>, vector<16xf32>,
    %broadcast_in_dim3A_261 = arith.constant 0.000000e+00 : f32
    %broadcast_in_dim3A_262 = vector.broadcast %broadcast_in_dim3A_261 : f32 to vector<16xf32>
    %swap3A_263 = arith.constant 608 : index
    %swap3A_264 = tpu.vector_load %arg6[%swap3A_263] {strides = array<i32>} : memref<1024xf32, #tpu.memory_space<vmem>>, vector<16xf32>,
    %swap3A_265 = vector.shape_cast %swap3A_264 : vector<16xf32> to vector<16xf32>
    %swap3A_266 = vector.shape_cast %broadcast_in_dim3A_262 : vector<16xf32> to vector<16xf32>
    tpu.vector_store %arg6[%swap3A_263], %swap3A_266 {strides = array<i32>} : memref<1024xf32, #tpu.memory_space<vmem>>, vector<16xf32>,
    %broadcast_in_dim3A_267 = arith.constant 0.000000e+00 : f32
    %broadcast_in_dim3A_268 = vector.broadcast %broadcast_in_dim3A_267 : f32 to vector<16xf32>
    %swap3A_269 = arith.constant 624 : index
    %swap3A_270 = tpu.vector_load %arg6[%swap3A_269] {strides = array<i32>} : memref<1024xf32, #tpu.memory_space<vmem>>, vector<16xf32>,
    %swap3A_271 = vector.shape_cast %swap3A_270 : vector<16xf32> to vector<16xf32>
    %swap3A_272 = vector.shape_cast %broadcast_in_dim3A_268 : vector<16xf32> to vector<16xf32>
    tpu.vector_store %arg6[%swap3A_269], %swap3A_272 {strides = array<i32>} : memref<1024xf32, #tpu.memory_space<vmem>>, vector<16xf32>,
    %broadcast_in_dim3A_273 = arith.constant 0.000000e+00 : f32
    %broadcast_in_dim3A_274 = vector.broadcast %broadcast_in_dim3A_273 : f32 to vector<16xf32>
    %swap3A_275 = arith.constant 640 : index
    %swap3A_276 = tpu.vector_load %arg6[%swap3A_275] {strides = array<i32>} : memref<1024xf32, #tpu.memory_space<vmem>>, vector<16xf32>,
    %swap3A_277 = vector.shape_cast %swap3A_276 : vector<16xf32> to vector<16xf32>
    %swap3A_278 = vector.shape_cast %broadcast_in_dim3A_274 : vector<16xf32> to vector<16xf32>
    tpu.vector_store %arg6[%swap3A_275], %swap3A_278 {strides = array<i32>} : memref<1024xf32, #tpu.memory_space<vmem>>, vector<16xf32>,
    %broadcast_in_dim3A_279 = arith.constant 0.000000e+00 : f32
    %broadcast_in_dim3A_280 = vector.broadcast %broadcast_in_dim3A_279 : f32 to vector<16xf32>
    %swap3A_281 = arith.constant 656 : index
    %swap3A_282 = tpu.vector_load %arg6[%swap3A_281] {strides = array<i32>} : memref<1024xf32, #tpu.memory_space<vmem>>, vector<16xf32>,
    %swap3A_283 = vector.shape_cast %swap3A_282 : vector<16xf32> to vector<16xf32>
    %swap3A_284 = vector.shape_cast %broadcast_in_dim3A_280 : vector<16xf32> to vector<16xf32>
    tpu.vector_store %arg6[%swap3A_281], %swap3A_284 {strides = array<i32>} : memref<1024xf32, #tpu.memory_space<vmem>>, vector<16xf32>,
    %broadcast_in_dim3A_285 = arith.constant 0.000000e+00 : f32
    %broadcast_in_dim3A_286 = vector.broadcast %broadcast_in_dim3A_285 : f32 to vector<16xf32>
    %swap3A_287 = arith.constant 672 : index
    %swap3A_288 = tpu.vector_load %arg6[%swap3A_287] {strides = array<i32>} : memref<1024xf32, #tpu.memory_space<vmem>>, vector<16xf32>,
    %swap3A_289 = vector.shape_cast %swap3A_288 : vector<16xf32> to vector<16xf32>
    %swap3A_290 = vector.shape_cast %broadcast_in_dim3A_286 : vector<16xf32> to vector<16xf32>
    tpu.vector_store %arg6[%swap3A_287], %swap3A_290 {strides = array<i32>} : memref<1024xf32, #tpu.memory_space<vmem>>, vector<16xf32>,
    %broadcast_in_dim3A_291 = arith.constant 0.000000e+00 : f32
    %broadcast_in_dim3A_292 = vector.broadcast %broadcast_in_dim3A_291 : f32 to vector<16xf32>
    %swap3A_293 = arith.constant 688 : index
    %swap3A_294 = tpu.vector_load %arg6[%swap3A_293] {strides = array<i32>} : memref<1024xf32, #tpu.memory_space<vmem>>, vector<16xf32>,
    %swap3A_295 = vector.shape_cast %swap3A_294 : vector<16xf32> to vector<16xf32>
    %swap3A_296 = vector.shape_cast %broadcast_in_dim3A_292 : vector<16xf32> to vector<16xf32>
    tpu.vector_store %arg6[%swap3A_293], %swap3A_296 {strides = array<i32>} : memref<1024xf32, #tpu.memory_space<vmem>>, vector<16xf32>,
    %broadcast_in_dim3A_297 = arith.constant 0.000000e+00 : f32
    %broadcast_in_dim3A_298 = vector.broadcast %broadcast_in_dim3A_297 : f32 to vector<16xf32>
    %swap3A_299 = arith.constant 704 : index
    %swap3A_300 = tpu.vector_load %arg6[%swap3A_299] {strides = array<i32>} : memref<1024xf32, #tpu.memory_space<vmem>>, vector<16xf32>,
    %swap3A_301 = vector.shape_cast %swap3A_300 : vector<16xf32> to vector<16xf32>
    %swap3A_302 = vector.shape_cast %broadcast_in_dim3A_298 : vector<16xf32> to vector<16xf32>
    tpu.vector_store %arg6[%swap3A_299], %swap3A_302 {strides = array<i32>} : memref<1024xf32, #tpu.memory_space<vmem>>, vector<16xf32>,
    %broadcast_in_dim3A_303 = arith.constant 0.000000e+00 : f32
    %broadcast_in_dim3A_304 = vector.broadcast %broadcast_in_dim3A_303 : f32 to vector<16xf32>
    %swap3A_305 = arith.constant 720 : index
    %swap3A_306 = tpu.vector_load %arg6[%swap3A_305] {strides = array<i32>} : memref<1024xf32, #tpu.memory_space<vmem>>, vector<16xf32>,
    %swap3A_307 = vector.shape_cast %swap3A_306 : vector<16xf32> to vector<16xf32>
    %swap3A_308 = vector.shape_cast %broadcast_in_dim3A_304 : vector<16xf32> to vector<16xf32>
    tpu.vector_store %arg6[%swap3A_305], %swap3A_308 {strides = array<i32>} : memref<1024xf32, #tpu.memory_space<vmem>>, vector<16xf32>,
    %broadcast_in_dim3A_309 = arith.constant 0.000000e+00 : f32
    %broadcast_in_dim3A_310 = vector.broadcast %broadcast_in_dim3A_309 : f32 to vector<16xf32>
    %swap3A_311 = arith.constant 736 : index
    %swap3A_312 = tpu.vector_load %arg6[%swap3A_311] {strides = array<i32>} : memref<1024xf32, #tpu.memory_space<vmem>>, vector<16xf32>,
    %swap3A_313 = vector.shape_cast %swap3A_312 : vector<16xf32> to vector<16xf32>
    %swap3A_314 = vector.shape_cast %broadcast_in_dim3A_310 : vector<16xf32> to vector<16xf32>
    tpu.vector_store %arg6[%swap3A_311], %swap3A_314 {strides = array<i32>} : memref<1024xf32, #tpu.memory_space<vmem>>, vector<16xf32>,
    %broadcast_in_dim3A_315 = arith.constant 0.000000e+00 : f32
    %broadcast_in_dim3A_316 = vector.broadcast %broadcast_in_dim3A_315 : f32 to vector<16xf32>
    %swap3A_317 = arith.constant 752 : index
    %swap3A_318 = tpu.vector_load %arg6[%swap3A_317] {strides = array<i32>} : memref<1024xf32, #tpu.memory_space<vmem>>, vector<16xf32>,
    %swap3A_319 = vector.shape_cast %swap3A_318 : vector<16xf32> to vector<16xf32>
    %swap3A_320 = vector.shape_cast %broadcast_in_dim3A_316 : vector<16xf32> to vector<16xf32>
    tpu.vector_store %arg6[%swap3A_317], %swap3A_320 {strides = array<i32>} : memref<1024xf32, #tpu.memory_space<vmem>>, vector<16xf32>,
    %broadcast_in_dim3A_321 = arith.constant 0.000000e+00 : f32
    %broadcast_in_dim3A_322 = vector.broadcast %broadcast_in_dim3A_321 : f32 to vector<16xf32>
    %swap3A_323 = arith.constant 768 : index
    %swap3A_324 = tpu.vector_load %arg6[%swap3A_323] {strides = array<i32>} : memref<1024xf32, #tpu.memory_space<vmem>>, vector<16xf32>,
    %swap3A_325 = vector.shape_cast %swap3A_324 : vector<16xf32> to vector<16xf32>
    %swap3A_326 = vector.shape_cast %broadcast_in_dim3A_322 : vector<16xf32> to vector<16xf32>
    tpu.vector_store %arg6[%swap3A_323], %swap3A_326 {strides = array<i32>} : memref<1024xf32, #tpu.memory_space<vmem>>, vector<16xf32>,
    %broadcast_in_dim3A_327 = arith.constant 0.000000e+00 : f32
    %broadcast_in_dim3A_328 = vector.broadcast %broadcast_in_dim3A_327 : f32 to vector<16xf32>
    %swap3A_329 = arith.constant 784 : index
    %swap3A_330 = tpu.vector_load %arg6[%swap3A_329] {strides = array<i32>} : memref<1024xf32, #tpu.memory_space<vmem>>, vector<16xf32>,
    %swap3A_331 = vector.shape_cast %swap3A_330 : vector<16xf32> to vector<16xf32>
    %swap3A_332 = vector.shape_cast %broadcast_in_dim3A_328 : vector<16xf32> to vector<16xf32>
    tpu.vector_store %arg6[%swap3A_329], %swap3A_332 {strides = array<i32>} : memref<1024xf32, #tpu.memory_space<vmem>>, vector<16xf32>,
    %broadcast_in_dim3A_333 = arith.constant 0.000000e+00 : f32
    %broadcast_in_dim3A_334 = vector.broadcast %broadcast_in_dim3A_333 : f32 to vector<16xf32>
    %swap3A_335 = arith.constant 800 : index
    %swap3A_336 = tpu.vector_load %arg6[%swap3A_335] {strides = array<i32>} : memref<1024xf32, #tpu.memory_space<vmem>>, vector<16xf32>,
    %swap3A_337 = vector.shape_cast %swap3A_336 : vector<16xf32> to vector<16xf32>
    %swap3A_338 = vector.shape_cast %broadcast_in_dim3A_334 : vector<16xf32> to vector<16xf32>
    tpu.vector_store %arg6[%swap3A_335], %swap3A_338 {strides = array<i32>} : memref<1024xf32, #tpu.memory_space<vmem>>, vector<16xf32>,
    %broadcast_in_dim3A_339 = arith.constant 0.000000e+00 : f32
    %broadcast_in_dim3A_340 = vector.broadcast %broadcast_in_dim3A_339 : f32 to vector<16xf32>
    %swap3A_341 = arith.constant 816 : index
    %swap3A_342 = tpu.vector_load %arg6[%swap3A_341] {strides = array<i32>} : memref<1024xf32, #tpu.memory_space<vmem>>, vector<16xf32>,
    %swap3A_343 = vector.shape_cast %swap3A_342 : vector<16xf32> to vector<16xf32>
    %swap3A_344 = vector.shape_cast %broadcast_in_dim3A_340 : vector<16xf32> to vector<16xf32>
    tpu.vector_store %arg6[%swap3A_341], %swap3A_344 {strides = array<i32>} : memref<1024xf32, #tpu.memory_space<vmem>>, vector<16xf32>,
    %broadcast_in_dim3A_345 = arith.constant 0.000000e+00 : f32
    %broadcast_in_dim3A_346 = vector.broadcast %broadcast_in_dim3A_345 : f32 to vector<16xf32>
    %swap3A_347 = arith.constant 832 : index
    %swap3A_348 = tpu.vector_load %arg6[%swap3A_347] {strides = array<i32>} : memref<1024xf32, #tpu.memory_space<vmem>>, vector<16xf32>,
    %swap3A_349 = vector.shape_cast %swap3A_348 : vector<16xf32> to vector<16xf32>
    %swap3A_350 = vector.shape_cast %broadcast_in_dim3A_346 : vector<16xf32> to vector<16xf32>
    tpu.vector_store %arg6[%swap3A_347], %swap3A_350 {strides = array<i32>} : memref<1024xf32, #tpu.memory_space<vmem>>, vector<16xf32>,
    %broadcast_in_dim3A_351 = arith.constant 0.000000e+00 : f32
    %broadcast_in_dim3A_352 = vector.broadcast %broadcast_in_dim3A_351 : f32 to vector<16xf32>
    %swap3A_353 = arith.constant 848 : index
    %swap3A_354 = tpu.vector_load %arg6[%swap3A_353] {strides = array<i32>} : memref<1024xf32, #tpu.memory_space<vmem>>, vector<16xf32>,
    %swap3A_355 = vector.shape_cast %swap3A_354 : vector<16xf32> to vector<16xf32>
    %swap3A_356 = vector.shape_cast %broadcast_in_dim3A_352 : vector<16xf32> to vector<16xf32>
    tpu.vector_store %arg6[%swap3A_353], %swap3A_356 {strides = array<i32>} : memref<1024xf32, #tpu.memory_space<vmem>>, vector<16xf32>,
    %broadcast_in_dim3A_357 = arith.constant 0.000000e+00 : f32
    %broadcast_in_dim3A_358 = vector.broadcast %broadcast_in_dim3A_357 : f32 to vector<16xf32>
    %swap3A_359 = arith.constant 864 : index
    %swap3A_360 = tpu.vector_load %arg6[%swap3A_359] {strides = array<i32>} : memref<1024xf32, #tpu.memory_space<vmem>>, vector<16xf32>,
    %swap3A_361 = vector.shape_cast %swap3A_360 : vector<16xf32> to vector<16xf32>
    %swap3A_362 = vector.shape_cast %broadcast_in_dim3A_358 : vector<16xf32> to vector<16xf32>
    tpu.vector_store %arg6[%swap3A_359], %swap3A_362 {strides = array<i32>} : memref<1024xf32, #tpu.memory_space<vmem>>, vector<16xf32>,
    %broadcast_in_dim3A_363 = arith.constant 0.000000e+00 : f32
    %broadcast_in_dim3A_364 = vector.broadcast %broadcast_in_dim3A_363 : f32 to vector<16xf32>
    %swap3A_365 = arith.constant 880 : index
    %swap3A_366 = tpu.vector_load %arg6[%swap3A_365] {strides = array<i32>} : memref<1024xf32, #tpu.memory_space<vmem>>, vector<16xf32>,
    %swap3A_367 = vector.shape_cast %swap3A_366 : vector<16xf32> to vector<16xf32>
    %swap3A_368 = vector.shape_cast %broadcast_in_dim3A_364 : vector<16xf32> to vector<16xf32>
    tpu.vector_store %arg6[%swap3A_365], %swap3A_368 {strides = array<i32>} : memref<1024xf32, #tpu.memory_space<vmem>>, vector<16xf32>,
    %broadcast_in_dim3A_369 = arith.constant 0.000000e+00 : f32
    %broadcast_in_dim3A_370 = vector.broadcast %broadcast_in_dim3A_369 : f32 to vector<16xf32>
    %swap3A_371 = arith.constant 896 : index
    %swap3A_372 = tpu.vector_load %arg6[%swap3A_371] {strides = array<i32>} : memref<1024xf32, #tpu.memory_space<vmem>>, vector<16xf32>,
    %swap3A_373 = vector.shape_cast %swap3A_372 : vector<16xf32> to vector<16xf32>
    %swap3A_374 = vector.shape_cast %broadcast_in_dim3A_370 : vector<16xf32> to vector<16xf32>
    tpu.vector_store %arg6[%swap3A_371], %swap3A_374 {strides = array<i32>} : memref<1024xf32, #tpu.memory_space<vmem>>, vector<16xf32>,
    %broadcast_in_dim3A_375 = arith.constant 0.000000e+00 : f32
    %broadcast_in_dim3A_376 = vector.broadcast %broadcast_in_dim3A_375 : f32 to vector<16xf32>
    %swap3A_377 = arith.constant 912 : index
    %swap3A_378 = tpu.vector_load %arg6[%swap3A_377] {strides = array<i32>} : memref<1024xf32, #tpu.memory_space<vmem>>, vector<16xf32>,
    %swap3A_379 = vector.shape_cast %swap3A_378 : vector<16xf32> to vector<16xf32>
    %swap3A_380 = vector.shape_cast %broadcast_in_dim3A_376 : vector<16xf32> to vector<16xf32>
    tpu.vector_store %arg6[%swap3A_377], %swap3A_380 {strides = array<i32>} : memref<1024xf32, #tpu.memory_space<vmem>>, vector<16xf32>,
    %broadcast_in_dim3A_381 = arith.constant 0.000000e+00 : f32
    %broadcast_in_dim3A_382 = vector.broadcast %broadcast_in_dim3A_381 : f32 to vector<16xf32>
    %swap3A_383 = arith.constant 928 : index
    %swap3A_384 = tpu.vector_load %arg6[%swap3A_383] {strides = array<i32>} : memref<1024xf32, #tpu.memory_space<vmem>>, vector<16xf32>,
    %swap3A_385 = vector.shape_cast %swap3A_384 : vector<16xf32> to vector<16xf32>
    %swap3A_386 = vector.shape_cast %broadcast_in_dim3A_382 : vector<16xf32> to vector<16xf32>
    tpu.vector_store %arg6[%swap3A_383], %swap3A_386 {strides = array<i32>} : memref<1024xf32, #tpu.memory_space<vmem>>, vector<16xf32>,
    %broadcast_in_dim3A_387 = arith.constant 0.000000e+00 : f32
    %broadcast_in_dim3A_388 = vector.broadcast %broadcast_in_dim3A_387 : f32 to vector<16xf32>
    %swap3A_389 = arith.constant 944 : index
    %swap3A_390 = tpu.vector_load %arg6[%swap3A_389] {strides = array<i32>} : memref<1024xf32, #tpu.memory_space<vmem>>, vector<16xf32>,
    %swap3A_391 = vector.shape_cast %swap3A_390 : vector<16xf32> to vector<16xf32>
    %swap3A_392 = vector.shape_cast %broadcast_in_dim3A_388 : vector<16xf32> to vector<16xf32>
    tpu.vector_store %arg6[%swap3A_389], %swap3A_392 {strides = array<i32>} : memref<1024xf32, #tpu.memory_space<vmem>>, vector<16xf32>,
    %broadcast_in_dim3A_393 = arith.constant 0.000000e+00 : f32
    %broadcast_in_dim3A_394 = vector.broadcast %broadcast_in_dim3A_393 : f32 to vector<16xf32>
    %swap3A_395 = arith.constant 960 : index
    %swap3A_396 = tpu.vector_load %arg6[%swap3A_395] {strides = array<i32>} : memref<1024xf32, #tpu.memory_space<vmem>>, vector<16xf32>,
    %swap3A_397 = vector.shape_cast %swap3A_396 : vector<16xf32> to vector<16xf32>
    %swap3A_398 = vector.shape_cast %broadcast_in_dim3A_394 : vector<16xf32> to vector<16xf32>
    tpu.vector_store %arg6[%swap3A_395], %swap3A_398 {strides = array<i32>} : memref<1024xf32, #tpu.memory_space<vmem>>, vector<16xf32>,
    %broadcast_in_dim3A_399 = arith.constant 0.000000e+00 : f32
    %broadcast_in_dim3A_400 = vector.broadcast %broadcast_in_dim3A_399 : f32 to vector<16xf32>
    %swap3A_401 = arith.constant 976 : index
    %swap3A_402 = tpu.vector_load %arg6[%swap3A_401] {strides = array<i32>} : memref<1024xf32, #tpu.memory_space<vmem>>, vector<16xf32>,
    %swap3A_403 = vector.shape_cast %swap3A_402 : vector<16xf32> to vector<16xf32>
    %swap3A_404 = vector.shape_cast %broadcast_in_dim3A_400 : vector<16xf32> to vector<16xf32>
    tpu.vector_store %arg6[%swap3A_401], %swap3A_404 {strides = array<i32>} : memref<1024xf32, #tpu.memory_space<vmem>>, vector<16xf32>,
    %broadcast_in_dim3A_405 = arith.constant 0.000000e+00 : f32
    %broadcast_in_dim3A_406 = vector.broadcast %broadcast_in_dim3A_405 : f32 to vector<16xf32>
    %swap3A_407 = arith.constant 992 : index
    %swap3A_408 = tpu.vector_load %arg6[%swap3A_407] {strides = array<i32>} : memref<1024xf32, #tpu.memory_space<vmem>>, vector<16xf32>,
    %swap3A_409 = vector.shape_cast %swap3A_408 : vector<16xf32> to vector<16xf32>
    %swap3A_410 = vector.shape_cast %broadcast_in_dim3A_406 : vector<16xf32> to vector<16xf32>
    tpu.vector_store %arg6[%swap3A_407], %swap3A_410 {strides = array<i32>} : memref<1024xf32, #tpu.memory_space<vmem>>, vector<16xf32>,
    %broadcast_in_dim3A_411 = arith.constant 0.000000e+00 : f32
    %broadcast_in_dim3A_412 = vector.broadcast %broadcast_in_dim3A_411 : f32 to vector<16xf32>
    %swap3A_413 = arith.constant 1008 : index
    %swap3A_414 = tpu.vector_load %arg6[%swap3A_413] {strides = array<i32>} : memref<1024xf32, #tpu.memory_space<vmem>>, vector<16xf32>,
    %swap3A_415 = vector.shape_cast %swap3A_414 : vector<16xf32> to vector<16xf32>
    %swap3A_416 = vector.shape_cast %broadcast_in_dim3A_412 : vector<16xf32> to vector<16xf32>
    tpu.vector_store %arg6[%swap3A_413], %swap3A_416 {strides = array<i32>} : memref<1024xf32, #tpu.memory_space<vmem>>, vector<16xf32>,
    %add3A_417 = arith.constant 0 : i32
    %add3A_418 = arith.addi %add3A_34, %add3A_417 : i32
    %dma_start3A = arith.constant 0 : i32
    %dma_start3A_419 = tpu.memref_slice %arg2[%add3A_418, %dma_start3A] : memref<16384x1024xf32, #tpu.memory_space<hbm>> -> memref<32x1024xf32, #tpu.memory_space<hbm>>
    %dma_start3A_420 = arith.constant 0 : i32
    %dma_start3A_421 = tpu.memref_slice %arg2[%add3A_418, %dma_start3A_420] : memref<16384x1024xf32, #tpu.memory_space<hbm>> -> memref<32x1024xf32, #tpu.memory_space<hbm>>
    tpu.enqueue_dma source(%dma_start3A_421 : memref<32x1024xf32, #tpu.memory_space<hbm>>) target(%arg4 : memref<32x1024xf32, #tpu.memory_space<vmem>>) target_semaphore(%arg7 : memref<!tpu.dma_semaphore, #tpu.memory_space<semaphore_mem>>)
    %add3A_422 = arith.constant 0 : i32
    %add3A_423 = arith.addi %add3A_34, %add3A_422 : i32
    %dma_wait3A = arith.constant 0 : i32
    %dma_wait3A_424 = tpu.memref_slice %arg2[%add3A_423, %dma_wait3A] : memref<16384x1024xf32, #tpu.memory_space<hbm>> -> memref<32x1024xf32, #tpu.memory_space<hbm>>
    %dma_wait3A_425 = arith.constant 0 : i32
    %dma_wait3A_426 = tpu.memref_slice %arg2[%add3A_423, %dma_wait3A_425] : memref<16384x1024xf32, #tpu.memory_space<hbm>> -> memref<32x1024xf32, #tpu.memory_space<hbm>>
    tpu.wait_dma2 semaphore(%arg7 : memref<!tpu.dma_semaphore, #tpu.memory_space<semaphore_mem>>) src(%dma_wait3A_426 : memref<32x1024xf32, #tpu.memory_space<hbm>>) dst(%arg4 : memref<32x1024xf32, #tpu.memory_space<vmem>>)
    %add3A_427 = arith.constant 32 : i32
    %add3A_428 = arith.addi %add3A_34, %add3A_427 : i32
    %dma_start3A_429 = arith.constant 0 : i32
    %dma_start3A_430 = tpu.memref_slice %arg2[%add3A_428, %dma_start3A_429] : memref<16384x1024xf32, #tpu.memory_space<hbm>> -> memref<32x1024xf32, #tpu.memory_space<hbm>>
    %dma_start3A_431 = arith.constant 0 : i32
    %dma_start3A_432 = tpu.memref_slice %arg2[%add3A_428, %dma_start3A_431] : memref<16384x1024xf32, #tpu.memory_space<hbm>> -> memref<32x1024xf32, #tpu.memory_space<hbm>>
    tpu.enqueue_dma source(%dma_start3A_432 : memref<32x1024xf32, #tpu.memory_space<hbm>>) target(%arg5 : memref<32x1024xf32, #tpu.memory_space<vmem>>) target_semaphore(%arg8 : memref<!tpu.dma_semaphore, #tpu.memory_space<semaphore_mem>>)
    %broadcast_in_dim3A_433 = arith.constant 0.000000e+00 : f32
    %broadcast_in_dim3A_434 = vector.broadcast %broadcast_in_dim3A_433 : f32 to vector<16xf32>
    %broadcast_in_dim3A_435 = arith.constant 0.000000e+00 : f32
    %broadcast_in_dim3A_436 = vector.broadcast %broadcast_in_dim3A_435 : f32 to vector<16xf32>
    %broadcast_in_dim3A_437 = arith.constant 0.000000e+00 : f32
    %broadcast_in_dim3A_438 = vector.broadcast %broadcast_in_dim3A_437 : f32 to vector<16xf32>
    %broadcast_in_dim3A_439 = arith.constant 0.000000e+00 : f32
    %broadcast_in_dim3A_440 = vector.broadcast %broadcast_in_dim3A_439 : f32 to vector<16xf32>
    %broadcast_in_dim3A_441 = arith.constant 0.000000e+00 : f32
    %broadcast_in_dim3A_442 = vector.broadcast %broadcast_in_dim3A_441 : f32 to vector<16xf32>
    %broadcast_in_dim3A_443 = arith.constant 0.000000e+00 : f32
    %broadcast_in_dim3A_444 = vector.broadcast %broadcast_in_dim3A_443 : f32 to vector<16xf32>
    %broadcast_in_dim3A_445 = arith.constant 0.000000e+00 : f32
    %broadcast_in_dim3A_446 = vector.broadcast %broadcast_in_dim3A_445 : f32 to vector<16xf32>
    %broadcast_in_dim3A_447 = arith.constant 0.000000e+00 : f32
    %broadcast_in_dim3A_448 = vector.broadcast %broadcast_in_dim3A_447 : f32 to vector<16xf32>
    %broadcast_in_dim3A_449 = arith.constant 0.000000e+00 : f32
    %broadcast_in_dim3A_450 = vector.broadcast %broadcast_in_dim3A_449 : f32 to vector<16xf32>
    %broadcast_in_dim3A_451 = arith.constant 0.000000e+00 : f32
    %broadcast_in_dim3A_452 = vector.broadcast %broadcast_in_dim3A_451 : f32 to vector<16xf32>
    %broadcast_in_dim3A_453 = arith.constant 0.000000e+00 : f32
    %broadcast_in_dim3A_454 = vector.broadcast %broadcast_in_dim3A_453 : f32 to vector<16xf32>
    %broadcast_in_dim3A_455 = arith.constant 0.000000e+00 : f32
    %broadcast_in_dim3A_456 = vector.broadcast %broadcast_in_dim3A_455 : f32 to vector<16xf32>
    %broadcast_in_dim3A_457 = arith.constant 0.000000e+00 : f32
    %broadcast_in_dim3A_458 = vector.broadcast %broadcast_in_dim3A_457 : f32 to vector<16xf32>
    %broadcast_in_dim3A_459 = arith.constant 0.000000e+00 : f32
    %broadcast_in_dim3A_460 = vector.broadcast %broadcast_in_dim3A_459 : f32 to vector<16xf32>
    %broadcast_in_dim3A_461 = arith.constant 0.000000e+00 : f32
    %broadcast_in_dim3A_462 = vector.broadcast %broadcast_in_dim3A_461 : f32 to vector<16xf32>
    %broadcast_in_dim3A_463 = arith.constant 0.000000e+00 : f32
    %broadcast_in_dim3A_464 = vector.broadcast %broadcast_in_dim3A_463 : f32 to vector<16xf32>
    %broadcast_in_dim3A_465 = arith.constant 0.000000e+00 : f32
    %broadcast_in_dim3A_466 = vector.broadcast %broadcast_in_dim3A_465 : f32 to vector<16xf32>
    %broadcast_in_dim3A_467 = arith.constant 0.000000e+00 : f32
    %broadcast_in_dim3A_468 = vector.broadcast %broadcast_in_dim3A_467 : f32 to vector<16xf32>
    %broadcast_in_dim3A_469 = arith.constant 0.000000e+00 : f32
    %broadcast_in_dim3A_470 = vector.broadcast %broadcast_in_dim3A_469 : f32 to vector<16xf32>
    %broadcast_in_dim3A_471 = arith.constant 0.000000e+00 : f32
    %broadcast_in_dim3A_472 = vector.broadcast %broadcast_in_dim3A_471 : f32 to vector<16xf32>
    %broadcast_in_dim3A_473 = arith.constant 0.000000e+00 : f32
    %broadcast_in_dim3A_474 = vector.broadcast %broadcast_in_dim3A_473 : f32 to vector<16xf32>
    %broadcast_in_dim3A_475 = arith.constant 0.000000e+00 : f32
    %broadcast_in_dim3A_476 = vector.broadcast %broadcast_in_dim3A_475 : f32 to vector<16xf32>
    %broadcast_in_dim3A_477 = arith.constant 0.000000e+00 : f32
    %broadcast_in_dim3A_478 = vector.broadcast %broadcast_in_dim3A_477 : f32 to vector<16xf32>
    %broadcast_in_dim3A_479 = arith.constant 0.000000e+00 : f32
    %broadcast_in_dim3A_480 = vector.broadcast %broadcast_in_dim3A_479 : f32 to vector<16xf32>
    %broadcast_in_dim3A_481 = arith.constant 0.000000e+00 : f32
    %broadcast_in_dim3A_482 = vector.broadcast %broadcast_in_dim3A_481 : f32 to vector<16xf32>
    %broadcast_in_dim3A_483 = arith.constant 0.000000e+00 : f32
    %broadcast_in_dim3A_484 = vector.broadcast %broadcast_in_dim3A_483 : f32 to vector<16xf32>
    %broadcast_in_dim3A_485 = arith.constant 0.000000e+00 : f32
    %broadcast_in_dim3A_486 = vector.broadcast %broadcast_in_dim3A_485 : f32 to vector<16xf32>
    %broadcast_in_dim3A_487 = arith.constant 0.000000e+00 : f32
    %broadcast_in_dim3A_488 = vector.broadcast %broadcast_in_dim3A_487 : f32 to vector<16xf32>
    %broadcast_in_dim3A_489 = arith.constant 0.000000e+00 : f32
    %broadcast_in_dim3A_490 = vector.broadcast %broadcast_in_dim3A_489 : f32 to vector<16xf32>
    %broadcast_in_dim3A_491 = arith.constant 0.000000e+00 : f32
    %broadcast_in_dim3A_492 = vector.broadcast %broadcast_in_dim3A_491 : f32 to vector<16xf32>
    %broadcast_in_dim3A_493 = arith.constant 0.000000e+00 : f32
    %broadcast_in_dim3A_494 = vector.broadcast %broadcast_in_dim3A_493 : f32 to vector<16xf32>
    %broadcast_in_dim3A_495 = arith.constant 0.000000e+00 : f32
    %broadcast_in_dim3A_496 = vector.broadcast %broadcast_in_dim3A_495 : f32 to vector<16xf32>
    %scan3A = arith.constant 0 : i32
    %scan3A_497 = arith.constant 32 : i32
    %scan3A_498 = arith.addi %scan3A, %scan3A_497 : i32
    %scan3A_499 = arith.constant 1 : i32
    %scan3A_500:32 = scf.for %scan3A_2046 = %scan3A to %scan3A_498 step %scan3A_499 iter_args(%scan3A_2047 = %broadcast_in_dim3A_434, %scan3A_2048 = %broadcast_in_dim3A_436, %scan3A_2049 = %broadcast_in_dim3A_438, %scan3A_2050 = %broadcast_in_dim3A_440, %scan3A_2051 = %broadcast_in_dim3A_442, %scan3A_2052 = %broadcast_in_dim3A_444, %scan3A_2053 = %broadcast_in_dim3A_446, %scan3A_2054 = %broadcast_in_dim3A_448, %scan3A_2055 = %broadcast_in_dim3A_450, %scan3A_2056 = %broadcast_in_dim3A_452, %scan3A_2057 = %broadcast_in_dim3A_454, %scan3A_2058 = %broadcast_in_dim3A_456, %scan3A_2059 = %broadcast_in_dim3A_458, %scan3A_2060 = %broadcast_in_dim3A_460, %scan3A_2061 = %broadcast_in_dim3A_462, %scan3A_2062 = %broadcast_in_dim3A_464, %scan3A_2063 = %broadcast_in_dim3A_466, %scan3A_2064 = %broadcast_in_dim3A_468, %scan3A_2065 = %broadcast_in_dim3A_470, %scan3A_2066 = %broadcast_in_dim3A_472, %scan3A_2067 = %broadcast_in_dim3A_474, %scan3A_2068 = %broadcast_in_dim3A_476, %scan3A_2069 = %broadcast_in_dim3A_478, %scan3A_2070 = %broadcast_in_dim3A_480, %scan3A_2071 = %broadcast_in_dim3A_482, %scan3A_2072 = %broadcast_in_dim3A_484, %scan3A_2073 = %broadcast_in_dim3A_486, %scan3A_2074 = %broadcast_in_dim3A_488, %scan3A_2075 = %broadcast_in_dim3A_490, %scan3A_2076 = %broadcast_in_dim3A_492, %scan3A_2077 = %broadcast_in_dim3A_494, %scan3A_2078 = %broadcast_in_dim3A_496) -> (vector<16xf32>, vector<16xf32>, vector<16xf32>, vector<16xf32>, vector<16xf32>, vector<16xf32>, vector<16xf32>, vector<16xf32>, vector<16xf32>, vector<16xf32>, vector<16xf32>, vector<16xf32>, vector<16xf32>, vector<16xf32>, vector<16xf32>, vector<16xf32>, vector<16xf32>, vector<16xf32>, vector<16xf32>, vector<16xf32>, vector<16xf32>, vector<16xf32>, vector<16xf32>, vector<16xf32>, vector<16xf32>, vector<16xf32>, vector<16xf32>, vector<16xf32>, vector<16xf32>, vector<16xf32>, vector<16xf32>, vector<16xf32>)  : i32 {
      %get3A = arith.index_cast %scan3A_2046 : i32 to index
      %get3A_2079 = arith.constant 0 : index
      %get3A_2080 = tpu.vector_load %arg4[%get3A, %get3A_2079] {strides = array<i32>} : memref<32x1024xf32, #tpu.memory_space<vmem>>, vector<1x16xf32>,
      %get3A_2081 = vector.shape_cast %get3A_2080 : vector<1x16xf32> to vector<16xf32>
      %add3A_2082 = arith.addf %scan3A_2047, %get3A_2081 : vector<16xf32>
      %get3A_2083 = arith.index_cast %scan3A_2046 : i32 to index
      %get3A_2084 = arith.constant 16 : index
      %get3A_2085 = tpu.vector_load %arg4[%get3A_2083, %get3A_2084] {strides = array<i32>} : memref<32x1024xf32, #tpu.memory_space<vmem>>, vector<1x16xf32>,
      %get3A_2086 = vector.shape_cast %get3A_2085 : vector<1x16xf32> to vector<16xf32>
      %add3A_2087 = arith.addf %scan3A_2048, %get3A_2086 : vector<16xf32>
      %get3A_2088 = arith.index_cast %scan3A_2046 : i32 to index
      %get3A_2089 = arith.constant 32 : index
      %get3A_2090 = tpu.vector_load %arg4[%get3A_2088, %get3A_2089] {strides = array<i32>} : memref<32x1024xf32, #tpu.memory_space<vmem>>, vector<1x16xf32>,
      %get3A_2091 = vector.shape_cast %get3A_2090 : vector<1x16xf32> to vector<16xf32>
      %add3A_2092 = arith.addf %scan3A_2049, %get3A_2091 : vector<16xf32>
      %get3A_2093 = arith.index_cast %scan3A_2046 : i32 to index
      %get3A_2094 = arith.constant 48 : index
      %get3A_2095 = tpu.vector_load %arg4[%get3A_2093, %get3A_2094] {strides = array<i32>} : memref<32x1024xf32, #tpu.memory_space<vmem>>, vector<1x16xf32>,
      %get3A_2096 = vector.shape_cast %get3A_2095 : vector<1x16xf32> to vector<16xf32>
      %add3A_2097 = arith.addf %scan3A_2050, %get3A_2096 : vector<16xf32>
      %get3A_2098 = arith.index_cast %scan3A_2046 : i32 to index
      %get3A_2099 = arith.constant 64 : index
      %get3A_2100 = tpu.vector_load %arg4[%get3A_2098, %get3A_2099] {strides = array<i32>} : memref<32x1024xf32, #tpu.memory_space<vmem>>, vector<1x16xf32>,
      %get3A_2101 = vector.shape_cast %get3A_2100 : vector<1x16xf32> to vector<16xf32>
      %add3A_2102 = arith.addf %scan3A_2051, %get3A_2101 : vector<16xf32>
      %get3A_2103 = arith.index_cast %scan3A_2046 : i32 to index
      %get3A_2104 = arith.constant 80 : index
      %get3A_2105 = tpu.vector_load %arg4[%get3A_2103, %get3A_2104] {strides = array<i32>} : memref<32x1024xf32, #tpu.memory_space<vmem>>, vector<1x16xf32>,
      %get3A_2106 = vector.shape_cast %get3A_2105 : vector<1x16xf32> to vector<16xf32>
      %add3A_2107 = arith.addf %scan3A_2052, %get3A_2106 : vector<16xf32>
      %get3A_2108 = arith.index_cast %scan3A_2046 : i32 to index
      %get3A_2109 = arith.constant 96 : index
      %get3A_2110 = tpu.vector_load %arg4[%get3A_2108, %get3A_2109] {strides = array<i32>} : memref<32x1024xf32, #tpu.memory_space<vmem>>, vector<1x16xf32>,
      %get3A_2111 = vector.shape_cast %get3A_2110 : vector<1x16xf32> to vector<16xf32>
      %add3A_2112 = arith.addf %scan3A_2053, %get3A_2111 : vector<16xf32>
      %get3A_2113 = arith.index_cast %scan3A_2046 : i32 to index
      %get3A_2114 = arith.constant 112 : index
      %get3A_2115 = tpu.vector_load %arg4[%get3A_2113, %get3A_2114] {strides = array<i32>} : memref<32x1024xf32, #tpu.memory_space<vmem>>, vector<1x16xf32>,
      %get3A_2116 = vector.shape_cast %get3A_2115 : vector<1x16xf32> to vector<16xf32>
      %add3A_2117 = arith.addf %scan3A_2054, %get3A_2116 : vector<16xf32>
      %get3A_2118 = arith.index_cast %scan3A_2046 : i32 to index
      %get3A_2119 = arith.constant 128 : index
      %get3A_2120 = tpu.vector_load %arg4[%get3A_2118, %get3A_2119] {strides = array<i32>} : memref<32x1024xf32, #tpu.memory_space<vmem>>, vector<1x16xf32>,
      %get3A_2121 = vector.shape_cast %get3A_2120 : vector<1x16xf32> to vector<16xf32>
      %add3A_2122 = arith.addf %scan3A_2055, %get3A_2121 : vector<16xf32>
      %get3A_2123 = arith.index_cast %scan3A_2046 : i32 to index
      %get3A_2124 = arith.constant 144 : index
      %get3A_2125 = tpu.vector_load %arg4[%get3A_2123, %get3A_2124] {strides = array<i32>} : memref<32x1024xf32, #tpu.memory_space<vmem>>, vector<1x16xf32>,
      %get3A_2126 = vector.shape_cast %get3A_2125 : vector<1x16xf32> to vector<16xf32>
      %add3A_2127 = arith.addf %scan3A_2056, %get3A_2126 : vector<16xf32>
      %get3A_2128 = arith.index_cast %scan3A_2046 : i32 to index
      %get3A_2129 = arith.constant 160 : index
      %get3A_2130 = tpu.vector_load %arg4[%get3A_2128, %get3A_2129] {strides = array<i32>} : memref<32x1024xf32, #tpu.memory_space<vmem>>, vector<1x16xf32>,
      %get3A_2131 = vector.shape_cast %get3A_2130 : vector<1x16xf32> to vector<16xf32>
      %add3A_2132 = arith.addf %scan3A_2057, %get3A_2131 : vector<16xf32>
      %get3A_2133 = arith.index_cast %scan3A_2046 : i32 to index
      %get3A_2134 = arith.constant 176 : index
      %get3A_2135 = tpu.vector_load %arg4[%get3A_2133, %get3A_2134] {strides = array<i32>} : memref<32x1024xf32, #tpu.memory_space<vmem>>, vector<1x16xf32>,
      %get3A_2136 = vector.shape_cast %get3A_2135 : vector<1x16xf32> to vector<16xf32>
      %add3A_2137 = arith.addf %scan3A_2058, %get3A_2136 : vector<16xf32>
      %get3A_2138 = arith.index_cast %scan3A_2046 : i32 to index
      %get3A_2139 = arith.constant 192 : index
      %get3A_2140 = tpu.vector_load %arg4[%get3A_2138, %get3A_2139] {strides = array<i32>} : memref<32x1024xf32, #tpu.memory_space<vmem>>, vector<1x16xf32>,
      %get3A_2141 = vector.shape_cast %get3A_2140 : vector<1x16xf32> to vector<16xf32>
      %add3A_2142 = arith.addf %scan3A_2059, %get3A_2141 : vector<16xf32>
      %get3A_2143 = arith.index_cast %scan3A_2046 : i32 to index
      %get3A_2144 = arith.constant 208 : index
      %get3A_2145 = tpu.vector_load %arg4[%get3A_2143, %get3A_2144] {strides = array<i32>} : memref<32x1024xf32, #tpu.memory_space<vmem>>, vector<1x16xf32>,
      %get3A_2146 = vector.shape_cast %get3A_2145 : vector<1x16xf32> to vector<16xf32>
      %add3A_2147 = arith.addf %scan3A_2060, %get3A_2146 : vector<16xf32>
      %get3A_2148 = arith.index_cast %scan3A_2046 : i32 to index
      %get3A_2149 = arith.constant 224 : index
      %get3A_2150 = tpu.vector_load %arg4[%get3A_2148, %get3A_2149] {strides = array<i32>} : memref<32x1024xf32, #tpu.memory_space<vmem>>, vector<1x16xf32>,
      %get3A_2151 = vector.shape_cast %get3A_2150 : vector<1x16xf32> to vector<16xf32>
      %add3A_2152 = arith.addf %scan3A_2061, %get3A_2151 : vector<16xf32>
      %get3A_2153 = arith.index_cast %scan3A_2046 : i32 to index
      %get3A_2154 = arith.constant 240 : index
      %get3A_2155 = tpu.vector_load %arg4[%get3A_2153, %get3A_2154] {strides = array<i32>} : memref<32x1024xf32, #tpu.memory_space<vmem>>, vector<1x16xf32>,
      %get3A_2156 = vector.shape_cast %get3A_2155 : vector<1x16xf32> to vector<16xf32>
      %add3A_2157 = arith.addf %scan3A_2062, %get3A_2156 : vector<16xf32>
      %get3A_2158 = arith.index_cast %scan3A_2046 : i32 to index
      %get3A_2159 = arith.constant 256 : index
      %get3A_2160 = tpu.vector_load %arg4[%get3A_2158, %get3A_2159] {strides = array<i32>} : memref<32x1024xf32, #tpu.memory_space<vmem>>, vector<1x16xf32>,
      %get3A_2161 = vector.shape_cast %get3A_2160 : vector<1x16xf32> to vector<16xf32>
      %add3A_2162 = arith.addf %scan3A_2063, %get3A_2161 : vector<16xf32>
      %get3A_2163 = arith.index_cast %scan3A_2046 : i32 to index
      %get3A_2164 = arith.constant 272 : index
      %get3A_2165 = tpu.vector_load %arg4[%get3A_2163, %get3A_2164] {strides = array<i32>} : memref<32x1024xf32, #tpu.memory_space<vmem>>, vector<1x16xf32>,
      %get3A_2166 = vector.shape_cast %get3A_2165 : vector<1x16xf32> to vector<16xf32>
      %add3A_2167 = arith.addf %scan3A_2064, %get3A_2166 : vector<16xf32>
      %get3A_2168 = arith.index_cast %scan3A_2046 : i32 to index
      %get3A_2169 = arith.constant 288 : index
      %get3A_2170 = tpu.vector_load %arg4[%get3A_2168, %get3A_2169] {strides = array<i32>} : memref<32x1024xf32, #tpu.memory_space<vmem>>, vector<1x16xf32>,
      %get3A_2171 = vector.shape_cast %get3A_2170 : vector<1x16xf32> to vector<16xf32>
      %add3A_2172 = arith.addf %scan3A_2065, %get3A_2171 : vector<16xf32>
      %get3A_2173 = arith.index_cast %scan3A_2046 : i32 to index
      %get3A_2174 = arith.constant 304 : index
      %get3A_2175 = tpu.vector_load %arg4[%get3A_2173, %get3A_2174] {strides = array<i32>} : memref<32x1024xf32, #tpu.memory_space<vmem>>, vector<1x16xf32>,
      %get3A_2176 = vector.shape_cast %get3A_2175 : vector<1x16xf32> to vector<16xf32>
      %add3A_2177 = arith.addf %scan3A_2066, %get3A_2176 : vector<16xf32>
      %get3A_2178 = arith.index_cast %scan3A_2046 : i32 to index
      %get3A_2179 = arith.constant 320 : index
      %get3A_2180 = tpu.vector_load %arg4[%get3A_2178, %get3A_2179] {strides = array<i32>} : memref<32x1024xf32, #tpu.memory_space<vmem>>, vector<1x16xf32>,
      %get3A_2181 = vector.shape_cast %get3A_2180 : vector<1x16xf32> to vector<16xf32>
      %add3A_2182 = arith.addf %scan3A_2067, %get3A_2181 : vector<16xf32>
      %get3A_2183 = arith.index_cast %scan3A_2046 : i32 to index
      %get3A_2184 = arith.constant 336 : index
      %get3A_2185 = tpu.vector_load %arg4[%get3A_2183, %get3A_2184] {strides = array<i32>} : memref<32x1024xf32, #tpu.memory_space<vmem>>, vector<1x16xf32>,
      %get3A_2186 = vector.shape_cast %get3A_2185 : vector<1x16xf32> to vector<16xf32>
      %add3A_2187 = arith.addf %scan3A_2068, %get3A_2186 : vector<16xf32>
      %get3A_2188 = arith.index_cast %scan3A_2046 : i32 to index
      %get3A_2189 = arith.constant 352 : index
      %get3A_2190 = tpu.vector_load %arg4[%get3A_2188, %get3A_2189] {strides = array<i32>} : memref<32x1024xf32, #tpu.memory_space<vmem>>, vector<1x16xf32>,
      %get3A_2191 = vector.shape_cast %get3A_2190 : vector<1x16xf32> to vector<16xf32>
      %add3A_2192 = arith.addf %scan3A_2069, %get3A_2191 : vector<16xf32>
      %get3A_2193 = arith.index_cast %scan3A_2046 : i32 to index
      %get3A_2194 = arith.constant 368 : index
      %get3A_2195 = tpu.vector_load %arg4[%get3A_2193, %get3A_2194] {strides = array<i32>} : memref<32x1024xf32, #tpu.memory_space<vmem>>, vector<1x16xf32>,
      %get3A_2196 = vector.shape_cast %get3A_2195 : vector<1x16xf32> to vector<16xf32>
      %add3A_2197 = arith.addf %scan3A_2070, %get3A_2196 : vector<16xf32>
      %get3A_2198 = arith.index_cast %scan3A_2046 : i32 to index
      %get3A_2199 = arith.constant 384 : index
      %get3A_2200 = tpu.vector_load %arg4[%get3A_2198, %get3A_2199] {strides = array<i32>} : memref<32x1024xf32, #tpu.memory_space<vmem>>, vector<1x16xf32>,
      %get3A_2201 = vector.shape_cast %get3A_2200 : vector<1x16xf32> to vector<16xf32>
      %add3A_2202 = arith.addf %scan3A_2071, %get3A_2201 : vector<16xf32>
      %get3A_2203 = arith.index_cast %scan3A_2046 : i32 to index
      %get3A_2204 = arith.constant 400 : index
      %get3A_2205 = tpu.vector_load %arg4[%get3A_2203, %get3A_2204] {strides = array<i32>} : memref<32x1024xf32, #tpu.memory_space<vmem>>, vector<1x16xf32>,
      %get3A_2206 = vector.shape_cast %get3A_2205 : vector<1x16xf32> to vector<16xf32>
      %add3A_2207 = arith.addf %scan3A_2072, %get3A_2206 : vector<16xf32>
      %get3A_2208 = arith.index_cast %scan3A_2046 : i32 to index
      %get3A_2209 = arith.constant 416 : index
      %get3A_2210 = tpu.vector_load %arg4[%get3A_2208, %get3A_2209] {strides = array<i32>} : memref<32x1024xf32, #tpu.memory_space<vmem>>, vector<1x16xf32>,
      %get3A_2211 = vector.shape_cast %get3A_2210 : vector<1x16xf32> to vector<16xf32>
      %add3A_2212 = arith.addf %scan3A_2073, %get3A_2211 : vector<16xf32>
      %get3A_2213 = arith.index_cast %scan3A_2046 : i32 to index
      %get3A_2214 = arith.constant 432 : index
      %get3A_2215 = tpu.vector_load %arg4[%get3A_2213, %get3A_2214] {strides = array<i32>} : memref<32x1024xf32, #tpu.memory_space<vmem>>, vector<1x16xf32>,
      %get3A_2216 = vector.shape_cast %get3A_2215 : vector<1x16xf32> to vector<16xf32>
      %add3A_2217 = arith.addf %scan3A_2074, %get3A_2216 : vector<16xf32>
      %get3A_2218 = arith.index_cast %scan3A_2046 : i32 to index
      %get3A_2219 = arith.constant 448 : index
      %get3A_2220 = tpu.vector_load %arg4[%get3A_2218, %get3A_2219] {strides = array<i32>} : memref<32x1024xf32, #tpu.memory_space<vmem>>, vector<1x16xf32>,
      %get3A_2221 = vector.shape_cast %get3A_2220 : vector<1x16xf32> to vector<16xf32>
      %add3A_2222 = arith.addf %scan3A_2075, %get3A_2221 : vector<16xf32>
      %get3A_2223 = arith.index_cast %scan3A_2046 : i32 to index
      %get3A_2224 = arith.constant 464 : index
      %get3A_2225 = tpu.vector_load %arg4[%get3A_2223, %get3A_2224] {strides = array<i32>} : memref<32x1024xf32, #tpu.memory_space<vmem>>, vector<1x16xf32>,
      %get3A_2226 = vector.shape_cast %get3A_2225 : vector<1x16xf32> to vector<16xf32>
      %add3A_2227 = arith.addf %scan3A_2076, %get3A_2226 : vector<16xf32>
      %get3A_2228 = arith.index_cast %scan3A_2046 : i32 to index
      %get3A_2229 = arith.constant 480 : index
      %get3A_2230 = tpu.vector_load %arg4[%get3A_2228, %get3A_2229] {strides = array<i32>} : memref<32x1024xf32, #tpu.memory_space<vmem>>, vector<1x16xf32>,
      %get3A_2231 = vector.shape_cast %get3A_2230 : vector<1x16xf32> to vector<16xf32>
      %add3A_2232 = arith.addf %scan3A_2077, %get3A_2231 : vector<16xf32>
      %get3A_2233 = arith.index_cast %scan3A_2046 : i32 to index
      %get3A_2234 = arith.constant 496 : index
      %get3A_2235 = tpu.vector_load %arg4[%get3A_2233, %get3A_2234] {strides = array<i32>} : memref<32x1024xf32, #tpu.memory_space<vmem>>, vector<1x16xf32>,
      %get3A_2236 = vector.shape_cast %get3A_2235 : vector<1x16xf32> to vector<16xf32>
      %add3A_2237 = arith.addf %scan3A_2078, %get3A_2236 : vector<16xf32>
      scf.yield %add3A_2082, %add3A_2087, %add3A_2092, %add3A_2097, %add3A_2102, %add3A_2107, %add3A_2112, %add3A_2117, %add3A_2122, %add3A_2127, %add3A_2132, %add3A_2137, %add3A_2142, %add3A_2147, %add3A_2152, %add3A_2157, %add3A_2162, %add3A_2167, %add3A_2172, %add3A_2177, %add3A_2182, %add3A_2187, %add3A_2192, %add3A_2197, %add3A_2202, %add3A_2207, %add3A_2212, %add3A_2217, %add3A_2222, %add3A_2227, %add3A_2232, %add3A_2237 : vector<16xf32>, vector<16xf32>, vector<16xf32>, vector<16xf32>, vector<16xf32>, vector<16xf32>, vector<16xf32>, vector<16xf32>, vector<16xf32>, vector<16xf32>, vector<16xf32>, vector<16xf32>, vector<16xf32>, vector<16xf32>, vector<16xf32>, vector<16xf32>, vector<16xf32>, vector<16xf32>, vector<16xf32>, vector<16xf32>, vector<16xf32>, vector<16xf32>, vector<16xf32>, vector<16xf32>, vector<16xf32>, vector<16xf32>, vector<16xf32>, vector<16xf32>, vector<16xf32>, vector<16xf32>, vector<16xf32>, vector<16xf32>
    }
    %scan3A_501 = arith.constant 32 : i32
    %swap3A_502 = arith.constant 0 : index
    %swap3A_503 = tpu.vector_load %arg6[%swap3A_502] {strides = array<i32>} : memref<1024xf32, #tpu.memory_space<vmem>>, vector<16xf32>,
    %swap3A_504 = vector.shape_cast %swap3A_503 : vector<16xf32> to vector<16xf32>
    %swap3A_505 = vector.shape_cast %scan3A_500#0 : vector<16xf32> to vector<16xf32>
    tpu.vector_store %arg6[%swap3A_502], %swap3A_505 {add = true, strides = array<i32>} : memref<1024xf32, #tpu.memory_space<vmem>>, vector<16xf32>,
    %swap3A_506 = arith.constant 16 : index
    %swap3A_507 = tpu.vector_load %arg6[%swap3A_506] {strides = array<i32>} : memref<1024xf32, #tpu.memory_space<vmem>>, vector<16xf32>,
    %swap3A_508 = vector.shape_cast %swap3A_507 : vector<16xf32> to vector<16xf32>
    %swap3A_509 = vector.shape_cast %scan3A_500#1 : vector<16xf32> to vector<16xf32>
    tpu.vector_store %arg6[%swap3A_506], %swap3A_509 {add = true, strides = array<i32>} : memref<1024xf32, #tpu.memory_space<vmem>>, vector<16xf32>,
    %swap3A_510 = arith.constant 32 : index
    %swap3A_511 = tpu.vector_load %arg6[%swap3A_510] {strides = array<i32>} : memref<1024xf32, #tpu.memory_space<vmem>>, vector<16xf32>,
    %swap3A_512 = vector.shape_cast %swap3A_511 : vector<16xf32> to vector<16xf32>
    %swap3A_513 = vector.shape_cast %scan3A_500#2 : vector<16xf32> to vector<16xf32>
    tpu.vector_store %arg6[%swap3A_510], %swap3A_513 {add = true, strides = array<i32>} : memref<1024xf32, #tpu.memory_space<vmem>>, vector<16xf32>,
    %swap3A_514 = arith.constant 48 : index
    %swap3A_515 = tpu.vector_load %arg6[%swap3A_514] {strides = array<i32>} : memref<1024xf32, #tpu.memory_space<vmem>>, vector<16xf32>,
    %swap3A_516 = vector.shape_cast %swap3A_515 : vector<16xf32> to vector<16xf32>
    %swap3A_517 = vector.shape_cast %scan3A_500#3 : vector<16xf32> to vector<16xf32>
    tpu.vector_store %arg6[%swap3A_514], %swap3A_517 {add = true, strides = array<i32>} : memref<1024xf32, #tpu.memory_space<vmem>>, vector<16xf32>,
    %swap3A_518 = arith.constant 64 : index
    %swap3A_519 = tpu.vector_load %arg6[%swap3A_518] {strides = array<i32>} : memref<1024xf32, #tpu.memory_space<vmem>>, vector<16xf32>,
    %swap3A_520 = vector.shape_cast %swap3A_519 : vector<16xf32> to vector<16xf32>
    %swap3A_521 = vector.shape_cast %scan3A_500#4 : vector<16xf32> to vector<16xf32>
    tpu.vector_store %arg6[%swap3A_518], %swap3A_521 {add = true, strides = array<i32>} : memref<1024xf32, #tpu.memory_space<vmem>>, vector<16xf32>,
    %swap3A_522 = arith.constant 80 : index
    %swap3A_523 = tpu.vector_load %arg6[%swap3A_522] {strides = array<i32>} : memref<1024xf32, #tpu.memory_space<vmem>>, vector<16xf32>,
    %swap3A_524 = vector.shape_cast %swap3A_523 : vector<16xf32> to vector<16xf32>
    %swap3A_525 = vector.shape_cast %scan3A_500#5 : vector<16xf32> to vector<16xf32>
    tpu.vector_store %arg6[%swap3A_522], %swap3A_525 {add = true, strides = array<i32>} : memref<1024xf32, #tpu.memory_space<vmem>>, vector<16xf32>,
    %swap3A_526 = arith.constant 96 : index
    %swap3A_527 = tpu.vector_load %arg6[%swap3A_526] {strides = array<i32>} : memref<1024xf32, #tpu.memory_space<vmem>>, vector<16xf32>,
    %swap3A_528 = vector.shape_cast %swap3A_527 : vector<16xf32> to vector<16xf32>
    %swap3A_529 = vector.shape_cast %scan3A_500#6 : vector<16xf32> to vector<16xf32>
    tpu.vector_store %arg6[%swap3A_526], %swap3A_529 {add = true, strides = array<i32>} : memref<1024xf32, #tpu.memory_space<vmem>>, vector<16xf32>,
    %swap3A_530 = arith.constant 112 : index
    %swap3A_531 = tpu.vector_load %arg6[%swap3A_530] {strides = array<i32>} : memref<1024xf32, #tpu.memory_space<vmem>>, vector<16xf32>,
    %swap3A_532 = vector.shape_cast %swap3A_531 : vector<16xf32> to vector<16xf32>
    %swap3A_533 = vector.shape_cast %scan3A_500#7 : vector<16xf32> to vector<16xf32>
    tpu.vector_store %arg6[%swap3A_530], %swap3A_533 {add = true, strides = array<i32>} : memref<1024xf32, #tpu.memory_space<vmem>>, vector<16xf32>,
    %swap3A_534 = arith.constant 128 : index
    %swap3A_535 = tpu.vector_load %arg6[%swap3A_534] {strides = array<i32>} : memref<1024xf32, #tpu.memory_space<vmem>>, vector<16xf32>,
    %swap3A_536 = vector.shape_cast %swap3A_535 : vector<16xf32> to vector<16xf32>
    %swap3A_537 = vector.shape_cast %scan3A_500#8 : vector<16xf32> to vector<16xf32>
    tpu.vector_store %arg6[%swap3A_534], %swap3A_537 {add = true, strides = array<i32>} : memref<1024xf32, #tpu.memory_space<vmem>>, vector<16xf32>,
    %swap3A_538 = arith.constant 144 : index
    %swap3A_539 = tpu.vector_load %arg6[%swap3A_538] {strides = array<i32>} : memref<1024xf32, #tpu.memory_space<vmem>>, vector<16xf32>,
    %swap3A_540 = vector.shape_cast %swap3A_539 : vector<16xf32> to vector<16xf32>
    %swap3A_541 = vector.shape_cast %scan3A_500#9 : vector<16xf32> to vector<16xf32>
    tpu.vector_store %arg6[%swap3A_538], %swap3A_541 {add = true, strides = array<i32>} : memref<1024xf32, #tpu.memory_space<vmem>>, vector<16xf32>,
    %swap3A_542 = arith.constant 160 : index
    %swap3A_543 = tpu.vector_load %arg6[%swap3A_542] {strides = array<i32>} : memref<1024xf32, #tpu.memory_space<vmem>>, vector<16xf32>,
    %swap3A_544 = vector.shape_cast %swap3A_543 : vector<16xf32> to vector<16xf32>
    %swap3A_545 = vector.shape_cast %scan3A_500#10 : vector<16xf32> to vector<16xf32>
    tpu.vector_store %arg6[%swap3A_542], %swap3A_545 {add = true, strides = array<i32>} : memref<1024xf32, #tpu.memory_space<vmem>>, vector<16xf32>,
    %swap3A_546 = arith.constant 176 : index
    %swap3A_547 = tpu.vector_load %arg6[%swap3A_546] {strides = array<i32>} : memref<1024xf32, #tpu.memory_space<vmem>>, vector<16xf32>,
    %swap3A_548 = vector.shape_cast %swap3A_547 : vector<16xf32> to vector<16xf32>
    %swap3A_549 = vector.shape_cast %scan3A_500#11 : vector<16xf32> to vector<16xf32>
    tpu.vector_store %arg6[%swap3A_546], %swap3A_549 {add = true, strides = array<i32>} : memref<1024xf32, #tpu.memory_space<vmem>>, vector<16xf32>,
    %swap3A_550 = arith.constant 192 : index
    %swap3A_551 = tpu.vector_load %arg6[%swap3A_550] {strides = array<i32>} : memref<1024xf32, #tpu.memory_space<vmem>>, vector<16xf32>,
    %swap3A_552 = vector.shape_cast %swap3A_551 : vector<16xf32> to vector<16xf32>
    %swap3A_553 = vector.shape_cast %scan3A_500#12 : vector<16xf32> to vector<16xf32>
    tpu.vector_store %arg6[%swap3A_550], %swap3A_553 {add = true, strides = array<i32>} : memref<1024xf32, #tpu.memory_space<vmem>>, vector<16xf32>,
    %swap3A_554 = arith.constant 208 : index
    %swap3A_555 = tpu.vector_load %arg6[%swap3A_554] {strides = array<i32>} : memref<1024xf32, #tpu.memory_space<vmem>>, vector<16xf32>,
    %swap3A_556 = vector.shape_cast %swap3A_555 : vector<16xf32> to vector<16xf32>
    %swap3A_557 = vector.shape_cast %scan3A_500#13 : vector<16xf32> to vector<16xf32>
    tpu.vector_store %arg6[%swap3A_554], %swap3A_557 {add = true, strides = array<i32>} : memref<1024xf32, #tpu.memory_space<vmem>>, vector<16xf32>,
    %swap3A_558 = arith.constant 224 : index
    %swap3A_559 = tpu.vector_load %arg6[%swap3A_558] {strides = array<i32>} : memref<1024xf32, #tpu.memory_space<vmem>>, vector<16xf32>,
    %swap3A_560 = vector.shape_cast %swap3A_559 : vector<16xf32> to vector<16xf32>
    %swap3A_561 = vector.shape_cast %scan3A_500#14 : vector<16xf32> to vector<16xf32>
    tpu.vector_store %arg6[%swap3A_558], %swap3A_561 {add = true, strides = array<i32>} : memref<1024xf32, #tpu.memory_space<vmem>>, vector<16xf32>,
    %swap3A_562 = arith.constant 240 : index
    %swap3A_563 = tpu.vector_load %arg6[%swap3A_562] {strides = array<i32>} : memref<1024xf32, #tpu.memory_space<vmem>>, vector<16xf32>,
    %swap3A_564 = vector.shape_cast %swap3A_563 : vector<16xf32> to vector<16xf32>
    %swap3A_565 = vector.shape_cast %scan3A_500#15 : vector<16xf32> to vector<16xf32>
    tpu.vector_store %arg6[%swap3A_562], %swap3A_565 {add = true, strides = array<i32>} : memref<1024xf32, #tpu.memory_space<vmem>>, vector<16xf32>,
    %swap3A_566 = arith.constant 256 : index
    %swap3A_567 = tpu.vector_load %arg6[%swap3A_566] {strides = array<i32>} : memref<1024xf32, #tpu.memory_space<vmem>>, vector<16xf32>,
    %swap3A_568 = vector.shape_cast %swap3A_567 : vector<16xf32> to vector<16xf32>
    %swap3A_569 = vector.shape_cast %scan3A_500#16 : vector<16xf32> to vector<16xf32>
    tpu.vector_store %arg6[%swap3A_566], %swap3A_569 {add = true, strides = array<i32>} : memref<1024xf32, #tpu.memory_space<vmem>>, vector<16xf32>,
    %swap3A_570 = arith.constant 272 : index
    %swap3A_571 = tpu.vector_load %arg6[%swap3A_570] {strides = array<i32>} : memref<1024xf32, #tpu.memory_space<vmem>>, vector<16xf32>,
    %swap3A_572 = vector.shape_cast %swap3A_571 : vector<16xf32> to vector<16xf32>
    %swap3A_573 = vector.shape_cast %scan3A_500#17 : vector<16xf32> to vector<16xf32>
    tpu.vector_store %arg6[%swap3A_570], %swap3A_573 {add = true, strides = array<i32>} : memref<1024xf32, #tpu.memory_space<vmem>>, vector<16xf32>,
    %swap3A_574 = arith.constant 288 : index
    %swap3A_575 = tpu.vector_load %arg6[%swap3A_574] {strides = array<i32>} : memref<1024xf32, #tpu.memory_space<vmem>>, vector<16xf32>,
    %swap3A_576 = vector.shape_cast %swap3A_575 : vector<16xf32> to vector<16xf32>
    %swap3A_577 = vector.shape_cast %scan3A_500#18 : vector<16xf32> to vector<16xf32>
    tpu.vector_store %arg6[%swap3A_574], %swap3A_577 {add = true, strides = array<i32>} : memref<1024xf32, #tpu.memory_space<vmem>>, vector<16xf32>,
    %swap3A_578 = arith.constant 304 : index
    %swap3A_579 = tpu.vector_load %arg6[%swap3A_578] {strides = array<i32>} : memref<1024xf32, #tpu.memory_space<vmem>>, vector<16xf32>,
    %swap3A_580 = vector.shape_cast %swap3A_579 : vector<16xf32> to vector<16xf32>
    %swap3A_581 = vector.shape_cast %scan3A_500#19 : vector<16xf32> to vector<16xf32>
    tpu.vector_store %arg6[%swap3A_578], %swap3A_581 {add = true, strides = array<i32>} : memref<1024xf32, #tpu.memory_space<vmem>>, vector<16xf32>,
    %swap3A_582 = arith.constant 320 : index
    %swap3A_583 = tpu.vector_load %arg6[%swap3A_582] {strides = array<i32>} : memref<1024xf32, #tpu.memory_space<vmem>>, vector<16xf32>,
    %swap3A_584 = vector.shape_cast %swap3A_583 : vector<16xf32> to vector<16xf32>
    %swap3A_585 = vector.shape_cast %scan3A_500#20 : vector<16xf32> to vector<16xf32>
    tpu.vector_store %arg6[%swap3A_582], %swap3A_585 {add = true, strides = array<i32>} : memref<1024xf32, #tpu.memory_space<vmem>>, vector<16xf32>,
    %swap3A_586 = arith.constant 336 : index
    %swap3A_587 = tpu.vector_load %arg6[%swap3A_586] {strides = array<i32>} : memref<1024xf32, #tpu.memory_space<vmem>>, vector<16xf32>,
    %swap3A_588 = vector.shape_cast %swap3A_587 : vector<16xf32> to vector<16xf32>
    %swap3A_589 = vector.shape_cast %scan3A_500#21 : vector<16xf32> to vector<16xf32>
    tpu.vector_store %arg6[%swap3A_586], %swap3A_589 {add = true, strides = array<i32>} : memref<1024xf32, #tpu.memory_space<vmem>>, vector<16xf32>,
    %swap3A_590 = arith.constant 352 : index
    %swap3A_591 = tpu.vector_load %arg6[%swap3A_590] {strides = array<i32>} : memref<1024xf32, #tpu.memory_space<vmem>>, vector<16xf32>,
    %swap3A_592 = vector.shape_cast %swap3A_591 : vector<16xf32> to vector<16xf32>
    %swap3A_593 = vector.shape_cast %scan3A_500#22 : vector<16xf32> to vector<16xf32>
    tpu.vector_store %arg6[%swap3A_590], %swap3A_593 {add = true, strides = array<i32>} : memref<1024xf32, #tpu.memory_space<vmem>>, vector<16xf32>,
    %swap3A_594 = arith.constant 368 : index
    %swap3A_595 = tpu.vector_load %arg6[%swap3A_594] {strides = array<i32>} : memref<1024xf32, #tpu.memory_space<vmem>>, vector<16xf32>,
    %swap3A_596 = vector.shape_cast %swap3A_595 : vector<16xf32> to vector<16xf32>
    %swap3A_597 = vector.shape_cast %scan3A_500#23 : vector<16xf32> to vector<16xf32>
    tpu.vector_store %arg6[%swap3A_594], %swap3A_597 {add = true, strides = array<i32>} : memref<1024xf32, #tpu.memory_space<vmem>>, vector<16xf32>,
    %swap3A_598 = arith.constant 384 : index
    %swap3A_599 = tpu.vector_load %arg6[%swap3A_598] {strides = array<i32>} : memref<1024xf32, #tpu.memory_space<vmem>>, vector<16xf32>,
    %swap3A_600 = vector.shape_cast %swap3A_599 : vector<16xf32> to vector<16xf32>
    %swap3A_601 = vector.shape_cast %scan3A_500#24 : vector<16xf32> to vector<16xf32>
    tpu.vector_store %arg6[%swap3A_598], %swap3A_601 {add = true, strides = array<i32>} : memref<1024xf32, #tpu.memory_space<vmem>>, vector<16xf32>,
    %swap3A_602 = arith.constant 400 : index
    %swap3A_603 = tpu.vector_load %arg6[%swap3A_602] {strides = array<i32>} : memref<1024xf32, #tpu.memory_space<vmem>>, vector<16xf32>,
    %swap3A_604 = vector.shape_cast %swap3A_603 : vector<16xf32> to vector<16xf32>
    %swap3A_605 = vector.shape_cast %scan3A_500#25 : vector<16xf32> to vector<16xf32>
    tpu.vector_store %arg6[%swap3A_602], %swap3A_605 {add = true, strides = array<i32>} : memref<1024xf32, #tpu.memory_space<vmem>>, vector<16xf32>,
    %swap3A_606 = arith.constant 416 : index
    %swap3A_607 = tpu.vector_load %arg6[%swap3A_606] {strides = array<i32>} : memref<1024xf32, #tpu.memory_space<vmem>>, vector<16xf32>,
    %swap3A_608 = vector.shape_cast %swap3A_607 : vector<16xf32> to vector<16xf32>
    %swap3A_609 = vector.shape_cast %scan3A_500#26 : vector<16xf32> to vector<16xf32>
    tpu.vector_store %arg6[%swap3A_606], %swap3A_609 {add = true, strides = array<i32>} : memref<1024xf32, #tpu.memory_space<vmem>>, vector<16xf32>,
    %swap3A_610 = arith.constant 432 : index
    %swap3A_611 = tpu.vector_load %arg6[%swap3A_610] {strides = array<i32>} : memref<1024xf32, #tpu.memory_space<vmem>>, vector<16xf32>,
    %swap3A_612 = vector.shape_cast %swap3A_611 : vector<16xf32> to vector<16xf32>
    %swap3A_613 = vector.shape_cast %scan3A_500#27 : vector<16xf32> to vector<16xf32>
    tpu.vector_store %arg6[%swap3A_610], %swap3A_613 {add = true, strides = array<i32>} : memref<1024xf32, #tpu.memory_space<vmem>>, vector<16xf32>,
    %swap3A_614 = arith.constant 448 : index
    %swap3A_615 = tpu.vector_load %arg6[%swap3A_614] {strides = array<i32>} : memref<1024xf32, #tpu.memory_space<vmem>>, vector<16xf32>,
    %swap3A_616 = vector.shape_cast %swap3A_615 : vector<16xf32> to vector<16xf32>
    %swap3A_617 = vector.shape_cast %scan3A_500#28 : vector<16xf32> to vector<16xf32>
    tpu.vector_store %arg6[%swap3A_614], %swap3A_617 {add = true, strides = array<i32>} : memref<1024xf32, #tpu.memory_space<vmem>>, vector<16xf32>,
    %swap3A_618 = arith.constant 464 : index
    %swap3A_619 = tpu.vector_load %arg6[%swap3A_618] {strides = array<i32>} : memref<1024xf32, #tpu.memory_space<vmem>>, vector<16xf32>,
    %swap3A_620 = vector.shape_cast %swap3A_619 : vector<16xf32> to vector<16xf32>
    %swap3A_621 = vector.shape_cast %scan3A_500#29 : vector<16xf32> to vector<16xf32>
    tpu.vector_store %arg6[%swap3A_618], %swap3A_621 {add = true, strides = array<i32>} : memref<1024xf32, #tpu.memory_space<vmem>>, vector<16xf32>,
    %swap3A_622 = arith.constant 480 : index
    %swap3A_623 = tpu.vector_load %arg6[%swap3A_622] {strides = array<i32>} : memref<1024xf32, #tpu.memory_space<vmem>>, vector<16xf32>,
    %swap3A_624 = vector.shape_cast %swap3A_623 : vector<16xf32> to vector<16xf32>
    %swap3A_625 = vector.shape_cast %scan3A_500#30 : vector<16xf32> to vector<16xf32>
    tpu.vector_store %arg6[%swap3A_622], %swap3A_625 {add = true, strides = array<i32>} : memref<1024xf32, #tpu.memory_space<vmem>>, vector<16xf32>,
    %swap3A_626 = arith.constant 496 : index
    %swap3A_627 = tpu.vector_load %arg6[%swap3A_626] {strides = array<i32>} : memref<1024xf32, #tpu.memory_space<vmem>>, vector<16xf32>,
    %swap3A_628 = vector.shape_cast %swap3A_627 : vector<16xf32> to vector<16xf32>
    %swap3A_629 = vector.shape_cast %scan3A_500#31 : vector<16xf32> to vector<16xf32>
    tpu.vector_store %arg6[%swap3A_626], %swap3A_629 {add = true, strides = array<i32>} : memref<1024xf32, #tpu.memory_space<vmem>>, vector<16xf32>,
    %broadcast_in_dim3A_630 = arith.constant 0.000000e+00 : f32
    %broadcast_in_dim3A_631 = vector.broadcast %broadcast_in_dim3A_630 : f32 to vector<16xf32>
    %broadcast_in_dim3A_632 = arith.constant 0.000000e+00 : f32
    %broadcast_in_dim3A_633 = vector.broadcast %broadcast_in_dim3A_632 : f32 to vector<16xf32>
    %broadcast_in_dim3A_634 = arith.constant 0.000000e+00 : f32
    %broadcast_in_dim3A_635 = vector.broadcast %broadcast_in_dim3A_634 : f32 to vector<16xf32>
    %broadcast_in_dim3A_636 = arith.constant 0.000000e+00 : f32
    %broadcast_in_dim3A_637 = vector.broadcast %broadcast_in_dim3A_636 : f32 to vector<16xf32>
    %broadcast_in_dim3A_638 = arith.constant 0.000000e+00 : f32
    %broadcast_in_dim3A_639 = vector.broadcast %broadcast_in_dim3A_638 : f32 to vector<16xf32>
    %broadcast_in_dim3A_640 = arith.constant 0.000000e+00 : f32
    %broadcast_in_dim3A_641 = vector.broadcast %broadcast_in_dim3A_640 : f32 to vector<16xf32>
    %broadcast_in_dim3A_642 = arith.constant 0.000000e+00 : f32
    %broadcast_in_dim3A_643 = vector.broadcast %broadcast_in_dim3A_642 : f32 to vector<16xf32>
    %broadcast_in_dim3A_644 = arith.constant 0.000000e+00 : f32
    %broadcast_in_dim3A_645 = vector.broadcast %broadcast_in_dim3A_644 : f32 to vector<16xf32>
    %broadcast_in_dim3A_646 = arith.constant 0.000000e+00 : f32
    %broadcast_in_dim3A_647 = vector.broadcast %broadcast_in_dim3A_646 : f32 to vector<16xf32>
    %broadcast_in_dim3A_648 = arith.constant 0.000000e+00 : f32
    %broadcast_in_dim3A_649 = vector.broadcast %broadcast_in_dim3A_648 : f32 to vector<16xf32>
    %broadcast_in_dim3A_650 = arith.constant 0.000000e+00 : f32
    %broadcast_in_dim3A_651 = vector.broadcast %broadcast_in_dim3A_650 : f32 to vector<16xf32>
    %broadcast_in_dim3A_652 = arith.constant 0.000000e+00 : f32
    %broadcast_in_dim3A_653 = vector.broadcast %broadcast_in_dim3A_652 : f32 to vector<16xf32>
    %broadcast_in_dim3A_654 = arith.constant 0.000000e+00 : f32
    %broadcast_in_dim3A_655 = vector.broadcast %broadcast_in_dim3A_654 : f32 to vector<16xf32>
    %broadcast_in_dim3A_656 = arith.constant 0.000000e+00 : f32
    %broadcast_in_dim3A_657 = vector.broadcast %broadcast_in_dim3A_656 : f32 to vector<16xf32>
    %broadcast_in_dim3A_658 = arith.constant 0.000000e+00 : f32
    %broadcast_in_dim3A_659 = vector.broadcast %broadcast_in_dim3A_658 : f32 to vector<16xf32>
    %broadcast_in_dim3A_660 = arith.constant 0.000000e+00 : f32
    %broadcast_in_dim3A_661 = vector.broadcast %broadcast_in_dim3A_660 : f32 to vector<16xf32>
    %broadcast_in_dim3A_662 = arith.constant 0.000000e+00 : f32
    %broadcast_in_dim3A_663 = vector.broadcast %broadcast_in_dim3A_662 : f32 to vector<16xf32>
    %broadcast_in_dim3A_664 = arith.constant 0.000000e+00 : f32
    %broadcast_in_dim3A_665 = vector.broadcast %broadcast_in_dim3A_664 : f32 to vector<16xf32>
    %broadcast_in_dim3A_666 = arith.constant 0.000000e+00 : f32
    %broadcast_in_dim3A_667 = vector.broadcast %broadcast_in_dim3A_666 : f32 to vector<16xf32>
    %broadcast_in_dim3A_668 = arith.constant 0.000000e+00 : f32
    %broadcast_in_dim3A_669 = vector.broadcast %broadcast_in_dim3A_668 : f32 to vector<16xf32>
    %broadcast_in_dim3A_670 = arith.constant 0.000000e+00 : f32
    %broadcast_in_dim3A_671 = vector.broadcast %broadcast_in_dim3A_670 : f32 to vector<16xf32>
    %broadcast_in_dim3A_672 = arith.constant 0.000000e+00 : f32
    %broadcast_in_dim3A_673 = vector.broadcast %broadcast_in_dim3A_672 : f32 to vector<16xf32>
    %broadcast_in_dim3A_674 = arith.constant 0.000000e+00 : f32
    %broadcast_in_dim3A_675 = vector.broadcast %broadcast_in_dim3A_674 : f32 to vector<16xf32>
    %broadcast_in_dim3A_676 = arith.constant 0.000000e+00 : f32
    %broadcast_in_dim3A_677 = vector.broadcast %broadcast_in_dim3A_676 : f32 to vector<16xf32>
    %broadcast_in_dim3A_678 = arith.constant 0.000000e+00 : f32
    %broadcast_in_dim3A_679 = vector.broadcast %broadcast_in_dim3A_678 : f32 to vector<16xf32>
    %broadcast_in_dim3A_680 = arith.constant 0.000000e+00 : f32
    %broadcast_in_dim3A_681 = vector.broadcast %broadcast_in_dim3A_680 : f32 to vector<16xf32>
    %broadcast_in_dim3A_682 = arith.constant 0.000000e+00 : f32
    %broadcast_in_dim3A_683 = vector.broadcast %broadcast_in_dim3A_682 : f32 to vector<16xf32>
    %broadcast_in_dim3A_684 = arith.constant 0.000000e+00 : f32
    %broadcast_in_dim3A_685 = vector.broadcast %broadcast_in_dim3A_684 : f32 to vector<16xf32>
    %broadcast_in_dim3A_686 = arith.constant 0.000000e+00 : f32
    %broadcast_in_dim3A_687 = vector.broadcast %broadcast_in_dim3A_686 : f32 to vector<16xf32>
    %broadcast_in_dim3A_688 = arith.constant 0.000000e+00 : f32
    %broadcast_in_dim3A_689 = vector.broadcast %broadcast_in_dim3A_688 : f32 to vector<16xf32>
    %broadcast_in_dim3A_690 = arith.constant 0.000000e+00 : f32
    %broadcast_in_dim3A_691 = vector.broadcast %broadcast_in_dim3A_690 : f32 to vector<16xf32>
    %broadcast_in_dim3A_692 = arith.constant 0.000000e+00 : f32
    %broadcast_in_dim3A_693 = vector.broadcast %broadcast_in_dim3A_692 : f32 to vector<16xf32>
    %scan3A_694 = arith.constant 0 : i32
    %scan3A_695 = arith.constant 32 : i32
    %scan3A_696 = arith.addi %scan3A_694, %scan3A_695 : i32
    %scan3A_697 = arith.constant 1 : i32
    %scan3A_698:32 = scf.for %scan3A_2046 = %scan3A_694 to %scan3A_696 step %scan3A_697 iter_args(%scan3A_2047 = %broadcast_in_dim3A_631, %scan3A_2048 = %broadcast_in_dim3A_633, %scan3A_2049 = %broadcast_in_dim3A_635, %scan3A_2050 = %broadcast_in_dim3A_637, %scan3A_2051 = %broadcast_in_dim3A_639, %scan3A_2052 = %broadcast_in_dim3A_641, %scan3A_2053 = %broadcast_in_dim3A_643, %scan3A_2054 = %broadcast_in_dim3A_645, %scan3A_2055 = %broadcast_in_dim3A_647, %scan3A_2056 = %broadcast_in_dim3A_649, %scan3A_2057 = %broadcast_in_dim3A_651, %scan3A_2058 = %broadcast_in_dim3A_653, %scan3A_2059 = %broadcast_in_dim3A_655, %scan3A_2060 = %broadcast_in_dim3A_657, %scan3A_2061 = %broadcast_in_dim3A_659, %scan3A_2062 = %broadcast_in_dim3A_661, %scan3A_2063 = %broadcast_in_dim3A_663, %scan3A_2064 = %broadcast_in_dim3A_665, %scan3A_2065 = %broadcast_in_dim3A_667, %scan3A_2066 = %broadcast_in_dim3A_669, %scan3A_2067 = %broadcast_in_dim3A_671, %scan3A_2068 = %broadcast_in_dim3A_673, %scan3A_2069 = %broadcast_in_dim3A_675, %scan3A_2070 = %broadcast_in_dim3A_677, %scan3A_2071 = %broadcast_in_dim3A_679, %scan3A_2072 = %broadcast_in_dim3A_681, %scan3A_2073 = %broadcast_in_dim3A_683, %scan3A_2074 = %broadcast_in_dim3A_685, %scan3A_2075 = %broadcast_in_dim3A_687, %scan3A_2076 = %broadcast_in_dim3A_689, %scan3A_2077 = %broadcast_in_dim3A_691, %scan3A_2078 = %broadcast_in_dim3A_693) -> (vector<16xf32>, vector<16xf32>, vector<16xf32>, vector<16xf32>, vector<16xf32>, vector<16xf32>, vector<16xf32>, vector<16xf32>, vector<16xf32>, vector<16xf32>, vector<16xf32>, vector<16xf32>, vector<16xf32>, vector<16xf32>, vector<16xf32>, vector<16xf32>, vector<16xf32>, vector<16xf32>, vector<16xf32>, vector<16xf32>, vector<16xf32>, vector<16xf32>, vector<16xf32>, vector<16xf32>, vector<16xf32>, vector<16xf32>, vector<16xf32>, vector<16xf32>, vector<16xf32>, vector<16xf32>, vector<16xf32>, vector<16xf32>)  : i32 {
      %get3A = arith.index_cast %scan3A_2046 : i32 to index
      %get3A_2079 = arith.constant 512 : index
      %get3A_2080 = tpu.vector_load %arg4[%get3A, %get3A_2079] {strides = array<i32>} : memref<32x1024xf32, #tpu.memory_space<vmem>>, vector<1x16xf32>,
      %get3A_2081 = vector.shape_cast %get3A_2080 : vector<1x16xf32> to vector<16xf32>
      %add3A_2082 = arith.addf %scan3A_2047, %get3A_2081 : vector<16xf32>
      %get3A_2083 = arith.index_cast %scan3A_2046 : i32 to index
      %get3A_2084 = arith.constant 528 : index
      %get3A_2085 = tpu.vector_load %arg4[%get3A_2083, %get3A_2084] {strides = array<i32>} : memref<32x1024xf32, #tpu.memory_space<vmem>>, vector<1x16xf32>,
      %get3A_2086 = vector.shape_cast %get3A_2085 : vector<1x16xf32> to vector<16xf32>
      %add3A_2087 = arith.addf %scan3A_2048, %get3A_2086 : vector<16xf32>
      %get3A_2088 = arith.index_cast %scan3A_2046 : i32 to index
      %get3A_2089 = arith.constant 544 : index
      %get3A_2090 = tpu.vector_load %arg4[%get3A_2088, %get3A_2089] {strides = array<i32>} : memref<32x1024xf32, #tpu.memory_space<vmem>>, vector<1x16xf32>,
      %get3A_2091 = vector.shape_cast %get3A_2090 : vector<1x16xf32> to vector<16xf32>
      %add3A_2092 = arith.addf %scan3A_2049, %get3A_2091 : vector<16xf32>
      %get3A_2093 = arith.index_cast %scan3A_2046 : i32 to index
      %get3A_2094 = arith.constant 560 : index
      %get3A_2095 = tpu.vector_load %arg4[%get3A_2093, %get3A_2094] {strides = array<i32>} : memref<32x1024xf32, #tpu.memory_space<vmem>>, vector<1x16xf32>,
      %get3A_2096 = vector.shape_cast %get3A_2095 : vector<1x16xf32> to vector<16xf32>
      %add3A_2097 = arith.addf %scan3A_2050, %get3A_2096 : vector<16xf32>
      %get3A_2098 = arith.index_cast %scan3A_2046 : i32 to index
      %get3A_2099 = arith.constant 576 : index
      %get3A_2100 = tpu.vector_load %arg4[%get3A_2098, %get3A_2099] {strides = array<i32>} : memref<32x1024xf32, #tpu.memory_space<vmem>>, vector<1x16xf32>,
      %get3A_2101 = vector.shape_cast %get3A_2100 : vector<1x16xf32> to vector<16xf32>
      %add3A_2102 = arith.addf %scan3A_2051, %get3A_2101 : vector<16xf32>
      %get3A_2103 = arith.index_cast %scan3A_2046 : i32 to index
      %get3A_2104 = arith.constant 592 : index
      %get3A_2105 = tpu.vector_load %arg4[%get3A_2103, %get3A_2104] {strides = array<i32>} : memref<32x1024xf32, #tpu.memory_space<vmem>>, vector<1x16xf32>,
      %get3A_2106 = vector.shape_cast %get3A_2105 : vector<1x16xf32> to vector<16xf32>
      %add3A_2107 = arith.addf %scan3A_2052, %get3A_2106 : vector<16xf32>
      %get3A_2108 = arith.index_cast %scan3A_2046 : i32 to index
      %get3A_2109 = arith.constant 608 : index
      %get3A_2110 = tpu.vector_load %arg4[%get3A_2108, %get3A_2109] {strides = array<i32>} : memref<32x1024xf32, #tpu.memory_space<vmem>>, vector<1x16xf32>,
      %get3A_2111 = vector.shape_cast %get3A_2110 : vector<1x16xf32> to vector<16xf32>
      %add3A_2112 = arith.addf %scan3A_2053, %get3A_2111 : vector<16xf32>
      %get3A_2113 = arith.index_cast %scan3A_2046 : i32 to index
      %get3A_2114 = arith.constant 624 : index
      %get3A_2115 = tpu.vector_load %arg4[%get3A_2113, %get3A_2114] {strides = array<i32>} : memref<32x1024xf32, #tpu.memory_space<vmem>>, vector<1x16xf32>,
      %get3A_2116 = vector.shape_cast %get3A_2115 : vector<1x16xf32> to vector<16xf32>
      %add3A_2117 = arith.addf %scan3A_2054, %get3A_2116 : vector<16xf32>
      %get3A_2118 = arith.index_cast %scan3A_2046 : i32 to index
      %get3A_2119 = arith.constant 640 : index
      %get3A_2120 = tpu.vector_load %arg4[%get3A_2118, %get3A_2119] {strides = array<i32>} : memref<32x1024xf32, #tpu.memory_space<vmem>>, vector<1x16xf32>,
      %get3A_2121 = vector.shape_cast %get3A_2120 : vector<1x16xf32> to vector<16xf32>
      %add3A_2122 = arith.addf %scan3A_2055, %get3A_2121 : vector<16xf32>
      %get3A_2123 = arith.index_cast %scan3A_2046 : i32 to index
      %get3A_2124 = arith.constant 656 : index
      %get3A_2125 = tpu.vector_load %arg4[%get3A_2123, %get3A_2124] {strides = array<i32>} : memref<32x1024xf32, #tpu.memory_space<vmem>>, vector<1x16xf32>,
      %get3A_2126 = vector.shape_cast %get3A_2125 : vector<1x16xf32> to vector<16xf32>
      %add3A_2127 = arith.addf %scan3A_2056, %get3A_2126 : vector<16xf32>
      %get3A_2128 = arith.index_cast %scan3A_2046 : i32 to index
      %get3A_2129 = arith.constant 672 : index
      %get3A_2130 = tpu.vector_load %arg4[%get3A_2128, %get3A_2129] {strides = array<i32>} : memref<32x1024xf32, #tpu.memory_space<vmem>>, vector<1x16xf32>,
      %get3A_2131 = vector.shape_cast %get3A_2130 : vector<1x16xf32> to vector<16xf32>
      %add3A_2132 = arith.addf %scan3A_2057, %get3A_2131 : vector<16xf32>
      %get3A_2133 = arith.index_cast %scan3A_2046 : i32 to index
      %get3A_2134 = arith.constant 688 : index
      %get3A_2135 = tpu.vector_load %arg4[%get3A_2133, %get3A_2134] {strides = array<i32>} : memref<32x1024xf32, #tpu.memory_space<vmem>>, vector<1x16xf32>,
      %get3A_2136 = vector.shape_cast %get3A_2135 : vector<1x16xf32> to vector<16xf32>
      %add3A_2137 = arith.addf %scan3A_2058, %get3A_2136 : vector<16xf32>
      %get3A_2138 = arith.index_cast %scan3A_2046 : i32 to index
      %get3A_2139 = arith.constant 704 : index
      %get3A_2140 = tpu.vector_load %arg4[%get3A_2138, %get3A_2139] {strides = array<i32>} : memref<32x1024xf32, #tpu.memory_space<vmem>>, vector<1x16xf32>,
      %get3A_2141 = vector.shape_cast %get3A_2140 : vector<1x16xf32> to vector<16xf32>
      %add3A_2142 = arith.addf %scan3A_2059, %get3A_2141 : vector<16xf32>
      %get3A_2143 = arith.index_cast %scan3A_2046 : i32 to index
      %get3A_2144 = arith.constant 720 : index
      %get3A_2145 = tpu.vector_load %arg4[%get3A_2143, %get3A_2144] {strides = array<i32>} : memref<32x1024xf32, #tpu.memory_space<vmem>>, vector<1x16xf32>,
      %get3A_2146 = vector.shape_cast %get3A_2145 : vector<1x16xf32> to vector<16xf32>
      %add3A_2147 = arith.addf %scan3A_2060, %get3A_2146 : vector<16xf32>
      %get3A_2148 = arith.index_cast %scan3A_2046 : i32 to index
      %get3A_2149 = arith.constant 736 : index
      %get3A_2150 = tpu.vector_load %arg4[%get3A_2148, %get3A_2149] {strides = array<i32>} : memref<32x1024xf32, #tpu.memory_space<vmem>>, vector<1x16xf32>,
      %get3A_2151 = vector.shape_cast %get3A_2150 : vector<1x16xf32> to vector<16xf32>
      %add3A_2152 = arith.addf %scan3A_2061, %get3A_2151 : vector<16xf32>
      %get3A_2153 = arith.index_cast %scan3A_2046 : i32 to index
      %get3A_2154 = arith.constant 752 : index
      %get3A_2155 = tpu.vector_load %arg4[%get3A_2153, %get3A_2154] {strides = array<i32>} : memref<32x1024xf32, #tpu.memory_space<vmem>>, vector<1x16xf32>,
      %get3A_2156 = vector.shape_cast %get3A_2155 : vector<1x16xf32> to vector<16xf32>
      %add3A_2157 = arith.addf %scan3A_2062, %get3A_2156 : vector<16xf32>
      %get3A_2158 = arith.index_cast %scan3A_2046 : i32 to index
      %get3A_2159 = arith.constant 768 : index
      %get3A_2160 = tpu.vector_load %arg4[%get3A_2158, %get3A_2159] {strides = array<i32>} : memref<32x1024xf32, #tpu.memory_space<vmem>>, vector<1x16xf32>,
      %get3A_2161 = vector.shape_cast %get3A_2160 : vector<1x16xf32> to vector<16xf32>
      %add3A_2162 = arith.addf %scan3A_2063, %get3A_2161 : vector<16xf32>
      %get3A_2163 = arith.index_cast %scan3A_2046 : i32 to index
      %get3A_2164 = arith.constant 784 : index
      %get3A_2165 = tpu.vector_load %arg4[%get3A_2163, %get3A_2164] {strides = array<i32>} : memref<32x1024xf32, #tpu.memory_space<vmem>>, vector<1x16xf32>,
      %get3A_2166 = vector.shape_cast %get3A_2165 : vector<1x16xf32> to vector<16xf32>
      %add3A_2167 = arith.addf %scan3A_2064, %get3A_2166 : vector<16xf32>
      %get3A_2168 = arith.index_cast %scan3A_2046 : i32 to index
      %get3A_2169 = arith.constant 800 : index
      %get3A_2170 = tpu.vector_load %arg4[%get3A_2168, %get3A_2169] {strides = array<i32>} : memref<32x1024xf32, #tpu.memory_space<vmem>>, vector<1x16xf32>,
      %get3A_2171 = vector.shape_cast %get3A_2170 : vector<1x16xf32> to vector<16xf32>
      %add3A_2172 = arith.addf %scan3A_2065, %get3A_2171 : vector<16xf32>
      %get3A_2173 = arith.index_cast %scan3A_2046 : i32 to index
      %get3A_2174 = arith.constant 816 : index
      %get3A_2175 = tpu.vector_load %arg4[%get3A_2173, %get3A_2174] {strides = array<i32>} : memref<32x1024xf32, #tpu.memory_space<vmem>>, vector<1x16xf32>,
      %get3A_2176 = vector.shape_cast %get3A_2175 : vector<1x16xf32> to vector<16xf32>
      %add3A_2177 = arith.addf %scan3A_2066, %get3A_2176 : vector<16xf32>
      %get3A_2178 = arith.index_cast %scan3A_2046 : i32 to index
      %get3A_2179 = arith.constant 832 : index
      %get3A_2180 = tpu.vector_load %arg4[%get3A_2178, %get3A_2179] {strides = array<i32>} : memref<32x1024xf32, #tpu.memory_space<vmem>>, vector<1x16xf32>,
      %get3A_2181 = vector.shape_cast %get3A_2180 : vector<1x16xf32> to vector<16xf32>
      %add3A_2182 = arith.addf %scan3A_2067, %get3A_2181 : vector<16xf32>
      %get3A_2183 = arith.index_cast %scan3A_2046 : i32 to index
      %get3A_2184 = arith.constant 848 : index
      %get3A_2185 = tpu.vector_load %arg4[%get3A_2183, %get3A_2184] {strides = array<i32>} : memref<32x1024xf32, #tpu.memory_space<vmem>>, vector<1x16xf32>,
      %get3A_2186 = vector.shape_cast %get3A_2185 : vector<1x16xf32> to vector<16xf32>
      %add3A_2187 = arith.addf %scan3A_2068, %get3A_2186 : vector<16xf32>
      %get3A_2188 = arith.index_cast %scan3A_2046 : i32 to index
      %get3A_2189 = arith.constant 864 : index
      %get3A_2190 = tpu.vector_load %arg4[%get3A_2188, %get3A_2189] {strides = array<i32>} : memref<32x1024xf32, #tpu.memory_space<vmem>>, vector<1x16xf32>,
      %get3A_2191 = vector.shape_cast %get3A_2190 : vector<1x16xf32> to vector<16xf32>
      %add3A_2192 = arith.addf %scan3A_2069, %get3A_2191 : vector<16xf32>
      %get3A_2193 = arith.index_cast %scan3A_2046 : i32 to index
      %get3A_2194 = arith.constant 880 : index
      %get3A_2195 = tpu.vector_load %arg4[%get3A_2193, %get3A_2194] {strides = array<i32>} : memref<32x1024xf32, #tpu.memory_space<vmem>>, vector<1x16xf32>,
      %get3A_2196 = vector.shape_cast %get3A_2195 : vector<1x16xf32> to vector<16xf32>
      %add3A_2197 = arith.addf %scan3A_2070, %get3A_2196 : vector<16xf32>
      %get3A_2198 = arith.index_cast %scan3A_2046 : i32 to index
      %get3A_2199 = arith.constant 896 : index
      %get3A_2200 = tpu.vector_load %arg4[%get3A_2198, %get3A_2199] {strides = array<i32>} : memref<32x1024xf32, #tpu.memory_space<vmem>>, vector<1x16xf32>,
      %get3A_2201 = vector.shape_cast %get3A_2200 : vector<1x16xf32> to vector<16xf32>
      %add3A_2202 = arith.addf %scan3A_2071, %get3A_2201 : vector<16xf32>
      %get3A_2203 = arith.index_cast %scan3A_2046 : i32 to index
      %get3A_2204 = arith.constant 912 : index
      %get3A_2205 = tpu.vector_load %arg4[%get3A_2203, %get3A_2204] {strides = array<i32>} : memref<32x1024xf32, #tpu.memory_space<vmem>>, vector<1x16xf32>,
      %get3A_2206 = vector.shape_cast %get3A_2205 : vector<1x16xf32> to vector<16xf32>
      %add3A_2207 = arith.addf %scan3A_2072, %get3A_2206 : vector<16xf32>
      %get3A_2208 = arith.index_cast %scan3A_2046 : i32 to index
      %get3A_2209 = arith.constant 928 : index
      %get3A_2210 = tpu.vector_load %arg4[%get3A_2208, %get3A_2209] {strides = array<i32>} : memref<32x1024xf32, #tpu.memory_space<vmem>>, vector<1x16xf32>,
      %get3A_2211 = vector.shape_cast %get3A_2210 : vector<1x16xf32> to vector<16xf32>
      %add3A_2212 = arith.addf %scan3A_2073, %get3A_2211 : vector<16xf32>
      %get3A_2213 = arith.index_cast %scan3A_2046 : i32 to index
      %get3A_2214 = arith.constant 944 : index
      %get3A_2215 = tpu.vector_load %arg4[%get3A_2213, %get3A_2214] {strides = array<i32>} : memref<32x1024xf32, #tpu.memory_space<vmem>>, vector<1x16xf32>,
      %get3A_2216 = vector.shape_cast %get3A_2215 : vector<1x16xf32> to vector<16xf32>
      %add3A_2217 = arith.addf %scan3A_2074, %get3A_2216 : vector<16xf32>
      %get3A_2218 = arith.index_cast %scan3A_2046 : i32 to index
      %get3A_2219 = arith.constant 960 : index
      %get3A_2220 = tpu.vector_load %arg4[%get3A_2218, %get3A_2219] {strides = array<i32>} : memref<32x1024xf32, #tpu.memory_space<vmem>>, vector<1x16xf32>,
      %get3A_2221 = vector.shape_cast %get3A_2220 : vector<1x16xf32> to vector<16xf32>
      %add3A_2222 = arith.addf %scan3A_2075, %get3A_2221 : vector<16xf32>
      %get3A_2223 = arith.index_cast %scan3A_2046 : i32 to index
      %get3A_2224 = arith.constant 976 : index
      %get3A_2225 = tpu.vector_load %arg4[%get3A_2223, %get3A_2224] {strides = array<i32>} : memref<32x1024xf32, #tpu.memory_space<vmem>>, vector<1x16xf32>,
      %get3A_2226 = vector.shape_cast %get3A_2225 : vector<1x16xf32> to vector<16xf32>
      %add3A_2227 = arith.addf %scan3A_2076, %get3A_2226 : vector<16xf32>
      %get3A_2228 = arith.index_cast %scan3A_2046 : i32 to index
      %get3A_2229 = arith.constant 992 : index
      %get3A_2230 = tpu.vector_load %arg4[%get3A_2228, %get3A_2229] {strides = array<i32>} : memref<32x1024xf32, #tpu.memory_space<vmem>>, vector<1x16xf32>,
      %get3A_2231 = vector.shape_cast %get3A_2230 : vector<1x16xf32> to vector<16xf32>
      %add3A_2232 = arith.addf %scan3A_2077, %get3A_2231 : vector<16xf32>
      %get3A_2233 = arith.index_cast %scan3A_2046 : i32 to index
      %get3A_2234 = arith.constant 1008 : index
      %get3A_2235 = tpu.vector_load %arg4[%get3A_2233, %get3A_2234] {strides = array<i32>} : memref<32x1024xf32, #tpu.memory_space<vmem>>, vector<1x16xf32>,
      %get3A_2236 = vector.shape_cast %get3A_2235 : vector<1x16xf32> to vector<16xf32>
      %add3A_2237 = arith.addf %scan3A_2078, %get3A_2236 : vector<16xf32>
      scf.yield %add3A_2082, %add3A_2087, %add3A_2092, %add3A_2097, %add3A_2102, %add3A_2107, %add3A_2112, %add3A_2117, %add3A_2122, %add3A_2127, %add3A_2132, %add3A_2137, %add3A_2142, %add3A_2147, %add3A_2152, %add3A_2157, %add3A_2162, %add3A_2167, %add3A_2172, %add3A_2177, %add3A_2182, %add3A_2187, %add3A_2192, %add3A_2197, %add3A_2202, %add3A_2207, %add3A_2212, %add3A_2217, %add3A_2222, %add3A_2227, %add3A_2232, %add3A_2237 : vector<16xf32>, vector<16xf32>, vector<16xf32>, vector<16xf32>, vector<16xf32>, vector<16xf32>, vector<16xf32>, vector<16xf32>, vector<16xf32>, vector<16xf32>, vector<16xf32>, vector<16xf32>, vector<16xf32>, vector<16xf32>, vector<16xf32>, vector<16xf32>, vector<16xf32>, vector<16xf32>, vector<16xf32>, vector<16xf32>, vector<16xf32>, vector<16xf32>, vector<16xf32>, vector<16xf32>, vector<16xf32>, vector<16xf32>, vector<16xf32>, vector<16xf32>, vector<16xf32>, vector<16xf32>, vector<16xf32>, vector<16xf32>
    }
    %scan3A_699 = arith.constant 32 : i32
    %swap3A_700 = arith.constant 512 : index
    %swap3A_701 = tpu.vector_load %arg6[%swap3A_700] {strides = array<i32>} : memref<1024xf32, #tpu.memory_space<vmem>>, vector<16xf32>,
    %swap3A_702 = vector.shape_cast %swap3A_701 : vector<16xf32> to vector<16xf32>
    %swap3A_703 = vector.shape_cast %scan3A_698#0 : vector<16xf32> to vector<16xf32>
    tpu.vector_store %arg6[%swap3A_700], %swap3A_703 {add = true, strides = array<i32>} : memref<1024xf32, #tpu.memory_space<vmem>>, vector<16xf32>,
    %swap3A_704 = arith.constant 528 : index
    %swap3A_705 = tpu.vector_load %arg6[%swap3A_704] {strides = array<i32>} : memref<1024xf32, #tpu.memory_space<vmem>>, vector<16xf32>,
    %swap3A_706 = vector.shape_cast %swap3A_705 : vector<16xf32> to vector<16xf32>
    %swap3A_707 = vector.shape_cast %scan3A_698#1 : vector<16xf32> to vector<16xf32>
    tpu.vector_store %arg6[%swap3A_704], %swap3A_707 {add = true, strides = array<i32>} : memref<1024xf32, #tpu.memory_space<vmem>>, vector<16xf32>,
    %swap3A_708 = arith.constant 544 : index
    %swap3A_709 = tpu.vector_load %arg6[%swap3A_708] {strides = array<i32>} : memref<1024xf32, #tpu.memory_space<vmem>>, vector<16xf32>,
    %swap3A_710 = vector.shape_cast %swap3A_709 : vector<16xf32> to vector<16xf32>
    %swap3A_711 = vector.shape_cast %scan3A_698#2 : vector<16xf32> to vector<16xf32>
    tpu.vector_store %arg6[%swap3A_708], %swap3A_711 {add = true, strides = array<i32>} : memref<1024xf32, #tpu.memory_space<vmem>>, vector<16xf32>,
    %swap3A_712 = arith.constant 560 : index
    %swap3A_713 = tpu.vector_load %arg6[%swap3A_712] {strides = array<i32>} : memref<1024xf32, #tpu.memory_space<vmem>>, vector<16xf32>,
    %swap3A_714 = vector.shape_cast %swap3A_713 : vector<16xf32> to vector<16xf32>
    %swap3A_715 = vector.shape_cast %scan3A_698#3 : vector<16xf32> to vector<16xf32>
    tpu.vector_store %arg6[%swap3A_712], %swap3A_715 {add = true, strides = array<i32>} : memref<1024xf32, #tpu.memory_space<vmem>>, vector<16xf32>,
    %swap3A_716 = arith.constant 576 : index
    %swap3A_717 = tpu.vector_load %arg6[%swap3A_716] {strides = array<i32>} : memref<1024xf32, #tpu.memory_space<vmem>>, vector<16xf32>,
    %swap3A_718 = vector.shape_cast %swap3A_717 : vector<16xf32> to vector<16xf32>
    %swap3A_719 = vector.shape_cast %scan3A_698#4 : vector<16xf32> to vector<16xf32>
    tpu.vector_store %arg6[%swap3A_716], %swap3A_719 {add = true, strides = array<i32>} : memref<1024xf32, #tpu.memory_space<vmem>>, vector<16xf32>,
    %swap3A_720 = arith.constant 592 : index
    %swap3A_721 = tpu.vector_load %arg6[%swap3A_720] {strides = array<i32>} : memref<1024xf32, #tpu.memory_space<vmem>>, vector<16xf32>,
    %swap3A_722 = vector.shape_cast %swap3A_721 : vector<16xf32> to vector<16xf32>
    %swap3A_723 = vector.shape_cast %scan3A_698#5 : vector<16xf32> to vector<16xf32>
    tpu.vector_store %arg6[%swap3A_720], %swap3A_723 {add = true, strides = array<i32>} : memref<1024xf32, #tpu.memory_space<vmem>>, vector<16xf32>,
    %swap3A_724 = arith.constant 608 : index
    %swap3A_725 = tpu.vector_load %arg6[%swap3A_724] {strides = array<i32>} : memref<1024xf32, #tpu.memory_space<vmem>>, vector<16xf32>,
    %swap3A_726 = vector.shape_cast %swap3A_725 : vector<16xf32> to vector<16xf32>
    %swap3A_727 = vector.shape_cast %scan3A_698#6 : vector<16xf32> to vector<16xf32>
    tpu.vector_store %arg6[%swap3A_724], %swap3A_727 {add = true, strides = array<i32>} : memref<1024xf32, #tpu.memory_space<vmem>>, vector<16xf32>,
    %swap3A_728 = arith.constant 624 : index
    %swap3A_729 = tpu.vector_load %arg6[%swap3A_728] {strides = array<i32>} : memref<1024xf32, #tpu.memory_space<vmem>>, vector<16xf32>,
    %swap3A_730 = vector.shape_cast %swap3A_729 : vector<16xf32> to vector<16xf32>
    %swap3A_731 = vector.shape_cast %scan3A_698#7 : vector<16xf32> to vector<16xf32>
    tpu.vector_store %arg6[%swap3A_728], %swap3A_731 {add = true, strides = array<i32>} : memref<1024xf32, #tpu.memory_space<vmem>>, vector<16xf32>,
    %swap3A_732 = arith.constant 640 : index
    %swap3A_733 = tpu.vector_load %arg6[%swap3A_732] {strides = array<i32>} : memref<1024xf32, #tpu.memory_space<vmem>>, vector<16xf32>,
    %swap3A_734 = vector.shape_cast %swap3A_733 : vector<16xf32> to vector<16xf32>
    %swap3A_735 = vector.shape_cast %scan3A_698#8 : vector<16xf32> to vector<16xf32>
    tpu.vector_store %arg6[%swap3A_732], %swap3A_735 {add = true, strides = array<i32>} : memref<1024xf32, #tpu.memory_space<vmem>>, vector<16xf32>,
    %swap3A_736 = arith.constant 656 : index
    %swap3A_737 = tpu.vector_load %arg6[%swap3A_736] {strides = array<i32>} : memref<1024xf32, #tpu.memory_space<vmem>>, vector<16xf32>,
    %swap3A_738 = vector.shape_cast %swap3A_737 : vector<16xf32> to vector<16xf32>
    %swap3A_739 = vector.shape_cast %scan3A_698#9 : vector<16xf32> to vector<16xf32>
    tpu.vector_store %arg6[%swap3A_736], %swap3A_739 {add = true, strides = array<i32>} : memref<1024xf32, #tpu.memory_space<vmem>>, vector<16xf32>,
    %swap3A_740 = arith.constant 672 : index
    %swap3A_741 = tpu.vector_load %arg6[%swap3A_740] {strides = array<i32>} : memref<1024xf32, #tpu.memory_space<vmem>>, vector<16xf32>,
    %swap3A_742 = vector.shape_cast %swap3A_741 : vector<16xf32> to vector<16xf32>
    %swap3A_743 = vector.shape_cast %scan3A_698#10 : vector<16xf32> to vector<16xf32>
    tpu.vector_store %arg6[%swap3A_740], %swap3A_743 {add = true, strides = array<i32>} : memref<1024xf32, #tpu.memory_space<vmem>>, vector<16xf32>,
    %swap3A_744 = arith.constant 688 : index
    %swap3A_745 = tpu.vector_load %arg6[%swap3A_744] {strides = array<i32>} : memref<1024xf32, #tpu.memory_space<vmem>>, vector<16xf32>,
    %swap3A_746 = vector.shape_cast %swap3A_745 : vector<16xf32> to vector<16xf32>
    %swap3A_747 = vector.shape_cast %scan3A_698#11 : vector<16xf32> to vector<16xf32>
    tpu.vector_store %arg6[%swap3A_744], %swap3A_747 {add = true, strides = array<i32>} : memref<1024xf32, #tpu.memory_space<vmem>>, vector<16xf32>,
    %swap3A_748 = arith.constant 704 : index
    %swap3A_749 = tpu.vector_load %arg6[%swap3A_748] {strides = array<i32>} : memref<1024xf32, #tpu.memory_space<vmem>>, vector<16xf32>,
    %swap3A_750 = vector.shape_cast %swap3A_749 : vector<16xf32> to vector<16xf32>
    %swap3A_751 = vector.shape_cast %scan3A_698#12 : vector<16xf32> to vector<16xf32>
    tpu.vector_store %arg6[%swap3A_748], %swap3A_751 {add = true, strides = array<i32>} : memref<1024xf32, #tpu.memory_space<vmem>>, vector<16xf32>,
    %swap3A_752 = arith.constant 720 : index
    %swap3A_753 = tpu.vector_load %arg6[%swap3A_752] {strides = array<i32>} : memref<1024xf32, #tpu.memory_space<vmem>>, vector<16xf32>,
    %swap3A_754 = vector.shape_cast %swap3A_753 : vector<16xf32> to vector<16xf32>
    %swap3A_755 = vector.shape_cast %scan3A_698#13 : vector<16xf32> to vector<16xf32>
    tpu.vector_store %arg6[%swap3A_752], %swap3A_755 {add = true, strides = array<i32>} : memref<1024xf32, #tpu.memory_space<vmem>>, vector<16xf32>,
    %swap3A_756 = arith.constant 736 : index
    %swap3A_757 = tpu.vector_load %arg6[%swap3A_756] {strides = array<i32>} : memref<1024xf32, #tpu.memory_space<vmem>>, vector<16xf32>,
    %swap3A_758 = vector.shape_cast %swap3A_757 : vector<16xf32> to vector<16xf32>
    %swap3A_759 = vector.shape_cast %scan3A_698#14 : vector<16xf32> to vector<16xf32>
    tpu.vector_store %arg6[%swap3A_756], %swap3A_759 {add = true, strides = array<i32>} : memref<1024xf32, #tpu.memory_space<vmem>>, vector<16xf32>,
    %swap3A_760 = arith.constant 752 : index
    %swap3A_761 = tpu.vector_load %arg6[%swap3A_760] {strides = array<i32>} : memref<1024xf32, #tpu.memory_space<vmem>>, vector<16xf32>,
    %swap3A_762 = vector.shape_cast %swap3A_761 : vector<16xf32> to vector<16xf32>
    %swap3A_763 = vector.shape_cast %scan3A_698#15 : vector<16xf32> to vector<16xf32>
    tpu.vector_store %arg6[%swap3A_760], %swap3A_763 {add = true, strides = array<i32>} : memref<1024xf32, #tpu.memory_space<vmem>>, vector<16xf32>,
    %swap3A_764 = arith.constant 768 : index
    %swap3A_765 = tpu.vector_load %arg6[%swap3A_764] {strides = array<i32>} : memref<1024xf32, #tpu.memory_space<vmem>>, vector<16xf32>,
    %swap3A_766 = vector.shape_cast %swap3A_765 : vector<16xf32> to vector<16xf32>
    %swap3A_767 = vector.shape_cast %scan3A_698#16 : vector<16xf32> to vector<16xf32>
    tpu.vector_store %arg6[%swap3A_764], %swap3A_767 {add = true, strides = array<i32>} : memref<1024xf32, #tpu.memory_space<vmem>>, vector<16xf32>,
    %swap3A_768 = arith.constant 784 : index
    %swap3A_769 = tpu.vector_load %arg6[%swap3A_768] {strides = array<i32>} : memref<1024xf32, #tpu.memory_space<vmem>>, vector<16xf32>,
    %swap3A_770 = vector.shape_cast %swap3A_769 : vector<16xf32> to vector<16xf32>
    %swap3A_771 = vector.shape_cast %scan3A_698#17 : vector<16xf32> to vector<16xf32>
    tpu.vector_store %arg6[%swap3A_768], %swap3A_771 {add = true, strides = array<i32>} : memref<1024xf32, #tpu.memory_space<vmem>>, vector<16xf32>,
    %swap3A_772 = arith.constant 800 : index
    %swap3A_773 = tpu.vector_load %arg6[%swap3A_772] {strides = array<i32>} : memref<1024xf32, #tpu.memory_space<vmem>>, vector<16xf32>,
    %swap3A_774 = vector.shape_cast %swap3A_773 : vector<16xf32> to vector<16xf32>
    %swap3A_775 = vector.shape_cast %scan3A_698#18 : vector<16xf32> to vector<16xf32>
    tpu.vector_store %arg6[%swap3A_772], %swap3A_775 {add = true, strides = array<i32>} : memref<1024xf32, #tpu.memory_space<vmem>>, vector<16xf32>,
    %swap3A_776 = arith.constant 816 : index
    %swap3A_777 = tpu.vector_load %arg6[%swap3A_776] {strides = array<i32>} : memref<1024xf32, #tpu.memory_space<vmem>>, vector<16xf32>,
    %swap3A_778 = vector.shape_cast %swap3A_777 : vector<16xf32> to vector<16xf32>
    %swap3A_779 = vector.shape_cast %scan3A_698#19 : vector<16xf32> to vector<16xf32>
    tpu.vector_store %arg6[%swap3A_776], %swap3A_779 {add = true, strides = array<i32>} : memref<1024xf32, #tpu.memory_space<vmem>>, vector<16xf32>,
    %swap3A_780 = arith.constant 832 : index
    %swap3A_781 = tpu.vector_load %arg6[%swap3A_780] {strides = array<i32>} : memref<1024xf32, #tpu.memory_space<vmem>>, vector<16xf32>,
    %swap3A_782 = vector.shape_cast %swap3A_781 : vector<16xf32> to vector<16xf32>
    %swap3A_783 = vector.shape_cast %scan3A_698#20 : vector<16xf32> to vector<16xf32>
    tpu.vector_store %arg6[%swap3A_780], %swap3A_783 {add = true, strides = array<i32>} : memref<1024xf32, #tpu.memory_space<vmem>>, vector<16xf32>,
    %swap3A_784 = arith.constant 848 : index
    %swap3A_785 = tpu.vector_load %arg6[%swap3A_784] {strides = array<i32>} : memref<1024xf32, #tpu.memory_space<vmem>>, vector<16xf32>,
    %swap3A_786 = vector.shape_cast %swap3A_785 : vector<16xf32> to vector<16xf32>
    %swap3A_787 = vector.shape_cast %scan3A_698#21 : vector<16xf32> to vector<16xf32>
    tpu.vector_store %arg6[%swap3A_784], %swap3A_787 {add = true, strides = array<i32>} : memref<1024xf32, #tpu.memory_space<vmem>>, vector<16xf32>,
    %swap3A_788 = arith.constant 864 : index
    %swap3A_789 = tpu.vector_load %arg6[%swap3A_788] {strides = array<i32>} : memref<1024xf32, #tpu.memory_space<vmem>>, vector<16xf32>,
    %swap3A_790 = vector.shape_cast %swap3A_789 : vector<16xf32> to vector<16xf32>
    %swap3A_791 = vector.shape_cast %scan3A_698#22 : vector<16xf32> to vector<16xf32>
    tpu.vector_store %arg6[%swap3A_788], %swap3A_791 {add = true, strides = array<i32>} : memref<1024xf32, #tpu.memory_space<vmem>>, vector<16xf32>,
    %swap3A_792 = arith.constant 880 : index
    %swap3A_793 = tpu.vector_load %arg6[%swap3A_792] {strides = array<i32>} : memref<1024xf32, #tpu.memory_space<vmem>>, vector<16xf32>,
    %swap3A_794 = vector.shape_cast %swap3A_793 : vector<16xf32> to vector<16xf32>
    %swap3A_795 = vector.shape_cast %scan3A_698#23 : vector<16xf32> to vector<16xf32>
    tpu.vector_store %arg6[%swap3A_792], %swap3A_795 {add = true, strides = array<i32>} : memref<1024xf32, #tpu.memory_space<vmem>>, vector<16xf32>,
    %swap3A_796 = arith.constant 896 : index
    %swap3A_797 = tpu.vector_load %arg6[%swap3A_796] {strides = array<i32>} : memref<1024xf32, #tpu.memory_space<vmem>>, vector<16xf32>,
    %swap3A_798 = vector.shape_cast %swap3A_797 : vector<16xf32> to vector<16xf32>
    %swap3A_799 = vector.shape_cast %scan3A_698#24 : vector<16xf32> to vector<16xf32>
    tpu.vector_store %arg6[%swap3A_796], %swap3A_799 {add = true, strides = array<i32>} : memref<1024xf32, #tpu.memory_space<vmem>>, vector<16xf32>,
    %swap3A_800 = arith.constant 912 : index
    %swap3A_801 = tpu.vector_load %arg6[%swap3A_800] {strides = array<i32>} : memref<1024xf32, #tpu.memory_space<vmem>>, vector<16xf32>,
    %swap3A_802 = vector.shape_cast %swap3A_801 : vector<16xf32> to vector<16xf32>
    %swap3A_803 = vector.shape_cast %scan3A_698#25 : vector<16xf32> to vector<16xf32>
    tpu.vector_store %arg6[%swap3A_800], %swap3A_803 {add = true, strides = array<i32>} : memref<1024xf32, #tpu.memory_space<vmem>>, vector<16xf32>,
    %swap3A_804 = arith.constant 928 : index
    %swap3A_805 = tpu.vector_load %arg6[%swap3A_804] {strides = array<i32>} : memref<1024xf32, #tpu.memory_space<vmem>>, vector<16xf32>,
    %swap3A_806 = vector.shape_cast %swap3A_805 : vector<16xf32> to vector<16xf32>
    %swap3A_807 = vector.shape_cast %scan3A_698#26 : vector<16xf32> to vector<16xf32>
    tpu.vector_store %arg6[%swap3A_804], %swap3A_807 {add = true, strides = array<i32>} : memref<1024xf32, #tpu.memory_space<vmem>>, vector<16xf32>,
    %swap3A_808 = arith.constant 944 : index
    %swap3A_809 = tpu.vector_load %arg6[%swap3A_808] {strides = array<i32>} : memref<1024xf32, #tpu.memory_space<vmem>>, vector<16xf32>,
    %swap3A_810 = vector.shape_cast %swap3A_809 : vector<16xf32> to vector<16xf32>
    %swap3A_811 = vector.shape_cast %scan3A_698#27 : vector<16xf32> to vector<16xf32>
    tpu.vector_store %arg6[%swap3A_808], %swap3A_811 {add = true, strides = array<i32>} : memref<1024xf32, #tpu.memory_space<vmem>>, vector<16xf32>,
    %swap3A_812 = arith.constant 960 : index
    %swap3A_813 = tpu.vector_load %arg6[%swap3A_812] {strides = array<i32>} : memref<1024xf32, #tpu.memory_space<vmem>>, vector<16xf32>,
    %swap3A_814 = vector.shape_cast %swap3A_813 : vector<16xf32> to vector<16xf32>
    %swap3A_815 = vector.shape_cast %scan3A_698#28 : vector<16xf32> to vector<16xf32>
    tpu.vector_store %arg6[%swap3A_812], %swap3A_815 {add = true, strides = array<i32>} : memref<1024xf32, #tpu.memory_space<vmem>>, vector<16xf32>,
    %swap3A_816 = arith.constant 976 : index
    %swap3A_817 = tpu.vector_load %arg6[%swap3A_816] {strides = array<i32>} : memref<1024xf32, #tpu.memory_space<vmem>>, vector<16xf32>,
    %swap3A_818 = vector.shape_cast %swap3A_817 : vector<16xf32> to vector<16xf32>
    %swap3A_819 = vector.shape_cast %scan3A_698#29 : vector<16xf32> to vector<16xf32>
    tpu.vector_store %arg6[%swap3A_816], %swap3A_819 {add = true, strides = array<i32>} : memref<1024xf32, #tpu.memory_space<vmem>>, vector<16xf32>,
    %swap3A_820 = arith.constant 992 : index
    %swap3A_821 = tpu.vector_load %arg6[%swap3A_820] {strides = array<i32>} : memref<1024xf32, #tpu.memory_space<vmem>>, vector<16xf32>,
    %swap3A_822 = vector.shape_cast %swap3A_821 : vector<16xf32> to vector<16xf32>
    %swap3A_823 = vector.shape_cast %scan3A_698#30 : vector<16xf32> to vector<16xf32>
    tpu.vector_store %arg6[%swap3A_820], %swap3A_823 {add = true, strides = array<i32>} : memref<1024xf32, #tpu.memory_space<vmem>>, vector<16xf32>,
    %swap3A_824 = arith.constant 1008 : index
    %swap3A_825 = tpu.vector_load %arg6[%swap3A_824] {strides = array<i32>} : memref<1024xf32, #tpu.memory_space<vmem>>, vector<16xf32>,
    %swap3A_826 = vector.shape_cast %swap3A_825 : vector<16xf32> to vector<16xf32>
    %swap3A_827 = vector.shape_cast %scan3A_698#31 : vector<16xf32> to vector<16xf32>
    tpu.vector_store %arg6[%swap3A_824], %swap3A_827 {add = true, strides = array<i32>} : memref<1024xf32, #tpu.memory_space<vmem>>, vector<16xf32>,
    %add3A_828 = arith.constant 32 : i32
    %add3A_829 = arith.addi %add3A_34, %add3A_828 : i32
    %dma_wait3A_830 = arith.constant 0 : i32
    %dma_wait3A_831 = tpu.memref_slice %arg2[%add3A_829, %dma_wait3A_830] : memref<16384x1024xf32, #tpu.memory_space<hbm>> -> memref<32x1024xf32, #tpu.memory_space<hbm>>
    %dma_wait3A_832 = arith.constant 0 : i32
    %dma_wait3A_833 = tpu.memref_slice %arg2[%add3A_829, %dma_wait3A_832] : memref<16384x1024xf32, #tpu.memory_space<hbm>> -> memref<32x1024xf32, #tpu.memory_space<hbm>>
    tpu.wait_dma2 semaphore(%arg8 : memref<!tpu.dma_semaphore, #tpu.memory_space<semaphore_mem>>) src(%dma_wait3A_833 : memref<32x1024xf32, #tpu.memory_space<hbm>>) dst(%arg5 : memref<32x1024xf32, #tpu.memory_space<vmem>>)
    %add3A_834 = arith.constant 64 : i32
    %add3A_835 = arith.addi %add3A_34, %add3A_834 : i32
    %dma_start3A_836 = arith.constant 0 : i32
    %dma_start3A_837 = tpu.memref_slice %arg2[%add3A_835, %dma_start3A_836] : memref<16384x1024xf32, #tpu.memory_space<hbm>> -> memref<32x1024xf32, #tpu.memory_space<hbm>>
    %dma_start3A_838 = arith.constant 0 : i32
    %dma_start3A_839 = tpu.memref_slice %arg2[%add3A_835, %dma_start3A_838] : memref<16384x1024xf32, #tpu.memory_space<hbm>> -> memref<32x1024xf32, #tpu.memory_space<hbm>>
    tpu.enqueue_dma source(%dma_start3A_839 : memref<32x1024xf32, #tpu.memory_space<hbm>>) target(%arg4 : memref<32x1024xf32, #tpu.memory_space<vmem>>) target_semaphore(%arg7 : memref<!tpu.dma_semaphore, #tpu.memory_space<semaphore_mem>>)
    %broadcast_in_dim3A_840 = arith.constant 0.000000e+00 : f32
    %broadcast_in_dim3A_841 = vector.broadcast %broadcast_in_dim3A_840 : f32 to vector<16xf32>
    %broadcast_in_dim3A_842 = arith.constant 0.000000e+00 : f32
    %broadcast_in_dim3A_843 = vector.broadcast %broadcast_in_dim3A_842 : f32 to vector<16xf32>
    %broadcast_in_dim3A_844 = arith.constant 0.000000e+00 : f32
    %broadcast_in_dim3A_845 = vector.broadcast %broadcast_in_dim3A_844 : f32 to vector<16xf32>
    %broadcast_in_dim3A_846 = arith.constant 0.000000e+00 : f32
    %broadcast_in_dim3A_847 = vector.broadcast %broadcast_in_dim3A_846 : f32 to vector<16xf32>
    %broadcast_in_dim3A_848 = arith.constant 0.000000e+00 : f32
    %broadcast_in_dim3A_849 = vector.broadcast %broadcast_in_dim3A_848 : f32 to vector<16xf32>
    %broadcast_in_dim3A_850 = arith.constant 0.000000e+00 : f32
    %broadcast_in_dim3A_851 = vector.broadcast %broadcast_in_dim3A_850 : f32 to vector<16xf32>
    %broadcast_in_dim3A_852 = arith.constant 0.000000e+00 : f32
    %broadcast_in_dim3A_853 = vector.broadcast %broadcast_in_dim3A_852 : f32 to vector<16xf32>
    %broadcast_in_dim3A_854 = arith.constant 0.000000e+00 : f32
    %broadcast_in_dim3A_855 = vector.broadcast %broadcast_in_dim3A_854 : f32 to vector<16xf32>
    %broadcast_in_dim3A_856 = arith.constant 0.000000e+00 : f32
    %broadcast_in_dim3A_857 = vector.broadcast %broadcast_in_dim3A_856 : f32 to vector<16xf32>
    %broadcast_in_dim3A_858 = arith.constant 0.000000e+00 : f32
    %broadcast_in_dim3A_859 = vector.broadcast %broadcast_in_dim3A_858 : f32 to vector<16xf32>
    %broadcast_in_dim3A_860 = arith.constant 0.000000e+00 : f32
    %broadcast_in_dim3A_861 = vector.broadcast %broadcast_in_dim3A_860 : f32 to vector<16xf32>
    %broadcast_in_dim3A_862 = arith.constant 0.000000e+00 : f32
    %broadcast_in_dim3A_863 = vector.broadcast %broadcast_in_dim3A_862 : f32 to vector<16xf32>
    %broadcast_in_dim3A_864 = arith.constant 0.000000e+00 : f32
    %broadcast_in_dim3A_865 = vector.broadcast %broadcast_in_dim3A_864 : f32 to vector<16xf32>
    %broadcast_in_dim3A_866 = arith.constant 0.000000e+00 : f32
    %broadcast_in_dim3A_867 = vector.broadcast %broadcast_in_dim3A_866 : f32 to vector<16xf32>
    %broadcast_in_dim3A_868 = arith.constant 0.000000e+00 : f32
    %broadcast_in_dim3A_869 = vector.broadcast %broadcast_in_dim3A_868 : f32 to vector<16xf32>
    %broadcast_in_dim3A_870 = arith.constant 0.000000e+00 : f32
    %broadcast_in_dim3A_871 = vector.broadcast %broadcast_in_dim3A_870 : f32 to vector<16xf32>
    %broadcast_in_dim3A_872 = arith.constant 0.000000e+00 : f32
    %broadcast_in_dim3A_873 = vector.broadcast %broadcast_in_dim3A_872 : f32 to vector<16xf32>
    %broadcast_in_dim3A_874 = arith.constant 0.000000e+00 : f32
    %broadcast_in_dim3A_875 = vector.broadcast %broadcast_in_dim3A_874 : f32 to vector<16xf32>
    %broadcast_in_dim3A_876 = arith.constant 0.000000e+00 : f32
    %broadcast_in_dim3A_877 = vector.broadcast %broadcast_in_dim3A_876 : f32 to vector<16xf32>
    %broadcast_in_dim3A_878 = arith.constant 0.000000e+00 : f32
    %broadcast_in_dim3A_879 = vector.broadcast %broadcast_in_dim3A_878 : f32 to vector<16xf32>
    %broadcast_in_dim3A_880 = arith.constant 0.000000e+00 : f32
    %broadcast_in_dim3A_881 = vector.broadcast %broadcast_in_dim3A_880 : f32 to vector<16xf32>
    %broadcast_in_dim3A_882 = arith.constant 0.000000e+00 : f32
    %broadcast_in_dim3A_883 = vector.broadcast %broadcast_in_dim3A_882 : f32 to vector<16xf32>
    %broadcast_in_dim3A_884 = arith.constant 0.000000e+00 : f32
    %broadcast_in_dim3A_885 = vector.broadcast %broadcast_in_dim3A_884 : f32 to vector<16xf32>
    %broadcast_in_dim3A_886 = arith.constant 0.000000e+00 : f32
    %broadcast_in_dim3A_887 = vector.broadcast %broadcast_in_dim3A_886 : f32 to vector<16xf32>
    %broadcast_in_dim3A_888 = arith.constant 0.000000e+00 : f32
    %broadcast_in_dim3A_889 = vector.broadcast %broadcast_in_dim3A_888 : f32 to vector<16xf32>
    %broadcast_in_dim3A_890 = arith.constant 0.000000e+00 : f32
    %broadcast_in_dim3A_891 = vector.broadcast %broadcast_in_dim3A_890 : f32 to vector<16xf32>
    %broadcast_in_dim3A_892 = arith.constant 0.000000e+00 : f32
    %broadcast_in_dim3A_893 = vector.broadcast %broadcast_in_dim3A_892 : f32 to vector<16xf32>
    %broadcast_in_dim3A_894 = arith.constant 0.000000e+00 : f32
    %broadcast_in_dim3A_895 = vector.broadcast %broadcast_in_dim3A_894 : f32 to vector<16xf32>
    %broadcast_in_dim3A_896 = arith.constant 0.000000e+00 : f32
    %broadcast_in_dim3A_897 = vector.broadcast %broadcast_in_dim3A_896 : f32 to vector<16xf32>
    %broadcast_in_dim3A_898 = arith.constant 0.000000e+00 : f32
    %broadcast_in_dim3A_899 = vector.broadcast %broadcast_in_dim3A_898 : f32 to vector<16xf32>
    %broadcast_in_dim3A_900 = arith.constant 0.000000e+00 : f32
    %broadcast_in_dim3A_901 = vector.broadcast %broadcast_in_dim3A_900 : f32 to vector<16xf32>
    %broadcast_in_dim3A_902 = arith.constant 0.000000e+00 : f32
    %broadcast_in_dim3A_903 = vector.broadcast %broadcast_in_dim3A_902 : f32 to vector<16xf32>
    %scan3A_904 = arith.constant 0 : i32
    %scan3A_905 = arith.constant 32 : i32
    %scan3A_906 = arith.addi %scan3A_904, %scan3A_905 : i32
    %scan3A_907 = arith.constant 1 : i32
    %scan3A_908:32 = scf.for %scan3A_2046 = %scan3A_904 to %scan3A_906 step %scan3A_907 iter_args(%scan3A_2047 = %broadcast_in_dim3A_841, %scan3A_2048 = %broadcast_in_dim3A_843, %scan3A_2049 = %broadcast_in_dim3A_845, %scan3A_2050 = %broadcast_in_dim3A_847, %scan3A_2051 = %broadcast_in_dim3A_849, %scan3A_2052 = %broadcast_in_dim3A_851, %scan3A_2053 = %broadcast_in_dim3A_853, %scan3A_2054 = %broadcast_in_dim3A_855, %scan3A_2055 = %broadcast_in_dim3A_857, %scan3A_2056 = %broadcast_in_dim3A_859, %scan3A_2057 = %broadcast_in_dim3A_861, %scan3A_2058 = %broadcast_in_dim3A_863, %scan3A_2059 = %broadcast_in_dim3A_865, %scan3A_2060 = %broadcast_in_dim3A_867, %scan3A_2061 = %broadcast_in_dim3A_869, %scan3A_2062 = %broadcast_in_dim3A_871, %scan3A_2063 = %broadcast_in_dim3A_873, %scan3A_2064 = %broadcast_in_dim3A_875, %scan3A_2065 = %broadcast_in_dim3A_877, %scan3A_2066 = %broadcast_in_dim3A_879, %scan3A_2067 = %broadcast_in_dim3A_881, %scan3A_2068 = %broadcast_in_dim3A_883, %scan3A_2069 = %broadcast_in_dim3A_885, %scan3A_2070 = %broadcast_in_dim3A_887, %scan3A_2071 = %broadcast_in_dim3A_889, %scan3A_2072 = %broadcast_in_dim3A_891, %scan3A_2073 = %broadcast_in_dim3A_893, %scan3A_2074 = %broadcast_in_dim3A_895, %scan3A_2075 = %broadcast_in_dim3A_897, %scan3A_2076 = %broadcast_in_dim3A_899, %scan3A_2077 = %broadcast_in_dim3A_901, %scan3A_2078 = %broadcast_in_dim3A_903) -> (vector<16xf32>, vector<16xf32>, vector<16xf32>, vector<16xf32>, vector<16xf32>, vector<16xf32>, vector<16xf32>, vector<16xf32>, vector<16xf32>, vector<16xf32>, vector<16xf32>, vector<16xf32>, vector<16xf32>, vector<16xf32>, vector<16xf32>, vector<16xf32>, vector<16xf32>, vector<16xf32>, vector<16xf32>, vector<16xf32>, vector<16xf32>, vector<16xf32>, vector<16xf32>, vector<16xf32>, vector<16xf32>, vector<16xf32>, vector<16xf32>, vector<16xf32>, vector<16xf32>, vector<16xf32>, vector<16xf32>, vector<16xf32>)  : i32 {
      %get3A = arith.index_cast %scan3A_2046 : i32 to index
      %get3A_2079 = arith.constant 0 : index
      %get3A_2080 = tpu.vector_load %arg5[%get3A, %get3A_2079] {strides = array<i32>} : memref<32x1024xf32, #tpu.memory_space<vmem>>, vector<1x16xf32>,
      %get3A_2081 = vector.shape_cast %get3A_2080 : vector<1x16xf32> to vector<16xf32>
      %add3A_2082 = arith.addf %scan3A_2047, %get3A_2081 : vector<16xf32>
      %get3A_2083 = arith.index_cast %scan3A_2046 : i32 to index
      %get3A_2084 = arith.constant 16 : index
      %get3A_2085 = tpu.vector_load %arg5[%get3A_2083, %get3A_2084] {strides = array<i32>} : memref<32x1024xf32, #tpu.memory_space<vmem>>, vector<1x16xf32>,
      %get3A_2086 = vector.shape_cast %get3A_2085 : vector<1x16xf32> to vector<16xf32>
      %add3A_2087 = arith.addf %scan3A_2048, %get3A_2086 : vector<16xf32>
      %get3A_2088 = arith.index_cast %scan3A_2046 : i32 to index
      %get3A_2089 = arith.constant 32 : index
      %get3A_2090 = tpu.vector_load %arg5[%get3A_2088, %get3A_2089] {strides = array<i32>} : memref<32x1024xf32, #tpu.memory_space<vmem>>, vector<1x16xf32>,
      %get3A_2091 = vector.shape_cast %get3A_2090 : vector<1x16xf32> to vector<16xf32>
      %add3A_2092 = arith.addf %scan3A_2049, %get3A_2091 : vector<16xf32>
      %get3A_2093 = arith.index_cast %scan3A_2046 : i32 to index
      %get3A_2094 = arith.constant 48 : index
      %get3A_2095 = tpu.vector_load %arg5[%get3A_2093, %get3A_2094] {strides = array<i32>} : memref<32x1024xf32, #tpu.memory_space<vmem>>, vector<1x16xf32>,
      %get3A_2096 = vector.shape_cast %get3A_2095 : vector<1x16xf32> to vector<16xf32>
      %add3A_2097 = arith.addf %scan3A_2050, %get3A_2096 : vector<16xf32>
      %get3A_2098 = arith.index_cast %scan3A_2046 : i32 to index
      %get3A_2099 = arith.constant 64 : index
      %get3A_2100 = tpu.vector_load %arg5[%get3A_2098, %get3A_2099] {strides = array<i32>} : memref<32x1024xf32, #tpu.memory_space<vmem>>, vector<1x16xf32>,
      %get3A_2101 = vector.shape_cast %get3A_2100 : vector<1x16xf32> to vector<16xf32>
      %add3A_2102 = arith.addf %scan3A_2051, %get3A_2101 : vector<16xf32>
      %get3A_2103 = arith.index_cast %scan3A_2046 : i32 to index
      %get3A_2104 = arith.constant 80 : index
      %get3A_2105 = tpu.vector_load %arg5[%get3A_2103, %get3A_2104] {strides = array<i32>} : memref<32x1024xf32, #tpu.memory_space<vmem>>, vector<1x16xf32>,
      %get3A_2106 = vector.shape_cast %get3A_2105 : vector<1x16xf32> to vector<16xf32>
      %add3A_2107 = arith.addf %scan3A_2052, %get3A_2106 : vector<16xf32>
      %get3A_2108 = arith.index_cast %scan3A_2046 : i32 to index
      %get3A_2109 = arith.constant 96 : index
      %get3A_2110 = tpu.vector_load %arg5[%get3A_2108, %get3A_2109] {strides = array<i32>} : memref<32x1024xf32, #tpu.memory_space<vmem>>, vector<1x16xf32>,
      %get3A_2111 = vector.shape_cast %get3A_2110 : vector<1x16xf32> to vector<16xf32>
      %add3A_2112 = arith.addf %scan3A_2053, %get3A_2111 : vector<16xf32>
      %get3A_2113 = arith.index_cast %scan3A_2046 : i32 to index
      %get3A_2114 = arith.constant 112 : index
      %get3A_2115 = tpu.vector_load %arg5[%get3A_2113, %get3A_2114] {strides = array<i32>} : memref<32x1024xf32, #tpu.memory_space<vmem>>, vector<1x16xf32>,
      %get3A_2116 = vector.shape_cast %get3A_2115 : vector<1x16xf32> to vector<16xf32>
      %add3A_2117 = arith.addf %scan3A_2054, %get3A_2116 : vector<16xf32>
      %get3A_2118 = arith.index_cast %scan3A_2046 : i32 to index
      %get3A_2119 = arith.constant 128 : index
      %get3A_2120 = tpu.vector_load %arg5[%get3A_2118, %get3A_2119] {strides = array<i32>} : memref<32x1024xf32, #tpu.memory_space<vmem>>, vector<1x16xf32>,
      %get3A_2121 = vector.shape_cast %get3A_2120 : vector<1x16xf32> to vector<16xf32>
      %add3A_2122 = arith.addf %scan3A_2055, %get3A_2121 : vector<16xf32>
      %get3A_2123 = arith.index_cast %scan3A_2046 : i32 to index
      %get3A_2124 = arith.constant 144 : index
      %get3A_2125 = tpu.vector_load %arg5[%get3A_2123, %get3A_2124] {strides = array<i32>} : memref<32x1024xf32, #tpu.memory_space<vmem>>, vector<1x16xf32>,
      %get3A_2126 = vector.shape_cast %get3A_2125 : vector<1x16xf32> to vector<16xf32>
      %add3A_2127 = arith.addf %scan3A_2056, %get3A_2126 : vector<16xf32>
      %get3A_2128 = arith.index_cast %scan3A_2046 : i32 to index
      %get3A_2129 = arith.constant 160 : index
      %get3A_2130 = tpu.vector_load %arg5[%get3A_2128, %get3A_2129] {strides = array<i32>} : memref<32x1024xf32, #tpu.memory_space<vmem>>, vector<1x16xf32>,
      %get3A_2131 = vector.shape_cast %get3A_2130 : vector<1x16xf32> to vector<16xf32>
      %add3A_2132 = arith.addf %scan3A_2057, %get3A_2131 : vector<16xf32>
      %get3A_2133 = arith.index_cast %scan3A_2046 : i32 to index
      %get3A_2134 = arith.constant 176 : index
      %get3A_2135 = tpu.vector_load %arg5[%get3A_2133, %get3A_2134] {strides = array<i32>} : memref<32x1024xf32, #tpu.memory_space<vmem>>, vector<1x16xf32>,
      %get3A_2136 = vector.shape_cast %get3A_2135 : vector<1x16xf32> to vector<16xf32>
      %add3A_2137 = arith.addf %scan3A_2058, %get3A_2136 : vector<16xf32>
      %get3A_2138 = arith.index_cast %scan3A_2046 : i32 to index
      %get3A_2139 = arith.constant 192 : index
      %get3A_2140 = tpu.vector_load %arg5[%get3A_2138, %get3A_2139] {strides = array<i32>} : memref<32x1024xf32, #tpu.memory_space<vmem>>, vector<1x16xf32>,
      %get3A_2141 = vector.shape_cast %get3A_2140 : vector<1x16xf32> to vector<16xf32>
      %add3A_2142 = arith.addf %scan3A_2059, %get3A_2141 : vector<16xf32>
      %get3A_2143 = arith.index_cast %scan3A_2046 : i32 to index
      %get3A_2144 = arith.constant 208 : index
      %get3A_2145 = tpu.vector_load %arg5[%get3A_2143, %get3A_2144] {strides = array<i32>} : memref<32x1024xf32, #tpu.memory_space<vmem>>, vector<1x16xf32>,
      %get3A_2146 = vector.shape_cast %get3A_2145 : vector<1x16xf32> to vector<16xf32>
      %add3A_2147 = arith.addf %scan3A_2060, %get3A_2146 : vector<16xf32>
      %get3A_2148 = arith.index_cast %scan3A_2046 : i32 to index
      %get3A_2149 = arith.constant 224 : index
      %get3A_2150 = tpu.vector_load %arg5[%get3A_2148, %get3A_2149] {strides = array<i32>} : memref<32x1024xf32, #tpu.memory_space<vmem>>, vector<1x16xf32>,
      %get3A_2151 = vector.shape_cast %get3A_2150 : vector<1x16xf32> to vector<16xf32>
      %add3A_2152 = arith.addf %scan3A_2061, %get3A_2151 : vector<16xf32>
      %get3A_2153 = arith.index_cast %scan3A_2046 : i32 to index
      %get3A_2154 = arith.constant 240 : index
      %get3A_2155 = tpu.vector_load %arg5[%get3A_2153, %get3A_2154] {strides = array<i32>} : memref<32x1024xf32, #tpu.memory_space<vmem>>, vector<1x16xf32>,
      %get3A_2156 = vector.shape_cast %get3A_2155 : vector<1x16xf32> to vector<16xf32>
      %add3A_2157 = arith.addf %scan3A_2062, %get3A_2156 : vector<16xf32>
      %get3A_2158 = arith.index_cast %scan3A_2046 : i32 to index
      %get3A_2159 = arith.constant 256 : index
      %get3A_2160 = tpu.vector_load %arg5[%get3A_2158, %get3A_2159] {strides = array<i32>} : memref<32x1024xf32, #tpu.memory_space<vmem>>, vector<1x16xf32>,
      %get3A_2161 = vector.shape_cast %get3A_2160 : vector<1x16xf32> to vector<16xf32>
      %add3A_2162 = arith.addf %scan3A_2063, %get3A_2161 : vector<16xf32>
      %get3A_2163 = arith.index_cast %scan3A_2046 : i32 to index
      %get3A_2164 = arith.constant 272 : index
      %get3A_2165 = tpu.vector_load %arg5[%get3A_2163, %get3A_2164] {strides = array<i32>} : memref<32x1024xf32, #tpu.memory_space<vmem>>, vector<1x16xf32>,
      %get3A_2166 = vector.shape_cast %get3A_2165 : vector<1x16xf32> to vector<16xf32>
      %add3A_2167 = arith.addf %scan3A_2064, %get3A_2166 : vector<16xf32>
      %get3A_2168 = arith.index_cast %scan3A_2046 : i32 to index
      %get3A_2169 = arith.constant 288 : index
      %get3A_2170 = tpu.vector_load %arg5[%get3A_2168, %get3A_2169] {strides = array<i32>} : memref<32x1024xf32, #tpu.memory_space<vmem>>, vector<1x16xf32>,
      %get3A_2171 = vector.shape_cast %get3A_2170 : vector<1x16xf32> to vector<16xf32>
      %add3A_2172 = arith.addf %scan3A_2065, %get3A_2171 : vector<16xf32>
      %get3A_2173 = arith.index_cast %scan3A_2046 : i32 to index
      %get3A_2174 = arith.constant 304 : index
      %get3A_2175 = tpu.vector_load %arg5[%get3A_2173, %get3A_2174] {strides = array<i32>} : memref<32x1024xf32, #tpu.memory_space<vmem>>, vector<1x16xf32>,
      %get3A_2176 = vector.shape_cast %get3A_2175 : vector<1x16xf32> to vector<16xf32>
      %add3A_2177 = arith.addf %scan3A_2066, %get3A_2176 : vector<16xf32>
      %get3A_2178 = arith.index_cast %scan3A_2046 : i32 to index
      %get3A_2179 = arith.constant 320 : index
      %get3A_2180 = tpu.vector_load %arg5[%get3A_2178, %get3A_2179] {strides = array<i32>} : memref<32x1024xf32, #tpu.memory_space<vmem>>, vector<1x16xf32>,
      %get3A_2181 = vector.shape_cast %get3A_2180 : vector<1x16xf32> to vector<16xf32>
      %add3A_2182 = arith.addf %scan3A_2067, %get3A_2181 : vector<16xf32>
      %get3A_2183 = arith.index_cast %scan3A_2046 : i32 to index
      %get3A_2184 = arith.constant 336 : index
      %get3A_2185 = tpu.vector_load %arg5[%get3A_2183, %get3A_2184] {strides = array<i32>} : memref<32x1024xf32, #tpu.memory_space<vmem>>, vector<1x16xf32>,
      %get3A_2186 = vector.shape_cast %get3A_2185 : vector<1x16xf32> to vector<16xf32>
      %add3A_2187 = arith.addf %scan3A_2068, %get3A_2186 : vector<16xf32>
      %get3A_2188 = arith.index_cast %scan3A_2046 : i32 to index
      %get3A_2189 = arith.constant 352 : index
      %get3A_2190 = tpu.vector_load %arg5[%get3A_2188, %get3A_2189] {strides = array<i32>} : memref<32x1024xf32, #tpu.memory_space<vmem>>, vector<1x16xf32>,
      %get3A_2191 = vector.shape_cast %get3A_2190 : vector<1x16xf32> to vector<16xf32>
      %add3A_2192 = arith.addf %scan3A_2069, %get3A_2191 : vector<16xf32>
      %get3A_2193 = arith.index_cast %scan3A_2046 : i32 to index
      %get3A_2194 = arith.constant 368 : index
      %get3A_2195 = tpu.vector_load %arg5[%get3A_2193, %get3A_2194] {strides = array<i32>} : memref<32x1024xf32, #tpu.memory_space<vmem>>, vector<1x16xf32>,
      %get3A_2196 = vector.shape_cast %get3A_2195 : vector<1x16xf32> to vector<16xf32>
      %add3A_2197 = arith.addf %scan3A_2070, %get3A_2196 : vector<16xf32>
      %get3A_2198 = arith.index_cast %scan3A_2046 : i32 to index
      %get3A_2199 = arith.constant 384 : index
      %get3A_2200 = tpu.vector_load %arg5[%get3A_2198, %get3A_2199] {strides = array<i32>} : memref<32x1024xf32, #tpu.memory_space<vmem>>, vector<1x16xf32>,
      %get3A_2201 = vector.shape_cast %get3A_2200 : vector<1x16xf32> to vector<16xf32>
      %add3A_2202 = arith.addf %scan3A_2071, %get3A_2201 : vector<16xf32>
      %get3A_2203 = arith.index_cast %scan3A_2046 : i32 to index
      %get3A_2204 = arith.constant 400 : index
      %get3A_2205 = tpu.vector_load %arg5[%get3A_2203, %get3A_2204] {strides = array<i32>} : memref<32x1024xf32, #tpu.memory_space<vmem>>, vector<1x16xf32>,
      %get3A_2206 = vector.shape_cast %get3A_2205 : vector<1x16xf32> to vector<16xf32>
      %add3A_2207 = arith.addf %scan3A_2072, %get3A_2206 : vector<16xf32>
      %get3A_2208 = arith.index_cast %scan3A_2046 : i32 to index
      %get3A_2209 = arith.constant 416 : index
      %get3A_2210 = tpu.vector_load %arg5[%get3A_2208, %get3A_2209] {strides = array<i32>} : memref<32x1024xf32, #tpu.memory_space<vmem>>, vector<1x16xf32>,
      %get3A_2211 = vector.shape_cast %get3A_2210 : vector<1x16xf32> to vector<16xf32>
      %add3A_2212 = arith.addf %scan3A_2073, %get3A_2211 : vector<16xf32>
      %get3A_2213 = arith.index_cast %scan3A_2046 : i32 to index
      %get3A_2214 = arith.constant 432 : index
      %get3A_2215 = tpu.vector_load %arg5[%get3A_2213, %get3A_2214] {strides = array<i32>} : memref<32x1024xf32, #tpu.memory_space<vmem>>, vector<1x16xf32>,
      %get3A_2216 = vector.shape_cast %get3A_2215 : vector<1x16xf32> to vector<16xf32>
      %add3A_2217 = arith.addf %scan3A_2074, %get3A_2216 : vector<16xf32>
      %get3A_2218 = arith.index_cast %scan3A_2046 : i32 to index
      %get3A_2219 = arith.constant 448 : index
      %get3A_2220 = tpu.vector_load %arg5[%get3A_2218, %get3A_2219] {strides = array<i32>} : memref<32x1024xf32, #tpu.memory_space<vmem>>, vector<1x16xf32>,
      %get3A_2221 = vector.shape_cast %get3A_2220 : vector<1x16xf32> to vector<16xf32>
      %add3A_2222 = arith.addf %scan3A_2075, %get3A_2221 : vector<16xf32>
      %get3A_2223 = arith.index_cast %scan3A_2046 : i32 to index
      %get3A_2224 = arith.constant 464 : index
      %get3A_2225 = tpu.vector_load %arg5[%get3A_2223, %get3A_2224] {strides = array<i32>} : memref<32x1024xf32, #tpu.memory_space<vmem>>, vector<1x16xf32>,
      %get3A_2226 = vector.shape_cast %get3A_2225 : vector<1x16xf32> to vector<16xf32>
      %add3A_2227 = arith.addf %scan3A_2076, %get3A_2226 : vector<16xf32>
      %get3A_2228 = arith.index_cast %scan3A_2046 : i32 to index
      %get3A_2229 = arith.constant 480 : index
      %get3A_2230 = tpu.vector_load %arg5[%get3A_2228, %get3A_2229] {strides = array<i32>} : memref<32x1024xf32, #tpu.memory_space<vmem>>, vector<1x16xf32>,
      %get3A_2231 = vector.shape_cast %get3A_2230 : vector<1x16xf32> to vector<16xf32>
      %add3A_2232 = arith.addf %scan3A_2077, %get3A_2231 : vector<16xf32>
      %get3A_2233 = arith.index_cast %scan3A_2046 : i32 to index
      %get3A_2234 = arith.constant 496 : index
      %get3A_2235 = tpu.vector_load %arg5[%get3A_2233, %get3A_2234] {strides = array<i32>} : memref<32x1024xf32, #tpu.memory_space<vmem>>, vector<1x16xf32>,
      %get3A_2236 = vector.shape_cast %get3A_2235 : vector<1x16xf32> to vector<16xf32>
      %add3A_2237 = arith.addf %scan3A_2078, %get3A_2236 : vector<16xf32>
      scf.yield %add3A_2082, %add3A_2087, %add3A_2092, %add3A_2097, %add3A_2102, %add3A_2107, %add3A_2112, %add3A_2117, %add3A_2122, %add3A_2127, %add3A_2132, %add3A_2137, %add3A_2142, %add3A_2147, %add3A_2152, %add3A_2157, %add3A_2162, %add3A_2167, %add3A_2172, %add3A_2177, %add3A_2182, %add3A_2187, %add3A_2192, %add3A_2197, %add3A_2202, %add3A_2207, %add3A_2212, %add3A_2217, %add3A_2222, %add3A_2227, %add3A_2232, %add3A_2237 : vector<16xf32>, vector<16xf32>, vector<16xf32>, vector<16xf32>, vector<16xf32>, vector<16xf32>, vector<16xf32>, vector<16xf32>, vector<16xf32>, vector<16xf32>, vector<16xf32>, vector<16xf32>, vector<16xf32>, vector<16xf32>, vector<16xf32>, vector<16xf32>, vector<16xf32>, vector<16xf32>, vector<16xf32>, vector<16xf32>, vector<16xf32>, vector<16xf32>, vector<16xf32>, vector<16xf32>, vector<16xf32>, vector<16xf32>, vector<16xf32>, vector<16xf32>, vector<16xf32>, vector<16xf32>, vector<16xf32>, vector<16xf32>
    }
    %scan3A_909 = arith.constant 32 : i32
    %swap3A_910 = arith.constant 0 : index
    %swap3A_911 = tpu.vector_load %arg6[%swap3A_910] {strides = array<i32>} : memref<1024xf32, #tpu.memory_space<vmem>>, vector<16xf32>,
    %swap3A_912 = vector.shape_cast %swap3A_911 : vector<16xf32> to vector<16xf32>
    %swap3A_913 = vector.shape_cast %scan3A_908#0 : vector<16xf32> to vector<16xf32>
    tpu.vector_store %arg6[%swap3A_910], %swap3A_913 {add = true, strides = array<i32>} : memref<1024xf32, #tpu.memory_space<vmem>>, vector<16xf32>,
    %swap3A_914 = arith.constant 16 : index
    %swap3A_915 = tpu.vector_load %arg6[%swap3A_914] {strides = array<i32>} : memref<1024xf32, #tpu.memory_space<vmem>>, vector<16xf32>,
    %swap3A_916 = vector.shape_cast %swap3A_915 : vector<16xf32> to vector<16xf32>
    %swap3A_917 = vector.shape_cast %scan3A_908#1 : vector<16xf32> to vector<16xf32>
    tpu.vector_store %arg6[%swap3A_914], %swap3A_917 {add = true, strides = array<i32>} : memref<1024xf32, #tpu.memory_space<vmem>>, vector<16xf32>,
    %swap3A_918 = arith.constant 32 : index
    %swap3A_919 = tpu.vector_load %arg6[%swap3A_918] {strides = array<i32>} : memref<1024xf32, #tpu.memory_space<vmem>>, vector<16xf32>,
    %swap3A_920 = vector.shape_cast %swap3A_919 : vector<16xf32> to vector<16xf32>
    %swap3A_921 = vector.shape_cast %scan3A_908#2 : vector<16xf32> to vector<16xf32>
    tpu.vector_store %arg6[%swap3A_918], %swap3A_921 {add = true, strides = array<i32>} : memref<1024xf32, #tpu.memory_space<vmem>>, vector<16xf32>,
    %swap3A_922 = arith.constant 48 : index
    %swap3A_923 = tpu.vector_load %arg6[%swap3A_922] {strides = array<i32>} : memref<1024xf32, #tpu.memory_space<vmem>>, vector<16xf32>,
    %swap3A_924 = vector.shape_cast %swap3A_923 : vector<16xf32> to vector<16xf32>
    %swap3A_925 = vector.shape_cast %scan3A_908#3 : vector<16xf32> to vector<16xf32>
    tpu.vector_store %arg6[%swap3A_922], %swap3A_925 {add = true, strides = array<i32>} : memref<1024xf32, #tpu.memory_space<vmem>>, vector<16xf32>,
    %swap3A_926 = arith.constant 64 : index
    %swap3A_927 = tpu.vector_load %arg6[%swap3A_926] {strides = array<i32>} : memref<1024xf32, #tpu.memory_space<vmem>>, vector<16xf32>,
    %swap3A_928 = vector.shape_cast %swap3A_927 : vector<16xf32> to vector<16xf32>
    %swap3A_929 = vector.shape_cast %scan3A_908#4 : vector<16xf32> to vector<16xf32>
    tpu.vector_store %arg6[%swap3A_926], %swap3A_929 {add = true, strides = array<i32>} : memref<1024xf32, #tpu.memory_space<vmem>>, vector<16xf32>,
    %swap3A_930 = arith.constant 80 : index
    %swap3A_931 = tpu.vector_load %arg6[%swap3A_930] {strides = array<i32>} : memref<1024xf32, #tpu.memory_space<vmem>>, vector<16xf32>,
    %swap3A_932 = vector.shape_cast %swap3A_931 : vector<16xf32> to vector<16xf32>
    %swap3A_933 = vector.shape_cast %scan3A_908#5 : vector<16xf32> to vector<16xf32>
    tpu.vector_store %arg6[%swap3A_930], %swap3A_933 {add = true, strides = array<i32>} : memref<1024xf32, #tpu.memory_space<vmem>>, vector<16xf32>,
    %swap3A_934 = arith.constant 96 : index
    %swap3A_935 = tpu.vector_load %arg6[%swap3A_934] {strides = array<i32>} : memref<1024xf32, #tpu.memory_space<vmem>>, vector<16xf32>,
    %swap3A_936 = vector.shape_cast %swap3A_935 : vector<16xf32> to vector<16xf32>
    %swap3A_937 = vector.shape_cast %scan3A_908#6 : vector<16xf32> to vector<16xf32>
    tpu.vector_store %arg6[%swap3A_934], %swap3A_937 {add = true, strides = array<i32>} : memref<1024xf32, #tpu.memory_space<vmem>>, vector<16xf32>,
    %swap3A_938 = arith.constant 112 : index
    %swap3A_939 = tpu.vector_load %arg6[%swap3A_938] {strides = array<i32>} : memref<1024xf32, #tpu.memory_space<vmem>>, vector<16xf32>,
    %swap3A_940 = vector.shape_cast %swap3A_939 : vector<16xf32> to vector<16xf32>
    %swap3A_941 = vector.shape_cast %scan3A_908#7 : vector<16xf32> to vector<16xf32>
    tpu.vector_store %arg6[%swap3A_938], %swap3A_941 {add = true, strides = array<i32>} : memref<1024xf32, #tpu.memory_space<vmem>>, vector<16xf32>,
    %swap3A_942 = arith.constant 128 : index
    %swap3A_943 = tpu.vector_load %arg6[%swap3A_942] {strides = array<i32>} : memref<1024xf32, #tpu.memory_space<vmem>>, vector<16xf32>,
    %swap3A_944 = vector.shape_cast %swap3A_943 : vector<16xf32> to vector<16xf32>
    %swap3A_945 = vector.shape_cast %scan3A_908#8 : vector<16xf32> to vector<16xf32>
    tpu.vector_store %arg6[%swap3A_942], %swap3A_945 {add = true, strides = array<i32>} : memref<1024xf32, #tpu.memory_space<vmem>>, vector<16xf32>,
    %swap3A_946 = arith.constant 144 : index
    %swap3A_947 = tpu.vector_load %arg6[%swap3A_946] {strides = array<i32>} : memref<1024xf32, #tpu.memory_space<vmem>>, vector<16xf32>,
    %swap3A_948 = vector.shape_cast %swap3A_947 : vector<16xf32> to vector<16xf32>
    %swap3A_949 = vector.shape_cast %scan3A_908#9 : vector<16xf32> to vector<16xf32>
    tpu.vector_store %arg6[%swap3A_946], %swap3A_949 {add = true, strides = array<i32>} : memref<1024xf32, #tpu.memory_space<vmem>>, vector<16xf32>,
    %swap3A_950 = arith.constant 160 : index
    %swap3A_951 = tpu.vector_load %arg6[%swap3A_950] {strides = array<i32>} : memref<1024xf32, #tpu.memory_space<vmem>>, vector<16xf32>,
    %swap3A_952 = vector.shape_cast %swap3A_951 : vector<16xf32> to vector<16xf32>
    %swap3A_953 = vector.shape_cast %scan3A_908#10 : vector<16xf32> to vector<16xf32>
    tpu.vector_store %arg6[%swap3A_950], %swap3A_953 {add = true, strides = array<i32>} : memref<1024xf32, #tpu.memory_space<vmem>>, vector<16xf32>,
    %swap3A_954 = arith.constant 176 : index
    %swap3A_955 = tpu.vector_load %arg6[%swap3A_954] {strides = array<i32>} : memref<1024xf32, #tpu.memory_space<vmem>>, vector<16xf32>,
    %swap3A_956 = vector.shape_cast %swap3A_955 : vector<16xf32> to vector<16xf32>
    %swap3A_957 = vector.shape_cast %scan3A_908#11 : vector<16xf32> to vector<16xf32>
    tpu.vector_store %arg6[%swap3A_954], %swap3A_957 {add = true, strides = array<i32>} : memref<1024xf32, #tpu.memory_space<vmem>>, vector<16xf32>,
    %swap3A_958 = arith.constant 192 : index
    %swap3A_959 = tpu.vector_load %arg6[%swap3A_958] {strides = array<i32>} : memref<1024xf32, #tpu.memory_space<vmem>>, vector<16xf32>,
    %swap3A_960 = vector.shape_cast %swap3A_959 : vector<16xf32> to vector<16xf32>
    %swap3A_961 = vector.shape_cast %scan3A_908#12 : vector<16xf32> to vector<16xf32>
    tpu.vector_store %arg6[%swap3A_958], %swap3A_961 {add = true, strides = array<i32>} : memref<1024xf32, #tpu.memory_space<vmem>>, vector<16xf32>,
    %swap3A_962 = arith.constant 208 : index
    %swap3A_963 = tpu.vector_load %arg6[%swap3A_962] {strides = array<i32>} : memref<1024xf32, #tpu.memory_space<vmem>>, vector<16xf32>,
    %swap3A_964 = vector.shape_cast %swap3A_963 : vector<16xf32> to vector<16xf32>
    %swap3A_965 = vector.shape_cast %scan3A_908#13 : vector<16xf32> to vector<16xf32>
    tpu.vector_store %arg6[%swap3A_962], %swap3A_965 {add = true, strides = array<i32>} : memref<1024xf32, #tpu.memory_space<vmem>>, vector<16xf32>,
    %swap3A_966 = arith.constant 224 : index
    %swap3A_967 = tpu.vector_load %arg6[%swap3A_966] {strides = array<i32>} : memref<1024xf32, #tpu.memory_space<vmem>>, vector<16xf32>,
    %swap3A_968 = vector.shape_cast %swap3A_967 : vector<16xf32> to vector<16xf32>
    %swap3A_969 = vector.shape_cast %scan3A_908#14 : vector<16xf32> to vector<16xf32>
    tpu.vector_store %arg6[%swap3A_966], %swap3A_969 {add = true, strides = array<i32>} : memref<1024xf32, #tpu.memory_space<vmem>>, vector<16xf32>,
    %swap3A_970 = arith.constant 240 : index
    %swap3A_971 = tpu.vector_load %arg6[%swap3A_970] {strides = array<i32>} : memref<1024xf32, #tpu.memory_space<vmem>>, vector<16xf32>,
    %swap3A_972 = vector.shape_cast %swap3A_971 : vector<16xf32> to vector<16xf32>
    %swap3A_973 = vector.shape_cast %scan3A_908#15 : vector<16xf32> to vector<16xf32>
    tpu.vector_store %arg6[%swap3A_970], %swap3A_973 {add = true, strides = array<i32>} : memref<1024xf32, #tpu.memory_space<vmem>>, vector<16xf32>,
    %swap3A_974 = arith.constant 256 : index
    %swap3A_975 = tpu.vector_load %arg6[%swap3A_974] {strides = array<i32>} : memref<1024xf32, #tpu.memory_space<vmem>>, vector<16xf32>,
    %swap3A_976 = vector.shape_cast %swap3A_975 : vector<16xf32> to vector<16xf32>
    %swap3A_977 = vector.shape_cast %scan3A_908#16 : vector<16xf32> to vector<16xf32>
    tpu.vector_store %arg6[%swap3A_974], %swap3A_977 {add = true, strides = array<i32>} : memref<1024xf32, #tpu.memory_space<vmem>>, vector<16xf32>,
    %swap3A_978 = arith.constant 272 : index
    %swap3A_979 = tpu.vector_load %arg6[%swap3A_978] {strides = array<i32>} : memref<1024xf32, #tpu.memory_space<vmem>>, vector<16xf32>,
    %swap3A_980 = vector.shape_cast %swap3A_979 : vector<16xf32> to vector<16xf32>
    %swap3A_981 = vector.shape_cast %scan3A_908#17 : vector<16xf32> to vector<16xf32>
    tpu.vector_store %arg6[%swap3A_978], %swap3A_981 {add = true, strides = array<i32>} : memref<1024xf32, #tpu.memory_space<vmem>>, vector<16xf32>,
    %swap3A_982 = arith.constant 288 : index
    %swap3A_983 = tpu.vector_load %arg6[%swap3A_982] {strides = array<i32>} : memref<1024xf32, #tpu.memory_space<vmem>>, vector<16xf32>,
    %swap3A_984 = vector.shape_cast %swap3A_983 : vector<16xf32> to vector<16xf32>
    %swap3A_985 = vector.shape_cast %scan3A_908#18 : vector<16xf32> to vector<16xf32>
    tpu.vector_store %arg6[%swap3A_982], %swap3A_985 {add = true, strides = array<i32>} : memref<1024xf32, #tpu.memory_space<vmem>>, vector<16xf32>,
    %swap3A_986 = arith.constant 304 : index
    %swap3A_987 = tpu.vector_load %arg6[%swap3A_986] {strides = array<i32>} : memref<1024xf32, #tpu.memory_space<vmem>>, vector<16xf32>,
    %swap3A_988 = vector.shape_cast %swap3A_987 : vector<16xf32> to vector<16xf32>
    %swap3A_989 = vector.shape_cast %scan3A_908#19 : vector<16xf32> to vector<16xf32>
    tpu.vector_store %arg6[%swap3A_986], %swap3A_989 {add = true, strides = array<i32>} : memref<1024xf32, #tpu.memory_space<vmem>>, vector<16xf32>,
    %swap3A_990 = arith.constant 320 : index
    %swap3A_991 = tpu.vector_load %arg6[%swap3A_990] {strides = array<i32>} : memref<1024xf32, #tpu.memory_space<vmem>>, vector<16xf32>,
    %swap3A_992 = vector.shape_cast %swap3A_991 : vector<16xf32> to vector<16xf32>
    %swap3A_993 = vector.shape_cast %scan3A_908#20 : vector<16xf32> to vector<16xf32>
    tpu.vector_store %arg6[%swap3A_990], %swap3A_993 {add = true, strides = array<i32>} : memref<1024xf32, #tpu.memory_space<vmem>>, vector<16xf32>,
    %swap3A_994 = arith.constant 336 : index
    %swap3A_995 = tpu.vector_load %arg6[%swap3A_994] {strides = array<i32>} : memref<1024xf32, #tpu.memory_space<vmem>>, vector<16xf32>,
    %swap3A_996 = vector.shape_cast %swap3A_995 : vector<16xf32> to vector<16xf32>
    %swap3A_997 = vector.shape_cast %scan3A_908#21 : vector<16xf32> to vector<16xf32>
    tpu.vector_store %arg6[%swap3A_994], %swap3A_997 {add = true, strides = array<i32>} : memref<1024xf32, #tpu.memory_space<vmem>>, vector<16xf32>,
    %swap3A_998 = arith.constant 352 : index
    %swap3A_999 = tpu.vector_load %arg6[%swap3A_998] {strides = array<i32>} : memref<1024xf32, #tpu.memory_space<vmem>>, vector<16xf32>,
    %swap3A_1000 = vector.shape_cast %swap3A_999 : vector<16xf32> to vector<16xf32>
    %swap3A_1001 = vector.shape_cast %scan3A_908#22 : vector<16xf32> to vector<16xf32>
    tpu.vector_store %arg6[%swap3A_998], %swap3A_1001 {add = true, strides = array<i32>} : memref<1024xf32, #tpu.memory_space<vmem>>, vector<16xf32>,
    %swap3A_1002 = arith.constant 368 : index
    %swap3A_1003 = tpu.vector_load %arg6[%swap3A_1002] {strides = array<i32>} : memref<1024xf32, #tpu.memory_space<vmem>>, vector<16xf32>,
    %swap3A_1004 = vector.shape_cast %swap3A_1003 : vector<16xf32> to vector<16xf32>
    %swap3A_1005 = vector.shape_cast %scan3A_908#23 : vector<16xf32> to vector<16xf32>
    tpu.vector_store %arg6[%swap3A_1002], %swap3A_1005 {add = true, strides = array<i32>} : memref<1024xf32, #tpu.memory_space<vmem>>, vector<16xf32>,
    %swap3A_1006 = arith.constant 384 : index
    %swap3A_1007 = tpu.vector_load %arg6[%swap3A_1006] {strides = array<i32>} : memref<1024xf32, #tpu.memory_space<vmem>>, vector<16xf32>,
    %swap3A_1008 = vector.shape_cast %swap3A_1007 : vector<16xf32> to vector<16xf32>
    %swap3A_1009 = vector.shape_cast %scan3A_908#24 : vector<16xf32> to vector<16xf32>
    tpu.vector_store %arg6[%swap3A_1006], %swap3A_1009 {add = true, strides = array<i32>} : memref<1024xf32, #tpu.memory_space<vmem>>, vector<16xf32>,
    %swap3A_1010 = arith.constant 400 : index
    %swap3A_1011 = tpu.vector_load %arg6[%swap3A_1010] {strides = array<i32>} : memref<1024xf32, #tpu.memory_space<vmem>>, vector<16xf32>,
    %swap3A_1012 = vector.shape_cast %swap3A_1011 : vector<16xf32> to vector<16xf32>
    %swap3A_1013 = vector.shape_cast %scan3A_908#25 : vector<16xf32> to vector<16xf32>
    tpu.vector_store %arg6[%swap3A_1010], %swap3A_1013 {add = true, strides = array<i32>} : memref<1024xf32, #tpu.memory_space<vmem>>, vector<16xf32>,
    %swap3A_1014 = arith.constant 416 : index
    %swap3A_1015 = tpu.vector_load %arg6[%swap3A_1014] {strides = array<i32>} : memref<1024xf32, #tpu.memory_space<vmem>>, vector<16xf32>,
    %swap3A_1016 = vector.shape_cast %swap3A_1015 : vector<16xf32> to vector<16xf32>
    %swap3A_1017 = vector.shape_cast %scan3A_908#26 : vector<16xf32> to vector<16xf32>
    tpu.vector_store %arg6[%swap3A_1014], %swap3A_1017 {add = true, strides = array<i32>} : memref<1024xf32, #tpu.memory_space<vmem>>, vector<16xf32>,
    %swap3A_1018 = arith.constant 432 : index
    %swap3A_1019 = tpu.vector_load %arg6[%swap3A_1018] {strides = array<i32>} : memref<1024xf32, #tpu.memory_space<vmem>>, vector<16xf32>,
    %swap3A_1020 = vector.shape_cast %swap3A_1019 : vector<16xf32> to vector<16xf32>
    %swap3A_1021 = vector.shape_cast %scan3A_908#27 : vector<16xf32> to vector<16xf32>
    tpu.vector_store %arg6[%swap3A_1018], %swap3A_1021 {add = true, strides = array<i32>} : memref<1024xf32, #tpu.memory_space<vmem>>, vector<16xf32>,
    %swap3A_1022 = arith.constant 448 : index
    %swap3A_1023 = tpu.vector_load %arg6[%swap3A_1022] {strides = array<i32>} : memref<1024xf32, #tpu.memory_space<vmem>>, vector<16xf32>,
    %swap3A_1024 = vector.shape_cast %swap3A_1023 : vector<16xf32> to vector<16xf32>
    %swap3A_1025 = vector.shape_cast %scan3A_908#28 : vector<16xf32> to vector<16xf32>
    tpu.vector_store %arg6[%swap3A_1022], %swap3A_1025 {add = true, strides = array<i32>} : memref<1024xf32, #tpu.memory_space<vmem>>, vector<16xf32>,
    %swap3A_1026 = arith.constant 464 : index
    %swap3A_1027 = tpu.vector_load %arg6[%swap3A_1026] {strides = array<i32>} : memref<1024xf32, #tpu.memory_space<vmem>>, vector<16xf32>,
    %swap3A_1028 = vector.shape_cast %swap3A_1027 : vector<16xf32> to vector<16xf32>
    %swap3A_1029 = vector.shape_cast %scan3A_908#29 : vector<16xf32> to vector<16xf32>
    tpu.vector_store %arg6[%swap3A_1026], %swap3A_1029 {add = true, strides = array<i32>} : memref<1024xf32, #tpu.memory_space<vmem>>, vector<16xf32>,
    %swap3A_1030 = arith.constant 480 : index
    %swap3A_1031 = tpu.vector_load %arg6[%swap3A_1030] {strides = array<i32>} : memref<1024xf32, #tpu.memory_space<vmem>>, vector<16xf32>,
    %swap3A_1032 = vector.shape_cast %swap3A_1031 : vector<16xf32> to vector<16xf32>
    %swap3A_1033 = vector.shape_cast %scan3A_908#30 : vector<16xf32> to vector<16xf32>
    tpu.vector_store %arg6[%swap3A_1030], %swap3A_1033 {add = true, strides = array<i32>} : memref<1024xf32, #tpu.memory_space<vmem>>, vector<16xf32>,
    %swap3A_1034 = arith.constant 496 : index
    %swap3A_1035 = tpu.vector_load %arg6[%swap3A_1034] {strides = array<i32>} : memref<1024xf32, #tpu.memory_space<vmem>>, vector<16xf32>,
    %swap3A_1036 = vector.shape_cast %swap3A_1035 : vector<16xf32> to vector<16xf32>
    %swap3A_1037 = vector.shape_cast %scan3A_908#31 : vector<16xf32> to vector<16xf32>
    tpu.vector_store %arg6[%swap3A_1034], %swap3A_1037 {add = true, strides = array<i32>} : memref<1024xf32, #tpu.memory_space<vmem>>, vector<16xf32>,
    %broadcast_in_dim3A_1038 = arith.constant 0.000000e+00 : f32
    %broadcast_in_dim3A_1039 = vector.broadcast %broadcast_in_dim3A_1038 : f32 to vector<16xf32>
    %broadcast_in_dim3A_1040 = arith.constant 0.000000e+00 : f32
    %broadcast_in_dim3A_1041 = vector.broadcast %broadcast_in_dim3A_1040 : f32 to vector<16xf32>
    %broadcast_in_dim3A_1042 = arith.constant 0.000000e+00 : f32
    %broadcast_in_dim3A_1043 = vector.broadcast %broadcast_in_dim3A_1042 : f32 to vector<16xf32>
    %broadcast_in_dim3A_1044 = arith.constant 0.000000e+00 : f32
    %broadcast_in_dim3A_1045 = vector.broadcast %broadcast_in_dim3A_1044 : f32 to vector<16xf32>
    %broadcast_in_dim3A_1046 = arith.constant 0.000000e+00 : f32
    %broadcast_in_dim3A_1047 = vector.broadcast %broadcast_in_dim3A_1046 : f32 to vector<16xf32>
    %broadcast_in_dim3A_1048 = arith.constant 0.000000e+00 : f32
    %broadcast_in_dim3A_1049 = vector.broadcast %broadcast_in_dim3A_1048 : f32 to vector<16xf32>
    %broadcast_in_dim3A_1050 = arith.constant 0.000000e+00 : f32
    %broadcast_in_dim3A_1051 = vector.broadcast %broadcast_in_dim3A_1050 : f32 to vector<16xf32>
    %broadcast_in_dim3A_1052 = arith.constant 0.000000e+00 : f32
    %broadcast_in_dim3A_1053 = vector.broadcast %broadcast_in_dim3A_1052 : f32 to vector<16xf32>
    %broadcast_in_dim3A_1054 = arith.constant 0.000000e+00 : f32
    %broadcast_in_dim3A_1055 = vector.broadcast %broadcast_in_dim3A_1054 : f32 to vector<16xf32>
    %broadcast_in_dim3A_1056 = arith.constant 0.000000e+00 : f32
    %broadcast_in_dim3A_1057 = vector.broadcast %broadcast_in_dim3A_1056 : f32 to vector<16xf32>
    %broadcast_in_dim3A_1058 = arith.constant 0.000000e+00 : f32
    %broadcast_in_dim3A_1059 = vector.broadcast %broadcast_in_dim3A_1058 : f32 to vector<16xf32>
    %broadcast_in_dim3A_1060 = arith.constant 0.000000e+00 : f32
    %broadcast_in_dim3A_1061 = vector.broadcast %broadcast_in_dim3A_1060 : f32 to vector<16xf32>
    %broadcast_in_dim3A_1062 = arith.constant 0.000000e+00 : f32
    %broadcast_in_dim3A_1063 = vector.broadcast %broadcast_in_dim3A_1062 : f32 to vector<16xf32>
    %broadcast_in_dim3A_1064 = arith.constant 0.000000e+00 : f32
    %broadcast_in_dim3A_1065 = vector.broadcast %broadcast_in_dim3A_1064 : f32 to vector<16xf32>
    %broadcast_in_dim3A_1066 = arith.constant 0.000000e+00 : f32
    %broadcast_in_dim3A_1067 = vector.broadcast %broadcast_in_dim3A_1066 : f32 to vector<16xf32>
    %broadcast_in_dim3A_1068 = arith.constant 0.000000e+00 : f32
    %broadcast_in_dim3A_1069 = vector.broadcast %broadcast_in_dim3A_1068 : f32 to vector<16xf32>
    %broadcast_in_dim3A_1070 = arith.constant 0.000000e+00 : f32
    %broadcast_in_dim3A_1071 = vector.broadcast %broadcast_in_dim3A_1070 : f32 to vector<16xf32>
    %broadcast_in_dim3A_1072 = arith.constant 0.000000e+00 : f32
    %broadcast_in_dim3A_1073 = vector.broadcast %broadcast_in_dim3A_1072 : f32 to vector<16xf32>
    %broadcast_in_dim3A_1074 = arith.constant 0.000000e+00 : f32
    %broadcast_in_dim3A_1075 = vector.broadcast %broadcast_in_dim3A_1074 : f32 to vector<16xf32>
    %broadcast_in_dim3A_1076 = arith.constant 0.000000e+00 : f32
    %broadcast_in_dim3A_1077 = vector.broadcast %broadcast_in_dim3A_1076 : f32 to vector<16xf32>
    %broadcast_in_dim3A_1078 = arith.constant 0.000000e+00 : f32
    %broadcast_in_dim3A_1079 = vector.broadcast %broadcast_in_dim3A_1078 : f32 to vector<16xf32>
    %broadcast_in_dim3A_1080 = arith.constant 0.000000e+00 : f32
    %broadcast_in_dim3A_1081 = vector.broadcast %broadcast_in_dim3A_1080 : f32 to vector<16xf32>
    %broadcast_in_dim3A_1082 = arith.constant 0.000000e+00 : f32
    %broadcast_in_dim3A_1083 = vector.broadcast %broadcast_in_dim3A_1082 : f32 to vector<16xf32>
    %broadcast_in_dim3A_1084 = arith.constant 0.000000e+00 : f32
    %broadcast_in_dim3A_1085 = vector.broadcast %broadcast_in_dim3A_1084 : f32 to vector<16xf32>
    %broadcast_in_dim3A_1086 = arith.constant 0.000000e+00 : f32
    %broadcast_in_dim3A_1087 = vector.broadcast %broadcast_in_dim3A_1086 : f32 to vector<16xf32>
    %broadcast_in_dim3A_1088 = arith.constant 0.000000e+00 : f32
    %broadcast_in_dim3A_1089 = vector.broadcast %broadcast_in_dim3A_1088 : f32 to vector<16xf32>
    %broadcast_in_dim3A_1090 = arith.constant 0.000000e+00 : f32
    %broadcast_in_dim3A_1091 = vector.broadcast %broadcast_in_dim3A_1090 : f32 to vector<16xf32>
    %broadcast_in_dim3A_1092 = arith.constant 0.000000e+00 : f32
    %broadcast_in_dim3A_1093 = vector.broadcast %broadcast_in_dim3A_1092 : f32 to vector<16xf32>
    %broadcast_in_dim3A_1094 = arith.constant 0.000000e+00 : f32
    %broadcast_in_dim3A_1095 = vector.broadcast %broadcast_in_dim3A_1094 : f32 to vector<16xf32>
    %broadcast_in_dim3A_1096 = arith.constant 0.000000e+00 : f32
    %broadcast_in_dim3A_1097 = vector.broadcast %broadcast_in_dim3A_1096 : f32 to vector<16xf32>
    %broadcast_in_dim3A_1098 = arith.constant 0.000000e+00 : f32
    %broadcast_in_dim3A_1099 = vector.broadcast %broadcast_in_dim3A_1098 : f32 to vector<16xf32>
    %broadcast_in_dim3A_1100 = arith.constant 0.000000e+00 : f32
    %broadcast_in_dim3A_1101 = vector.broadcast %broadcast_in_dim3A_1100 : f32 to vector<16xf32>
    %scan3A_1102 = arith.constant 0 : i32
    %scan3A_1103 = arith.constant 32 : i32
    %scan3A_1104 = arith.addi %scan3A_1102, %scan3A_1103 : i32
    %scan3A_1105 = arith.constant 1 : i32
    %scan3A_1106:32 = scf.for %scan3A_2046 = %scan3A_1102 to %scan3A_1104 step %scan3A_1105 iter_args(%scan3A_2047 = %broadcast_in_dim3A_1039, %scan3A_2048 = %broadcast_in_dim3A_1041, %scan3A_2049 = %broadcast_in_dim3A_1043, %scan3A_2050 = %broadcast_in_dim3A_1045, %scan3A_2051 = %broadcast_in_dim3A_1047, %scan3A_2052 = %broadcast_in_dim3A_1049, %scan3A_2053 = %broadcast_in_dim3A_1051, %scan3A_2054 = %broadcast_in_dim3A_1053, %scan3A_2055 = %broadcast_in_dim3A_1055, %scan3A_2056 = %broadcast_in_dim3A_1057, %scan3A_2057 = %broadcast_in_dim3A_1059, %scan3A_2058 = %broadcast_in_dim3A_1061, %scan3A_2059 = %broadcast_in_dim3A_1063, %scan3A_2060 = %broadcast_in_dim3A_1065, %scan3A_2061 = %broadcast_in_dim3A_1067, %scan3A_2062 = %broadcast_in_dim3A_1069, %scan3A_2063 = %broadcast_in_dim3A_1071, %scan3A_2064 = %broadcast_in_dim3A_1073, %scan3A_2065 = %broadcast_in_dim3A_1075, %scan3A_2066 = %broadcast_in_dim3A_1077, %scan3A_2067 = %broadcast_in_dim3A_1079, %scan3A_2068 = %broadcast_in_dim3A_1081, %scan3A_2069 = %broadcast_in_dim3A_1083, %scan3A_2070 = %broadcast_in_dim3A_1085, %scan3A_2071 = %broadcast_in_dim3A_1087, %scan3A_2072 = %broadcast_in_dim3A_1089, %scan3A_2073 = %broadcast_in_dim3A_1091, %scan3A_2074 = %broadcast_in_dim3A_1093, %scan3A_2075 = %broadcast_in_dim3A_1095, %scan3A_2076 = %broadcast_in_dim3A_1097, %scan3A_2077 = %broadcast_in_dim3A_1099, %scan3A_2078 = %broadcast_in_dim3A_1101) -> (vector<16xf32>, vector<16xf32>, vector<16xf32>, vector<16xf32>, vector<16xf32>, vector<16xf32>, vector<16xf32>, vector<16xf32>, vector<16xf32>, vector<16xf32>, vector<16xf32>, vector<16xf32>, vector<16xf32>, vector<16xf32>, vector<16xf32>, vector<16xf32>, vector<16xf32>, vector<16xf32>, vector<16xf32>, vector<16xf32>, vector<16xf32>, vector<16xf32>, vector<16xf32>, vector<16xf32>, vector<16xf32>, vector<16xf32>, vector<16xf32>, vector<16xf32>, vector<16xf32>, vector<16xf32>, vector<16xf32>, vector<16xf32>)  : i32 {
      %get3A = arith.index_cast %scan3A_2046 : i32 to index
      %get3A_2079 = arith.constant 512 : index
      %get3A_2080 = tpu.vector_load %arg5[%get3A, %get3A_2079] {strides = array<i32>} : memref<32x1024xf32, #tpu.memory_space<vmem>>, vector<1x16xf32>,
      %get3A_2081 = vector.shape_cast %get3A_2080 : vector<1x16xf32> to vector<16xf32>
      %add3A_2082 = arith.addf %scan3A_2047, %get3A_2081 : vector<16xf32>
      %get3A_2083 = arith.index_cast %scan3A_2046 : i32 to index
      %get3A_2084 = arith.constant 528 : index
      %get3A_2085 = tpu.vector_load %arg5[%get3A_2083, %get3A_2084] {strides = array<i32>} : memref<32x1024xf32, #tpu.memory_space<vmem>>, vector<1x16xf32>,
      %get3A_2086 = vector.shape_cast %get3A_2085 : vector<1x16xf32> to vector<16xf32>
      %add3A_2087 = arith.addf %scan3A_2048, %get3A_2086 : vector<16xf32>
      %get3A_2088 = arith.index_cast %scan3A_2046 : i32 to index
      %get3A_2089 = arith.constant 544 : index
      %get3A_2090 = tpu.vector_load %arg5[%get3A_2088, %get3A_2089] {strides = array<i32>} : memref<32x1024xf32, #tpu.memory_space<vmem>>, vector<1x16xf32>,
      %get3A_2091 = vector.shape_cast %get3A_2090 : vector<1x16xf32> to vector<16xf32>
      %add3A_2092 = arith.addf %scan3A_2049, %get3A_2091 : vector<16xf32>
      %get3A_2093 = arith.index_cast %scan3A_2046 : i32 to index
      %get3A_2094 = arith.constant 560 : index
      %get3A_2095 = tpu.vector_load %arg5[%get3A_2093, %get3A_2094] {strides = array<i32>} : memref<32x1024xf32, #tpu.memory_space<vmem>>, vector<1x16xf32>,
      %get3A_2096 = vector.shape_cast %get3A_2095 : vector<1x16xf32> to vector<16xf32>
      %add3A_2097 = arith.addf %scan3A_2050, %get3A_2096 : vector<16xf32>
      %get3A_2098 = arith.index_cast %scan3A_2046 : i32 to index
      %get3A_2099 = arith.constant 576 : index
      %get3A_2100 = tpu.vector_load %arg5[%get3A_2098, %get3A_2099] {strides = array<i32>} : memref<32x1024xf32, #tpu.memory_space<vmem>>, vector<1x16xf32>,
      %get3A_2101 = vector.shape_cast %get3A_2100 : vector<1x16xf32> to vector<16xf32>
      %add3A_2102 = arith.addf %scan3A_2051, %get3A_2101 : vector<16xf32>
      %get3A_2103 = arith.index_cast %scan3A_2046 : i32 to index
      %get3A_2104 = arith.constant 592 : index
      %get3A_2105 = tpu.vector_load %arg5[%get3A_2103, %get3A_2104] {strides = array<i32>} : memref<32x1024xf32, #tpu.memory_space<vmem>>, vector<1x16xf32>,
      %get3A_2106 = vector.shape_cast %get3A_2105 : vector<1x16xf32> to vector<16xf32>
      %add3A_2107 = arith.addf %scan3A_2052, %get3A_2106 : vector<16xf32>
      %get3A_2108 = arith.index_cast %scan3A_2046 : i32 to index
      %get3A_2109 = arith.constant 608 : index
      %get3A_2110 = tpu.vector_load %arg5[%get3A_2108, %get3A_2109] {strides = array<i32>} : memref<32x1024xf32, #tpu.memory_space<vmem>>, vector<1x16xf32>,
      %get3A_2111 = vector.shape_cast %get3A_2110 : vector<1x16xf32> to vector<16xf32>
      %add3A_2112 = arith.addf %scan3A_2053, %get3A_2111 : vector<16xf32>
      %get3A_2113 = arith.index_cast %scan3A_2046 : i32 to index
      %get3A_2114 = arith.constant 624 : index
      %get3A_2115 = tpu.vector_load %arg5[%get3A_2113, %get3A_2114] {strides = array<i32>} : memref<32x1024xf32, #tpu.memory_space<vmem>>, vector<1x16xf32>,
      %get3A_2116 = vector.shape_cast %get3A_2115 : vector<1x16xf32> to vector<16xf32>
      %add3A_2117 = arith.addf %scan3A_2054, %get3A_2116 : vector<16xf32>
      %get3A_2118 = arith.index_cast %scan3A_2046 : i32 to index
      %get3A_2119 = arith.constant 640 : index
      %get3A_2120 = tpu.vector_load %arg5[%get3A_2118, %get3A_2119] {strides = array<i32>} : memref<32x1024xf32, #tpu.memory_space<vmem>>, vector<1x16xf32>,
      %get3A_2121 = vector.shape_cast %get3A_2120 : vector<1x16xf32> to vector<16xf32>
      %add3A_2122 = arith.addf %scan3A_2055, %get3A_2121 : vector<16xf32>
      %get3A_2123 = arith.index_cast %scan3A_2046 : i32 to index
      %get3A_2124 = arith.constant 656 : index
      %get3A_2125 = tpu.vector_load %arg5[%get3A_2123, %get3A_2124] {strides = array<i32>} : memref<32x1024xf32, #tpu.memory_space<vmem>>, vector<1x16xf32>,
      %get3A_2126 = vector.shape_cast %get3A_2125 : vector<1x16xf32> to vector<16xf32>
      %add3A_2127 = arith.addf %scan3A_2056, %get3A_2126 : vector<16xf32>
      %get3A_2128 = arith.index_cast %scan3A_2046 : i32 to index
      %get3A_2129 = arith.constant 672 : index
      %get3A_2130 = tpu.vector_load %arg5[%get3A_2128, %get3A_2129] {strides = array<i32>} : memref<32x1024xf32, #tpu.memory_space<vmem>>, vector<1x16xf32>,
      %get3A_2131 = vector.shape_cast %get3A_2130 : vector<1x16xf32> to vector<16xf32>
      %add3A_2132 = arith.addf %scan3A_2057, %get3A_2131 : vector<16xf32>
      %get3A_2133 = arith.index_cast %scan3A_2046 : i32 to index
      %get3A_2134 = arith.constant 688 : index
      %get3A_2135 = tpu.vector_load %arg5[%get3A_2133, %get3A_2134] {strides = array<i32>} : memref<32x1024xf32, #tpu.memory_space<vmem>>, vector<1x16xf32>,
      %get3A_2136 = vector.shape_cast %get3A_2135 : vector<1x16xf32> to vector<16xf32>
      %add3A_2137 = arith.addf %scan3A_2058, %get3A_2136 : vector<16xf32>
      %get3A_2138 = arith.index_cast %scan3A_2046 : i32 to index
      %get3A_2139 = arith.constant 704 : index
      %get3A_2140 = tpu.vector_load %arg5[%get3A_2138, %get3A_2139] {strides = array<i32>} : memref<32x1024xf32, #tpu.memory_space<vmem>>, vector<1x16xf32>,
      %get3A_2141 = vector.shape_cast %get3A_2140 : vector<1x16xf32> to vector<16xf32>
      %add3A_2142 = arith.addf %scan3A_2059, %get3A_2141 : vector<16xf32>
      %get3A_2143 = arith.index_cast %scan3A_2046 : i32 to index
      %get3A_2144 = arith.constant 720 : index
      %get3A_2145 = tpu.vector_load %arg5[%get3A_2143, %get3A_2144] {strides = array<i32>} : memref<32x1024xf32, #tpu.memory_space<vmem>>, vector<1x16xf32>,
      %get3A_2146 = vector.shape_cast %get3A_2145 : vector<1x16xf32> to vector<16xf32>
      %add3A_2147 = arith.addf %scan3A_2060, %get3A_2146 : vector<16xf32>
      %get3A_2148 = arith.index_cast %scan3A_2046 : i32 to index
      %get3A_2149 = arith.constant 736 : index
      %get3A_2150 = tpu.vector_load %arg5[%get3A_2148, %get3A_2149] {strides = array<i32>} : memref<32x1024xf32, #tpu.memory_space<vmem>>, vector<1x16xf32>,
      %get3A_2151 = vector.shape_cast %get3A_2150 : vector<1x16xf32> to vector<16xf32>
      %add3A_2152 = arith.addf %scan3A_2061, %get3A_2151 : vector<16xf32>
      %get3A_2153 = arith.index_cast %scan3A_2046 : i32 to index
      %get3A_2154 = arith.constant 752 : index
      %get3A_2155 = tpu.vector_load %arg5[%get3A_2153, %get3A_2154] {strides = array<i32>} : memref<32x1024xf32, #tpu.memory_space<vmem>>, vector<1x16xf32>,
      %get3A_2156 = vector.shape_cast %get3A_2155 : vector<1x16xf32> to vector<16xf32>
      %add3A_2157 = arith.addf %scan3A_2062, %get3A_2156 : vector<16xf32>
      %get3A_2158 = arith.index_cast %scan3A_2046 : i32 to index
      %get3A_2159 = arith.constant 768 : index
      %get3A_2160 = tpu.vector_load %arg5[%get3A_2158, %get3A_2159] {strides = array<i32>} : memref<32x1024xf32, #tpu.memory_space<vmem>>, vector<1x16xf32>,
      %get3A_2161 = vector.shape_cast %get3A_2160 : vector<1x16xf32> to vector<16xf32>
      %add3A_2162 = arith.addf %scan3A_2063, %get3A_2161 : vector<16xf32>
      %get3A_2163 = arith.index_cast %scan3A_2046 : i32 to index
      %get3A_2164 = arith.constant 784 : index
      %get3A_2165 = tpu.vector_load %arg5[%get3A_2163, %get3A_2164] {strides = array<i32>} : memref<32x1024xf32, #tpu.memory_space<vmem>>, vector<1x16xf32>,
      %get3A_2166 = vector.shape_cast %get3A_2165 : vector<1x16xf32> to vector<16xf32>
      %add3A_2167 = arith.addf %scan3A_2064, %get3A_2166 : vector<16xf32>
      %get3A_2168 = arith.index_cast %scan3A_2046 : i32 to index
      %get3A_2169 = arith.constant 800 : index
      %get3A_2170 = tpu.vector_load %arg5[%get3A_2168, %get3A_2169] {strides = array<i32>} : memref<32x1024xf32, #tpu.memory_space<vmem>>, vector<1x16xf32>,
      %get3A_2171 = vector.shape_cast %get3A_2170 : vector<1x16xf32> to vector<16xf32>
      %add3A_2172 = arith.addf %scan3A_2065, %get3A_2171 : vector<16xf32>
      %get3A_2173 = arith.index_cast %scan3A_2046 : i32 to index
      %get3A_2174 = arith.constant 816 : index
      %get3A_2175 = tpu.vector_load %arg5[%get3A_2173, %get3A_2174] {strides = array<i32>} : memref<32x1024xf32, #tpu.memory_space<vmem>>, vector<1x16xf32>,
      %get3A_2176 = vector.shape_cast %get3A_2175 : vector<1x16xf32> to vector<16xf32>
      %add3A_2177 = arith.addf %scan3A_2066, %get3A_2176 : vector<16xf32>
      %get3A_2178 = arith.index_cast %scan3A_2046 : i32 to index
      %get3A_2179 = arith.constant 832 : index
      %get3A_2180 = tpu.vector_load %arg5[%get3A_2178, %get3A_2179] {strides = array<i32>} : memref<32x1024xf32, #tpu.memory_space<vmem>>, vector<1x16xf32>,
      %get3A_2181 = vector.shape_cast %get3A_2180 : vector<1x16xf32> to vector<16xf32>
      %add3A_2182 = arith.addf %scan3A_2067, %get3A_2181 : vector<16xf32>
      %get3A_2183 = arith.index_cast %scan3A_2046 : i32 to index
      %get3A_2184 = arith.constant 848 : index
      %get3A_2185 = tpu.vector_load %arg5[%get3A_2183, %get3A_2184] {strides = array<i32>} : memref<32x1024xf32, #tpu.memory_space<vmem>>, vector<1x16xf32>,
      %get3A_2186 = vector.shape_cast %get3A_2185 : vector<1x16xf32> to vector<16xf32>
      %add3A_2187 = arith.addf %scan3A_2068, %get3A_2186 : vector<16xf32>
      %get3A_2188 = arith.index_cast %scan3A_2046 : i32 to index
      %get3A_2189 = arith.constant 864 : index
      %get3A_2190 = tpu.vector_load %arg5[%get3A_2188, %get3A_2189] {strides = array<i32>} : memref<32x1024xf32, #tpu.memory_space<vmem>>, vector<1x16xf32>,
      %get3A_2191 = vector.shape_cast %get3A_2190 : vector<1x16xf32> to vector<16xf32>
      %add3A_2192 = arith.addf %scan3A_2069, %get3A_2191 : vector<16xf32>
      %get3A_2193 = arith.index_cast %scan3A_2046 : i32 to index
      %get3A_2194 = arith.constant 880 : index
      %get3A_2195 = tpu.vector_load %arg5[%get3A_2193, %get3A_2194] {strides = array<i32>} : memref<32x1024xf32, #tpu.memory_space<vmem>>, vector<1x16xf32>,
      %get3A_2196 = vector.shape_cast %get3A_2195 : vector<1x16xf32> to vector<16xf32>
      %add3A_2197 = arith.addf %scan3A_2070, %get3A_2196 : vector<16xf32>
      %get3A_2198 = arith.index_cast %scan3A_2046 : i32 to index
      %get3A_2199 = arith.constant 896 : index
      %get3A_2200 = tpu.vector_load %arg5[%get3A_2198, %get3A_2199] {strides = array<i32>} : memref<32x1024xf32, #tpu.memory_space<vmem>>, vector<1x16xf32>,
      %get3A_2201 = vector.shape_cast %get3A_2200 : vector<1x16xf32> to vector<16xf32>
      %add3A_2202 = arith.addf %scan3A_2071, %get3A_2201 : vector<16xf32>
      %get3A_2203 = arith.index_cast %scan3A_2046 : i32 to index
      %get3A_2204 = arith.constant 912 : index
      %get3A_2205 = tpu.vector_load %arg5[%get3A_2203, %get3A_2204] {strides = array<i32>} : memref<32x1024xf32, #tpu.memory_space<vmem>>, vector<1x16xf32>,
      %get3A_2206 = vector.shape_cast %get3A_2205 : vector<1x16xf32> to vector<16xf32>
      %add3A_2207 = arith.addf %scan3A_2072, %get3A_2206 : vector<16xf32>
      %get3A_2208 = arith.index_cast %scan3A_2046 : i32 to index
      %get3A_2209 = arith.constant 928 : index
      %get3A_2210 = tpu.vector_load %arg5[%get3A_2208, %get3A_2209] {strides = array<i32>} : memref<32x1024xf32, #tpu.memory_space<vmem>>, vector<1x16xf32>,
      %get3A_2211 = vector.shape_cast %get3A_2210 : vector<1x16xf32> to vector<16xf32>
      %add3A_2212 = arith.addf %scan3A_2073, %get3A_2211 : vector<16xf32>
      %get3A_2213 = arith.index_cast %scan3A_2046 : i32 to index
      %get3A_2214 = arith.constant 944 : index
      %get3A_2215 = tpu.vector_load %arg5[%get3A_2213, %get3A_2214] {strides = array<i32>} : memref<32x1024xf32, #tpu.memory_space<vmem>>, vector<1x16xf32>,
      %get3A_2216 = vector.shape_cast %get3A_2215 : vector<1x16xf32> to vector<16xf32>
      %add3A_2217 = arith.addf %scan3A_2074, %get3A_2216 : vector<16xf32>
      %get3A_2218 = arith.index_cast %scan3A_2046 : i32 to index
      %get3A_2219 = arith.constant 960 : index
      %get3A_2220 = tpu.vector_load %arg5[%get3A_2218, %get3A_2219] {strides = array<i32>} : memref<32x1024xf32, #tpu.memory_space<vmem>>, vector<1x16xf32>,
      %get3A_2221 = vector.shape_cast %get3A_2220 : vector<1x16xf32> to vector<16xf32>
      %add3A_2222 = arith.addf %scan3A_2075, %get3A_2221 : vector<16xf32>
      %get3A_2223 = arith.index_cast %scan3A_2046 : i32 to index
      %get3A_2224 = arith.constant 976 : index
      %get3A_2225 = tpu.vector_load %arg5[%get3A_2223, %get3A_2224] {strides = array<i32>} : memref<32x1024xf32, #tpu.memory_space<vmem>>, vector<1x16xf32>,
      %get3A_2226 = vector.shape_cast %get3A_2225 : vector<1x16xf32> to vector<16xf32>
      %add3A_2227 = arith.addf %scan3A_2076, %get3A_2226 : vector<16xf32>
      %get3A_2228 = arith.index_cast %scan3A_2046 : i32 to index
      %get3A_2229 = arith.constant 992 : index
      %get3A_2230 = tpu.vector_load %arg5[%get3A_2228, %get3A_2229] {strides = array<i32>} : memref<32x1024xf32, #tpu.memory_space<vmem>>, vector<1x16xf32>,
      %get3A_2231 = vector.shape_cast %get3A_2230 : vector<1x16xf32> to vector<16xf32>
      %add3A_2232 = arith.addf %scan3A_2077, %get3A_2231 : vector<16xf32>
      %get3A_2233 = arith.index_cast %scan3A_2046 : i32 to index
      %get3A_2234 = arith.constant 1008 : index
      %get3A_2235 = tpu.vector_load %arg5[%get3A_2233, %get3A_2234] {strides = array<i32>} : memref<32x1024xf32, #tpu.memory_space<vmem>>, vector<1x16xf32>,
      %get3A_2236 = vector.shape_cast %get3A_2235 : vector<1x16xf32> to vector<16xf32>
      %add3A_2237 = arith.addf %scan3A_2078, %get3A_2236 : vector<16xf32>
      scf.yield %add3A_2082, %add3A_2087, %add3A_2092, %add3A_2097, %add3A_2102, %add3A_2107, %add3A_2112, %add3A_2117, %add3A_2122, %add3A_2127, %add3A_2132, %add3A_2137, %add3A_2142, %add3A_2147, %add3A_2152, %add3A_2157, %add3A_2162, %add3A_2167, %add3A_2172, %add3A_2177, %add3A_2182, %add3A_2187, %add3A_2192, %add3A_2197, %add3A_2202, %add3A_2207, %add3A_2212, %add3A_2217, %add3A_2222, %add3A_2227, %add3A_2232, %add3A_2237 : vector<16xf32>, vector<16xf32>, vector<16xf32>, vector<16xf32>, vector<16xf32>, vector<16xf32>, vector<16xf32>, vector<16xf32>, vector<16xf32>, vector<16xf32>, vector<16xf32>, vector<16xf32>, vector<16xf32>, vector<16xf32>, vector<16xf32>, vector<16xf32>, vector<16xf32>, vector<16xf32>, vector<16xf32>, vector<16xf32>, vector<16xf32>, vector<16xf32>, vector<16xf32>, vector<16xf32>, vector<16xf32>, vector<16xf32>, vector<16xf32>, vector<16xf32>, vector<16xf32>, vector<16xf32>, vector<16xf32>, vector<16xf32>
    }
    %scan3A_1107 = arith.constant 32 : i32
    %swap3A_1108 = arith.constant 512 : index
    %swap3A_1109 = tpu.vector_load %arg6[%swap3A_1108] {strides = array<i32>} : memref<1024xf32, #tpu.memory_space<vmem>>, vector<16xf32>,
    %swap3A_1110 = vector.shape_cast %swap3A_1109 : vector<16xf32> to vector<16xf32>
    %swap3A_1111 = vector.shape_cast %scan3A_1106#0 : vector<16xf32> to vector<16xf32>
    tpu.vector_store %arg6[%swap3A_1108], %swap3A_1111 {add = true, strides = array<i32>} : memref<1024xf32, #tpu.memory_space<vmem>>, vector<16xf32>,
    %swap3A_1112 = arith.constant 528 : index
    %swap3A_1113 = tpu.vector_load %arg6[%swap3A_1112] {strides = array<i32>} : memref<1024xf32, #tpu.memory_space<vmem>>, vector<16xf32>,
    %swap3A_1114 = vector.shape_cast %swap3A_1113 : vector<16xf32> to vector<16xf32>
    %swap3A_1115 = vector.shape_cast %scan3A_1106#1 : vector<16xf32> to vector<16xf32>
    tpu.vector_store %arg6[%swap3A_1112], %swap3A_1115 {add = true, strides = array<i32>} : memref<1024xf32, #tpu.memory_space<vmem>>, vector<16xf32>,
    %swap3A_1116 = arith.constant 544 : index
    %swap3A_1117 = tpu.vector_load %arg6[%swap3A_1116] {strides = array<i32>} : memref<1024xf32, #tpu.memory_space<vmem>>, vector<16xf32>,
    %swap3A_1118 = vector.shape_cast %swap3A_1117 : vector<16xf32> to vector<16xf32>
    %swap3A_1119 = vector.shape_cast %scan3A_1106#2 : vector<16xf32> to vector<16xf32>
    tpu.vector_store %arg6[%swap3A_1116], %swap3A_1119 {add = true, strides = array<i32>} : memref<1024xf32, #tpu.memory_space<vmem>>, vector<16xf32>,
    %swap3A_1120 = arith.constant 560 : index
    %swap3A_1121 = tpu.vector_load %arg6[%swap3A_1120] {strides = array<i32>} : memref<1024xf32, #tpu.memory_space<vmem>>, vector<16xf32>,
    %swap3A_1122 = vector.shape_cast %swap3A_1121 : vector<16xf32> to vector<16xf32>
    %swap3A_1123 = vector.shape_cast %scan3A_1106#3 : vector<16xf32> to vector<16xf32>
    tpu.vector_store %arg6[%swap3A_1120], %swap3A_1123 {add = true, strides = array<i32>} : memref<1024xf32, #tpu.memory_space<vmem>>, vector<16xf32>,
    %swap3A_1124 = arith.constant 576 : index
    %swap3A_1125 = tpu.vector_load %arg6[%swap3A_1124] {strides = array<i32>} : memref<1024xf32, #tpu.memory_space<vmem>>, vector<16xf32>,
    %swap3A_1126 = vector.shape_cast %swap3A_1125 : vector<16xf32> to vector<16xf32>
    %swap3A_1127 = vector.shape_cast %scan3A_1106#4 : vector<16xf32> to vector<16xf32>
    tpu.vector_store %arg6[%swap3A_1124], %swap3A_1127 {add = true, strides = array<i32>} : memref<1024xf32, #tpu.memory_space<vmem>>, vector<16xf32>,
    %swap3A_1128 = arith.constant 592 : index
    %swap3A_1129 = tpu.vector_load %arg6[%swap3A_1128] {strides = array<i32>} : memref<1024xf32, #tpu.memory_space<vmem>>, vector<16xf32>,
    %swap3A_1130 = vector.shape_cast %swap3A_1129 : vector<16xf32> to vector<16xf32>
    %swap3A_1131 = vector.shape_cast %scan3A_1106#5 : vector<16xf32> to vector<16xf32>
    tpu.vector_store %arg6[%swap3A_1128], %swap3A_1131 {add = true, strides = array<i32>} : memref<1024xf32, #tpu.memory_space<vmem>>, vector<16xf32>,
    %swap3A_1132 = arith.constant 608 : index
    %swap3A_1133 = tpu.vector_load %arg6[%swap3A_1132] {strides = array<i32>} : memref<1024xf32, #tpu.memory_space<vmem>>, vector<16xf32>,
    %swap3A_1134 = vector.shape_cast %swap3A_1133 : vector<16xf32> to vector<16xf32>
    %swap3A_1135 = vector.shape_cast %scan3A_1106#6 : vector<16xf32> to vector<16xf32>
    tpu.vector_store %arg6[%swap3A_1132], %swap3A_1135 {add = true, strides = array<i32>} : memref<1024xf32, #tpu.memory_space<vmem>>, vector<16xf32>,
    %swap3A_1136 = arith.constant 624 : index
    %swap3A_1137 = tpu.vector_load %arg6[%swap3A_1136] {strides = array<i32>} : memref<1024xf32, #tpu.memory_space<vmem>>, vector<16xf32>,
    %swap3A_1138 = vector.shape_cast %swap3A_1137 : vector<16xf32> to vector<16xf32>
    %swap3A_1139 = vector.shape_cast %scan3A_1106#7 : vector<16xf32> to vector<16xf32>
    tpu.vector_store %arg6[%swap3A_1136], %swap3A_1139 {add = true, strides = array<i32>} : memref<1024xf32, #tpu.memory_space<vmem>>, vector<16xf32>,
    %swap3A_1140 = arith.constant 640 : index
    %swap3A_1141 = tpu.vector_load %arg6[%swap3A_1140] {strides = array<i32>} : memref<1024xf32, #tpu.memory_space<vmem>>, vector<16xf32>,
    %swap3A_1142 = vector.shape_cast %swap3A_1141 : vector<16xf32> to vector<16xf32>
    %swap3A_1143 = vector.shape_cast %scan3A_1106#8 : vector<16xf32> to vector<16xf32>
    tpu.vector_store %arg6[%swap3A_1140], %swap3A_1143 {add = true, strides = array<i32>} : memref<1024xf32, #tpu.memory_space<vmem>>, vector<16xf32>,
    %swap3A_1144 = arith.constant 656 : index
    %swap3A_1145 = tpu.vector_load %arg6[%swap3A_1144] {strides = array<i32>} : memref<1024xf32, #tpu.memory_space<vmem>>, vector<16xf32>,
    %swap3A_1146 = vector.shape_cast %swap3A_1145 : vector<16xf32> to vector<16xf32>
    %swap3A_1147 = vector.shape_cast %scan3A_1106#9 : vector<16xf32> to vector<16xf32>
    tpu.vector_store %arg6[%swap3A_1144], %swap3A_1147 {add = true, strides = array<i32>} : memref<1024xf32, #tpu.memory_space<vmem>>, vector<16xf32>,
    %swap3A_1148 = arith.constant 672 : index
    %swap3A_1149 = tpu.vector_load %arg6[%swap3A_1148] {strides = array<i32>} : memref<1024xf32, #tpu.memory_space<vmem>>, vector<16xf32>,
    %swap3A_1150 = vector.shape_cast %swap3A_1149 : vector<16xf32> to vector<16xf32>
    %swap3A_1151 = vector.shape_cast %scan3A_1106#10 : vector<16xf32> to vector<16xf32>
    tpu.vector_store %arg6[%swap3A_1148], %swap3A_1151 {add = true, strides = array<i32>} : memref<1024xf32, #tpu.memory_space<vmem>>, vector<16xf32>,
    %swap3A_1152 = arith.constant 688 : index
    %swap3A_1153 = tpu.vector_load %arg6[%swap3A_1152] {strides = array<i32>} : memref<1024xf32, #tpu.memory_space<vmem>>, vector<16xf32>,
    %swap3A_1154 = vector.shape_cast %swap3A_1153 : vector<16xf32> to vector<16xf32>
    %swap3A_1155 = vector.shape_cast %scan3A_1106#11 : vector<16xf32> to vector<16xf32>
    tpu.vector_store %arg6[%swap3A_1152], %swap3A_1155 {add = true, strides = array<i32>} : memref<1024xf32, #tpu.memory_space<vmem>>, vector<16xf32>,
    %swap3A_1156 = arith.constant 704 : index
    %swap3A_1157 = tpu.vector_load %arg6[%swap3A_1156] {strides = array<i32>} : memref<1024xf32, #tpu.memory_space<vmem>>, vector<16xf32>,
    %swap3A_1158 = vector.shape_cast %swap3A_1157 : vector<16xf32> to vector<16xf32>
    %swap3A_1159 = vector.shape_cast %scan3A_1106#12 : vector<16xf32> to vector<16xf32>
    tpu.vector_store %arg6[%swap3A_1156], %swap3A_1159 {add = true, strides = array<i32>} : memref<1024xf32, #tpu.memory_space<vmem>>, vector<16xf32>,
    %swap3A_1160 = arith.constant 720 : index
    %swap3A_1161 = tpu.vector_load %arg6[%swap3A_1160] {strides = array<i32>} : memref<1024xf32, #tpu.memory_space<vmem>>, vector<16xf32>,
    %swap3A_1162 = vector.shape_cast %swap3A_1161 : vector<16xf32> to vector<16xf32>
    %swap3A_1163 = vector.shape_cast %scan3A_1106#13 : vector<16xf32> to vector<16xf32>
    tpu.vector_store %arg6[%swap3A_1160], %swap3A_1163 {add = true, strides = array<i32>} : memref<1024xf32, #tpu.memory_space<vmem>>, vector<16xf32>,
    %swap3A_1164 = arith.constant 736 : index
    %swap3A_1165 = tpu.vector_load %arg6[%swap3A_1164] {strides = array<i32>} : memref<1024xf32, #tpu.memory_space<vmem>>, vector<16xf32>,
    %swap3A_1166 = vector.shape_cast %swap3A_1165 : vector<16xf32> to vector<16xf32>
    %swap3A_1167 = vector.shape_cast %scan3A_1106#14 : vector<16xf32> to vector<16xf32>
    tpu.vector_store %arg6[%swap3A_1164], %swap3A_1167 {add = true, strides = array<i32>} : memref<1024xf32, #tpu.memory_space<vmem>>, vector<16xf32>,
    %swap3A_1168 = arith.constant 752 : index
    %swap3A_1169 = tpu.vector_load %arg6[%swap3A_1168] {strides = array<i32>} : memref<1024xf32, #tpu.memory_space<vmem>>, vector<16xf32>,
    %swap3A_1170 = vector.shape_cast %swap3A_1169 : vector<16xf32> to vector<16xf32>
    %swap3A_1171 = vector.shape_cast %scan3A_1106#15 : vector<16xf32> to vector<16xf32>
    tpu.vector_store %arg6[%swap3A_1168], %swap3A_1171 {add = true, strides = array<i32>} : memref<1024xf32, #tpu.memory_space<vmem>>, vector<16xf32>,
    %swap3A_1172 = arith.constant 768 : index
    %swap3A_1173 = tpu.vector_load %arg6[%swap3A_1172] {strides = array<i32>} : memref<1024xf32, #tpu.memory_space<vmem>>, vector<16xf32>,
    %swap3A_1174 = vector.shape_cast %swap3A_1173 : vector<16xf32> to vector<16xf32>
    %swap3A_1175 = vector.shape_cast %scan3A_1106#16 : vector<16xf32> to vector<16xf32>
    tpu.vector_store %arg6[%swap3A_1172], %swap3A_1175 {add = true, strides = array<i32>} : memref<1024xf32, #tpu.memory_space<vmem>>, vector<16xf32>,
    %swap3A_1176 = arith.constant 784 : index
    %swap3A_1177 = tpu.vector_load %arg6[%swap3A_1176] {strides = array<i32>} : memref<1024xf32, #tpu.memory_space<vmem>>, vector<16xf32>,
    %swap3A_1178 = vector.shape_cast %swap3A_1177 : vector<16xf32> to vector<16xf32>
    %swap3A_1179 = vector.shape_cast %scan3A_1106#17 : vector<16xf32> to vector<16xf32>
    tpu.vector_store %arg6[%swap3A_1176], %swap3A_1179 {add = true, strides = array<i32>} : memref<1024xf32, #tpu.memory_space<vmem>>, vector<16xf32>,
    %swap3A_1180 = arith.constant 800 : index
    %swap3A_1181 = tpu.vector_load %arg6[%swap3A_1180] {strides = array<i32>} : memref<1024xf32, #tpu.memory_space<vmem>>, vector<16xf32>,
    %swap3A_1182 = vector.shape_cast %swap3A_1181 : vector<16xf32> to vector<16xf32>
    %swap3A_1183 = vector.shape_cast %scan3A_1106#18 : vector<16xf32> to vector<16xf32>
    tpu.vector_store %arg6[%swap3A_1180], %swap3A_1183 {add = true, strides = array<i32>} : memref<1024xf32, #tpu.memory_space<vmem>>, vector<16xf32>,
    %swap3A_1184 = arith.constant 816 : index
    %swap3A_1185 = tpu.vector_load %arg6[%swap3A_1184] {strides = array<i32>} : memref<1024xf32, #tpu.memory_space<vmem>>, vector<16xf32>,
    %swap3A_1186 = vector.shape_cast %swap3A_1185 : vector<16xf32> to vector<16xf32>
    %swap3A_1187 = vector.shape_cast %scan3A_1106#19 : vector<16xf32> to vector<16xf32>
    tpu.vector_store %arg6[%swap3A_1184], %swap3A_1187 {add = true, strides = array<i32>} : memref<1024xf32, #tpu.memory_space<vmem>>, vector<16xf32>,
    %swap3A_1188 = arith.constant 832 : index
    %swap3A_1189 = tpu.vector_load %arg6[%swap3A_1188] {strides = array<i32>} : memref<1024xf32, #tpu.memory_space<vmem>>, vector<16xf32>,
    %swap3A_1190 = vector.shape_cast %swap3A_1189 : vector<16xf32> to vector<16xf32>
    %swap3A_1191 = vector.shape_cast %scan3A_1106#20 : vector<16xf32> to vector<16xf32>
    tpu.vector_store %arg6[%swap3A_1188], %swap3A_1191 {add = true, strides = array<i32>} : memref<1024xf32, #tpu.memory_space<vmem>>, vector<16xf32>,
    %swap3A_1192 = arith.constant 848 : index
    %swap3A_1193 = tpu.vector_load %arg6[%swap3A_1192] {strides = array<i32>} : memref<1024xf32, #tpu.memory_space<vmem>>, vector<16xf32>,
    %swap3A_1194 = vector.shape_cast %swap3A_1193 : vector<16xf32> to vector<16xf32>
    %swap3A_1195 = vector.shape_cast %scan3A_1106#21 : vector<16xf32> to vector<16xf32>
    tpu.vector_store %arg6[%swap3A_1192], %swap3A_1195 {add = true, strides = array<i32>} : memref<1024xf32, #tpu.memory_space<vmem>>, vector<16xf32>,
    %swap3A_1196 = arith.constant 864 : index
    %swap3A_1197 = tpu.vector_load %arg6[%swap3A_1196] {strides = array<i32>} : memref<1024xf32, #tpu.memory_space<vmem>>, vector<16xf32>,
    %swap3A_1198 = vector.shape_cast %swap3A_1197 : vector<16xf32> to vector<16xf32>
    %swap3A_1199 = vector.shape_cast %scan3A_1106#22 : vector<16xf32> to vector<16xf32>
    tpu.vector_store %arg6[%swap3A_1196], %swap3A_1199 {add = true, strides = array<i32>} : memref<1024xf32, #tpu.memory_space<vmem>>, vector<16xf32>,
    %swap3A_1200 = arith.constant 880 : index
    %swap3A_1201 = tpu.vector_load %arg6[%swap3A_1200] {strides = array<i32>} : memref<1024xf32, #tpu.memory_space<vmem>>, vector<16xf32>,
    %swap3A_1202 = vector.shape_cast %swap3A_1201 : vector<16xf32> to vector<16xf32>
    %swap3A_1203 = vector.shape_cast %scan3A_1106#23 : vector<16xf32> to vector<16xf32>
    tpu.vector_store %arg6[%swap3A_1200], %swap3A_1203 {add = true, strides = array<i32>} : memref<1024xf32, #tpu.memory_space<vmem>>, vector<16xf32>,
    %swap3A_1204 = arith.constant 896 : index
    %swap3A_1205 = tpu.vector_load %arg6[%swap3A_1204] {strides = array<i32>} : memref<1024xf32, #tpu.memory_space<vmem>>, vector<16xf32>,
    %swap3A_1206 = vector.shape_cast %swap3A_1205 : vector<16xf32> to vector<16xf32>
    %swap3A_1207 = vector.shape_cast %scan3A_1106#24 : vector<16xf32> to vector<16xf32>
    tpu.vector_store %arg6[%swap3A_1204], %swap3A_1207 {add = true, strides = array<i32>} : memref<1024xf32, #tpu.memory_space<vmem>>, vector<16xf32>,
    %swap3A_1208 = arith.constant 912 : index
    %swap3A_1209 = tpu.vector_load %arg6[%swap3A_1208] {strides = array<i32>} : memref<1024xf32, #tpu.memory_space<vmem>>, vector<16xf32>,
    %swap3A_1210 = vector.shape_cast %swap3A_1209 : vector<16xf32> to vector<16xf32>
    %swap3A_1211 = vector.shape_cast %scan3A_1106#25 : vector<16xf32> to vector<16xf32>
    tpu.vector_store %arg6[%swap3A_1208], %swap3A_1211 {add = true, strides = array<i32>} : memref<1024xf32, #tpu.memory_space<vmem>>, vector<16xf32>,
    %swap3A_1212 = arith.constant 928 : index
    %swap3A_1213 = tpu.vector_load %arg6[%swap3A_1212] {strides = array<i32>} : memref<1024xf32, #tpu.memory_space<vmem>>, vector<16xf32>,
    %swap3A_1214 = vector.shape_cast %swap3A_1213 : vector<16xf32> to vector<16xf32>
    %swap3A_1215 = vector.shape_cast %scan3A_1106#26 : vector<16xf32> to vector<16xf32>
    tpu.vector_store %arg6[%swap3A_1212], %swap3A_1215 {add = true, strides = array<i32>} : memref<1024xf32, #tpu.memory_space<vmem>>, vector<16xf32>,
    %swap3A_1216 = arith.constant 944 : index
    %swap3A_1217 = tpu.vector_load %arg6[%swap3A_1216] {strides = array<i32>} : memref<1024xf32, #tpu.memory_space<vmem>>, vector<16xf32>,
    %swap3A_1218 = vector.shape_cast %swap3A_1217 : vector<16xf32> to vector<16xf32>
    %swap3A_1219 = vector.shape_cast %scan3A_1106#27 : vector<16xf32> to vector<16xf32>
    tpu.vector_store %arg6[%swap3A_1216], %swap3A_1219 {add = true, strides = array<i32>} : memref<1024xf32, #tpu.memory_space<vmem>>, vector<16xf32>,
    %swap3A_1220 = arith.constant 960 : index
    %swap3A_1221 = tpu.vector_load %arg6[%swap3A_1220] {strides = array<i32>} : memref<1024xf32, #tpu.memory_space<vmem>>, vector<16xf32>,
    %swap3A_1222 = vector.shape_cast %swap3A_1221 : vector<16xf32> to vector<16xf32>
    %swap3A_1223 = vector.shape_cast %scan3A_1106#28 : vector<16xf32> to vector<16xf32>
    tpu.vector_store %arg6[%swap3A_1220], %swap3A_1223 {add = true, strides = array<i32>} : memref<1024xf32, #tpu.memory_space<vmem>>, vector<16xf32>,
    %swap3A_1224 = arith.constant 976 : index
    %swap3A_1225 = tpu.vector_load %arg6[%swap3A_1224] {strides = array<i32>} : memref<1024xf32, #tpu.memory_space<vmem>>, vector<16xf32>,
    %swap3A_1226 = vector.shape_cast %swap3A_1225 : vector<16xf32> to vector<16xf32>
    %swap3A_1227 = vector.shape_cast %scan3A_1106#29 : vector<16xf32> to vector<16xf32>
    tpu.vector_store %arg6[%swap3A_1224], %swap3A_1227 {add = true, strides = array<i32>} : memref<1024xf32, #tpu.memory_space<vmem>>, vector<16xf32>,
    %swap3A_1228 = arith.constant 992 : index
    %swap3A_1229 = tpu.vector_load %arg6[%swap3A_1228] {strides = array<i32>} : memref<1024xf32, #tpu.memory_space<vmem>>, vector<16xf32>,
    %swap3A_1230 = vector.shape_cast %swap3A_1229 : vector<16xf32> to vector<16xf32>
    %swap3A_1231 = vector.shape_cast %scan3A_1106#30 : vector<16xf32> to vector<16xf32>
    tpu.vector_store %arg6[%swap3A_1228], %swap3A_1231 {add = true, strides = array<i32>} : memref<1024xf32, #tpu.memory_space<vmem>>, vector<16xf32>,
    %swap3A_1232 = arith.constant 1008 : index
    %swap3A_1233 = tpu.vector_load %arg6[%swap3A_1232] {strides = array<i32>} : memref<1024xf32, #tpu.memory_space<vmem>>, vector<16xf32>,
    %swap3A_1234 = vector.shape_cast %swap3A_1233 : vector<16xf32> to vector<16xf32>
    %swap3A_1235 = vector.shape_cast %scan3A_1106#31 : vector<16xf32> to vector<16xf32>
    tpu.vector_store %arg6[%swap3A_1232], %swap3A_1235 {add = true, strides = array<i32>} : memref<1024xf32, #tpu.memory_space<vmem>>, vector<16xf32>,
    %add3A_1236 = arith.constant 64 : i32
    %add3A_1237 = arith.addi %add3A_34, %add3A_1236 : i32
    %dma_wait3A_1238 = arith.constant 0 : i32
    %dma_wait3A_1239 = tpu.memref_slice %arg2[%add3A_1237, %dma_wait3A_1238] : memref<16384x1024xf32, #tpu.memory_space<hbm>> -> memref<32x1024xf32, #tpu.memory_space<hbm>>
    %dma_wait3A_1240 = arith.constant 0 : i32
    %dma_wait3A_1241 = tpu.memref_slice %arg2[%add3A_1237, %dma_wait3A_1240] : memref<16384x1024xf32, #tpu.memory_space<hbm>> -> memref<32x1024xf32, #tpu.memory_space<hbm>>
    tpu.wait_dma2 semaphore(%arg7 : memref<!tpu.dma_semaphore, #tpu.memory_space<semaphore_mem>>) src(%dma_wait3A_1241 : memref<32x1024xf32, #tpu.memory_space<hbm>>) dst(%arg4 : memref<32x1024xf32, #tpu.memory_space<vmem>>)
    %add3A_1242 = arith.constant 96 : i32
    %add3A_1243 = arith.addi %add3A_34, %add3A_1242 : i32
    %dma_start3A_1244 = arith.constant 0 : i32
    %dma_start3A_1245 = tpu.memref_slice %arg2[%add3A_1243, %dma_start3A_1244] : memref<16384x1024xf32, #tpu.memory_space<hbm>> -> memref<32x1024xf32, #tpu.memory_space<hbm>>
    %dma_start3A_1246 = arith.constant 0 : i32
    %dma_start3A_1247 = tpu.memref_slice %arg2[%add3A_1243, %dma_start3A_1246] : memref<16384x1024xf32, #tpu.memory_space<hbm>> -> memref<32x1024xf32, #tpu.memory_space<hbm>>
    tpu.enqueue_dma source(%dma_start3A_1247 : memref<32x1024xf32, #tpu.memory_space<hbm>>) target(%arg5 : memref<32x1024xf32, #tpu.memory_space<vmem>>) target_semaphore(%arg8 : memref<!tpu.dma_semaphore, #tpu.memory_space<semaphore_mem>>)
    %broadcast_in_dim3A_1248 = arith.constant 0.000000e+00 : f32
    %broadcast_in_dim3A_1249 = vector.broadcast %broadcast_in_dim3A_1248 : f32 to vector<16xf32>
    %broadcast_in_dim3A_1250 = arith.constant 0.000000e+00 : f32
    %broadcast_in_dim3A_1251 = vector.broadcast %broadcast_in_dim3A_1250 : f32 to vector<16xf32>
    %broadcast_in_dim3A_1252 = arith.constant 0.000000e+00 : f32
    %broadcast_in_dim3A_1253 = vector.broadcast %broadcast_in_dim3A_1252 : f32 to vector<16xf32>
    %broadcast_in_dim3A_1254 = arith.constant 0.000000e+00 : f32
    %broadcast_in_dim3A_1255 = vector.broadcast %broadcast_in_dim3A_1254 : f32 to vector<16xf32>
    %broadcast_in_dim3A_1256 = arith.constant 0.000000e+00 : f32
    %broadcast_in_dim3A_1257 = vector.broadcast %broadcast_in_dim3A_1256 : f32 to vector<16xf32>
    %broadcast_in_dim3A_1258 = arith.constant 0.000000e+00 : f32
    %broadcast_in_dim3A_1259 = vector.broadcast %broadcast_in_dim3A_1258 : f32 to vector<16xf32>
    %broadcast_in_dim3A_1260 = arith.constant 0.000000e+00 : f32
    %broadcast_in_dim3A_1261 = vector.broadcast %broadcast_in_dim3A_1260 : f32 to vector<16xf32>
    %broadcast_in_dim3A_1262 = arith.constant 0.000000e+00 : f32
    %broadcast_in_dim3A_1263 = vector.broadcast %broadcast_in_dim3A_1262 : f32 to vector<16xf32>
    %broadcast_in_dim3A_1264 = arith.constant 0.000000e+00 : f32
    %broadcast_in_dim3A_1265 = vector.broadcast %broadcast_in_dim3A_1264 : f32 to vector<16xf32>
    %broadcast_in_dim3A_1266 = arith.constant 0.000000e+00 : f32
    %broadcast_in_dim3A_1267 = vector.broadcast %broadcast_in_dim3A_1266 : f32 to vector<16xf32>
    %broadcast_in_dim3A_1268 = arith.constant 0.000000e+00 : f32
    %broadcast_in_dim3A_1269 = vector.broadcast %broadcast_in_dim3A_1268 : f32 to vector<16xf32>
    %broadcast_in_dim3A_1270 = arith.constant 0.000000e+00 : f32
    %broadcast_in_dim3A_1271 = vector.broadcast %broadcast_in_dim3A_1270 : f32 to vector<16xf32>
    %broadcast_in_dim3A_1272 = arith.constant 0.000000e+00 : f32
    %broadcast_in_dim3A_1273 = vector.broadcast %broadcast_in_dim3A_1272 : f32 to vector<16xf32>
    %broadcast_in_dim3A_1274 = arith.constant 0.000000e+00 : f32
    %broadcast_in_dim3A_1275 = vector.broadcast %broadcast_in_dim3A_1274 : f32 to vector<16xf32>
    %broadcast_in_dim3A_1276 = arith.constant 0.000000e+00 : f32
    %broadcast_in_dim3A_1277 = vector.broadcast %broadcast_in_dim3A_1276 : f32 to vector<16xf32>
    %broadcast_in_dim3A_1278 = arith.constant 0.000000e+00 : f32
    %broadcast_in_dim3A_1279 = vector.broadcast %broadcast_in_dim3A_1278 : f32 to vector<16xf32>
    %broadcast_in_dim3A_1280 = arith.constant 0.000000e+00 : f32
    %broadcast_in_dim3A_1281 = vector.broadcast %broadcast_in_dim3A_1280 : f32 to vector<16xf32>
    %broadcast_in_dim3A_1282 = arith.constant 0.000000e+00 : f32
    %broadcast_in_dim3A_1283 = vector.broadcast %broadcast_in_dim3A_1282 : f32 to vector<16xf32>
    %broadcast_in_dim3A_1284 = arith.constant 0.000000e+00 : f32
    %broadcast_in_dim3A_1285 = vector.broadcast %broadcast_in_dim3A_1284 : f32 to vector<16xf32>
    %broadcast_in_dim3A_1286 = arith.constant 0.000000e+00 : f32
    %broadcast_in_dim3A_1287 = vector.broadcast %broadcast_in_dim3A_1286 : f32 to vector<16xf32>
    %broadcast_in_dim3A_1288 = arith.constant 0.000000e+00 : f32
    %broadcast_in_dim3A_1289 = vector.broadcast %broadcast_in_dim3A_1288 : f32 to vector<16xf32>
    %broadcast_in_dim3A_1290 = arith.constant 0.000000e+00 : f32
    %broadcast_in_dim3A_1291 = vector.broadcast %broadcast_in_dim3A_1290 : f32 to vector<16xf32>
    %broadcast_in_dim3A_1292 = arith.constant 0.000000e+00 : f32
    %broadcast_in_dim3A_1293 = vector.broadcast %broadcast_in_dim3A_1292 : f32 to vector<16xf32>
    %broadcast_in_dim3A_1294 = arith.constant 0.000000e+00 : f32
    %broadcast_in_dim3A_1295 = vector.broadcast %broadcast_in_dim3A_1294 : f32 to vector<16xf32>
    %broadcast_in_dim3A_1296 = arith.constant 0.000000e+00 : f32
    %broadcast_in_dim3A_1297 = vector.broadcast %broadcast_in_dim3A_1296 : f32 to vector<16xf32>
    %broadcast_in_dim3A_1298 = arith.constant 0.000000e+00 : f32
    %broadcast_in_dim3A_1299 = vector.broadcast %broadcast_in_dim3A_1298 : f32 to vector<16xf32>
    %broadcast_in_dim3A_1300 = arith.constant 0.000000e+00 : f32
    %broadcast_in_dim3A_1301 = vector.broadcast %broadcast_in_dim3A_1300 : f32 to vector<16xf32>
    %broadcast_in_dim3A_1302 = arith.constant 0.000000e+00 : f32
    %broadcast_in_dim3A_1303 = vector.broadcast %broadcast_in_dim3A_1302 : f32 to vector<16xf32>
    %broadcast_in_dim3A_1304 = arith.constant 0.000000e+00 : f32
    %broadcast_in_dim3A_1305 = vector.broadcast %broadcast_in_dim3A_1304 : f32 to vector<16xf32>
    %broadcast_in_dim3A_1306 = arith.constant 0.000000e+00 : f32
    %broadcast_in_dim3A_1307 = vector.broadcast %broadcast_in_dim3A_1306 : f32 to vector<16xf32>
    %broadcast_in_dim3A_1308 = arith.constant 0.000000e+00 : f32
    %broadcast_in_dim3A_1309 = vector.broadcast %broadcast_in_dim3A_1308 : f32 to vector<16xf32>
    %broadcast_in_dim3A_1310 = arith.constant 0.000000e+00 : f32
    %broadcast_in_dim3A_1311 = vector.broadcast %broadcast_in_dim3A_1310 : f32 to vector<16xf32>
    %scan3A_1312 = arith.constant 0 : i32
    %scan3A_1313 = arith.constant 32 : i32
    %scan3A_1314 = arith.addi %scan3A_1312, %scan3A_1313 : i32
    %scan3A_1315 = arith.constant 1 : i32
    %scan3A_1316:32 = scf.for %scan3A_2046 = %scan3A_1312 to %scan3A_1314 step %scan3A_1315 iter_args(%scan3A_2047 = %broadcast_in_dim3A_1249, %scan3A_2048 = %broadcast_in_dim3A_1251, %scan3A_2049 = %broadcast_in_dim3A_1253, %scan3A_2050 = %broadcast_in_dim3A_1255, %scan3A_2051 = %broadcast_in_dim3A_1257, %scan3A_2052 = %broadcast_in_dim3A_1259, %scan3A_2053 = %broadcast_in_dim3A_1261, %scan3A_2054 = %broadcast_in_dim3A_1263, %scan3A_2055 = %broadcast_in_dim3A_1265, %scan3A_2056 = %broadcast_in_dim3A_1267, %scan3A_2057 = %broadcast_in_dim3A_1269, %scan3A_2058 = %broadcast_in_dim3A_1271, %scan3A_2059 = %broadcast_in_dim3A_1273, %scan3A_2060 = %broadcast_in_dim3A_1275, %scan3A_2061 = %broadcast_in_dim3A_1277, %scan3A_2062 = %broadcast_in_dim3A_1279, %scan3A_2063 = %broadcast_in_dim3A_1281, %scan3A_2064 = %broadcast_in_dim3A_1283, %scan3A_2065 = %broadcast_in_dim3A_1285, %scan3A_2066 = %broadcast_in_dim3A_1287, %scan3A_2067 = %broadcast_in_dim3A_1289, %scan3A_2068 = %broadcast_in_dim3A_1291, %scan3A_2069 = %broadcast_in_dim3A_1293, %scan3A_2070 = %broadcast_in_dim3A_1295, %scan3A_2071 = %broadcast_in_dim3A_1297, %scan3A_2072 = %broadcast_in_dim3A_1299, %scan3A_2073 = %broadcast_in_dim3A_1301, %scan3A_2074 = %broadcast_in_dim3A_1303, %scan3A_2075 = %broadcast_in_dim3A_1305, %scan3A_2076 = %broadcast_in_dim3A_1307, %scan3A_2077 = %broadcast_in_dim3A_1309, %scan3A_2078 = %broadcast_in_dim3A_1311) -> (vector<16xf32>, vector<16xf32>, vector<16xf32>, vector<16xf32>, vector<16xf32>, vector<16xf32>, vector<16xf32>, vector<16xf32>, vector<16xf32>, vector<16xf32>, vector<16xf32>, vector<16xf32>, vector<16xf32>, vector<16xf32>, vector<16xf32>, vector<16xf32>, vector<16xf32>, vector<16xf32>, vector<16xf32>, vector<16xf32>, vector<16xf32>, vector<16xf32>, vector<16xf32>, vector<16xf32>, vector<16xf32>, vector<16xf32>, vector<16xf32>, vector<16xf32>, vector<16xf32>, vector<16xf32>, vector<16xf32>, vector<16xf32>)  : i32 {
      %get3A = arith.index_cast %scan3A_2046 : i32 to index
      %get3A_2079 = arith.constant 0 : index
      %get3A_2080 = tpu.vector_load %arg4[%get3A, %get3A_2079] {strides = array<i32>} : memref<32x1024xf32, #tpu.memory_space<vmem>>, vector<1x16xf32>,
      %get3A_2081 = vector.shape_cast %get3A_2080 : vector<1x16xf32> to vector<16xf32>
      %add3A_2082 = arith.addf %scan3A_2047, %get3A_2081 : vector<16xf32>
      %get3A_2083 = arith.index_cast %scan3A_2046 : i32 to index
      %get3A_2084 = arith.constant 16 : index
      %get3A_2085 = tpu.vector_load %arg4[%get3A_2083, %get3A_2084] {strides = array<i32>} : memref<32x1024xf32, #tpu.memory_space<vmem>>, vector<1x16xf32>,
      %get3A_2086 = vector.shape_cast %get3A_2085 : vector<1x16xf32> to vector<16xf32>
      %add3A_2087 = arith.addf %scan3A_2048, %get3A_2086 : vector<16xf32>
      %get3A_2088 = arith.index_cast %scan3A_2046 : i32 to index
      %get3A_2089 = arith.constant 32 : index
      %get3A_2090 = tpu.vector_load %arg4[%get3A_2088, %get3A_2089] {strides = array<i32>} : memref<32x1024xf32, #tpu.memory_space<vmem>>, vector<1x16xf32>,
      %get3A_2091 = vector.shape_cast %get3A_2090 : vector<1x16xf32> to vector<16xf32>
      %add3A_2092 = arith.addf %scan3A_2049, %get3A_2091 : vector<16xf32>
      %get3A_2093 = arith.index_cast %scan3A_2046 : i32 to index
      %get3A_2094 = arith.constant 48 : index
      %get3A_2095 = tpu.vector_load %arg4[%get3A_2093, %get3A_2094] {strides = array<i32>} : memref<32x1024xf32, #tpu.memory_space<vmem>>, vector<1x16xf32>,
      %get3A_2096 = vector.shape_cast %get3A_2095 : vector<1x16xf32> to vector<16xf32>
      %add3A_2097 = arith.addf %scan3A_2050, %get3A_2096 : vector<16xf32>
      %get3A_2098 = arith.index_cast %scan3A_2046 : i32 to index
      %get3A_2099 = arith.constant 64 : index
      %get3A_2100 = tpu.vector_load %arg4[%get3A_2098, %get3A_2099] {strides = array<i32>} : memref<32x1024xf32, #tpu.memory_space<vmem>>, vector<1x16xf32>,
      %get3A_2101 = vector.shape_cast %get3A_2100 : vector<1x16xf32> to vector<16xf32>
      %add3A_2102 = arith.addf %scan3A_2051, %get3A_2101 : vector<16xf32>
      %get3A_2103 = arith.index_cast %scan3A_2046 : i32 to index
      %get3A_2104 = arith.constant 80 : index
      %get3A_2105 = tpu.vector_load %arg4[%get3A_2103, %get3A_2104] {strides = array<i32>} : memref<32x1024xf32, #tpu.memory_space<vmem>>, vector<1x16xf32>,
      %get3A_2106 = vector.shape_cast %get3A_2105 : vector<1x16xf32> to vector<16xf32>
      %add3A_2107 = arith.addf %scan3A_2052, %get3A_2106 : vector<16xf32>
      %get3A_2108 = arith.index_cast %scan3A_2046 : i32 to index
      %get3A_2109 = arith.constant 96 : index
      %get3A_2110 = tpu.vector_load %arg4[%get3A_2108, %get3A_2109] {strides = array<i32>} : memref<32x1024xf32, #tpu.memory_space<vmem>>, vector<1x16xf32>,
      %get3A_2111 = vector.shape_cast %get3A_2110 : vector<1x16xf32> to vector<16xf32>
      %add3A_2112 = arith.addf %scan3A_2053, %get3A_2111 : vector<16xf32>
      %get3A_2113 = arith.index_cast %scan3A_2046 : i32 to index
      %get3A_2114 = arith.constant 112 : index
      %get3A_2115 = tpu.vector_load %arg4[%get3A_2113, %get3A_2114] {strides = array<i32>} : memref<32x1024xf32, #tpu.memory_space<vmem>>, vector<1x16xf32>,
      %get3A_2116 = vector.shape_cast %get3A_2115 : vector<1x16xf32> to vector<16xf32>
      %add3A_2117 = arith.addf %scan3A_2054, %get3A_2116 : vector<16xf32>
      %get3A_2118 = arith.index_cast %scan3A_2046 : i32 to index
      %get3A_2119 = arith.constant 128 : index
      %get3A_2120 = tpu.vector_load %arg4[%get3A_2118, %get3A_2119] {strides = array<i32>} : memref<32x1024xf32, #tpu.memory_space<vmem>>, vector<1x16xf32>,
      %get3A_2121 = vector.shape_cast %get3A_2120 : vector<1x16xf32> to vector<16xf32>
      %add3A_2122 = arith.addf %scan3A_2055, %get3A_2121 : vector<16xf32>
      %get3A_2123 = arith.index_cast %scan3A_2046 : i32 to index
      %get3A_2124 = arith.constant 144 : index
      %get3A_2125 = tpu.vector_load %arg4[%get3A_2123, %get3A_2124] {strides = array<i32>} : memref<32x1024xf32, #tpu.memory_space<vmem>>, vector<1x16xf32>,
      %get3A_2126 = vector.shape_cast %get3A_2125 : vector<1x16xf32> to vector<16xf32>
      %add3A_2127 = arith.addf %scan3A_2056, %get3A_2126 : vector<16xf32>
      %get3A_2128 = arith.index_cast %scan3A_2046 : i32 to index
      %get3A_2129 = arith.constant 160 : index
      %get3A_2130 = tpu.vector_load %arg4[%get3A_2128, %get3A_2129] {strides = array<i32>} : memref<32x1024xf32, #tpu.memory_space<vmem>>, vector<1x16xf32>,
      %get3A_2131 = vector.shape_cast %get3A_2130 : vector<1x16xf32> to vector<16xf32>
      %add3A_2132 = arith.addf %scan3A_2057, %get3A_2131 : vector<16xf32>
      %get3A_2133 = arith.index_cast %scan3A_2046 : i32 to index
      %get3A_2134 = arith.constant 176 : index
      %get3A_2135 = tpu.vector_load %arg4[%get3A_2133, %get3A_2134] {strides = array<i32>} : memref<32x1024xf32, #tpu.memory_space<vmem>>, vector<1x16xf32>,
      %get3A_2136 = vector.shape_cast %get3A_2135 : vector<1x16xf32> to vector<16xf32>
      %add3A_2137 = arith.addf %scan3A_2058, %get3A_2136 : vector<16xf32>
      %get3A_2138 = arith.index_cast %scan3A_2046 : i32 to index
      %get3A_2139 = arith.constant 192 : index
      %get3A_2140 = tpu.vector_load %arg4[%get3A_2138, %get3A_2139] {strides = array<i32>} : memref<32x1024xf32, #tpu.memory_space<vmem>>, vector<1x16xf32>,
      %get3A_2141 = vector.shape_cast %get3A_2140 : vector<1x16xf32> to vector<16xf32>
      %add3A_2142 = arith.addf %scan3A_2059, %get3A_2141 : vector<16xf32>
      %get3A_2143 = arith.index_cast %scan3A_2046 : i32 to index
      %get3A_2144 = arith.constant 208 : index
      %get3A_2145 = tpu.vector_load %arg4[%get3A_2143, %get3A_2144] {strides = array<i32>} : memref<32x1024xf32, #tpu.memory_space<vmem>>, vector<1x16xf32>,
      %get3A_2146 = vector.shape_cast %get3A_2145 : vector<1x16xf32> to vector<16xf32>
      %add3A_2147 = arith.addf %scan3A_2060, %get3A_2146 : vector<16xf32>
      %get3A_2148 = arith.index_cast %scan3A_2046 : i32 to index
      %get3A_2149 = arith.constant 224 : index
      %get3A_2150 = tpu.vector_load %arg4[%get3A_2148, %get3A_2149] {strides = array<i32>} : memref<32x1024xf32, #tpu.memory_space<vmem>>, vector<1x16xf32>,
      %get3A_2151 = vector.shape_cast %get3A_2150 : vector<1x16xf32> to vector<16xf32>
      %add3A_2152 = arith.addf %scan3A_2061, %get3A_2151 : vector<16xf32>
      %get3A_2153 = arith.index_cast %scan3A_2046 : i32 to index
      %get3A_2154 = arith.constant 240 : index
      %get3A_2155 = tpu.vector_load %arg4[%get3A_2153, %get3A_2154] {strides = array<i32>} : memref<32x1024xf32, #tpu.memory_space<vmem>>, vector<1x16xf32>,
      %get3A_2156 = vector.shape_cast %get3A_2155 : vector<1x16xf32> to vector<16xf32>
      %add3A_2157 = arith.addf %scan3A_2062, %get3A_2156 : vector<16xf32>
      %get3A_2158 = arith.index_cast %scan3A_2046 : i32 to index
      %get3A_2159 = arith.constant 256 : index
      %get3A_2160 = tpu.vector_load %arg4[%get3A_2158, %get3A_2159] {strides = array<i32>} : memref<32x1024xf32, #tpu.memory_space<vmem>>, vector<1x16xf32>,
      %get3A_2161 = vector.shape_cast %get3A_2160 : vector<1x16xf32> to vector<16xf32>
      %add3A_2162 = arith.addf %scan3A_2063, %get3A_2161 : vector<16xf32>
      %get3A_2163 = arith.index_cast %scan3A_2046 : i32 to index
      %get3A_2164 = arith.constant 272 : index
      %get3A_2165 = tpu.vector_load %arg4[%get3A_2163, %get3A_2164] {strides = array<i32>} : memref<32x1024xf32, #tpu.memory_space<vmem>>, vector<1x16xf32>,
      %get3A_2166 = vector.shape_cast %get3A_2165 : vector<1x16xf32> to vector<16xf32>
      %add3A_2167 = arith.addf %scan3A_2064, %get3A_2166 : vector<16xf32>
      %get3A_2168 = arith.index_cast %scan3A_2046 : i32 to index
      %get3A_2169 = arith.constant 288 : index
      %get3A_2170 = tpu.vector_load %arg4[%get3A_2168, %get3A_2169] {strides = array<i32>} : memref<32x1024xf32, #tpu.memory_space<vmem>>, vector<1x16xf32>,
      %get3A_2171 = vector.shape_cast %get3A_2170 : vector<1x16xf32> to vector<16xf32>
      %add3A_2172 = arith.addf %scan3A_2065, %get3A_2171 : vector<16xf32>
      %get3A_2173 = arith.index_cast %scan3A_2046 : i32 to index
      %get3A_2174 = arith.constant 304 : index
      %get3A_2175 = tpu.vector_load %arg4[%get3A_2173, %get3A_2174] {strides = array<i32>} : memref<32x1024xf32, #tpu.memory_space<vmem>>, vector<1x16xf32>,
      %get3A_2176 = vector.shape_cast %get3A_2175 : vector<1x16xf32> to vector<16xf32>
      %add3A_2177 = arith.addf %scan3A_2066, %get3A_2176 : vector<16xf32>
      %get3A_2178 = arith.index_cast %scan3A_2046 : i32 to index
      %get3A_2179 = arith.constant 320 : index
      %get3A_2180 = tpu.vector_load %arg4[%get3A_2178, %get3A_2179] {strides = array<i32>} : memref<32x1024xf32, #tpu.memory_space<vmem>>, vector<1x16xf32>,
      %get3A_2181 = vector.shape_cast %get3A_2180 : vector<1x16xf32> to vector<16xf32>
      %add3A_2182 = arith.addf %scan3A_2067, %get3A_2181 : vector<16xf32>
      %get3A_2183 = arith.index_cast %scan3A_2046 : i32 to index
      %get3A_2184 = arith.constant 336 : index
      %get3A_2185 = tpu.vector_load %arg4[%get3A_2183, %get3A_2184] {strides = array<i32>} : memref<32x1024xf32, #tpu.memory_space<vmem>>, vector<1x16xf32>,
      %get3A_2186 = vector.shape_cast %get3A_2185 : vector<1x16xf32> to vector<16xf32>
      %add3A_2187 = arith.addf %scan3A_2068, %get3A_2186 : vector<16xf32>
      %get3A_2188 = arith.index_cast %scan3A_2046 : i32 to index
      %get3A_2189 = arith.constant 352 : index
      %get3A_2190 = tpu.vector_load %arg4[%get3A_2188, %get3A_2189] {strides = array<i32>} : memref<32x1024xf32, #tpu.memory_space<vmem>>, vector<1x16xf32>,
      %get3A_2191 = vector.shape_cast %get3A_2190 : vector<1x16xf32> to vector<16xf32>
      %add3A_2192 = arith.addf %scan3A_2069, %get3A_2191 : vector<16xf32>
      %get3A_2193 = arith.index_cast %scan3A_2046 : i32 to index
      %get3A_2194 = arith.constant 368 : index
      %get3A_2195 = tpu.vector_load %arg4[%get3A_2193, %get3A_2194] {strides = array<i32>} : memref<32x1024xf32, #tpu.memory_space<vmem>>, vector<1x16xf32>,
      %get3A_2196 = vector.shape_cast %get3A_2195 : vector<1x16xf32> to vector<16xf32>
      %add3A_2197 = arith.addf %scan3A_2070, %get3A_2196 : vector<16xf32>
      %get3A_2198 = arith.index_cast %scan3A_2046 : i32 to index
      %get3A_2199 = arith.constant 384 : index
      %get3A_2200 = tpu.vector_load %arg4[%get3A_2198, %get3A_2199] {strides = array<i32>} : memref<32x1024xf32, #tpu.memory_space<vmem>>, vector<1x16xf32>,
      %get3A_2201 = vector.shape_cast %get3A_2200 : vector<1x16xf32> to vector<16xf32>
      %add3A_2202 = arith.addf %scan3A_2071, %get3A_2201 : vector<16xf32>
      %get3A_2203 = arith.index_cast %scan3A_2046 : i32 to index
      %get3A_2204 = arith.constant 400 : index
      %get3A_2205 = tpu.vector_load %arg4[%get3A_2203, %get3A_2204] {strides = array<i32>} : memref<32x1024xf32, #tpu.memory_space<vmem>>, vector<1x16xf32>,
      %get3A_2206 = vector.shape_cast %get3A_2205 : vector<1x16xf32> to vector<16xf32>
      %add3A_2207 = arith.addf %scan3A_2072, %get3A_2206 : vector<16xf32>
      %get3A_2208 = arith.index_cast %scan3A_2046 : i32 to index
      %get3A_2209 = arith.constant 416 : index
      %get3A_2210 = tpu.vector_load %arg4[%get3A_2208, %get3A_2209] {strides = array<i32>} : memref<32x1024xf32, #tpu.memory_space<vmem>>, vector<1x16xf32>,
      %get3A_2211 = vector.shape_cast %get3A_2210 : vector<1x16xf32> to vector<16xf32>
      %add3A_2212 = arith.addf %scan3A_2073, %get3A_2211 : vector<16xf32>
      %get3A_2213 = arith.index_cast %scan3A_2046 : i32 to index
      %get3A_2214 = arith.constant 432 : index
      %get3A_2215 = tpu.vector_load %arg4[%get3A_2213, %get3A_2214] {strides = array<i32>} : memref<32x1024xf32, #tpu.memory_space<vmem>>, vector<1x16xf32>,
      %get3A_2216 = vector.shape_cast %get3A_2215 : vector<1x16xf32> to vector<16xf32>
      %add3A_2217 = arith.addf %scan3A_2074, %get3A_2216 : vector<16xf32>
      %get3A_2218 = arith.index_cast %scan3A_2046 : i32 to index
      %get3A_2219 = arith.constant 448 : index
      %get3A_2220 = tpu.vector_load %arg4[%get3A_2218, %get3A_2219] {strides = array<i32>} : memref<32x1024xf32, #tpu.memory_space<vmem>>, vector<1x16xf32>,
      %get3A_2221 = vector.shape_cast %get3A_2220 : vector<1x16xf32> to vector<16xf32>
      %add3A_2222 = arith.addf %scan3A_2075, %get3A_2221 : vector<16xf32>
      %get3A_2223 = arith.index_cast %scan3A_2046 : i32 to index
      %get3A_2224 = arith.constant 464 : index
      %get3A_2225 = tpu.vector_load %arg4[%get3A_2223, %get3A_2224] {strides = array<i32>} : memref<32x1024xf32, #tpu.memory_space<vmem>>, vector<1x16xf32>,
      %get3A_2226 = vector.shape_cast %get3A_2225 : vector<1x16xf32> to vector<16xf32>
      %add3A_2227 = arith.addf %scan3A_2076, %get3A_2226 : vector<16xf32>
      %get3A_2228 = arith.index_cast %scan3A_2046 : i32 to index
      %get3A_2229 = arith.constant 480 : index
      %get3A_2230 = tpu.vector_load %arg4[%get3A_2228, %get3A_2229] {strides = array<i32>} : memref<32x1024xf32, #tpu.memory_space<vmem>>, vector<1x16xf32>,
      %get3A_2231 = vector.shape_cast %get3A_2230 : vector<1x16xf32> to vector<16xf32>
      %add3A_2232 = arith.addf %scan3A_2077, %get3A_2231 : vector<16xf32>
      %get3A_2233 = arith.index_cast %scan3A_2046 : i32 to index
      %get3A_2234 = arith.constant 496 : index
      %get3A_2235 = tpu.vector_load %arg4[%get3A_2233, %get3A_2234] {strides = array<i32>} : memref<32x1024xf32, #tpu.memory_space<vmem>>, vector<1x16xf32>,
      %get3A_2236 = vector.shape_cast %get3A_2235 : vector<1x16xf32> to vector<16xf32>
      %add3A_2237 = arith.addf %scan3A_2078, %get3A_2236 : vector<16xf32>
      scf.yield %add3A_2082, %add3A_2087, %add3A_2092, %add3A_2097, %add3A_2102, %add3A_2107, %add3A_2112, %add3A_2117, %add3A_2122, %add3A_2127, %add3A_2132, %add3A_2137, %add3A_2142, %add3A_2147, %add3A_2152, %add3A_2157, %add3A_2162, %add3A_2167, %add3A_2172, %add3A_2177, %add3A_2182, %add3A_2187, %add3A_2192, %add3A_2197, %add3A_2202, %add3A_2207, %add3A_2212, %add3A_2217, %add3A_2222, %add3A_2227, %add3A_2232, %add3A_2237 : vector<16xf32>, vector<16xf32>, vector<16xf32>, vector<16xf32>, vector<16xf32>, vector<16xf32>, vector<16xf32>, vector<16xf32>, vector<16xf32>, vector<16xf32>, vector<16xf32>, vector<16xf32>, vector<16xf32>, vector<16xf32>, vector<16xf32>, vector<16xf32>, vector<16xf32>, vector<16xf32>, vector<16xf32>, vector<16xf32>, vector<16xf32>, vector<16xf32>, vector<16xf32>, vector<16xf32>, vector<16xf32>, vector<16xf32>, vector<16xf32>, vector<16xf32>, vector<16xf32>, vector<16xf32>, vector<16xf32>, vector<16xf32>
    }
    %scan3A_1317 = arith.constant 32 : i32
    %swap3A_1318 = arith.constant 0 : index
    %swap3A_1319 = tpu.vector_load %arg6[%swap3A_1318] {strides = array<i32>} : memref<1024xf32, #tpu.memory_space<vmem>>, vector<16xf32>,
    %swap3A_1320 = vector.shape_cast %swap3A_1319 : vector<16xf32> to vector<16xf32>
    %swap3A_1321 = vector.shape_cast %scan3A_1316#0 : vector<16xf32> to vector<16xf32>
    tpu.vector_store %arg6[%swap3A_1318], %swap3A_1321 {add = true, strides = array<i32>} : memref<1024xf32, #tpu.memory_space<vmem>>, vector<16xf32>,
    %swap3A_1322 = arith.constant 16 : index
    %swap3A_1323 = tpu.vector_load %arg6[%swap3A_1322] {strides = array<i32>} : memref<1024xf32, #tpu.memory_space<vmem>>, vector<16xf32>,
    %swap3A_1324 = vector.shape_cast %swap3A_1323 : vector<16xf32> to vector<16xf32>
    %swap3A_1325 = vector.shape_cast %scan3A_1316#1 : vector<16xf32> to vector<16xf32>
    tpu.vector_store %arg6[%swap3A_1322], %swap3A_1325 {add = true, strides = array<i32>} : memref<1024xf32, #tpu.memory_space<vmem>>, vector<16xf32>,
    %swap3A_1326 = arith.constant 32 : index
    %swap3A_1327 = tpu.vector_load %arg6[%swap3A_1326] {strides = array<i32>} : memref<1024xf32, #tpu.memory_space<vmem>>, vector<16xf32>,
    %swap3A_1328 = vector.shape_cast %swap3A_1327 : vector<16xf32> to vector<16xf32>
    %swap3A_1329 = vector.shape_cast %scan3A_1316#2 : vector<16xf32> to vector<16xf32>
    tpu.vector_store %arg6[%swap3A_1326], %swap3A_1329 {add = true, strides = array<i32>} : memref<1024xf32, #tpu.memory_space<vmem>>, vector<16xf32>,
    %swap3A_1330 = arith.constant 48 : index
    %swap3A_1331 = tpu.vector_load %arg6[%swap3A_1330] {strides = array<i32>} : memref<1024xf32, #tpu.memory_space<vmem>>, vector<16xf32>,
    %swap3A_1332 = vector.shape_cast %swap3A_1331 : vector<16xf32> to vector<16xf32>
    %swap3A_1333 = vector.shape_cast %scan3A_1316#3 : vector<16xf32> to vector<16xf32>
    tpu.vector_store %arg6[%swap3A_1330], %swap3A_1333 {add = true, strides = array<i32>} : memref<1024xf32, #tpu.memory_space<vmem>>, vector<16xf32>,
    %swap3A_1334 = arith.constant 64 : index
    %swap3A_1335 = tpu.vector_load %arg6[%swap3A_1334] {strides = array<i32>} : memref<1024xf32, #tpu.memory_space<vmem>>, vector<16xf32>,
    %swap3A_1336 = vector.shape_cast %swap3A_1335 : vector<16xf32> to vector<16xf32>
    %swap3A_1337 = vector.shape_cast %scan3A_1316#4 : vector<16xf32> to vector<16xf32>
    tpu.vector_store %arg6[%swap3A_1334], %swap3A_1337 {add = true, strides = array<i32>} : memref<1024xf32, #tpu.memory_space<vmem>>, vector<16xf32>,
    %swap3A_1338 = arith.constant 80 : index
    %swap3A_1339 = tpu.vector_load %arg6[%swap3A_1338] {strides = array<i32>} : memref<1024xf32, #tpu.memory_space<vmem>>, vector<16xf32>,
    %swap3A_1340 = vector.shape_cast %swap3A_1339 : vector<16xf32> to vector<16xf32>
    %swap3A_1341 = vector.shape_cast %scan3A_1316#5 : vector<16xf32> to vector<16xf32>
    tpu.vector_store %arg6[%swap3A_1338], %swap3A_1341 {add = true, strides = array<i32>} : memref<1024xf32, #tpu.memory_space<vmem>>, vector<16xf32>,
    %swap3A_1342 = arith.constant 96 : index
    %swap3A_1343 = tpu.vector_load %arg6[%swap3A_1342] {strides = array<i32>} : memref<1024xf32, #tpu.memory_space<vmem>>, vector<16xf32>,
    %swap3A_1344 = vector.shape_cast %swap3A_1343 : vector<16xf32> to vector<16xf32>
    %swap3A_1345 = vector.shape_cast %scan3A_1316#6 : vector<16xf32> to vector<16xf32>
    tpu.vector_store %arg6[%swap3A_1342], %swap3A_1345 {add = true, strides = array<i32>} : memref<1024xf32, #tpu.memory_space<vmem>>, vector<16xf32>,
    %swap3A_1346 = arith.constant 112 : index
    %swap3A_1347 = tpu.vector_load %arg6[%swap3A_1346] {strides = array<i32>} : memref<1024xf32, #tpu.memory_space<vmem>>, vector<16xf32>,
    %swap3A_1348 = vector.shape_cast %swap3A_1347 : vector<16xf32> to vector<16xf32>
    %swap3A_1349 = vector.shape_cast %scan3A_1316#7 : vector<16xf32> to vector<16xf32>
    tpu.vector_store %arg6[%swap3A_1346], %swap3A_1349 {add = true, strides = array<i32>} : memref<1024xf32, #tpu.memory_space<vmem>>, vector<16xf32>,
    %swap3A_1350 = arith.constant 128 : index
    %swap3A_1351 = tpu.vector_load %arg6[%swap3A_1350] {strides = array<i32>} : memref<1024xf32, #tpu.memory_space<vmem>>, vector<16xf32>,
    %swap3A_1352 = vector.shape_cast %swap3A_1351 : vector<16xf32> to vector<16xf32>
    %swap3A_1353 = vector.shape_cast %scan3A_1316#8 : vector<16xf32> to vector<16xf32>
    tpu.vector_store %arg6[%swap3A_1350], %swap3A_1353 {add = true, strides = array<i32>} : memref<1024xf32, #tpu.memory_space<vmem>>, vector<16xf32>,
    %swap3A_1354 = arith.constant 144 : index
    %swap3A_1355 = tpu.vector_load %arg6[%swap3A_1354] {strides = array<i32>} : memref<1024xf32, #tpu.memory_space<vmem>>, vector<16xf32>,
    %swap3A_1356 = vector.shape_cast %swap3A_1355 : vector<16xf32> to vector<16xf32>
    %swap3A_1357 = vector.shape_cast %scan3A_1316#9 : vector<16xf32> to vector<16xf32>
    tpu.vector_store %arg6[%swap3A_1354], %swap3A_1357 {add = true, strides = array<i32>} : memref<1024xf32, #tpu.memory_space<vmem>>, vector<16xf32>,
    %swap3A_1358 = arith.constant 160 : index
    %swap3A_1359 = tpu.vector_load %arg6[%swap3A_1358] {strides = array<i32>} : memref<1024xf32, #tpu.memory_space<vmem>>, vector<16xf32>,
    %swap3A_1360 = vector.shape_cast %swap3A_1359 : vector<16xf32> to vector<16xf32>
    %swap3A_1361 = vector.shape_cast %scan3A_1316#10 : vector<16xf32> to vector<16xf32>
    tpu.vector_store %arg6[%swap3A_1358], %swap3A_1361 {add = true, strides = array<i32>} : memref<1024xf32, #tpu.memory_space<vmem>>, vector<16xf32>,
    %swap3A_1362 = arith.constant 176 : index
    %swap3A_1363 = tpu.vector_load %arg6[%swap3A_1362] {strides = array<i32>} : memref<1024xf32, #tpu.memory_space<vmem>>, vector<16xf32>,
    %swap3A_1364 = vector.shape_cast %swap3A_1363 : vector<16xf32> to vector<16xf32>
    %swap3A_1365 = vector.shape_cast %scan3A_1316#11 : vector<16xf32> to vector<16xf32>
    tpu.vector_store %arg6[%swap3A_1362], %swap3A_1365 {add = true, strides = array<i32>} : memref<1024xf32, #tpu.memory_space<vmem>>, vector<16xf32>,
    %swap3A_1366 = arith.constant 192 : index
    %swap3A_1367 = tpu.vector_load %arg6[%swap3A_1366] {strides = array<i32>} : memref<1024xf32, #tpu.memory_space<vmem>>, vector<16xf32>,
    %swap3A_1368 = vector.shape_cast %swap3A_1367 : vector<16xf32> to vector<16xf32>
    %swap3A_1369 = vector.shape_cast %scan3A_1316#12 : vector<16xf32> to vector<16xf32>
    tpu.vector_store %arg6[%swap3A_1366], %swap3A_1369 {add = true, strides = array<i32>} : memref<1024xf32, #tpu.memory_space<vmem>>, vector<16xf32>,
    %swap3A_1370 = arith.constant 208 : index
    %swap3A_1371 = tpu.vector_load %arg6[%swap3A_1370] {strides = array<i32>} : memref<1024xf32, #tpu.memory_space<vmem>>, vector<16xf32>,
    %swap3A_1372 = vector.shape_cast %swap3A_1371 : vector<16xf32> to vector<16xf32>
    %swap3A_1373 = vector.shape_cast %scan3A_1316#13 : vector<16xf32> to vector<16xf32>
    tpu.vector_store %arg6[%swap3A_1370], %swap3A_1373 {add = true, strides = array<i32>} : memref<1024xf32, #tpu.memory_space<vmem>>, vector<16xf32>,
    %swap3A_1374 = arith.constant 224 : index
    %swap3A_1375 = tpu.vector_load %arg6[%swap3A_1374] {strides = array<i32>} : memref<1024xf32, #tpu.memory_space<vmem>>, vector<16xf32>,
    %swap3A_1376 = vector.shape_cast %swap3A_1375 : vector<16xf32> to vector<16xf32>
    %swap3A_1377 = vector.shape_cast %scan3A_1316#14 : vector<16xf32> to vector<16xf32>
    tpu.vector_store %arg6[%swap3A_1374], %swap3A_1377 {add = true, strides = array<i32>} : memref<1024xf32, #tpu.memory_space<vmem>>, vector<16xf32>,
    %swap3A_1378 = arith.constant 240 : index
    %swap3A_1379 = tpu.vector_load %arg6[%swap3A_1378] {strides = array<i32>} : memref<1024xf32, #tpu.memory_space<vmem>>, vector<16xf32>,
    %swap3A_1380 = vector.shape_cast %swap3A_1379 : vector<16xf32> to vector<16xf32>
    %swap3A_1381 = vector.shape_cast %scan3A_1316#15 : vector<16xf32> to vector<16xf32>
    tpu.vector_store %arg6[%swap3A_1378], %swap3A_1381 {add = true, strides = array<i32>} : memref<1024xf32, #tpu.memory_space<vmem>>, vector<16xf32>,
    %swap3A_1382 = arith.constant 256 : index
    %swap3A_1383 = tpu.vector_load %arg6[%swap3A_1382] {strides = array<i32>} : memref<1024xf32, #tpu.memory_space<vmem>>, vector<16xf32>,
    %swap3A_1384 = vector.shape_cast %swap3A_1383 : vector<16xf32> to vector<16xf32>
    %swap3A_1385 = vector.shape_cast %scan3A_1316#16 : vector<16xf32> to vector<16xf32>
    tpu.vector_store %arg6[%swap3A_1382], %swap3A_1385 {add = true, strides = array<i32>} : memref<1024xf32, #tpu.memory_space<vmem>>, vector<16xf32>,
    %swap3A_1386 = arith.constant 272 : index
    %swap3A_1387 = tpu.vector_load %arg6[%swap3A_1386] {strides = array<i32>} : memref<1024xf32, #tpu.memory_space<vmem>>, vector<16xf32>,
    %swap3A_1388 = vector.shape_cast %swap3A_1387 : vector<16xf32> to vector<16xf32>
    %swap3A_1389 = vector.shape_cast %scan3A_1316#17 : vector<16xf32> to vector<16xf32>
    tpu.vector_store %arg6[%swap3A_1386], %swap3A_1389 {add = true, strides = array<i32>} : memref<1024xf32, #tpu.memory_space<vmem>>, vector<16xf32>,
    %swap3A_1390 = arith.constant 288 : index
    %swap3A_1391 = tpu.vector_load %arg6[%swap3A_1390] {strides = array<i32>} : memref<1024xf32, #tpu.memory_space<vmem>>, vector<16xf32>,
    %swap3A_1392 = vector.shape_cast %swap3A_1391 : vector<16xf32> to vector<16xf32>
    %swap3A_1393 = vector.shape_cast %scan3A_1316#18 : vector<16xf32> to vector<16xf32>
    tpu.vector_store %arg6[%swap3A_1390], %swap3A_1393 {add = true, strides = array<i32>} : memref<1024xf32, #tpu.memory_space<vmem>>, vector<16xf32>,
    %swap3A_1394 = arith.constant 304 : index
    %swap3A_1395 = tpu.vector_load %arg6[%swap3A_1394] {strides = array<i32>} : memref<1024xf32, #tpu.memory_space<vmem>>, vector<16xf32>,
    %swap3A_1396 = vector.shape_cast %swap3A_1395 : vector<16xf32> to vector<16xf32>
    %swap3A_1397 = vector.shape_cast %scan3A_1316#19 : vector<16xf32> to vector<16xf32>
    tpu.vector_store %arg6[%swap3A_1394], %swap3A_1397 {add = true, strides = array<i32>} : memref<1024xf32, #tpu.memory_space<vmem>>, vector<16xf32>,
    %swap3A_1398 = arith.constant 320 : index
    %swap3A_1399 = tpu.vector_load %arg6[%swap3A_1398] {strides = array<i32>} : memref<1024xf32, #tpu.memory_space<vmem>>, vector<16xf32>,
    %swap3A_1400 = vector.shape_cast %swap3A_1399 : vector<16xf32> to vector<16xf32>
    %swap3A_1401 = vector.shape_cast %scan3A_1316#20 : vector<16xf32> to vector<16xf32>
    tpu.vector_store %arg6[%swap3A_1398], %swap3A_1401 {add = true, strides = array<i32>} : memref<1024xf32, #tpu.memory_space<vmem>>, vector<16xf32>,
    %swap3A_1402 = arith.constant 336 : index
    %swap3A_1403 = tpu.vector_load %arg6[%swap3A_1402] {strides = array<i32>} : memref<1024xf32, #tpu.memory_space<vmem>>, vector<16xf32>,
    %swap3A_1404 = vector.shape_cast %swap3A_1403 : vector<16xf32> to vector<16xf32>
    %swap3A_1405 = vector.shape_cast %scan3A_1316#21 : vector<16xf32> to vector<16xf32>
    tpu.vector_store %arg6[%swap3A_1402], %swap3A_1405 {add = true, strides = array<i32>} : memref<1024xf32, #tpu.memory_space<vmem>>, vector<16xf32>,
    %swap3A_1406 = arith.constant 352 : index
    %swap3A_1407 = tpu.vector_load %arg6[%swap3A_1406] {strides = array<i32>} : memref<1024xf32, #tpu.memory_space<vmem>>, vector<16xf32>,
    %swap3A_1408 = vector.shape_cast %swap3A_1407 : vector<16xf32> to vector<16xf32>
    %swap3A_1409 = vector.shape_cast %scan3A_1316#22 : vector<16xf32> to vector<16xf32>
    tpu.vector_store %arg6[%swap3A_1406], %swap3A_1409 {add = true, strides = array<i32>} : memref<1024xf32, #tpu.memory_space<vmem>>, vector<16xf32>,
    %swap3A_1410 = arith.constant 368 : index
    %swap3A_1411 = tpu.vector_load %arg6[%swap3A_1410] {strides = array<i32>} : memref<1024xf32, #tpu.memory_space<vmem>>, vector<16xf32>,
    %swap3A_1412 = vector.shape_cast %swap3A_1411 : vector<16xf32> to vector<16xf32>
    %swap3A_1413 = vector.shape_cast %scan3A_1316#23 : vector<16xf32> to vector<16xf32>
    tpu.vector_store %arg6[%swap3A_1410], %swap3A_1413 {add = true, strides = array<i32>} : memref<1024xf32, #tpu.memory_space<vmem>>, vector<16xf32>,
    %swap3A_1414 = arith.constant 384 : index
    %swap3A_1415 = tpu.vector_load %arg6[%swap3A_1414] {strides = array<i32>} : memref<1024xf32, #tpu.memory_space<vmem>>, vector<16xf32>,
    %swap3A_1416 = vector.shape_cast %swap3A_1415 : vector<16xf32> to vector<16xf32>
    %swap3A_1417 = vector.shape_cast %scan3A_1316#24 : vector<16xf32> to vector<16xf32>
    tpu.vector_store %arg6[%swap3A_1414], %swap3A_1417 {add = true, strides = array<i32>} : memref<1024xf32, #tpu.memory_space<vmem>>, vector<16xf32>,
    %swap3A_1418 = arith.constant 400 : index
    %swap3A_1419 = tpu.vector_load %arg6[%swap3A_1418] {strides = array<i32>} : memref<1024xf32, #tpu.memory_space<vmem>>, vector<16xf32>,
    %swap3A_1420 = vector.shape_cast %swap3A_1419 : vector<16xf32> to vector<16xf32>
    %swap3A_1421 = vector.shape_cast %scan3A_1316#25 : vector<16xf32> to vector<16xf32>
    tpu.vector_store %arg6[%swap3A_1418], %swap3A_1421 {add = true, strides = array<i32>} : memref<1024xf32, #tpu.memory_space<vmem>>, vector<16xf32>,
    %swap3A_1422 = arith.constant 416 : index
    %swap3A_1423 = tpu.vector_load %arg6[%swap3A_1422] {strides = array<i32>} : memref<1024xf32, #tpu.memory_space<vmem>>, vector<16xf32>,
    %swap3A_1424 = vector.shape_cast %swap3A_1423 : vector<16xf32> to vector<16xf32>
    %swap3A_1425 = vector.shape_cast %scan3A_1316#26 : vector<16xf32> to vector<16xf32>
    tpu.vector_store %arg6[%swap3A_1422], %swap3A_1425 {add = true, strides = array<i32>} : memref<1024xf32, #tpu.memory_space<vmem>>, vector<16xf32>,
    %swap3A_1426 = arith.constant 432 : index
    %swap3A_1427 = tpu.vector_load %arg6[%swap3A_1426] {strides = array<i32>} : memref<1024xf32, #tpu.memory_space<vmem>>, vector<16xf32>,
    %swap3A_1428 = vector.shape_cast %swap3A_1427 : vector<16xf32> to vector<16xf32>
    %swap3A_1429 = vector.shape_cast %scan3A_1316#27 : vector<16xf32> to vector<16xf32>
    tpu.vector_store %arg6[%swap3A_1426], %swap3A_1429 {add = true, strides = array<i32>} : memref<1024xf32, #tpu.memory_space<vmem>>, vector<16xf32>,
    %swap3A_1430 = arith.constant 448 : index
    %swap3A_1431 = tpu.vector_load %arg6[%swap3A_1430] {strides = array<i32>} : memref<1024xf32, #tpu.memory_space<vmem>>, vector<16xf32>,
    %swap3A_1432 = vector.shape_cast %swap3A_1431 : vector<16xf32> to vector<16xf32>
    %swap3A_1433 = vector.shape_cast %scan3A_1316#28 : vector<16xf32> to vector<16xf32>
    tpu.vector_store %arg6[%swap3A_1430], %swap3A_1433 {add = true, strides = array<i32>} : memref<1024xf32, #tpu.memory_space<vmem>>, vector<16xf32>,
    %swap3A_1434 = arith.constant 464 : index
    %swap3A_1435 = tpu.vector_load %arg6[%swap3A_1434] {strides = array<i32>} : memref<1024xf32, #tpu.memory_space<vmem>>, vector<16xf32>,
    %swap3A_1436 = vector.shape_cast %swap3A_1435 : vector<16xf32> to vector<16xf32>
    %swap3A_1437 = vector.shape_cast %scan3A_1316#29 : vector<16xf32> to vector<16xf32>
    tpu.vector_store %arg6[%swap3A_1434], %swap3A_1437 {add = true, strides = array<i32>} : memref<1024xf32, #tpu.memory_space<vmem>>, vector<16xf32>,
    %swap3A_1438 = arith.constant 480 : index
    %swap3A_1439 = tpu.vector_load %arg6[%swap3A_1438] {strides = array<i32>} : memref<1024xf32, #tpu.memory_space<vmem>>, vector<16xf32>,
    %swap3A_1440 = vector.shape_cast %swap3A_1439 : vector<16xf32> to vector<16xf32>
    %swap3A_1441 = vector.shape_cast %scan3A_1316#30 : vector<16xf32> to vector<16xf32>
    tpu.vector_store %arg6[%swap3A_1438], %swap3A_1441 {add = true, strides = array<i32>} : memref<1024xf32, #tpu.memory_space<vmem>>, vector<16xf32>,
    %swap3A_1442 = arith.constant 496 : index
    %swap3A_1443 = tpu.vector_load %arg6[%swap3A_1442] {strides = array<i32>} : memref<1024xf32, #tpu.memory_space<vmem>>, vector<16xf32>,
    %swap3A_1444 = vector.shape_cast %swap3A_1443 : vector<16xf32> to vector<16xf32>
    %swap3A_1445 = vector.shape_cast %scan3A_1316#31 : vector<16xf32> to vector<16xf32>
    tpu.vector_store %arg6[%swap3A_1442], %swap3A_1445 {add = true, strides = array<i32>} : memref<1024xf32, #tpu.memory_space<vmem>>, vector<16xf32>,
    %broadcast_in_dim3A_1446 = arith.constant 0.000000e+00 : f32
    %broadcast_in_dim3A_1447 = vector.broadcast %broadcast_in_dim3A_1446 : f32 to vector<16xf32>
    %broadcast_in_dim3A_1448 = arith.constant 0.000000e+00 : f32
    %broadcast_in_dim3A_1449 = vector.broadcast %broadcast_in_dim3A_1448 : f32 to vector<16xf32>
    %broadcast_in_dim3A_1450 = arith.constant 0.000000e+00 : f32
    %broadcast_in_dim3A_1451 = vector.broadcast %broadcast_in_dim3A_1450 : f32 to vector<16xf32>
    %broadcast_in_dim3A_1452 = arith.constant 0.000000e+00 : f32
    %broadcast_in_dim3A_1453 = vector.broadcast %broadcast_in_dim3A_1452 : f32 to vector<16xf32>
    %broadcast_in_dim3A_1454 = arith.constant 0.000000e+00 : f32
    %broadcast_in_dim3A_1455 = vector.broadcast %broadcast_in_dim3A_1454 : f32 to vector<16xf32>
    %broadcast_in_dim3A_1456 = arith.constant 0.000000e+00 : f32
    %broadcast_in_dim3A_1457 = vector.broadcast %broadcast_in_dim3A_1456 : f32 to vector<16xf32>
    %broadcast_in_dim3A_1458 = arith.constant 0.000000e+00 : f32
    %broadcast_in_dim3A_1459 = vector.broadcast %broadcast_in_dim3A_1458 : f32 to vector<16xf32>
    %broadcast_in_dim3A_1460 = arith.constant 0.000000e+00 : f32
    %broadcast_in_dim3A_1461 = vector.broadcast %broadcast_in_dim3A_1460 : f32 to vector<16xf32>
    %broadcast_in_dim3A_1462 = arith.constant 0.000000e+00 : f32
    %broadcast_in_dim3A_1463 = vector.broadcast %broadcast_in_dim3A_1462 : f32 to vector<16xf32>
    %broadcast_in_dim3A_1464 = arith.constant 0.000000e+00 : f32
    %broadcast_in_dim3A_1465 = vector.broadcast %broadcast_in_dim3A_1464 : f32 to vector<16xf32>
    %broadcast_in_dim3A_1466 = arith.constant 0.000000e+00 : f32
    %broadcast_in_dim3A_1467 = vector.broadcast %broadcast_in_dim3A_1466 : f32 to vector<16xf32>
    %broadcast_in_dim3A_1468 = arith.constant 0.000000e+00 : f32
    %broadcast_in_dim3A_1469 = vector.broadcast %broadcast_in_dim3A_1468 : f32 to vector<16xf32>
    %broadcast_in_dim3A_1470 = arith.constant 0.000000e+00 : f32
    %broadcast_in_dim3A_1471 = vector.broadcast %broadcast_in_dim3A_1470 : f32 to vector<16xf32>
    %broadcast_in_dim3A_1472 = arith.constant 0.000000e+00 : f32
    %broadcast_in_dim3A_1473 = vector.broadcast %broadcast_in_dim3A_1472 : f32 to vector<16xf32>
    %broadcast_in_dim3A_1474 = arith.constant 0.000000e+00 : f32
    %broadcast_in_dim3A_1475 = vector.broadcast %broadcast_in_dim3A_1474 : f32 to vector<16xf32>
    %broadcast_in_dim3A_1476 = arith.constant 0.000000e+00 : f32
    %broadcast_in_dim3A_1477 = vector.broadcast %broadcast_in_dim3A_1476 : f32 to vector<16xf32>
    %broadcast_in_dim3A_1478 = arith.constant 0.000000e+00 : f32
    %broadcast_in_dim3A_1479 = vector.broadcast %broadcast_in_dim3A_1478 : f32 to vector<16xf32>
    %broadcast_in_dim3A_1480 = arith.constant 0.000000e+00 : f32
    %broadcast_in_dim3A_1481 = vector.broadcast %broadcast_in_dim3A_1480 : f32 to vector<16xf32>
    %broadcast_in_dim3A_1482 = arith.constant 0.000000e+00 : f32
    %broadcast_in_dim3A_1483 = vector.broadcast %broadcast_in_dim3A_1482 : f32 to vector<16xf32>
    %broadcast_in_dim3A_1484 = arith.constant 0.000000e+00 : f32
    %broadcast_in_dim3A_1485 = vector.broadcast %broadcast_in_dim3A_1484 : f32 to vector<16xf32>
    %broadcast_in_dim3A_1486 = arith.constant 0.000000e+00 : f32
    %broadcast_in_dim3A_1487 = vector.broadcast %broadcast_in_dim3A_1486 : f32 to vector<16xf32>
    %broadcast_in_dim3A_1488 = arith.constant 0.000000e+00 : f32
    %broadcast_in_dim3A_1489 = vector.broadcast %broadcast_in_dim3A_1488 : f32 to vector<16xf32>
    %broadcast_in_dim3A_1490 = arith.constant 0.000000e+00 : f32
    %broadcast_in_dim3A_1491 = vector.broadcast %broadcast_in_dim3A_1490 : f32 to vector<16xf32>
    %broadcast_in_dim3A_1492 = arith.constant 0.000000e+00 : f32
    %broadcast_in_dim3A_1493 = vector.broadcast %broadcast_in_dim3A_1492 : f32 to vector<16xf32>
    %broadcast_in_dim3A_1494 = arith.constant 0.000000e+00 : f32
    %broadcast_in_dim3A_1495 = vector.broadcast %broadcast_in_dim3A_1494 : f32 to vector<16xf32>
    %broadcast_in_dim3A_1496 = arith.constant 0.000000e+00 : f32
    %broadcast_in_dim3A_1497 = vector.broadcast %broadcast_in_dim3A_1496 : f32 to vector<16xf32>
    %broadcast_in_dim3A_1498 = arith.constant 0.000000e+00 : f32
    %broadcast_in_dim3A_1499 = vector.broadcast %broadcast_in_dim3A_1498 : f32 to vector<16xf32>
    %broadcast_in_dim3A_1500 = arith.constant 0.000000e+00 : f32
    %broadcast_in_dim3A_1501 = vector.broadcast %broadcast_in_dim3A_1500 : f32 to vector<16xf32>
    %broadcast_in_dim3A_1502 = arith.constant 0.000000e+00 : f32
    %broadcast_in_dim3A_1503 = vector.broadcast %broadcast_in_dim3A_1502 : f32 to vector<16xf32>
    %broadcast_in_dim3A_1504 = arith.constant 0.000000e+00 : f32
    %broadcast_in_dim3A_1505 = vector.broadcast %broadcast_in_dim3A_1504 : f32 to vector<16xf32>
    %broadcast_in_dim3A_1506 = arith.constant 0.000000e+00 : f32
    %broadcast_in_dim3A_1507 = vector.broadcast %broadcast_in_dim3A_1506 : f32 to vector<16xf32>
    %broadcast_in_dim3A_1508 = arith.constant 0.000000e+00 : f32
    %broadcast_in_dim3A_1509 = vector.broadcast %broadcast_in_dim3A_1508 : f32 to vector<16xf32>
    %scan3A_1510 = arith.constant 0 : i32
    %scan3A_1511 = arith.constant 32 : i32
    %scan3A_1512 = arith.addi %scan3A_1510, %scan3A_1511 : i32
    %scan3A_1513 = arith.constant 1 : i32
    %scan3A_1514:32 = scf.for %scan3A_2046 = %scan3A_1510 to %scan3A_1512 step %scan3A_1513 iter_args(%scan3A_2047 = %broadcast_in_dim3A_1447, %scan3A_2048 = %broadcast_in_dim3A_1449, %scan3A_2049 = %broadcast_in_dim3A_1451, %scan3A_2050 = %broadcast_in_dim3A_1453, %scan3A_2051 = %broadcast_in_dim3A_1455, %scan3A_2052 = %broadcast_in_dim3A_1457, %scan3A_2053 = %broadcast_in_dim3A_1459, %scan3A_2054 = %broadcast_in_dim3A_1461, %scan3A_2055 = %broadcast_in_dim3A_1463, %scan3A_2056 = %broadcast_in_dim3A_1465, %scan3A_2057 = %broadcast_in_dim3A_1467, %scan3A_2058 = %broadcast_in_dim3A_1469, %scan3A_2059 = %broadcast_in_dim3A_1471, %scan3A_2060 = %broadcast_in_dim3A_1473, %scan3A_2061 = %broadcast_in_dim3A_1475, %scan3A_2062 = %broadcast_in_dim3A_1477, %scan3A_2063 = %broadcast_in_dim3A_1479, %scan3A_2064 = %broadcast_in_dim3A_1481, %scan3A_2065 = %broadcast_in_dim3A_1483, %scan3A_2066 = %broadcast_in_dim3A_1485, %scan3A_2067 = %broadcast_in_dim3A_1487, %scan3A_2068 = %broadcast_in_dim3A_1489, %scan3A_2069 = %broadcast_in_dim3A_1491, %scan3A_2070 = %broadcast_in_dim3A_1493, %scan3A_2071 = %broadcast_in_dim3A_1495, %scan3A_2072 = %broadcast_in_dim3A_1497, %scan3A_2073 = %broadcast_in_dim3A_1499, %scan3A_2074 = %broadcast_in_dim3A_1501, %scan3A_2075 = %broadcast_in_dim3A_1503, %scan3A_2076 = %broadcast_in_dim3A_1505, %scan3A_2077 = %broadcast_in_dim3A_1507, %scan3A_2078 = %broadcast_in_dim3A_1509) -> (vector<16xf32>, vector<16xf32>, vector<16xf32>, vector<16xf32>, vector<16xf32>, vector<16xf32>, vector<16xf32>, vector<16xf32>, vector<16xf32>, vector<16xf32>, vector<16xf32>, vector<16xf32>, vector<16xf32>, vector<16xf32>, vector<16xf32>, vector<16xf32>, vector<16xf32>, vector<16xf32>, vector<16xf32>, vector<16xf32>, vector<16xf32>, vector<16xf32>, vector<16xf32>, vector<16xf32>, vector<16xf32>, vector<16xf32>, vector<16xf32>, vector<16xf32>, vector<16xf32>, vector<16xf32>, vector<16xf32>, vector<16xf32>)  : i32 {
      %get3A = arith.index_cast %scan3A_2046 : i32 to index
      %get3A_2079 = arith.constant 512 : index
      %get3A_2080 = tpu.vector_load %arg4[%get3A, %get3A_2079] {strides = array<i32>} : memref<32x1024xf32, #tpu.memory_space<vmem>>, vector<1x16xf32>,
      %get3A_2081 = vector.shape_cast %get3A_2080 : vector<1x16xf32> to vector<16xf32>
      %add3A_2082 = arith.addf %scan3A_2047, %get3A_2081 : vector<16xf32>
      %get3A_2083 = arith.index_cast %scan3A_2046 : i32 to index
      %get3A_2084 = arith.constant 528 : index
      %get3A_2085 = tpu.vector_load %arg4[%get3A_2083, %get3A_2084] {strides = array<i32>} : memref<32x1024xf32, #tpu.memory_space<vmem>>, vector<1x16xf32>,
      %get3A_2086 = vector.shape_cast %get3A_2085 : vector<1x16xf32> to vector<16xf32>
      %add3A_2087 = arith.addf %scan3A_2048, %get3A_2086 : vector<16xf32>
      %get3A_2088 = arith.index_cast %scan3A_2046 : i32 to index
      %get3A_2089 = arith.constant 544 : index
      %get3A_2090 = tpu.vector_load %arg4[%get3A_2088, %get3A_2089] {strides = array<i32>} : memref<32x1024xf32, #tpu.memory_space<vmem>>, vector<1x16xf32>,
      %get3A_2091 = vector.shape_cast %get3A_2090 : vector<1x16xf32> to vector<16xf32>
      %add3A_2092 = arith.addf %scan3A_2049, %get3A_2091 : vector<16xf32>
      %get3A_2093 = arith.index_cast %scan3A_2046 : i32 to index
      %get3A_2094 = arith.constant 560 : index
      %get3A_2095 = tpu.vector_load %arg4[%get3A_2093, %get3A_2094] {strides = array<i32>} : memref<32x1024xf32, #tpu.memory_space<vmem>>, vector<1x16xf32>,
      %get3A_2096 = vector.shape_cast %get3A_2095 : vector<1x16xf32> to vector<16xf32>
      %add3A_2097 = arith.addf %scan3A_2050, %get3A_2096 : vector<16xf32>
      %get3A_2098 = arith.index_cast %scan3A_2046 : i32 to index
      %get3A_2099 = arith.constant 576 : index
      %get3A_2100 = tpu.vector_load %arg4[%get3A_2098, %get3A_2099] {strides = array<i32>} : memref<32x1024xf32, #tpu.memory_space<vmem>>, vector<1x16xf32>,
      %get3A_2101 = vector.shape_cast %get3A_2100 : vector<1x16xf32> to vector<16xf32>
      %add3A_2102 = arith.addf %scan3A_2051, %get3A_2101 : vector<16xf32>
      %get3A_2103 = arith.index_cast %scan3A_2046 : i32 to index
      %get3A_2104 = arith.constant 592 : index
      %get3A_2105 = tpu.vector_load %arg4[%get3A_2103, %get3A_2104] {strides = array<i32>} : memref<32x1024xf32, #tpu.memory_space<vmem>>, vector<1x16xf32>,
      %get3A_2106 = vector.shape_cast %get3A_2105 : vector<1x16xf32> to vector<16xf32>
      %add3A_2107 = arith.addf %scan3A_2052, %get3A_2106 : vector<16xf32>
      %get3A_2108 = arith.index_cast %scan3A_2046 : i32 to index
      %get3A_2109 = arith.constant 608 : index
      %get3A_2110 = tpu.vector_load %arg4[%get3A_2108, %get3A_2109] {strides = array<i32>} : memref<32x1024xf32, #tpu.memory_space<vmem>>, vector<1x16xf32>,
      %get3A_2111 = vector.shape_cast %get3A_2110 : vector<1x16xf32> to vector<16xf32>
      %add3A_2112 = arith.addf %scan3A_2053, %get3A_2111 : vector<16xf32>
      %get3A_2113 = arith.index_cast %scan3A_2046 : i32 to index
      %get3A_2114 = arith.constant 624 : index
      %get3A_2115 = tpu.vector_load %arg4[%get3A_2113, %get3A_2114] {strides = array<i32>} : memref<32x1024xf32, #tpu.memory_space<vmem>>, vector<1x16xf32>,
      %get3A_2116 = vector.shape_cast %get3A_2115 : vector<1x16xf32> to vector<16xf32>
      %add3A_2117 = arith.addf %scan3A_2054, %get3A_2116 : vector<16xf32>
      %get3A_2118 = arith.index_cast %scan3A_2046 : i32 to index
      %get3A_2119 = arith.constant 640 : index
      %get3A_2120 = tpu.vector_load %arg4[%get3A_2118, %get3A_2119] {strides = array<i32>} : memref<32x1024xf32, #tpu.memory_space<vmem>>, vector<1x16xf32>,
      %get3A_2121 = vector.shape_cast %get3A_2120 : vector<1x16xf32> to vector<16xf32>
      %add3A_2122 = arith.addf %scan3A_2055, %get3A_2121 : vector<16xf32>
      %get3A_2123 = arith.index_cast %scan3A_2046 : i32 to index
      %get3A_2124 = arith.constant 656 : index
      %get3A_2125 = tpu.vector_load %arg4[%get3A_2123, %get3A_2124] {strides = array<i32>} : memref<32x1024xf32, #tpu.memory_space<vmem>>, vector<1x16xf32>,
      %get3A_2126 = vector.shape_cast %get3A_2125 : vector<1x16xf32> to vector<16xf32>
      %add3A_2127 = arith.addf %scan3A_2056, %get3A_2126 : vector<16xf32>
      %get3A_2128 = arith.index_cast %scan3A_2046 : i32 to index
      %get3A_2129 = arith.constant 672 : index
      %get3A_2130 = tpu.vector_load %arg4[%get3A_2128, %get3A_2129] {strides = array<i32>} : memref<32x1024xf32, #tpu.memory_space<vmem>>, vector<1x16xf32>,
      %get3A_2131 = vector.shape_cast %get3A_2130 : vector<1x16xf32> to vector<16xf32>
      %add3A_2132 = arith.addf %scan3A_2057, %get3A_2131 : vector<16xf32>
      %get3A_2133 = arith.index_cast %scan3A_2046 : i32 to index
      %get3A_2134 = arith.constant 688 : index
      %get3A_2135 = tpu.vector_load %arg4[%get3A_2133, %get3A_2134] {strides = array<i32>} : memref<32x1024xf32, #tpu.memory_space<vmem>>, vector<1x16xf32>,
      %get3A_2136 = vector.shape_cast %get3A_2135 : vector<1x16xf32> to vector<16xf32>
      %add3A_2137 = arith.addf %scan3A_2058, %get3A_2136 : vector<16xf32>
      %get3A_2138 = arith.index_cast %scan3A_2046 : i32 to index
      %get3A_2139 = arith.constant 704 : index
      %get3A_2140 = tpu.vector_load %arg4[%get3A_2138, %get3A_2139] {strides = array<i32>} : memref<32x1024xf32, #tpu.memory_space<vmem>>, vector<1x16xf32>,
      %get3A_2141 = vector.shape_cast %get3A_2140 : vector<1x16xf32> to vector<16xf32>
      %add3A_2142 = arith.addf %scan3A_2059, %get3A_2141 : vector<16xf32>
      %get3A_2143 = arith.index_cast %scan3A_2046 : i32 to index
      %get3A_2144 = arith.constant 720 : index
      %get3A_2145 = tpu.vector_load %arg4[%get3A_2143, %get3A_2144] {strides = array<i32>} : memref<32x1024xf32, #tpu.memory_space<vmem>>, vector<1x16xf32>,
      %get3A_2146 = vector.shape_cast %get3A_2145 : vector<1x16xf32> to vector<16xf32>
      %add3A_2147 = arith.addf %scan3A_2060, %get3A_2146 : vector<16xf32>
      %get3A_2148 = arith.index_cast %scan3A_2046 : i32 to index
      %get3A_2149 = arith.constant 736 : index
      %get3A_2150 = tpu.vector_load %arg4[%get3A_2148, %get3A_2149] {strides = array<i32>} : memref<32x1024xf32, #tpu.memory_space<vmem>>, vector<1x16xf32>,
      %get3A_2151 = vector.shape_cast %get3A_2150 : vector<1x16xf32> to vector<16xf32>
      %add3A_2152 = arith.addf %scan3A_2061, %get3A_2151 : vector<16xf32>
      %get3A_2153 = arith.index_cast %scan3A_2046 : i32 to index
      %get3A_2154 = arith.constant 752 : index
      %get3A_2155 = tpu.vector_load %arg4[%get3A_2153, %get3A_2154] {strides = array<i32>} : memref<32x1024xf32, #tpu.memory_space<vmem>>, vector<1x16xf32>,
      %get3A_2156 = vector.shape_cast %get3A_2155 : vector<1x16xf32> to vector<16xf32>
      %add3A_2157 = arith.addf %scan3A_2062, %get3A_2156 : vector<16xf32>
      %get3A_2158 = arith.index_cast %scan3A_2046 : i32 to index
      %get3A_2159 = arith.constant 768 : index
      %get3A_2160 = tpu.vector_load %arg4[%get3A_2158, %get3A_2159] {strides = array<i32>} : memref<32x1024xf32, #tpu.memory_space<vmem>>, vector<1x16xf32>,
      %get3A_2161 = vector.shape_cast %get3A_2160 : vector<1x16xf32> to vector<16xf32>
      %add3A_2162 = arith.addf %scan3A_2063, %get3A_2161 : vector<16xf32>
      %get3A_2163 = arith.index_cast %scan3A_2046 : i32 to index
      %get3A_2164 = arith.constant 784 : index
      %get3A_2165 = tpu.vector_load %arg4[%get3A_2163, %get3A_2164] {strides = array<i32>} : memref<32x1024xf32, #tpu.memory_space<vmem>>, vector<1x16xf32>,
      %get3A_2166 = vector.shape_cast %get3A_2165 : vector<1x16xf32> to vector<16xf32>
      %add3A_2167 = arith.addf %scan3A_2064, %get3A_2166 : vector<16xf32>
      %get3A_2168 = arith.index_cast %scan3A_2046 : i32 to index
      %get3A_2169 = arith.constant 800 : index
      %get3A_2170 = tpu.vector_load %arg4[%get3A_2168, %get3A_2169] {strides = array<i32>} : memref<32x1024xf32, #tpu.memory_space<vmem>>, vector<1x16xf32>,
      %get3A_2171 = vector.shape_cast %get3A_2170 : vector<1x16xf32> to vector<16xf32>
      %add3A_2172 = arith.addf %scan3A_2065, %get3A_2171 : vector<16xf32>
      %get3A_2173 = arith.index_cast %scan3A_2046 : i32 to index
      %get3A_2174 = arith.constant 816 : index
      %get3A_2175 = tpu.vector_load %arg4[%get3A_2173, %get3A_2174] {strides = array<i32>} : memref<32x1024xf32, #tpu.memory_space<vmem>>, vector<1x16xf32>,
      %get3A_2176 = vector.shape_cast %get3A_2175 : vector<1x16xf32> to vector<16xf32>
      %add3A_2177 = arith.addf %scan3A_2066, %get3A_2176 : vector<16xf32>
      %get3A_2178 = arith.index_cast %scan3A_2046 : i32 to index
      %get3A_2179 = arith.constant 832 : index
      %get3A_2180 = tpu.vector_load %arg4[%get3A_2178, %get3A_2179] {strides = array<i32>} : memref<32x1024xf32, #tpu.memory_space<vmem>>, vector<1x16xf32>,
      %get3A_2181 = vector.shape_cast %get3A_2180 : vector<1x16xf32> to vector<16xf32>
      %add3A_2182 = arith.addf %scan3A_2067, %get3A_2181 : vector<16xf32>
      %get3A_2183 = arith.index_cast %scan3A_2046 : i32 to index
      %get3A_2184 = arith.constant 848 : index
      %get3A_2185 = tpu.vector_load %arg4[%get3A_2183, %get3A_2184] {strides = array<i32>} : memref<32x1024xf32, #tpu.memory_space<vmem>>, vector<1x16xf32>,
      %get3A_2186 = vector.shape_cast %get3A_2185 : vector<1x16xf32> to vector<16xf32>
      %add3A_2187 = arith.addf %scan3A_2068, %get3A_2186 : vector<16xf32>
      %get3A_2188 = arith.index_cast %scan3A_2046 : i32 to index
      %get3A_2189 = arith.constant 864 : index
      %get3A_2190 = tpu.vector_load %arg4[%get3A_2188, %get3A_2189] {strides = array<i32>} : memref<32x1024xf32, #tpu.memory_space<vmem>>, vector<1x16xf32>,
      %get3A_2191 = vector.shape_cast %get3A_2190 : vector<1x16xf32> to vector<16xf32>
      %add3A_2192 = arith.addf %scan3A_2069, %get3A_2191 : vector<16xf32>
      %get3A_2193 = arith.index_cast %scan3A_2046 : i32 to index
      %get3A_2194 = arith.constant 880 : index
      %get3A_2195 = tpu.vector_load %arg4[%get3A_2193, %get3A_2194] {strides = array<i32>} : memref<32x1024xf32, #tpu.memory_space<vmem>>, vector<1x16xf32>,
      %get3A_2196 = vector.shape_cast %get3A_2195 : vector<1x16xf32> to vector<16xf32>
      %add3A_2197 = arith.addf %scan3A_2070, %get3A_2196 : vector<16xf32>
      %get3A_2198 = arith.index_cast %scan3A_2046 : i32 to index
      %get3A_2199 = arith.constant 896 : index
      %get3A_2200 = tpu.vector_load %arg4[%get3A_2198, %get3A_2199] {strides = array<i32>} : memref<32x1024xf32, #tpu.memory_space<vmem>>, vector<1x16xf32>,
      %get3A_2201 = vector.shape_cast %get3A_2200 : vector<1x16xf32> to vector<16xf32>
      %add3A_2202 = arith.addf %scan3A_2071, %get3A_2201 : vector<16xf32>
      %get3A_2203 = arith.index_cast %scan3A_2046 : i32 to index
      %get3A_2204 = arith.constant 912 : index
      %get3A_2205 = tpu.vector_load %arg4[%get3A_2203, %get3A_2204] {strides = array<i32>} : memref<32x1024xf32, #tpu.memory_space<vmem>>, vector<1x16xf32>,
      %get3A_2206 = vector.shape_cast %get3A_2205 : vector<1x16xf32> to vector<16xf32>
      %add3A_2207 = arith.addf %scan3A_2072, %get3A_2206 : vector<16xf32>
      %get3A_2208 = arith.index_cast %scan3A_2046 : i32 to index
      %get3A_2209 = arith.constant 928 : index
      %get3A_2210 = tpu.vector_load %arg4[%get3A_2208, %get3A_2209] {strides = array<i32>} : memref<32x1024xf32, #tpu.memory_space<vmem>>, vector<1x16xf32>,
      %get3A_2211 = vector.shape_cast %get3A_2210 : vector<1x16xf32> to vector<16xf32>
      %add3A_2212 = arith.addf %scan3A_2073, %get3A_2211 : vector<16xf32>
      %get3A_2213 = arith.index_cast %scan3A_2046 : i32 to index
      %get3A_2214 = arith.constant 944 : index
      %get3A_2215 = tpu.vector_load %arg4[%get3A_2213, %get3A_2214] {strides = array<i32>} : memref<32x1024xf32, #tpu.memory_space<vmem>>, vector<1x16xf32>,
      %get3A_2216 = vector.shape_cast %get3A_2215 : vector<1x16xf32> to vector<16xf32>
      %add3A_2217 = arith.addf %scan3A_2074, %get3A_2216 : vector<16xf32>
      %get3A_2218 = arith.index_cast %scan3A_2046 : i32 to index
      %get3A_2219 = arith.constant 960 : index
      %get3A_2220 = tpu.vector_load %arg4[%get3A_2218, %get3A_2219] {strides = array<i32>} : memref<32x1024xf32, #tpu.memory_space<vmem>>, vector<1x16xf32>,
      %get3A_2221 = vector.shape_cast %get3A_2220 : vector<1x16xf32> to vector<16xf32>
      %add3A_2222 = arith.addf %scan3A_2075, %get3A_2221 : vector<16xf32>
      %get3A_2223 = arith.index_cast %scan3A_2046 : i32 to index
      %get3A_2224 = arith.constant 976 : index
      %get3A_2225 = tpu.vector_load %arg4[%get3A_2223, %get3A_2224] {strides = array<i32>} : memref<32x1024xf32, #tpu.memory_space<vmem>>, vector<1x16xf32>,
      %get3A_2226 = vector.shape_cast %get3A_2225 : vector<1x16xf32> to vector<16xf32>
      %add3A_2227 = arith.addf %scan3A_2076, %get3A_2226 : vector<16xf32>
      %get3A_2228 = arith.index_cast %scan3A_2046 : i32 to index
      %get3A_2229 = arith.constant 992 : index
      %get3A_2230 = tpu.vector_load %arg4[%get3A_2228, %get3A_2229] {strides = array<i32>} : memref<32x1024xf32, #tpu.memory_space<vmem>>, vector<1x16xf32>,
      %get3A_2231 = vector.shape_cast %get3A_2230 : vector<1x16xf32> to vector<16xf32>
      %add3A_2232 = arith.addf %scan3A_2077, %get3A_2231 : vector<16xf32>
      %get3A_2233 = arith.index_cast %scan3A_2046 : i32 to index
      %get3A_2234 = arith.constant 1008 : index
      %get3A_2235 = tpu.vector_load %arg4[%get3A_2233, %get3A_2234] {strides = array<i32>} : memref<32x1024xf32, #tpu.memory_space<vmem>>, vector<1x16xf32>,
      %get3A_2236 = vector.shape_cast %get3A_2235 : vector<1x16xf32> to vector<16xf32>
      %add3A_2237 = arith.addf %scan3A_2078, %get3A_2236 : vector<16xf32>
      scf.yield %add3A_2082, %add3A_2087, %add3A_2092, %add3A_2097, %add3A_2102, %add3A_2107, %add3A_2112, %add3A_2117, %add3A_2122, %add3A_2127, %add3A_2132, %add3A_2137, %add3A_2142, %add3A_2147, %add3A_2152, %add3A_2157, %add3A_2162, %add3A_2167, %add3A_2172, %add3A_2177, %add3A_2182, %add3A_2187, %add3A_2192, %add3A_2197, %add3A_2202, %add3A_2207, %add3A_2212, %add3A_2217, %add3A_2222, %add3A_2227, %add3A_2232, %add3A_2237 : vector<16xf32>, vector<16xf32>, vector<16xf32>, vector<16xf32>, vector<16xf32>, vector<16xf32>, vector<16xf32>, vector<16xf32>, vector<16xf32>, vector<16xf32>, vector<16xf32>, vector<16xf32>, vector<16xf32>, vector<16xf32>, vector<16xf32>, vector<16xf32>, vector<16xf32>, vector<16xf32>, vector<16xf32>, vector<16xf32>, vector<16xf32>, vector<16xf32>, vector<16xf32>, vector<16xf32>, vector<16xf32>, vector<16xf32>, vector<16xf32>, vector<16xf32>, vector<16xf32>, vector<16xf32>, vector<16xf32>, vector<16xf32>
    }
    %scan3A_1515 = arith.constant 32 : i32
    %swap3A_1516 = arith.constant 512 : index
    %swap3A_1517 = tpu.vector_load %arg6[%swap3A_1516] {strides = array<i32>} : memref<1024xf32, #tpu.memory_space<vmem>>, vector<16xf32>,
    %swap3A_1518 = vector.shape_cast %swap3A_1517 : vector<16xf32> to vector<16xf32>
    %swap3A_1519 = vector.shape_cast %scan3A_1514#0 : vector<16xf32> to vector<16xf32>
    tpu.vector_store %arg6[%swap3A_1516], %swap3A_1519 {add = true, strides = array<i32>} : memref<1024xf32, #tpu.memory_space<vmem>>, vector<16xf32>,
    %swap3A_1520 = arith.constant 528 : index
    %swap3A_1521 = tpu.vector_load %arg6[%swap3A_1520] {strides = array<i32>} : memref<1024xf32, #tpu.memory_space<vmem>>, vector<16xf32>,
    %swap3A_1522 = vector.shape_cast %swap3A_1521 : vector<16xf32> to vector<16xf32>
    %swap3A_1523 = vector.shape_cast %scan3A_1514#1 : vector<16xf32> to vector<16xf32>
    tpu.vector_store %arg6[%swap3A_1520], %swap3A_1523 {add = true, strides = array<i32>} : memref<1024xf32, #tpu.memory_space<vmem>>, vector<16xf32>,
    %swap3A_1524 = arith.constant 544 : index
    %swap3A_1525 = tpu.vector_load %arg6[%swap3A_1524] {strides = array<i32>} : memref<1024xf32, #tpu.memory_space<vmem>>, vector<16xf32>,
    %swap3A_1526 = vector.shape_cast %swap3A_1525 : vector<16xf32> to vector<16xf32>
    %swap3A_1527 = vector.shape_cast %scan3A_1514#2 : vector<16xf32> to vector<16xf32>
    tpu.vector_store %arg6[%swap3A_1524], %swap3A_1527 {add = true, strides = array<i32>} : memref<1024xf32, #tpu.memory_space<vmem>>, vector<16xf32>,
    %swap3A_1528 = arith.constant 560 : index
    %swap3A_1529 = tpu.vector_load %arg6[%swap3A_1528] {strides = array<i32>} : memref<1024xf32, #tpu.memory_space<vmem>>, vector<16xf32>,
    %swap3A_1530 = vector.shape_cast %swap3A_1529 : vector<16xf32> to vector<16xf32>
    %swap3A_1531 = vector.shape_cast %scan3A_1514#3 : vector<16xf32> to vector<16xf32>
    tpu.vector_store %arg6[%swap3A_1528], %swap3A_1531 {add = true, strides = array<i32>} : memref<1024xf32, #tpu.memory_space<vmem>>, vector<16xf32>,
    %swap3A_1532 = arith.constant 576 : index
    %swap3A_1533 = tpu.vector_load %arg6[%swap3A_1532] {strides = array<i32>} : memref<1024xf32, #tpu.memory_space<vmem>>, vector<16xf32>,
    %swap3A_1534 = vector.shape_cast %swap3A_1533 : vector<16xf32> to vector<16xf32>
    %swap3A_1535 = vector.shape_cast %scan3A_1514#4 : vector<16xf32> to vector<16xf32>
    tpu.vector_store %arg6[%swap3A_1532], %swap3A_1535 {add = true, strides = array<i32>} : memref<1024xf32, #tpu.memory_space<vmem>>, vector<16xf32>,
    %swap3A_1536 = arith.constant 592 : index
    %swap3A_1537 = tpu.vector_load %arg6[%swap3A_1536] {strides = array<i32>} : memref<1024xf32, #tpu.memory_space<vmem>>, vector<16xf32>,
    %swap3A_1538 = vector.shape_cast %swap3A_1537 : vector<16xf32> to vector<16xf32>
    %swap3A_1539 = vector.shape_cast %scan3A_1514#5 : vector<16xf32> to vector<16xf32>
    tpu.vector_store %arg6[%swap3A_1536], %swap3A_1539 {add = true, strides = array<i32>} : memref<1024xf32, #tpu.memory_space<vmem>>, vector<16xf32>,
    %swap3A_1540 = arith.constant 608 : index
    %swap3A_1541 = tpu.vector_load %arg6[%swap3A_1540] {strides = array<i32>} : memref<1024xf32, #tpu.memory_space<vmem>>, vector<16xf32>,
    %swap3A_1542 = vector.shape_cast %swap3A_1541 : vector<16xf32> to vector<16xf32>
    %swap3A_1543 = vector.shape_cast %scan3A_1514#6 : vector<16xf32> to vector<16xf32>
    tpu.vector_store %arg6[%swap3A_1540], %swap3A_1543 {add = true, strides = array<i32>} : memref<1024xf32, #tpu.memory_space<vmem>>, vector<16xf32>,
    %swap3A_1544 = arith.constant 624 : index
    %swap3A_1545 = tpu.vector_load %arg6[%swap3A_1544] {strides = array<i32>} : memref<1024xf32, #tpu.memory_space<vmem>>, vector<16xf32>,
    %swap3A_1546 = vector.shape_cast %swap3A_1545 : vector<16xf32> to vector<16xf32>
    %swap3A_1547 = vector.shape_cast %scan3A_1514#7 : vector<16xf32> to vector<16xf32>
    tpu.vector_store %arg6[%swap3A_1544], %swap3A_1547 {add = true, strides = array<i32>} : memref<1024xf32, #tpu.memory_space<vmem>>, vector<16xf32>,
    %swap3A_1548 = arith.constant 640 : index
    %swap3A_1549 = tpu.vector_load %arg6[%swap3A_1548] {strides = array<i32>} : memref<1024xf32, #tpu.memory_space<vmem>>, vector<16xf32>,
    %swap3A_1550 = vector.shape_cast %swap3A_1549 : vector<16xf32> to vector<16xf32>
    %swap3A_1551 = vector.shape_cast %scan3A_1514#8 : vector<16xf32> to vector<16xf32>
    tpu.vector_store %arg6[%swap3A_1548], %swap3A_1551 {add = true, strides = array<i32>} : memref<1024xf32, #tpu.memory_space<vmem>>, vector<16xf32>,
    %swap3A_1552 = arith.constant 656 : index
    %swap3A_1553 = tpu.vector_load %arg6[%swap3A_1552] {strides = array<i32>} : memref<1024xf32, #tpu.memory_space<vmem>>, vector<16xf32>,
    %swap3A_1554 = vector.shape_cast %swap3A_1553 : vector<16xf32> to vector<16xf32>
    %swap3A_1555 = vector.shape_cast %scan3A_1514#9 : vector<16xf32> to vector<16xf32>
    tpu.vector_store %arg6[%swap3A_1552], %swap3A_1555 {add = true, strides = array<i32>} : memref<1024xf32, #tpu.memory_space<vmem>>, vector<16xf32>,
    %swap3A_1556 = arith.constant 672 : index
    %swap3A_1557 = tpu.vector_load %arg6[%swap3A_1556] {strides = array<i32>} : memref<1024xf32, #tpu.memory_space<vmem>>, vector<16xf32>,
    %swap3A_1558 = vector.shape_cast %swap3A_1557 : vector<16xf32> to vector<16xf32>
    %swap3A_1559 = vector.shape_cast %scan3A_1514#10 : vector<16xf32> to vector<16xf32>
    tpu.vector_store %arg6[%swap3A_1556], %swap3A_1559 {add = true, strides = array<i32>} : memref<1024xf32, #tpu.memory_space<vmem>>, vector<16xf32>,
    %swap3A_1560 = arith.constant 688 : index
    %swap3A_1561 = tpu.vector_load %arg6[%swap3A_1560] {strides = array<i32>} : memref<1024xf32, #tpu.memory_space<vmem>>, vector<16xf32>,
    %swap3A_1562 = vector.shape_cast %swap3A_1561 : vector<16xf32> to vector<16xf32>
    %swap3A_1563 = vector.shape_cast %scan3A_1514#11 : vector<16xf32> to vector<16xf32>
    tpu.vector_store %arg6[%swap3A_1560], %swap3A_1563 {add = true, strides = array<i32>} : memref<1024xf32, #tpu.memory_space<vmem>>, vector<16xf32>,
    %swap3A_1564 = arith.constant 704 : index
    %swap3A_1565 = tpu.vector_load %arg6[%swap3A_1564] {strides = array<i32>} : memref<1024xf32, #tpu.memory_space<vmem>>, vector<16xf32>,
    %swap3A_1566 = vector.shape_cast %swap3A_1565 : vector<16xf32> to vector<16xf32>
    %swap3A_1567 = vector.shape_cast %scan3A_1514#12 : vector<16xf32> to vector<16xf32>
    tpu.vector_store %arg6[%swap3A_1564], %swap3A_1567 {add = true, strides = array<i32>} : memref<1024xf32, #tpu.memory_space<vmem>>, vector<16xf32>,
    %swap3A_1568 = arith.constant 720 : index
    %swap3A_1569 = tpu.vector_load %arg6[%swap3A_1568] {strides = array<i32>} : memref<1024xf32, #tpu.memory_space<vmem>>, vector<16xf32>,
    %swap3A_1570 = vector.shape_cast %swap3A_1569 : vector<16xf32> to vector<16xf32>
    %swap3A_1571 = vector.shape_cast %scan3A_1514#13 : vector<16xf32> to vector<16xf32>
    tpu.vector_store %arg6[%swap3A_1568], %swap3A_1571 {add = true, strides = array<i32>} : memref<1024xf32, #tpu.memory_space<vmem>>, vector<16xf32>,
    %swap3A_1572 = arith.constant 736 : index
    %swap3A_1573 = tpu.vector_load %arg6[%swap3A_1572] {strides = array<i32>} : memref<1024xf32, #tpu.memory_space<vmem>>, vector<16xf32>,
    %swap3A_1574 = vector.shape_cast %swap3A_1573 : vector<16xf32> to vector<16xf32>
    %swap3A_1575 = vector.shape_cast %scan3A_1514#14 : vector<16xf32> to vector<16xf32>
    tpu.vector_store %arg6[%swap3A_1572], %swap3A_1575 {add = true, strides = array<i32>} : memref<1024xf32, #tpu.memory_space<vmem>>, vector<16xf32>,
    %swap3A_1576 = arith.constant 752 : index
    %swap3A_1577 = tpu.vector_load %arg6[%swap3A_1576] {strides = array<i32>} : memref<1024xf32, #tpu.memory_space<vmem>>, vector<16xf32>,
    %swap3A_1578 = vector.shape_cast %swap3A_1577 : vector<16xf32> to vector<16xf32>
    %swap3A_1579 = vector.shape_cast %scan3A_1514#15 : vector<16xf32> to vector<16xf32>
    tpu.vector_store %arg6[%swap3A_1576], %swap3A_1579 {add = true, strides = array<i32>} : memref<1024xf32, #tpu.memory_space<vmem>>, vector<16xf32>,
    %swap3A_1580 = arith.constant 768 : index
    %swap3A_1581 = tpu.vector_load %arg6[%swap3A_1580] {strides = array<i32>} : memref<1024xf32, #tpu.memory_space<vmem>>, vector<16xf32>,
    %swap3A_1582 = vector.shape_cast %swap3A_1581 : vector<16xf32> to vector<16xf32>
    %swap3A_1583 = vector.shape_cast %scan3A_1514#16 : vector<16xf32> to vector<16xf32>
    tpu.vector_store %arg6[%swap3A_1580], %swap3A_1583 {add = true, strides = array<i32>} : memref<1024xf32, #tpu.memory_space<vmem>>, vector<16xf32>,
    %swap3A_1584 = arith.constant 784 : index
    %swap3A_1585 = tpu.vector_load %arg6[%swap3A_1584] {strides = array<i32>} : memref<1024xf32, #tpu.memory_space<vmem>>, vector<16xf32>,
    %swap3A_1586 = vector.shape_cast %swap3A_1585 : vector<16xf32> to vector<16xf32>
    %swap3A_1587 = vector.shape_cast %scan3A_1514#17 : vector<16xf32> to vector<16xf32>
    tpu.vector_store %arg6[%swap3A_1584], %swap3A_1587 {add = true, strides = array<i32>} : memref<1024xf32, #tpu.memory_space<vmem>>, vector<16xf32>,
    %swap3A_1588 = arith.constant 800 : index
    %swap3A_1589 = tpu.vector_load %arg6[%swap3A_1588] {strides = array<i32>} : memref<1024xf32, #tpu.memory_space<vmem>>, vector<16xf32>,
    %swap3A_1590 = vector.shape_cast %swap3A_1589 : vector<16xf32> to vector<16xf32>
    %swap3A_1591 = vector.shape_cast %scan3A_1514#18 : vector<16xf32> to vector<16xf32>
    tpu.vector_store %arg6[%swap3A_1588], %swap3A_1591 {add = true, strides = array<i32>} : memref<1024xf32, #tpu.memory_space<vmem>>, vector<16xf32>,
    %swap3A_1592 = arith.constant 816 : index
    %swap3A_1593 = tpu.vector_load %arg6[%swap3A_1592] {strides = array<i32>} : memref<1024xf32, #tpu.memory_space<vmem>>, vector<16xf32>,
    %swap3A_1594 = vector.shape_cast %swap3A_1593 : vector<16xf32> to vector<16xf32>
    %swap3A_1595 = vector.shape_cast %scan3A_1514#19 : vector<16xf32> to vector<16xf32>
    tpu.vector_store %arg6[%swap3A_1592], %swap3A_1595 {add = true, strides = array<i32>} : memref<1024xf32, #tpu.memory_space<vmem>>, vector<16xf32>,
    %swap3A_1596 = arith.constant 832 : index
    %swap3A_1597 = tpu.vector_load %arg6[%swap3A_1596] {strides = array<i32>} : memref<1024xf32, #tpu.memory_space<vmem>>, vector<16xf32>,
    %swap3A_1598 = vector.shape_cast %swap3A_1597 : vector<16xf32> to vector<16xf32>
    %swap3A_1599 = vector.shape_cast %scan3A_1514#20 : vector<16xf32> to vector<16xf32>
    tpu.vector_store %arg6[%swap3A_1596], %swap3A_1599 {add = true, strides = array<i32>} : memref<1024xf32, #tpu.memory_space<vmem>>, vector<16xf32>,
    %swap3A_1600 = arith.constant 848 : index
    %swap3A_1601 = tpu.vector_load %arg6[%swap3A_1600] {strides = array<i32>} : memref<1024xf32, #tpu.memory_space<vmem>>, vector<16xf32>,
    %swap3A_1602 = vector.shape_cast %swap3A_1601 : vector<16xf32> to vector<16xf32>
    %swap3A_1603 = vector.shape_cast %scan3A_1514#21 : vector<16xf32> to vector<16xf32>
    tpu.vector_store %arg6[%swap3A_1600], %swap3A_1603 {add = true, strides = array<i32>} : memref<1024xf32, #tpu.memory_space<vmem>>, vector<16xf32>,
    %swap3A_1604 = arith.constant 864 : index
    %swap3A_1605 = tpu.vector_load %arg6[%swap3A_1604] {strides = array<i32>} : memref<1024xf32, #tpu.memory_space<vmem>>, vector<16xf32>,
    %swap3A_1606 = vector.shape_cast %swap3A_1605 : vector<16xf32> to vector<16xf32>
    %swap3A_1607 = vector.shape_cast %scan3A_1514#22 : vector<16xf32> to vector<16xf32>
    tpu.vector_store %arg6[%swap3A_1604], %swap3A_1607 {add = true, strides = array<i32>} : memref<1024xf32, #tpu.memory_space<vmem>>, vector<16xf32>,
    %swap3A_1608 = arith.constant 880 : index
    %swap3A_1609 = tpu.vector_load %arg6[%swap3A_1608] {strides = array<i32>} : memref<1024xf32, #tpu.memory_space<vmem>>, vector<16xf32>,
    %swap3A_1610 = vector.shape_cast %swap3A_1609 : vector<16xf32> to vector<16xf32>
    %swap3A_1611 = vector.shape_cast %scan3A_1514#23 : vector<16xf32> to vector<16xf32>
    tpu.vector_store %arg6[%swap3A_1608], %swap3A_1611 {add = true, strides = array<i32>} : memref<1024xf32, #tpu.memory_space<vmem>>, vector<16xf32>,
    %swap3A_1612 = arith.constant 896 : index
    %swap3A_1613 = tpu.vector_load %arg6[%swap3A_1612] {strides = array<i32>} : memref<1024xf32, #tpu.memory_space<vmem>>, vector<16xf32>,
    %swap3A_1614 = vector.shape_cast %swap3A_1613 : vector<16xf32> to vector<16xf32>
    %swap3A_1615 = vector.shape_cast %scan3A_1514#24 : vector<16xf32> to vector<16xf32>
    tpu.vector_store %arg6[%swap3A_1612], %swap3A_1615 {add = true, strides = array<i32>} : memref<1024xf32, #tpu.memory_space<vmem>>, vector<16xf32>,
    %swap3A_1616 = arith.constant 912 : index
    %swap3A_1617 = tpu.vector_load %arg6[%swap3A_1616] {strides = array<i32>} : memref<1024xf32, #tpu.memory_space<vmem>>, vector<16xf32>,
    %swap3A_1618 = vector.shape_cast %swap3A_1617 : vector<16xf32> to vector<16xf32>
    %swap3A_1619 = vector.shape_cast %scan3A_1514#25 : vector<16xf32> to vector<16xf32>
    tpu.vector_store %arg6[%swap3A_1616], %swap3A_1619 {add = true, strides = array<i32>} : memref<1024xf32, #tpu.memory_space<vmem>>, vector<16xf32>,
    %swap3A_1620 = arith.constant 928 : index
    %swap3A_1621 = tpu.vector_load %arg6[%swap3A_1620] {strides = array<i32>} : memref<1024xf32, #tpu.memory_space<vmem>>, vector<16xf32>,
    %swap3A_1622 = vector.shape_cast %swap3A_1621 : vector<16xf32> to vector<16xf32>
    %swap3A_1623 = vector.shape_cast %scan3A_1514#26 : vector<16xf32> to vector<16xf32>
    tpu.vector_store %arg6[%swap3A_1620], %swap3A_1623 {add = true, strides = array<i32>} : memref<1024xf32, #tpu.memory_space<vmem>>, vector<16xf32>,
    %swap3A_1624 = arith.constant 944 : index
    %swap3A_1625 = tpu.vector_load %arg6[%swap3A_1624] {strides = array<i32>} : memref<1024xf32, #tpu.memory_space<vmem>>, vector<16xf32>,
    %swap3A_1626 = vector.shape_cast %swap3A_1625 : vector<16xf32> to vector<16xf32>
    %swap3A_1627 = vector.shape_cast %scan3A_1514#27 : vector<16xf32> to vector<16xf32>
    tpu.vector_store %arg6[%swap3A_1624], %swap3A_1627 {add = true, strides = array<i32>} : memref<1024xf32, #tpu.memory_space<vmem>>, vector<16xf32>,
    %swap3A_1628 = arith.constant 960 : index
    %swap3A_1629 = tpu.vector_load %arg6[%swap3A_1628] {strides = array<i32>} : memref<1024xf32, #tpu.memory_space<vmem>>, vector<16xf32>,
    %swap3A_1630 = vector.shape_cast %swap3A_1629 : vector<16xf32> to vector<16xf32>
    %swap3A_1631 = vector.shape_cast %scan3A_1514#28 : vector<16xf32> to vector<16xf32>
    tpu.vector_store %arg6[%swap3A_1628], %swap3A_1631 {add = true, strides = array<i32>} : memref<1024xf32, #tpu.memory_space<vmem>>, vector<16xf32>,
    %swap3A_1632 = arith.constant 976 : index
    %swap3A_1633 = tpu.vector_load %arg6[%swap3A_1632] {strides = array<i32>} : memref<1024xf32, #tpu.memory_space<vmem>>, vector<16xf32>,
    %swap3A_1634 = vector.shape_cast %swap3A_1633 : vector<16xf32> to vector<16xf32>
    %swap3A_1635 = vector.shape_cast %scan3A_1514#29 : vector<16xf32> to vector<16xf32>
    tpu.vector_store %arg6[%swap3A_1632], %swap3A_1635 {add = true, strides = array<i32>} : memref<1024xf32, #tpu.memory_space<vmem>>, vector<16xf32>,
    %swap3A_1636 = arith.constant 992 : index
    %swap3A_1637 = tpu.vector_load %arg6[%swap3A_1636] {strides = array<i32>} : memref<1024xf32, #tpu.memory_space<vmem>>, vector<16xf32>,
    %swap3A_1638 = vector.shape_cast %swap3A_1637 : vector<16xf32> to vector<16xf32>
    %swap3A_1639 = vector.shape_cast %scan3A_1514#30 : vector<16xf32> to vector<16xf32>
    tpu.vector_store %arg6[%swap3A_1636], %swap3A_1639 {add = true, strides = array<i32>} : memref<1024xf32, #tpu.memory_space<vmem>>, vector<16xf32>,
    %swap3A_1640 = arith.constant 1008 : index
    %swap3A_1641 = tpu.vector_load %arg6[%swap3A_1640] {strides = array<i32>} : memref<1024xf32, #tpu.memory_space<vmem>>, vector<16xf32>,
    %swap3A_1642 = vector.shape_cast %swap3A_1641 : vector<16xf32> to vector<16xf32>
    %swap3A_1643 = vector.shape_cast %scan3A_1514#31 : vector<16xf32> to vector<16xf32>
    tpu.vector_store %arg6[%swap3A_1640], %swap3A_1643 {add = true, strides = array<i32>} : memref<1024xf32, #tpu.memory_space<vmem>>, vector<16xf32>,
    %add3A_1644 = arith.constant 96 : i32
    %add3A_1645 = arith.addi %add3A_34, %add3A_1644 : i32
    %dma_wait3A_1646 = arith.constant 0 : i32
    %dma_wait3A_1647 = tpu.memref_slice %arg2[%add3A_1645, %dma_wait3A_1646] : memref<16384x1024xf32, #tpu.memory_space<hbm>> -> memref<32x1024xf32, #tpu.memory_space<hbm>>
    %dma_wait3A_1648 = arith.constant 0 : i32
    %dma_wait3A_1649 = tpu.memref_slice %arg2[%add3A_1645, %dma_wait3A_1648] : memref<16384x1024xf32, #tpu.memory_space<hbm>> -> memref<32x1024xf32, #tpu.memory_space<hbm>>
    tpu.wait_dma2 semaphore(%arg8 : memref<!tpu.dma_semaphore, #tpu.memory_space<semaphore_mem>>) src(%dma_wait3A_1649 : memref<32x1024xf32, #tpu.memory_space<hbm>>) dst(%arg5 : memref<32x1024xf32, #tpu.memory_space<vmem>>)
    %broadcast_in_dim3A_1650 = arith.constant 0.000000e+00 : f32
    %broadcast_in_dim3A_1651 = vector.broadcast %broadcast_in_dim3A_1650 : f32 to vector<16xf32>
    %broadcast_in_dim3A_1652 = arith.constant 0.000000e+00 : f32
    %broadcast_in_dim3A_1653 = vector.broadcast %broadcast_in_dim3A_1652 : f32 to vector<16xf32>
    %broadcast_in_dim3A_1654 = arith.constant 0.000000e+00 : f32
    %broadcast_in_dim3A_1655 = vector.broadcast %broadcast_in_dim3A_1654 : f32 to vector<16xf32>
    %broadcast_in_dim3A_1656 = arith.constant 0.000000e+00 : f32
    %broadcast_in_dim3A_1657 = vector.broadcast %broadcast_in_dim3A_1656 : f32 to vector<16xf32>
    %broadcast_in_dim3A_1658 = arith.constant 0.000000e+00 : f32
    %broadcast_in_dim3A_1659 = vector.broadcast %broadcast_in_dim3A_1658 : f32 to vector<16xf32>
    %broadcast_in_dim3A_1660 = arith.constant 0.000000e+00 : f32
    %broadcast_in_dim3A_1661 = vector.broadcast %broadcast_in_dim3A_1660 : f32 to vector<16xf32>
    %broadcast_in_dim3A_1662 = arith.constant 0.000000e+00 : f32
    %broadcast_in_dim3A_1663 = vector.broadcast %broadcast_in_dim3A_1662 : f32 to vector<16xf32>
    %broadcast_in_dim3A_1664 = arith.constant 0.000000e+00 : f32
    %broadcast_in_dim3A_1665 = vector.broadcast %broadcast_in_dim3A_1664 : f32 to vector<16xf32>
    %broadcast_in_dim3A_1666 = arith.constant 0.000000e+00 : f32
    %broadcast_in_dim3A_1667 = vector.broadcast %broadcast_in_dim3A_1666 : f32 to vector<16xf32>
    %broadcast_in_dim3A_1668 = arith.constant 0.000000e+00 : f32
    %broadcast_in_dim3A_1669 = vector.broadcast %broadcast_in_dim3A_1668 : f32 to vector<16xf32>
    %broadcast_in_dim3A_1670 = arith.constant 0.000000e+00 : f32
    %broadcast_in_dim3A_1671 = vector.broadcast %broadcast_in_dim3A_1670 : f32 to vector<16xf32>
    %broadcast_in_dim3A_1672 = arith.constant 0.000000e+00 : f32
    %broadcast_in_dim3A_1673 = vector.broadcast %broadcast_in_dim3A_1672 : f32 to vector<16xf32>
    %broadcast_in_dim3A_1674 = arith.constant 0.000000e+00 : f32
    %broadcast_in_dim3A_1675 = vector.broadcast %broadcast_in_dim3A_1674 : f32 to vector<16xf32>
    %broadcast_in_dim3A_1676 = arith.constant 0.000000e+00 : f32
    %broadcast_in_dim3A_1677 = vector.broadcast %broadcast_in_dim3A_1676 : f32 to vector<16xf32>
    %broadcast_in_dim3A_1678 = arith.constant 0.000000e+00 : f32
    %broadcast_in_dim3A_1679 = vector.broadcast %broadcast_in_dim3A_1678 : f32 to vector<16xf32>
    %broadcast_in_dim3A_1680 = arith.constant 0.000000e+00 : f32
    %broadcast_in_dim3A_1681 = vector.broadcast %broadcast_in_dim3A_1680 : f32 to vector<16xf32>
    %broadcast_in_dim3A_1682 = arith.constant 0.000000e+00 : f32
    %broadcast_in_dim3A_1683 = vector.broadcast %broadcast_in_dim3A_1682 : f32 to vector<16xf32>
    %broadcast_in_dim3A_1684 = arith.constant 0.000000e+00 : f32
    %broadcast_in_dim3A_1685 = vector.broadcast %broadcast_in_dim3A_1684 : f32 to vector<16xf32>
    %broadcast_in_dim3A_1686 = arith.constant 0.000000e+00 : f32
    %broadcast_in_dim3A_1687 = vector.broadcast %broadcast_in_dim3A_1686 : f32 to vector<16xf32>
    %broadcast_in_dim3A_1688 = arith.constant 0.000000e+00 : f32
    %broadcast_in_dim3A_1689 = vector.broadcast %broadcast_in_dim3A_1688 : f32 to vector<16xf32>
    %broadcast_in_dim3A_1690 = arith.constant 0.000000e+00 : f32
    %broadcast_in_dim3A_1691 = vector.broadcast %broadcast_in_dim3A_1690 : f32 to vector<16xf32>
    %broadcast_in_dim3A_1692 = arith.constant 0.000000e+00 : f32
    %broadcast_in_dim3A_1693 = vector.broadcast %broadcast_in_dim3A_1692 : f32 to vector<16xf32>
    %broadcast_in_dim3A_1694 = arith.constant 0.000000e+00 : f32
    %broadcast_in_dim3A_1695 = vector.broadcast %broadcast_in_dim3A_1694 : f32 to vector<16xf32>
    %broadcast_in_dim3A_1696 = arith.constant 0.000000e+00 : f32
    %broadcast_in_dim3A_1697 = vector.broadcast %broadcast_in_dim3A_1696 : f32 to vector<16xf32>
    %broadcast_in_dim3A_1698 = arith.constant 0.000000e+00 : f32
    %broadcast_in_dim3A_1699 = vector.broadcast %broadcast_in_dim3A_1698 : f32 to vector<16xf32>
    %broadcast_in_dim3A_1700 = arith.constant 0.000000e+00 : f32
    %broadcast_in_dim3A_1701 = vector.broadcast %broadcast_in_dim3A_1700 : f32 to vector<16xf32>
    %broadcast_in_dim3A_1702 = arith.constant 0.000000e+00 : f32
    %broadcast_in_dim3A_1703 = vector.broadcast %broadcast_in_dim3A_1702 : f32 to vector<16xf32>
    %broadcast_in_dim3A_1704 = arith.constant 0.000000e+00 : f32
    %broadcast_in_dim3A_1705 = vector.broadcast %broadcast_in_dim3A_1704 : f32 to vector<16xf32>
    %broadcast_in_dim3A_1706 = arith.constant 0.000000e+00 : f32
    %broadcast_in_dim3A_1707 = vector.broadcast %broadcast_in_dim3A_1706 : f32 to vector<16xf32>
    %broadcast_in_dim3A_1708 = arith.constant 0.000000e+00 : f32
    %broadcast_in_dim3A_1709 = vector.broadcast %broadcast_in_dim3A_1708 : f32 to vector<16xf32>
    %broadcast_in_dim3A_1710 = arith.constant 0.000000e+00 : f32
    %broadcast_in_dim3A_1711 = vector.broadcast %broadcast_in_dim3A_1710 : f32 to vector<16xf32>
    %broadcast_in_dim3A_1712 = arith.constant 0.000000e+00 : f32
    %broadcast_in_dim3A_1713 = vector.broadcast %broadcast_in_dim3A_1712 : f32 to vector<16xf32>
    %scan3A_1714 = arith.constant 0 : i32
    %scan3A_1715 = arith.constant 32 : i32
    %scan3A_1716 = arith.addi %scan3A_1714, %scan3A_1715 : i32
    %scan3A_1717 = arith.constant 1 : i32
    %scan3A_1718:32 = scf.for %scan3A_2046 = %scan3A_1714 to %scan3A_1716 step %scan3A_1717 iter_args(%scan3A_2047 = %broadcast_in_dim3A_1651, %scan3A_2048 = %broadcast_in_dim3A_1653, %scan3A_2049 = %broadcast_in_dim3A_1655, %scan3A_2050 = %broadcast_in_dim3A_1657, %scan3A_2051 = %broadcast_in_dim3A_1659, %scan3A_2052 = %broadcast_in_dim3A_1661, %scan3A_2053 = %broadcast_in_dim3A_1663, %scan3A_2054 = %broadcast_in_dim3A_1665, %scan3A_2055 = %broadcast_in_dim3A_1667, %scan3A_2056 = %broadcast_in_dim3A_1669, %scan3A_2057 = %broadcast_in_dim3A_1671, %scan3A_2058 = %broadcast_in_dim3A_1673, %scan3A_2059 = %broadcast_in_dim3A_1675, %scan3A_2060 = %broadcast_in_dim3A_1677, %scan3A_2061 = %broadcast_in_dim3A_1679, %scan3A_2062 = %broadcast_in_dim3A_1681, %scan3A_2063 = %broadcast_in_dim3A_1683, %scan3A_2064 = %broadcast_in_dim3A_1685, %scan3A_2065 = %broadcast_in_dim3A_1687, %scan3A_2066 = %broadcast_in_dim3A_1689, %scan3A_2067 = %broadcast_in_dim3A_1691, %scan3A_2068 = %broadcast_in_dim3A_1693, %scan3A_2069 = %broadcast_in_dim3A_1695, %scan3A_2070 = %broadcast_in_dim3A_1697, %scan3A_2071 = %broadcast_in_dim3A_1699, %scan3A_2072 = %broadcast_in_dim3A_1701, %scan3A_2073 = %broadcast_in_dim3A_1703, %scan3A_2074 = %broadcast_in_dim3A_1705, %scan3A_2075 = %broadcast_in_dim3A_1707, %scan3A_2076 = %broadcast_in_dim3A_1709, %scan3A_2077 = %broadcast_in_dim3A_1711, %scan3A_2078 = %broadcast_in_dim3A_1713) -> (vector<16xf32>, vector<16xf32>, vector<16xf32>, vector<16xf32>, vector<16xf32>, vector<16xf32>, vector<16xf32>, vector<16xf32>, vector<16xf32>, vector<16xf32>, vector<16xf32>, vector<16xf32>, vector<16xf32>, vector<16xf32>, vector<16xf32>, vector<16xf32>, vector<16xf32>, vector<16xf32>, vector<16xf32>, vector<16xf32>, vector<16xf32>, vector<16xf32>, vector<16xf32>, vector<16xf32>, vector<16xf32>, vector<16xf32>, vector<16xf32>, vector<16xf32>, vector<16xf32>, vector<16xf32>, vector<16xf32>, vector<16xf32>)  : i32 {
      %get3A = arith.index_cast %scan3A_2046 : i32 to index
      %get3A_2079 = arith.constant 0 : index
      %get3A_2080 = tpu.vector_load %arg5[%get3A, %get3A_2079] {strides = array<i32>} : memref<32x1024xf32, #tpu.memory_space<vmem>>, vector<1x16xf32>,
      %get3A_2081 = vector.shape_cast %get3A_2080 : vector<1x16xf32> to vector<16xf32>
      %add3A_2082 = arith.addf %scan3A_2047, %get3A_2081 : vector<16xf32>
      %get3A_2083 = arith.index_cast %scan3A_2046 : i32 to index
      %get3A_2084 = arith.constant 16 : index
      %get3A_2085 = tpu.vector_load %arg5[%get3A_2083, %get3A_2084] {strides = array<i32>} : memref<32x1024xf32, #tpu.memory_space<vmem>>, vector<1x16xf32>,
      %get3A_2086 = vector.shape_cast %get3A_2085 : vector<1x16xf32> to vector<16xf32>
      %add3A_2087 = arith.addf %scan3A_2048, %get3A_2086 : vector<16xf32>
      %get3A_2088 = arith.index_cast %scan3A_2046 : i32 to index
      %get3A_2089 = arith.constant 32 : index
      %get3A_2090 = tpu.vector_load %arg5[%get3A_2088, %get3A_2089] {strides = array<i32>} : memref<32x1024xf32, #tpu.memory_space<vmem>>, vector<1x16xf32>,
      %get3A_2091 = vector.shape_cast %get3A_2090 : vector<1x16xf32> to vector<16xf32>
      %add3A_2092 = arith.addf %scan3A_2049, %get3A_2091 : vector<16xf32>
      %get3A_2093 = arith.index_cast %scan3A_2046 : i32 to index
      %get3A_2094 = arith.constant 48 : index
      %get3A_2095 = tpu.vector_load %arg5[%get3A_2093, %get3A_2094] {strides = array<i32>} : memref<32x1024xf32, #tpu.memory_space<vmem>>, vector<1x16xf32>,
      %get3A_2096 = vector.shape_cast %get3A_2095 : vector<1x16xf32> to vector<16xf32>
      %add3A_2097 = arith.addf %scan3A_2050, %get3A_2096 : vector<16xf32>
      %get3A_2098 = arith.index_cast %scan3A_2046 : i32 to index
      %get3A_2099 = arith.constant 64 : index
      %get3A_2100 = tpu.vector_load %arg5[%get3A_2098, %get3A_2099] {strides = array<i32>} : memref<32x1024xf32, #tpu.memory_space<vmem>>, vector<1x16xf32>,
      %get3A_2101 = vector.shape_cast %get3A_2100 : vector<1x16xf32> to vector<16xf32>
      %add3A_2102 = arith.addf %scan3A_2051, %get3A_2101 : vector<16xf32>
      %get3A_2103 = arith.index_cast %scan3A_2046 : i32 to index
      %get3A_2104 = arith.constant 80 : index
      %get3A_2105 = tpu.vector_load %arg5[%get3A_2103, %get3A_2104] {strides = array<i32>} : memref<32x1024xf32, #tpu.memory_space<vmem>>, vector<1x16xf32>,
      %get3A_2106 = vector.shape_cast %get3A_2105 : vector<1x16xf32> to vector<16xf32>
      %add3A_2107 = arith.addf %scan3A_2052, %get3A_2106 : vector<16xf32>
      %get3A_2108 = arith.index_cast %scan3A_2046 : i32 to index
      %get3A_2109 = arith.constant 96 : index
      %get3A_2110 = tpu.vector_load %arg5[%get3A_2108, %get3A_2109] {strides = array<i32>} : memref<32x1024xf32, #tpu.memory_space<vmem>>, vector<1x16xf32>,
      %get3A_2111 = vector.shape_cast %get3A_2110 : vector<1x16xf32> to vector<16xf32>
      %add3A_2112 = arith.addf %scan3A_2053, %get3A_2111 : vector<16xf32>
      %get3A_2113 = arith.index_cast %scan3A_2046 : i32 to index
      %get3A_2114 = arith.constant 112 : index
      %get3A_2115 = tpu.vector_load %arg5[%get3A_2113, %get3A_2114] {strides = array<i32>} : memref<32x1024xf32, #tpu.memory_space<vmem>>, vector<1x16xf32>,
      %get3A_2116 = vector.shape_cast %get3A_2115 : vector<1x16xf32> to vector<16xf32>
      %add3A_2117 = arith.addf %scan3A_2054, %get3A_2116 : vector<16xf32>
      %get3A_2118 = arith.index_cast %scan3A_2046 : i32 to index
      %get3A_2119 = arith.constant 128 : index
      %get3A_2120 = tpu.vector_load %arg5[%get3A_2118, %get3A_2119] {strides = array<i32>} : memref<32x1024xf32, #tpu.memory_space<vmem>>, vector<1x16xf32>,
      %get3A_2121 = vector.shape_cast %get3A_2120 : vector<1x16xf32> to vector<16xf32>
      %add3A_2122 = arith.addf %scan3A_2055, %get3A_2121 : vector<16xf32>
      %get3A_2123 = arith.index_cast %scan3A_2046 : i32 to index
      %get3A_2124 = arith.constant 144 : index
      %get3A_2125 = tpu.vector_load %arg5[%get3A_2123, %get3A_2124] {strides = array<i32>} : memref<32x1024xf32, #tpu.memory_space<vmem>>, vector<1x16xf32>,
      %get3A_2126 = vector.shape_cast %get3A_2125 : vector<1x16xf32> to vector<16xf32>
      %add3A_2127 = arith.addf %scan3A_2056, %get3A_2126 : vector<16xf32>
      %get3A_2128 = arith.index_cast %scan3A_2046 : i32 to index
      %get3A_2129 = arith.constant 160 : index
      %get3A_2130 = tpu.vector_load %arg5[%get3A_2128, %get3A_2129] {strides = array<i32>} : memref<32x1024xf32, #tpu.memory_space<vmem>>, vector<1x16xf32>,
      %get3A_2131 = vector.shape_cast %get3A_2130 : vector<1x16xf32> to vector<16xf32>
      %add3A_2132 = arith.addf %scan3A_2057, %get3A_2131 : vector<16xf32>
      %get3A_2133 = arith.index_cast %scan3A_2046 : i32 to index
      %get3A_2134 = arith.constant 176 : index
      %get3A_2135 = tpu.vector_load %arg5[%get3A_2133, %get3A_2134] {strides = array<i32>} : memref<32x1024xf32, #tpu.memory_space<vmem>>, vector<1x16xf32>,
      %get3A_2136 = vector.shape_cast %get3A_2135 : vector<1x16xf32> to vector<16xf32>
      %add3A_2137 = arith.addf %scan3A_2058, %get3A_2136 : vector<16xf32>
      %get3A_2138 = arith.index_cast %scan3A_2046 : i32 to index
      %get3A_2139 = arith.constant 192 : index
      %get3A_2140 = tpu.vector_load %arg5[%get3A_2138, %get3A_2139] {strides = array<i32>} : memref<32x1024xf32, #tpu.memory_space<vmem>>, vector<1x16xf32>,
      %get3A_2141 = vector.shape_cast %get3A_2140 : vector<1x16xf32> to vector<16xf32>
      %add3A_2142 = arith.addf %scan3A_2059, %get3A_2141 : vector<16xf32>
      %get3A_2143 = arith.index_cast %scan3A_2046 : i32 to index
      %get3A_2144 = arith.constant 208 : index
      %get3A_2145 = tpu.vector_load %arg5[%get3A_2143, %get3A_2144] {strides = array<i32>} : memref<32x1024xf32, #tpu.memory_space<vmem>>, vector<1x16xf32>,
      %get3A_2146 = vector.shape_cast %get3A_2145 : vector<1x16xf32> to vector<16xf32>
      %add3A_2147 = arith.addf %scan3A_2060, %get3A_2146 : vector<16xf32>
      %get3A_2148 = arith.index_cast %scan3A_2046 : i32 to index
      %get3A_2149 = arith.constant 224 : index
      %get3A_2150 = tpu.vector_load %arg5[%get3A_2148, %get3A_2149] {strides = array<i32>} : memref<32x1024xf32, #tpu.memory_space<vmem>>, vector<1x16xf32>,
      %get3A_2151 = vector.shape_cast %get3A_2150 : vector<1x16xf32> to vector<16xf32>
      %add3A_2152 = arith.addf %scan3A_2061, %get3A_2151 : vector<16xf32>
      %get3A_2153 = arith.index_cast %scan3A_2046 : i32 to index
      %get3A_2154 = arith.constant 240 : index
      %get3A_2155 = tpu.vector_load %arg5[%get3A_2153, %get3A_2154] {strides = array<i32>} : memref<32x1024xf32, #tpu.memory_space<vmem>>, vector<1x16xf32>,
      %get3A_2156 = vector.shape_cast %get3A_2155 : vector<1x16xf32> to vector<16xf32>
      %add3A_2157 = arith.addf %scan3A_2062, %get3A_2156 : vector<16xf32>
      %get3A_2158 = arith.index_cast %scan3A_2046 : i32 to index
      %get3A_2159 = arith.constant 256 : index
      %get3A_2160 = tpu.vector_load %arg5[%get3A_2158, %get3A_2159] {strides = array<i32>} : memref<32x1024xf32, #tpu.memory_space<vmem>>, vector<1x16xf32>,
      %get3A_2161 = vector.shape_cast %get3A_2160 : vector<1x16xf32> to vector<16xf32>
      %add3A_2162 = arith.addf %scan3A_2063, %get3A_2161 : vector<16xf32>
      %get3A_2163 = arith.index_cast %scan3A_2046 : i32 to index
      %get3A_2164 = arith.constant 272 : index
      %get3A_2165 = tpu.vector_load %arg5[%get3A_2163, %get3A_2164] {strides = array<i32>} : memref<32x1024xf32, #tpu.memory_space<vmem>>, vector<1x16xf32>,
      %get3A_2166 = vector.shape_cast %get3A_2165 : vector<1x16xf32> to vector<16xf32>
      %add3A_2167 = arith.addf %scan3A_2064, %get3A_2166 : vector<16xf32>
      %get3A_2168 = arith.index_cast %scan3A_2046 : i32 to index
      %get3A_2169 = arith.constant 288 : index
      %get3A_2170 = tpu.vector_load %arg5[%get3A_2168, %get3A_2169] {strides = array<i32>} : memref<32x1024xf32, #tpu.memory_space<vmem>>, vector<1x16xf32>,
      %get3A_2171 = vector.shape_cast %get3A_2170 : vector<1x16xf32> to vector<16xf32>
      %add3A_2172 = arith.addf %scan3A_2065, %get3A_2171 : vector<16xf32>
      %get3A_2173 = arith.index_cast %scan3A_2046 : i32 to index
      %get3A_2174 = arith.constant 304 : index
      %get3A_2175 = tpu.vector_load %arg5[%get3A_2173, %get3A_2174] {strides = array<i32>} : memref<32x1024xf32, #tpu.memory_space<vmem>>, vector<1x16xf32>,
      %get3A_2176 = vector.shape_cast %get3A_2175 : vector<1x16xf32> to vector<16xf32>
      %add3A_2177 = arith.addf %scan3A_2066, %get3A_2176 : vector<16xf32>
      %get3A_2178 = arith.index_cast %scan3A_2046 : i32 to index
      %get3A_2179 = arith.constant 320 : index
      %get3A_2180 = tpu.vector_load %arg5[%get3A_2178, %get3A_2179] {strides = array<i32>} : memref<32x1024xf32, #tpu.memory_space<vmem>>, vector<1x16xf32>,
      %get3A_2181 = vector.shape_cast %get3A_2180 : vector<1x16xf32> to vector<16xf32>
      %add3A_2182 = arith.addf %scan3A_2067, %get3A_2181 : vector<16xf32>
      %get3A_2183 = arith.index_cast %scan3A_2046 : i32 to index
      %get3A_2184 = arith.constant 336 : index
      %get3A_2185 = tpu.vector_load %arg5[%get3A_2183, %get3A_2184] {strides = array<i32>} : memref<32x1024xf32, #tpu.memory_space<vmem>>, vector<1x16xf32>,
      %get3A_2186 = vector.shape_cast %get3A_2185 : vector<1x16xf32> to vector<16xf32>
      %add3A_2187 = arith.addf %scan3A_2068, %get3A_2186 : vector<16xf32>
      %get3A_2188 = arith.index_cast %scan3A_2046 : i32 to index
      %get3A_2189 = arith.constant 352 : index
      %get3A_2190 = tpu.vector_load %arg5[%get3A_2188, %get3A_2189] {strides = array<i32>} : memref<32x1024xf32, #tpu.memory_space<vmem>>, vector<1x16xf32>,
      %get3A_2191 = vector.shape_cast %get3A_2190 : vector<1x16xf32> to vector<16xf32>
      %add3A_2192 = arith.addf %scan3A_2069, %get3A_2191 : vector<16xf32>
      %get3A_2193 = arith.index_cast %scan3A_2046 : i32 to index
      %get3A_2194 = arith.constant 368 : index
      %get3A_2195 = tpu.vector_load %arg5[%get3A_2193, %get3A_2194] {strides = array<i32>} : memref<32x1024xf32, #tpu.memory_space<vmem>>, vector<1x16xf32>,
      %get3A_2196 = vector.shape_cast %get3A_2195 : vector<1x16xf32> to vector<16xf32>
      %add3A_2197 = arith.addf %scan3A_2070, %get3A_2196 : vector<16xf32>
      %get3A_2198 = arith.index_cast %scan3A_2046 : i32 to index
      %get3A_2199 = arith.constant 384 : index
      %get3A_2200 = tpu.vector_load %arg5[%get3A_2198, %get3A_2199] {strides = array<i32>} : memref<32x1024xf32, #tpu.memory_space<vmem>>, vector<1x16xf32>,
      %get3A_2201 = vector.shape_cast %get3A_2200 : vector<1x16xf32> to vector<16xf32>
      %add3A_2202 = arith.addf %scan3A_2071, %get3A_2201 : vector<16xf32>
      %get3A_2203 = arith.index_cast %scan3A_2046 : i32 to index
      %get3A_2204 = arith.constant 400 : index
      %get3A_2205 = tpu.vector_load %arg5[%get3A_2203, %get3A_2204] {strides = array<i32>} : memref<32x1024xf32, #tpu.memory_space<vmem>>, vector<1x16xf32>,
      %get3A_2206 = vector.shape_cast %get3A_2205 : vector<1x16xf32> to vector<16xf32>
      %add3A_2207 = arith.addf %scan3A_2072, %get3A_2206 : vector<16xf32>
      %get3A_2208 = arith.index_cast %scan3A_2046 : i32 to index
      %get3A_2209 = arith.constant 416 : index
      %get3A_2210 = tpu.vector_load %arg5[%get3A_2208, %get3A_2209] {strides = array<i32>} : memref<32x1024xf32, #tpu.memory_space<vmem>>, vector<1x16xf32>,
      %get3A_2211 = vector.shape_cast %get3A_2210 : vector<1x16xf32> to vector<16xf32>
      %add3A_2212 = arith.addf %scan3A_2073, %get3A_2211 : vector<16xf32>
      %get3A_2213 = arith.index_cast %scan3A_2046 : i32 to index
      %get3A_2214 = arith.constant 432 : index
      %get3A_2215 = tpu.vector_load %arg5[%get3A_2213, %get3A_2214] {strides = array<i32>} : memref<32x1024xf32, #tpu.memory_space<vmem>>, vector<1x16xf32>,
      %get3A_2216 = vector.shape_cast %get3A_2215 : vector<1x16xf32> to vector<16xf32>
      %add3A_2217 = arith.addf %scan3A_2074, %get3A_2216 : vector<16xf32>
      %get3A_2218 = arith.index_cast %scan3A_2046 : i32 to index
      %get3A_2219 = arith.constant 448 : index
      %get3A_2220 = tpu.vector_load %arg5[%get3A_2218, %get3A_2219] {strides = array<i32>} : memref<32x1024xf32, #tpu.memory_space<vmem>>, vector<1x16xf32>,
      %get3A_2221 = vector.shape_cast %get3A_2220 : vector<1x16xf32> to vector<16xf32>
      %add3A_2222 = arith.addf %scan3A_2075, %get3A_2221 : vector<16xf32>
      %get3A_2223 = arith.index_cast %scan3A_2046 : i32 to index
      %get3A_2224 = arith.constant 464 : index
      %get3A_2225 = tpu.vector_load %arg5[%get3A_2223, %get3A_2224] {strides = array<i32>} : memref<32x1024xf32, #tpu.memory_space<vmem>>, vector<1x16xf32>,
      %get3A_2226 = vector.shape_cast %get3A_2225 : vector<1x16xf32> to vector<16xf32>
      %add3A_2227 = arith.addf %scan3A_2076, %get3A_2226 : vector<16xf32>
      %get3A_2228 = arith.index_cast %scan3A_2046 : i32 to index
      %get3A_2229 = arith.constant 480 : index
      %get3A_2230 = tpu.vector_load %arg5[%get3A_2228, %get3A_2229] {strides = array<i32>} : memref<32x1024xf32, #tpu.memory_space<vmem>>, vector<1x16xf32>,
      %get3A_2231 = vector.shape_cast %get3A_2230 : vector<1x16xf32> to vector<16xf32>
      %add3A_2232 = arith.addf %scan3A_2077, %get3A_2231 : vector<16xf32>
      %get3A_2233 = arith.index_cast %scan3A_2046 : i32 to index
      %get3A_2234 = arith.constant 496 : index
      %get3A_2235 = tpu.vector_load %arg5[%get3A_2233, %get3A_2234] {strides = array<i32>} : memref<32x1024xf32, #tpu.memory_space<vmem>>, vector<1x16xf32>,
      %get3A_2236 = vector.shape_cast %get3A_2235 : vector<1x16xf32> to vector<16xf32>
      %add3A_2237 = arith.addf %scan3A_2078, %get3A_2236 : vector<16xf32>
      scf.yield %add3A_2082, %add3A_2087, %add3A_2092, %add3A_2097, %add3A_2102, %add3A_2107, %add3A_2112, %add3A_2117, %add3A_2122, %add3A_2127, %add3A_2132, %add3A_2137, %add3A_2142, %add3A_2147, %add3A_2152, %add3A_2157, %add3A_2162, %add3A_2167, %add3A_2172, %add3A_2177, %add3A_2182, %add3A_2187, %add3A_2192, %add3A_2197, %add3A_2202, %add3A_2207, %add3A_2212, %add3A_2217, %add3A_2222, %add3A_2227, %add3A_2232, %add3A_2237 : vector<16xf32>, vector<16xf32>, vector<16xf32>, vector<16xf32>, vector<16xf32>, vector<16xf32>, vector<16xf32>, vector<16xf32>, vector<16xf32>, vector<16xf32>, vector<16xf32>, vector<16xf32>, vector<16xf32>, vector<16xf32>, vector<16xf32>, vector<16xf32>, vector<16xf32>, vector<16xf32>, vector<16xf32>, vector<16xf32>, vector<16xf32>, vector<16xf32>, vector<16xf32>, vector<16xf32>, vector<16xf32>, vector<16xf32>, vector<16xf32>, vector<16xf32>, vector<16xf32>, vector<16xf32>, vector<16xf32>, vector<16xf32>
    }
    %scan3A_1719 = arith.constant 32 : i32
    %swap3A_1720 = arith.constant 0 : index
    %swap3A_1721 = tpu.vector_load %arg6[%swap3A_1720] {strides = array<i32>} : memref<1024xf32, #tpu.memory_space<vmem>>, vector<16xf32>,
    %swap3A_1722 = vector.shape_cast %swap3A_1721 : vector<16xf32> to vector<16xf32>
    %swap3A_1723 = vector.shape_cast %scan3A_1718#0 : vector<16xf32> to vector<16xf32>
    tpu.vector_store %arg6[%swap3A_1720], %swap3A_1723 {add = true, strides = array<i32>} : memref<1024xf32, #tpu.memory_space<vmem>>, vector<16xf32>,
    %swap3A_1724 = arith.constant 16 : index
    %swap3A_1725 = tpu.vector_load %arg6[%swap3A_1724] {strides = array<i32>} : memref<1024xf32, #tpu.memory_space<vmem>>, vector<16xf32>,
    %swap3A_1726 = vector.shape_cast %swap3A_1725 : vector<16xf32> to vector<16xf32>
    %swap3A_1727 = vector.shape_cast %scan3A_1718#1 : vector<16xf32> to vector<16xf32>
    tpu.vector_store %arg6[%swap3A_1724], %swap3A_1727 {add = true, strides = array<i32>} : memref<1024xf32, #tpu.memory_space<vmem>>, vector<16xf32>,
    %swap3A_1728 = arith.constant 32 : index
    %swap3A_1729 = tpu.vector_load %arg6[%swap3A_1728] {strides = array<i32>} : memref<1024xf32, #tpu.memory_space<vmem>>, vector<16xf32>,
    %swap3A_1730 = vector.shape_cast %swap3A_1729 : vector<16xf32> to vector<16xf32>
    %swap3A_1731 = vector.shape_cast %scan3A_1718#2 : vector<16xf32> to vector<16xf32>
    tpu.vector_store %arg6[%swap3A_1728], %swap3A_1731 {add = true, strides = array<i32>} : memref<1024xf32, #tpu.memory_space<vmem>>, vector<16xf32>,
    %swap3A_1732 = arith.constant 48 : index
    %swap3A_1733 = tpu.vector_load %arg6[%swap3A_1732] {strides = array<i32>} : memref<1024xf32, #tpu.memory_space<vmem>>, vector<16xf32>,
    %swap3A_1734 = vector.shape_cast %swap3A_1733 : vector<16xf32> to vector<16xf32>
    %swap3A_1735 = vector.shape_cast %scan3A_1718#3 : vector<16xf32> to vector<16xf32>
    tpu.vector_store %arg6[%swap3A_1732], %swap3A_1735 {add = true, strides = array<i32>} : memref<1024xf32, #tpu.memory_space<vmem>>, vector<16xf32>,
    %swap3A_1736 = arith.constant 64 : index
    %swap3A_1737 = tpu.vector_load %arg6[%swap3A_1736] {strides = array<i32>} : memref<1024xf32, #tpu.memory_space<vmem>>, vector<16xf32>,
    %swap3A_1738 = vector.shape_cast %swap3A_1737 : vector<16xf32> to vector<16xf32>
    %swap3A_1739 = vector.shape_cast %scan3A_1718#4 : vector<16xf32> to vector<16xf32>
    tpu.vector_store %arg6[%swap3A_1736], %swap3A_1739 {add = true, strides = array<i32>} : memref<1024xf32, #tpu.memory_space<vmem>>, vector<16xf32>,
    %swap3A_1740 = arith.constant 80 : index
    %swap3A_1741 = tpu.vector_load %arg6[%swap3A_1740] {strides = array<i32>} : memref<1024xf32, #tpu.memory_space<vmem>>, vector<16xf32>,
    %swap3A_1742 = vector.shape_cast %swap3A_1741 : vector<16xf32> to vector<16xf32>
    %swap3A_1743 = vector.shape_cast %scan3A_1718#5 : vector<16xf32> to vector<16xf32>
    tpu.vector_store %arg6[%swap3A_1740], %swap3A_1743 {add = true, strides = array<i32>} : memref<1024xf32, #tpu.memory_space<vmem>>, vector<16xf32>,
    %swap3A_1744 = arith.constant 96 : index
    %swap3A_1745 = tpu.vector_load %arg6[%swap3A_1744] {strides = array<i32>} : memref<1024xf32, #tpu.memory_space<vmem>>, vector<16xf32>,
    %swap3A_1746 = vector.shape_cast %swap3A_1745 : vector<16xf32> to vector<16xf32>
    %swap3A_1747 = vector.shape_cast %scan3A_1718#6 : vector<16xf32> to vector<16xf32>
    tpu.vector_store %arg6[%swap3A_1744], %swap3A_1747 {add = true, strides = array<i32>} : memref<1024xf32, #tpu.memory_space<vmem>>, vector<16xf32>,
    %swap3A_1748 = arith.constant 112 : index
    %swap3A_1749 = tpu.vector_load %arg6[%swap3A_1748] {strides = array<i32>} : memref<1024xf32, #tpu.memory_space<vmem>>, vector<16xf32>,
    %swap3A_1750 = vector.shape_cast %swap3A_1749 : vector<16xf32> to vector<16xf32>
    %swap3A_1751 = vector.shape_cast %scan3A_1718#7 : vector<16xf32> to vector<16xf32>
    tpu.vector_store %arg6[%swap3A_1748], %swap3A_1751 {add = true, strides = array<i32>} : memref<1024xf32, #tpu.memory_space<vmem>>, vector<16xf32>,
    %swap3A_1752 = arith.constant 128 : index
    %swap3A_1753 = tpu.vector_load %arg6[%swap3A_1752] {strides = array<i32>} : memref<1024xf32, #tpu.memory_space<vmem>>, vector<16xf32>,
    %swap3A_1754 = vector.shape_cast %swap3A_1753 : vector<16xf32> to vector<16xf32>
    %swap3A_1755 = vector.shape_cast %scan3A_1718#8 : vector<16xf32> to vector<16xf32>
    tpu.vector_store %arg6[%swap3A_1752], %swap3A_1755 {add = true, strides = array<i32>} : memref<1024xf32, #tpu.memory_space<vmem>>, vector<16xf32>,
    %swap3A_1756 = arith.constant 144 : index
    %swap3A_1757 = tpu.vector_load %arg6[%swap3A_1756] {strides = array<i32>} : memref<1024xf32, #tpu.memory_space<vmem>>, vector<16xf32>,
    %swap3A_1758 = vector.shape_cast %swap3A_1757 : vector<16xf32> to vector<16xf32>
    %swap3A_1759 = vector.shape_cast %scan3A_1718#9 : vector<16xf32> to vector<16xf32>
    tpu.vector_store %arg6[%swap3A_1756], %swap3A_1759 {add = true, strides = array<i32>} : memref<1024xf32, #tpu.memory_space<vmem>>, vector<16xf32>,
    %swap3A_1760 = arith.constant 160 : index
    %swap3A_1761 = tpu.vector_load %arg6[%swap3A_1760] {strides = array<i32>} : memref<1024xf32, #tpu.memory_space<vmem>>, vector<16xf32>,
    %swap3A_1762 = vector.shape_cast %swap3A_1761 : vector<16xf32> to vector<16xf32>
    %swap3A_1763 = vector.shape_cast %scan3A_1718#10 : vector<16xf32> to vector<16xf32>
    tpu.vector_store %arg6[%swap3A_1760], %swap3A_1763 {add = true, strides = array<i32>} : memref<1024xf32, #tpu.memory_space<vmem>>, vector<16xf32>,
    %swap3A_1764 = arith.constant 176 : index
    %swap3A_1765 = tpu.vector_load %arg6[%swap3A_1764] {strides = array<i32>} : memref<1024xf32, #tpu.memory_space<vmem>>, vector<16xf32>,
    %swap3A_1766 = vector.shape_cast %swap3A_1765 : vector<16xf32> to vector<16xf32>
    %swap3A_1767 = vector.shape_cast %scan3A_1718#11 : vector<16xf32> to vector<16xf32>
    tpu.vector_store %arg6[%swap3A_1764], %swap3A_1767 {add = true, strides = array<i32>} : memref<1024xf32, #tpu.memory_space<vmem>>, vector<16xf32>,
    %swap3A_1768 = arith.constant 192 : index
    %swap3A_1769 = tpu.vector_load %arg6[%swap3A_1768] {strides = array<i32>} : memref<1024xf32, #tpu.memory_space<vmem>>, vector<16xf32>,
    %swap3A_1770 = vector.shape_cast %swap3A_1769 : vector<16xf32> to vector<16xf32>
    %swap3A_1771 = vector.shape_cast %scan3A_1718#12 : vector<16xf32> to vector<16xf32>
    tpu.vector_store %arg6[%swap3A_1768], %swap3A_1771 {add = true, strides = array<i32>} : memref<1024xf32, #tpu.memory_space<vmem>>, vector<16xf32>,
    %swap3A_1772 = arith.constant 208 : index
    %swap3A_1773 = tpu.vector_load %arg6[%swap3A_1772] {strides = array<i32>} : memref<1024xf32, #tpu.memory_space<vmem>>, vector<16xf32>,
    %swap3A_1774 = vector.shape_cast %swap3A_1773 : vector<16xf32> to vector<16xf32>
    %swap3A_1775 = vector.shape_cast %scan3A_1718#13 : vector<16xf32> to vector<16xf32>
    tpu.vector_store %arg6[%swap3A_1772], %swap3A_1775 {add = true, strides = array<i32>} : memref<1024xf32, #tpu.memory_space<vmem>>, vector<16xf32>,
    %swap3A_1776 = arith.constant 224 : index
    %swap3A_1777 = tpu.vector_load %arg6[%swap3A_1776] {strides = array<i32>} : memref<1024xf32, #tpu.memory_space<vmem>>, vector<16xf32>,
    %swap3A_1778 = vector.shape_cast %swap3A_1777 : vector<16xf32> to vector<16xf32>
    %swap3A_1779 = vector.shape_cast %scan3A_1718#14 : vector<16xf32> to vector<16xf32>
    tpu.vector_store %arg6[%swap3A_1776], %swap3A_1779 {add = true, strides = array<i32>} : memref<1024xf32, #tpu.memory_space<vmem>>, vector<16xf32>,
    %swap3A_1780 = arith.constant 240 : index
    %swap3A_1781 = tpu.vector_load %arg6[%swap3A_1780] {strides = array<i32>} : memref<1024xf32, #tpu.memory_space<vmem>>, vector<16xf32>,
    %swap3A_1782 = vector.shape_cast %swap3A_1781 : vector<16xf32> to vector<16xf32>
    %swap3A_1783 = vector.shape_cast %scan3A_1718#15 : vector<16xf32> to vector<16xf32>
    tpu.vector_store %arg6[%swap3A_1780], %swap3A_1783 {add = true, strides = array<i32>} : memref<1024xf32, #tpu.memory_space<vmem>>, vector<16xf32>,
    %swap3A_1784 = arith.constant 256 : index
    %swap3A_1785 = tpu.vector_load %arg6[%swap3A_1784] {strides = array<i32>} : memref<1024xf32, #tpu.memory_space<vmem>>, vector<16xf32>,
    %swap3A_1786 = vector.shape_cast %swap3A_1785 : vector<16xf32> to vector<16xf32>
    %swap3A_1787 = vector.shape_cast %scan3A_1718#16 : vector<16xf32> to vector<16xf32>
    tpu.vector_store %arg6[%swap3A_1784], %swap3A_1787 {add = true, strides = array<i32>} : memref<1024xf32, #tpu.memory_space<vmem>>, vector<16xf32>,
    %swap3A_1788 = arith.constant 272 : index
    %swap3A_1789 = tpu.vector_load %arg6[%swap3A_1788] {strides = array<i32>} : memref<1024xf32, #tpu.memory_space<vmem>>, vector<16xf32>,
    %swap3A_1790 = vector.shape_cast %swap3A_1789 : vector<16xf32> to vector<16xf32>
    %swap3A_1791 = vector.shape_cast %scan3A_1718#17 : vector<16xf32> to vector<16xf32>
    tpu.vector_store %arg6[%swap3A_1788], %swap3A_1791 {add = true, strides = array<i32>} : memref<1024xf32, #tpu.memory_space<vmem>>, vector<16xf32>,
    %swap3A_1792 = arith.constant 288 : index
    %swap3A_1793 = tpu.vector_load %arg6[%swap3A_1792] {strides = array<i32>} : memref<1024xf32, #tpu.memory_space<vmem>>, vector<16xf32>,
    %swap3A_1794 = vector.shape_cast %swap3A_1793 : vector<16xf32> to vector<16xf32>
    %swap3A_1795 = vector.shape_cast %scan3A_1718#18 : vector<16xf32> to vector<16xf32>
    tpu.vector_store %arg6[%swap3A_1792], %swap3A_1795 {add = true, strides = array<i32>} : memref<1024xf32, #tpu.memory_space<vmem>>, vector<16xf32>,
    %swap3A_1796 = arith.constant 304 : index
    %swap3A_1797 = tpu.vector_load %arg6[%swap3A_1796] {strides = array<i32>} : memref<1024xf32, #tpu.memory_space<vmem>>, vector<16xf32>,
    %swap3A_1798 = vector.shape_cast %swap3A_1797 : vector<16xf32> to vector<16xf32>
    %swap3A_1799 = vector.shape_cast %scan3A_1718#19 : vector<16xf32> to vector<16xf32>
    tpu.vector_store %arg6[%swap3A_1796], %swap3A_1799 {add = true, strides = array<i32>} : memref<1024xf32, #tpu.memory_space<vmem>>, vector<16xf32>,
    %swap3A_1800 = arith.constant 320 : index
    %swap3A_1801 = tpu.vector_load %arg6[%swap3A_1800] {strides = array<i32>} : memref<1024xf32, #tpu.memory_space<vmem>>, vector<16xf32>,
    %swap3A_1802 = vector.shape_cast %swap3A_1801 : vector<16xf32> to vector<16xf32>
    %swap3A_1803 = vector.shape_cast %scan3A_1718#20 : vector<16xf32> to vector<16xf32>
    tpu.vector_store %arg6[%swap3A_1800], %swap3A_1803 {add = true, strides = array<i32>} : memref<1024xf32, #tpu.memory_space<vmem>>, vector<16xf32>,
    %swap3A_1804 = arith.constant 336 : index
    %swap3A_1805 = tpu.vector_load %arg6[%swap3A_1804] {strides = array<i32>} : memref<1024xf32, #tpu.memory_space<vmem>>, vector<16xf32>,
    %swap3A_1806 = vector.shape_cast %swap3A_1805 : vector<16xf32> to vector<16xf32>
    %swap3A_1807 = vector.shape_cast %scan3A_1718#21 : vector<16xf32> to vector<16xf32>
    tpu.vector_store %arg6[%swap3A_1804], %swap3A_1807 {add = true, strides = array<i32>} : memref<1024xf32, #tpu.memory_space<vmem>>, vector<16xf32>,
    %swap3A_1808 = arith.constant 352 : index
    %swap3A_1809 = tpu.vector_load %arg6[%swap3A_1808] {strides = array<i32>} : memref<1024xf32, #tpu.memory_space<vmem>>, vector<16xf32>,
    %swap3A_1810 = vector.shape_cast %swap3A_1809 : vector<16xf32> to vector<16xf32>
    %swap3A_1811 = vector.shape_cast %scan3A_1718#22 : vector<16xf32> to vector<16xf32>
    tpu.vector_store %arg6[%swap3A_1808], %swap3A_1811 {add = true, strides = array<i32>} : memref<1024xf32, #tpu.memory_space<vmem>>, vector<16xf32>,
    %swap3A_1812 = arith.constant 368 : index
    %swap3A_1813 = tpu.vector_load %arg6[%swap3A_1812] {strides = array<i32>} : memref<1024xf32, #tpu.memory_space<vmem>>, vector<16xf32>,
    %swap3A_1814 = vector.shape_cast %swap3A_1813 : vector<16xf32> to vector<16xf32>
    %swap3A_1815 = vector.shape_cast %scan3A_1718#23 : vector<16xf32> to vector<16xf32>
    tpu.vector_store %arg6[%swap3A_1812], %swap3A_1815 {add = true, strides = array<i32>} : memref<1024xf32, #tpu.memory_space<vmem>>, vector<16xf32>,
    %swap3A_1816 = arith.constant 384 : index
    %swap3A_1817 = tpu.vector_load %arg6[%swap3A_1816] {strides = array<i32>} : memref<1024xf32, #tpu.memory_space<vmem>>, vector<16xf32>,
    %swap3A_1818 = vector.shape_cast %swap3A_1817 : vector<16xf32> to vector<16xf32>
    %swap3A_1819 = vector.shape_cast %scan3A_1718#24 : vector<16xf32> to vector<16xf32>
    tpu.vector_store %arg6[%swap3A_1816], %swap3A_1819 {add = true, strides = array<i32>} : memref<1024xf32, #tpu.memory_space<vmem>>, vector<16xf32>,
    %swap3A_1820 = arith.constant 400 : index
    %swap3A_1821 = tpu.vector_load %arg6[%swap3A_1820] {strides = array<i32>} : memref<1024xf32, #tpu.memory_space<vmem>>, vector<16xf32>,
    %swap3A_1822 = vector.shape_cast %swap3A_1821 : vector<16xf32> to vector<16xf32>
    %swap3A_1823 = vector.shape_cast %scan3A_1718#25 : vector<16xf32> to vector<16xf32>
    tpu.vector_store %arg6[%swap3A_1820], %swap3A_1823 {add = true, strides = array<i32>} : memref<1024xf32, #tpu.memory_space<vmem>>, vector<16xf32>,
    %swap3A_1824 = arith.constant 416 : index
    %swap3A_1825 = tpu.vector_load %arg6[%swap3A_1824] {strides = array<i32>} : memref<1024xf32, #tpu.memory_space<vmem>>, vector<16xf32>,
    %swap3A_1826 = vector.shape_cast %swap3A_1825 : vector<16xf32> to vector<16xf32>
    %swap3A_1827 = vector.shape_cast %scan3A_1718#26 : vector<16xf32> to vector<16xf32>
    tpu.vector_store %arg6[%swap3A_1824], %swap3A_1827 {add = true, strides = array<i32>} : memref<1024xf32, #tpu.memory_space<vmem>>, vector<16xf32>,
    %swap3A_1828 = arith.constant 432 : index
    %swap3A_1829 = tpu.vector_load %arg6[%swap3A_1828] {strides = array<i32>} : memref<1024xf32, #tpu.memory_space<vmem>>, vector<16xf32>,
    %swap3A_1830 = vector.shape_cast %swap3A_1829 : vector<16xf32> to vector<16xf32>
    %swap3A_1831 = vector.shape_cast %scan3A_1718#27 : vector<16xf32> to vector<16xf32>
    tpu.vector_store %arg6[%swap3A_1828], %swap3A_1831 {add = true, strides = array<i32>} : memref<1024xf32, #tpu.memory_space<vmem>>, vector<16xf32>,
    %swap3A_1832 = arith.constant 448 : index
    %swap3A_1833 = tpu.vector_load %arg6[%swap3A_1832] {strides = array<i32>} : memref<1024xf32, #tpu.memory_space<vmem>>, vector<16xf32>,
    %swap3A_1834 = vector.shape_cast %swap3A_1833 : vector<16xf32> to vector<16xf32>
    %swap3A_1835 = vector.shape_cast %scan3A_1718#28 : vector<16xf32> to vector<16xf32>
    tpu.vector_store %arg6[%swap3A_1832], %swap3A_1835 {add = true, strides = array<i32>} : memref<1024xf32, #tpu.memory_space<vmem>>, vector<16xf32>,
    %swap3A_1836 = arith.constant 464 : index
    %swap3A_1837 = tpu.vector_load %arg6[%swap3A_1836] {strides = array<i32>} : memref<1024xf32, #tpu.memory_space<vmem>>, vector<16xf32>,
    %swap3A_1838 = vector.shape_cast %swap3A_1837 : vector<16xf32> to vector<16xf32>
    %swap3A_1839 = vector.shape_cast %scan3A_1718#29 : vector<16xf32> to vector<16xf32>
    tpu.vector_store %arg6[%swap3A_1836], %swap3A_1839 {add = true, strides = array<i32>} : memref<1024xf32, #tpu.memory_space<vmem>>, vector<16xf32>,
    %swap3A_1840 = arith.constant 480 : index
    %swap3A_1841 = tpu.vector_load %arg6[%swap3A_1840] {strides = array<i32>} : memref<1024xf32, #tpu.memory_space<vmem>>, vector<16xf32>,
    %swap3A_1842 = vector.shape_cast %swap3A_1841 : vector<16xf32> to vector<16xf32>
    %swap3A_1843 = vector.shape_cast %scan3A_1718#30 : vector<16xf32> to vector<16xf32>
    tpu.vector_store %arg6[%swap3A_1840], %swap3A_1843 {add = true, strides = array<i32>} : memref<1024xf32, #tpu.memory_space<vmem>>, vector<16xf32>,
    %swap3A_1844 = arith.constant 496 : index
    %swap3A_1845 = tpu.vector_load %arg6[%swap3A_1844] {strides = array<i32>} : memref<1024xf32, #tpu.memory_space<vmem>>, vector<16xf32>,
    %swap3A_1846 = vector.shape_cast %swap3A_1845 : vector<16xf32> to vector<16xf32>
    %swap3A_1847 = vector.shape_cast %scan3A_1718#31 : vector<16xf32> to vector<16xf32>
    tpu.vector_store %arg6[%swap3A_1844], %swap3A_1847 {add = true, strides = array<i32>} : memref<1024xf32, #tpu.memory_space<vmem>>, vector<16xf32>,
    %broadcast_in_dim3A_1848 = arith.constant 0.000000e+00 : f32
    %broadcast_in_dim3A_1849 = vector.broadcast %broadcast_in_dim3A_1848 : f32 to vector<16xf32>
    %broadcast_in_dim3A_1850 = arith.constant 0.000000e+00 : f32
    %broadcast_in_dim3A_1851 = vector.broadcast %broadcast_in_dim3A_1850 : f32 to vector<16xf32>
    %broadcast_in_dim3A_1852 = arith.constant 0.000000e+00 : f32
    %broadcast_in_dim3A_1853 = vector.broadcast %broadcast_in_dim3A_1852 : f32 to vector<16xf32>
    %broadcast_in_dim3A_1854 = arith.constant 0.000000e+00 : f32
    %broadcast_in_dim3A_1855 = vector.broadcast %broadcast_in_dim3A_1854 : f32 to vector<16xf32>
    %broadcast_in_dim3A_1856 = arith.constant 0.000000e+00 : f32
    %broadcast_in_dim3A_1857 = vector.broadcast %broadcast_in_dim3A_1856 : f32 to vector<16xf32>
    %broadcast_in_dim3A_1858 = arith.constant 0.000000e+00 : f32
    %broadcast_in_dim3A_1859 = vector.broadcast %broadcast_in_dim3A_1858 : f32 to vector<16xf32>
    %broadcast_in_dim3A_1860 = arith.constant 0.000000e+00 : f32
    %broadcast_in_dim3A_1861 = vector.broadcast %broadcast_in_dim3A_1860 : f32 to vector<16xf32>
    %broadcast_in_dim3A_1862 = arith.constant 0.000000e+00 : f32
    %broadcast_in_dim3A_1863 = vector.broadcast %broadcast_in_dim3A_1862 : f32 to vector<16xf32>
    %broadcast_in_dim3A_1864 = arith.constant 0.000000e+00 : f32
    %broadcast_in_dim3A_1865 = vector.broadcast %broadcast_in_dim3A_1864 : f32 to vector<16xf32>
    %broadcast_in_dim3A_1866 = arith.constant 0.000000e+00 : f32
    %broadcast_in_dim3A_1867 = vector.broadcast %broadcast_in_dim3A_1866 : f32 to vector<16xf32>
    %broadcast_in_dim3A_1868 = arith.constant 0.000000e+00 : f32
    %broadcast_in_dim3A_1869 = vector.broadcast %broadcast_in_dim3A_1868 : f32 to vector<16xf32>
    %broadcast_in_dim3A_1870 = arith.constant 0.000000e+00 : f32
    %broadcast_in_dim3A_1871 = vector.broadcast %broadcast_in_dim3A_1870 : f32 to vector<16xf32>
    %broadcast_in_dim3A_1872 = arith.constant 0.000000e+00 : f32
    %broadcast_in_dim3A_1873 = vector.broadcast %broadcast_in_dim3A_1872 : f32 to vector<16xf32>
    %broadcast_in_dim3A_1874 = arith.constant 0.000000e+00 : f32
    %broadcast_in_dim3A_1875 = vector.broadcast %broadcast_in_dim3A_1874 : f32 to vector<16xf32>
    %broadcast_in_dim3A_1876 = arith.constant 0.000000e+00 : f32
    %broadcast_in_dim3A_1877 = vector.broadcast %broadcast_in_dim3A_1876 : f32 to vector<16xf32>
    %broadcast_in_dim3A_1878 = arith.constant 0.000000e+00 : f32
    %broadcast_in_dim3A_1879 = vector.broadcast %broadcast_in_dim3A_1878 : f32 to vector<16xf32>
    %broadcast_in_dim3A_1880 = arith.constant 0.000000e+00 : f32
    %broadcast_in_dim3A_1881 = vector.broadcast %broadcast_in_dim3A_1880 : f32 to vector<16xf32>
    %broadcast_in_dim3A_1882 = arith.constant 0.000000e+00 : f32
    %broadcast_in_dim3A_1883 = vector.broadcast %broadcast_in_dim3A_1882 : f32 to vector<16xf32>
    %broadcast_in_dim3A_1884 = arith.constant 0.000000e+00 : f32
    %broadcast_in_dim3A_1885 = vector.broadcast %broadcast_in_dim3A_1884 : f32 to vector<16xf32>
    %broadcast_in_dim3A_1886 = arith.constant 0.000000e+00 : f32
    %broadcast_in_dim3A_1887 = vector.broadcast %broadcast_in_dim3A_1886 : f32 to vector<16xf32>
    %broadcast_in_dim3A_1888 = arith.constant 0.000000e+00 : f32
    %broadcast_in_dim3A_1889 = vector.broadcast %broadcast_in_dim3A_1888 : f32 to vector<16xf32>
    %broadcast_in_dim3A_1890 = arith.constant 0.000000e+00 : f32
    %broadcast_in_dim3A_1891 = vector.broadcast %broadcast_in_dim3A_1890 : f32 to vector<16xf32>
    %broadcast_in_dim3A_1892 = arith.constant 0.000000e+00 : f32
    %broadcast_in_dim3A_1893 = vector.broadcast %broadcast_in_dim3A_1892 : f32 to vector<16xf32>
    %broadcast_in_dim3A_1894 = arith.constant 0.000000e+00 : f32
    %broadcast_in_dim3A_1895 = vector.broadcast %broadcast_in_dim3A_1894 : f32 to vector<16xf32>
    %broadcast_in_dim3A_1896 = arith.constant 0.000000e+00 : f32
    %broadcast_in_dim3A_1897 = vector.broadcast %broadcast_in_dim3A_1896 : f32 to vector<16xf32>
    %broadcast_in_dim3A_1898 = arith.constant 0.000000e+00 : f32
    %broadcast_in_dim3A_1899 = vector.broadcast %broadcast_in_dim3A_1898 : f32 to vector<16xf32>
    %broadcast_in_dim3A_1900 = arith.constant 0.000000e+00 : f32
    %broadcast_in_dim3A_1901 = vector.broadcast %broadcast_in_dim3A_1900 : f32 to vector<16xf32>
    %broadcast_in_dim3A_1902 = arith.constant 0.000000e+00 : f32
    %broadcast_in_dim3A_1903 = vector.broadcast %broadcast_in_dim3A_1902 : f32 to vector<16xf32>
    %broadcast_in_dim3A_1904 = arith.constant 0.000000e+00 : f32
    %broadcast_in_dim3A_1905 = vector.broadcast %broadcast_in_dim3A_1904 : f32 to vector<16xf32>
    %broadcast_in_dim3A_1906 = arith.constant 0.000000e+00 : f32
    %broadcast_in_dim3A_1907 = vector.broadcast %broadcast_in_dim3A_1906 : f32 to vector<16xf32>
    %broadcast_in_dim3A_1908 = arith.constant 0.000000e+00 : f32
    %broadcast_in_dim3A_1909 = vector.broadcast %broadcast_in_dim3A_1908 : f32 to vector<16xf32>
    %broadcast_in_dim3A_1910 = arith.constant 0.000000e+00 : f32
    %broadcast_in_dim3A_1911 = vector.broadcast %broadcast_in_dim3A_1910 : f32 to vector<16xf32>
    %scan3A_1912 = arith.constant 0 : i32
    %scan3A_1913 = arith.constant 32 : i32
    %scan3A_1914 = arith.addi %scan3A_1912, %scan3A_1913 : i32
    %scan3A_1915 = arith.constant 1 : i32
    %scan3A_1916:32 = scf.for %scan3A_2046 = %scan3A_1912 to %scan3A_1914 step %scan3A_1915 iter_args(%scan3A_2047 = %broadcast_in_dim3A_1849, %scan3A_2048 = %broadcast_in_dim3A_1851, %scan3A_2049 = %broadcast_in_dim3A_1853, %scan3A_2050 = %broadcast_in_dim3A_1855, %scan3A_2051 = %broadcast_in_dim3A_1857, %scan3A_2052 = %broadcast_in_dim3A_1859, %scan3A_2053 = %broadcast_in_dim3A_1861, %scan3A_2054 = %broadcast_in_dim3A_1863, %scan3A_2055 = %broadcast_in_dim3A_1865, %scan3A_2056 = %broadcast_in_dim3A_1867, %scan3A_2057 = %broadcast_in_dim3A_1869, %scan3A_2058 = %broadcast_in_dim3A_1871, %scan3A_2059 = %broadcast_in_dim3A_1873, %scan3A_2060 = %broadcast_in_dim3A_1875, %scan3A_2061 = %broadcast_in_dim3A_1877, %scan3A_2062 = %broadcast_in_dim3A_1879, %scan3A_2063 = %broadcast_in_dim3A_1881, %scan3A_2064 = %broadcast_in_dim3A_1883, %scan3A_2065 = %broadcast_in_dim3A_1885, %scan3A_2066 = %broadcast_in_dim3A_1887, %scan3A_2067 = %broadcast_in_dim3A_1889, %scan3A_2068 = %broadcast_in_dim3A_1891, %scan3A_2069 = %broadcast_in_dim3A_1893, %scan3A_2070 = %broadcast_in_dim3A_1895, %scan3A_2071 = %broadcast_in_dim3A_1897, %scan3A_2072 = %broadcast_in_dim3A_1899, %scan3A_2073 = %broadcast_in_dim3A_1901, %scan3A_2074 = %broadcast_in_dim3A_1903, %scan3A_2075 = %broadcast_in_dim3A_1905, %scan3A_2076 = %broadcast_in_dim3A_1907, %scan3A_2077 = %broadcast_in_dim3A_1909, %scan3A_2078 = %broadcast_in_dim3A_1911) -> (vector<16xf32>, vector<16xf32>, vector<16xf32>, vector<16xf32>, vector<16xf32>, vector<16xf32>, vector<16xf32>, vector<16xf32>, vector<16xf32>, vector<16xf32>, vector<16xf32>, vector<16xf32>, vector<16xf32>, vector<16xf32>, vector<16xf32>, vector<16xf32>, vector<16xf32>, vector<16xf32>, vector<16xf32>, vector<16xf32>, vector<16xf32>, vector<16xf32>, vector<16xf32>, vector<16xf32>, vector<16xf32>, vector<16xf32>, vector<16xf32>, vector<16xf32>, vector<16xf32>, vector<16xf32>, vector<16xf32>, vector<16xf32>)  : i32 {
      %get3A = arith.index_cast %scan3A_2046 : i32 to index
      %get3A_2079 = arith.constant 512 : index
      %get3A_2080 = tpu.vector_load %arg5[%get3A, %get3A_2079] {strides = array<i32>} : memref<32x1024xf32, #tpu.memory_space<vmem>>, vector<1x16xf32>,
      %get3A_2081 = vector.shape_cast %get3A_2080 : vector<1x16xf32> to vector<16xf32>
      %add3A_2082 = arith.addf %scan3A_2047, %get3A_2081 : vector<16xf32>
      %get3A_2083 = arith.index_cast %scan3A_2046 : i32 to index
      %get3A_2084 = arith.constant 528 : index
      %get3A_2085 = tpu.vector_load %arg5[%get3A_2083, %get3A_2084] {strides = array<i32>} : memref<32x1024xf32, #tpu.memory_space<vmem>>, vector<1x16xf32>,
      %get3A_2086 = vector.shape_cast %get3A_2085 : vector<1x16xf32> to vector<16xf32>
      %add3A_2087 = arith.addf %scan3A_2048, %get3A_2086 : vector<16xf32>
      %get3A_2088 = arith.index_cast %scan3A_2046 : i32 to index
      %get3A_2089 = arith.constant 544 : index
      %get3A_2090 = tpu.vector_load %arg5[%get3A_2088, %get3A_2089] {strides = array<i32>} : memref<32x1024xf32, #tpu.memory_space<vmem>>, vector<1x16xf32>,
      %get3A_2091 = vector.shape_cast %get3A_2090 : vector<1x16xf32> to vector<16xf32>
      %add3A_2092 = arith.addf %scan3A_2049, %get3A_2091 : vector<16xf32>
      %get3A_2093 = arith.index_cast %scan3A_2046 : i32 to index
      %get3A_2094 = arith.constant 560 : index
      %get3A_2095 = tpu.vector_load %arg5[%get3A_2093, %get3A_2094] {strides = array<i32>} : memref<32x1024xf32, #tpu.memory_space<vmem>>, vector<1x16xf32>,
      %get3A_2096 = vector.shape_cast %get3A_2095 : vector<1x16xf32> to vector<16xf32>
      %add3A_2097 = arith.addf %scan3A_2050, %get3A_2096 : vector<16xf32>
      %get3A_2098 = arith.index_cast %scan3A_2046 : i32 to index
      %get3A_2099 = arith.constant 576 : index
      %get3A_2100 = tpu.vector_load %arg5[%get3A_2098, %get3A_2099] {strides = array<i32>} : memref<32x1024xf32, #tpu.memory_space<vmem>>, vector<1x16xf32>,
      %get3A_2101 = vector.shape_cast %get3A_2100 : vector<1x16xf32> to vector<16xf32>
      %add3A_2102 = arith.addf %scan3A_2051, %get3A_2101 : vector<16xf32>
      %get3A_2103 = arith.index_cast %scan3A_2046 : i32 to index
      %get3A_2104 = arith.constant 592 : index
      %get3A_2105 = tpu.vector_load %arg5[%get3A_2103, %get3A_2104] {strides = array<i32>} : memref<32x1024xf32, #tpu.memory_space<vmem>>, vector<1x16xf32>,
      %get3A_2106 = vector.shape_cast %get3A_2105 : vector<1x16xf32> to vector<16xf32>
      %add3A_2107 = arith.addf %scan3A_2052, %get3A_2106 : vector<16xf32>
      %get3A_2108 = arith.index_cast %scan3A_2046 : i32 to index
      %get3A_2109 = arith.constant 608 : index
      %get3A_2110 = tpu.vector_load %arg5[%get3A_2108, %get3A_2109] {strides = array<i32>} : memref<32x1024xf32, #tpu.memory_space<vmem>>, vector<1x16xf32>,
      %get3A_2111 = vector.shape_cast %get3A_2110 : vector<1x16xf32> to vector<16xf32>
      %add3A_2112 = arith.addf %scan3A_2053, %get3A_2111 : vector<16xf32>
      %get3A_2113 = arith.index_cast %scan3A_2046 : i32 to index
      %get3A_2114 = arith.constant 624 : index
      %get3A_2115 = tpu.vector_load %arg5[%get3A_2113, %get3A_2114] {strides = array<i32>} : memref<32x1024xf32, #tpu.memory_space<vmem>>, vector<1x16xf32>,
      %get3A_2116 = vector.shape_cast %get3A_2115 : vector<1x16xf32> to vector<16xf32>
      %add3A_2117 = arith.addf %scan3A_2054, %get3A_2116 : vector<16xf32>
      %get3A_2118 = arith.index_cast %scan3A_2046 : i32 to index
      %get3A_2119 = arith.constant 640 : index
      %get3A_2120 = tpu.vector_load %arg5[%get3A_2118, %get3A_2119] {strides = array<i32>} : memref<32x1024xf32, #tpu.memory_space<vmem>>, vector<1x16xf32>,
      %get3A_2121 = vector.shape_cast %get3A_2120 : vector<1x16xf32> to vector<16xf32>
      %add3A_2122 = arith.addf %scan3A_2055, %get3A_2121 : vector<16xf32>
      %get3A_2123 = arith.index_cast %scan3A_2046 : i32 to index
      %get3A_2124 = arith.constant 656 : index
      %get3A_2125 = tpu.vector_load %arg5[%get3A_2123, %get3A_2124] {strides = array<i32>} : memref<32x1024xf32, #tpu.memory_space<vmem>>, vector<1x16xf32>,
      %get3A_2126 = vector.shape_cast %get3A_2125 : vector<1x16xf32> to vector<16xf32>
      %add3A_2127 = arith.addf %scan3A_2056, %get3A_2126 : vector<16xf32>
      %get3A_2128 = arith.index_cast %scan3A_2046 : i32 to index
      %get3A_2129 = arith.constant 672 : index
      %get3A_2130 = tpu.vector_load %arg5[%get3A_2128, %get3A_2129] {strides = array<i32>} : memref<32x1024xf32, #tpu.memory_space<vmem>>, vector<1x16xf32>,
      %get3A_2131 = vector.shape_cast %get3A_2130 : vector<1x16xf32> to vector<16xf32>
      %add3A_2132 = arith.addf %scan3A_2057, %get3A_2131 : vector<16xf32>
      %get3A_2133 = arith.index_cast %scan3A_2046 : i32 to index
      %get3A_2134 = arith.constant 688 : index
      %get3A_2135 = tpu.vector_load %arg5[%get3A_2133, %get3A_2134] {strides = array<i32>} : memref<32x1024xf32, #tpu.memory_space<vmem>>, vector<1x16xf32>,
      %get3A_2136 = vector.shape_cast %get3A_2135 : vector<1x16xf32> to vector<16xf32>
      %add3A_2137 = arith.addf %scan3A_2058, %get3A_2136 : vector<16xf32>
      %get3A_2138 = arith.index_cast %scan3A_2046 : i32 to index
      %get3A_2139 = arith.constant 704 : index
      %get3A_2140 = tpu.vector_load %arg5[%get3A_2138, %get3A_2139] {strides = array<i32>} : memref<32x1024xf32, #tpu.memory_space<vmem>>, vector<1x16xf32>,
      %get3A_2141 = vector.shape_cast %get3A_2140 : vector<1x16xf32> to vector<16xf32>
      %add3A_2142 = arith.addf %scan3A_2059, %get3A_2141 : vector<16xf32>
      %get3A_2143 = arith.index_cast %scan3A_2046 : i32 to index
      %get3A_2144 = arith.constant 720 : index
      %get3A_2145 = tpu.vector_load %arg5[%get3A_2143, %get3A_2144] {strides = array<i32>} : memref<32x1024xf32, #tpu.memory_space<vmem>>, vector<1x16xf32>,
      %get3A_2146 = vector.shape_cast %get3A_2145 : vector<1x16xf32> to vector<16xf32>
      %add3A_2147 = arith.addf %scan3A_2060, %get3A_2146 : vector<16xf32>
      %get3A_2148 = arith.index_cast %scan3A_2046 : i32 to index
      %get3A_2149 = arith.constant 736 : index
      %get3A_2150 = tpu.vector_load %arg5[%get3A_2148, %get3A_2149] {strides = array<i32>} : memref<32x1024xf32, #tpu.memory_space<vmem>>, vector<1x16xf32>,
      %get3A_2151 = vector.shape_cast %get3A_2150 : vector<1x16xf32> to vector<16xf32>
      %add3A_2152 = arith.addf %scan3A_2061, %get3A_2151 : vector<16xf32>
      %get3A_2153 = arith.index_cast %scan3A_2046 : i32 to index
      %get3A_2154 = arith.constant 752 : index
      %get3A_2155 = tpu.vector_load %arg5[%get3A_2153, %get3A_2154] {strides = array<i32>} : memref<32x1024xf32, #tpu.memory_space<vmem>>, vector<1x16xf32>,
      %get3A_2156 = vector.shape_cast %get3A_2155 : vector<1x16xf32> to vector<16xf32>
      %add3A_2157 = arith.addf %scan3A_2062, %get3A_2156 : vector<16xf32>
      %get3A_2158 = arith.index_cast %scan3A_2046 : i32 to index
      %get3A_2159 = arith.constant 768 : index
      %get3A_2160 = tpu.vector_load %arg5[%get3A_2158, %get3A_2159] {strides = array<i32>} : memref<32x1024xf32, #tpu.memory_space<vmem>>, vector<1x16xf32>,
      %get3A_2161 = vector.shape_cast %get3A_2160 : vector<1x16xf32> to vector<16xf32>
      %add3A_2162 = arith.addf %scan3A_2063, %get3A_2161 : vector<16xf32>
      %get3A_2163 = arith.index_cast %scan3A_2046 : i32 to index
      %get3A_2164 = arith.constant 784 : index
      %get3A_2165 = tpu.vector_load %arg5[%get3A_2163, %get3A_2164] {strides = array<i32>} : memref<32x1024xf32, #tpu.memory_space<vmem>>, vector<1x16xf32>,
      %get3A_2166 = vector.shape_cast %get3A_2165 : vector<1x16xf32> to vector<16xf32>
      %add3A_2167 = arith.addf %scan3A_2064, %get3A_2166 : vector<16xf32>
      %get3A_2168 = arith.index_cast %scan3A_2046 : i32 to index
      %get3A_2169 = arith.constant 800 : index
      %get3A_2170 = tpu.vector_load %arg5[%get3A_2168, %get3A_2169] {strides = array<i32>} : memref<32x1024xf32, #tpu.memory_space<vmem>>, vector<1x16xf32>,
      %get3A_2171 = vector.shape_cast %get3A_2170 : vector<1x16xf32> to vector<16xf32>
      %add3A_2172 = arith.addf %scan3A_2065, %get3A_2171 : vector<16xf32>
      %get3A_2173 = arith.index_cast %scan3A_2046 : i32 to index
      %get3A_2174 = arith.constant 816 : index
      %get3A_2175 = tpu.vector_load %arg5[%get3A_2173, %get3A_2174] {strides = array<i32>} : memref<32x1024xf32, #tpu.memory_space<vmem>>, vector<1x16xf32>,
      %get3A_2176 = vector.shape_cast %get3A_2175 : vector<1x16xf32> to vector<16xf32>
      %add3A_2177 = arith.addf %scan3A_2066, %get3A_2176 : vector<16xf32>
      %get3A_2178 = arith.index_cast %scan3A_2046 : i32 to index
      %get3A_2179 = arith.constant 832 : index
      %get3A_2180 = tpu.vector_load %arg5[%get3A_2178, %get3A_2179] {strides = array<i32>} : memref<32x1024xf32, #tpu.memory_space<vmem>>, vector<1x16xf32>,
      %get3A_2181 = vector.shape_cast %get3A_2180 : vector<1x16xf32> to vector<16xf32>
      %add3A_2182 = arith.addf %scan3A_2067, %get3A_2181 : vector<16xf32>
      %get3A_2183 = arith.index_cast %scan3A_2046 : i32 to index
      %get3A_2184 = arith.constant 848 : index
      %get3A_2185 = tpu.vector_load %arg5[%get3A_2183, %get3A_2184] {strides = array<i32>} : memref<32x1024xf32, #tpu.memory_space<vmem>>, vector<1x16xf32>,
      %get3A_2186 = vector.shape_cast %get3A_2185 : vector<1x16xf32> to vector<16xf32>
      %add3A_2187 = arith.addf %scan3A_2068, %get3A_2186 : vector<16xf32>
      %get3A_2188 = arith.index_cast %scan3A_2046 : i32 to index
      %get3A_2189 = arith.constant 864 : index
      %get3A_2190 = tpu.vector_load %arg5[%get3A_2188, %get3A_2189] {strides = array<i32>} : memref<32x1024xf32, #tpu.memory_space<vmem>>, vector<1x16xf32>,
      %get3A_2191 = vector.shape_cast %get3A_2190 : vector<1x16xf32> to vector<16xf32>
      %add3A_2192 = arith.addf %scan3A_2069, %get3A_2191 : vector<16xf32>
      %get3A_2193 = arith.index_cast %scan3A_2046 : i32 to index
      %get3A_2194 = arith.constant 880 : index
      %get3A_2195 = tpu.vector_load %arg5[%get3A_2193, %get3A_2194] {strides = array<i32>} : memref<32x1024xf32, #tpu.memory_space<vmem>>, vector<1x16xf32>,
      %get3A_2196 = vector.shape_cast %get3A_2195 : vector<1x16xf32> to vector<16xf32>
      %add3A_2197 = arith.addf %scan3A_2070, %get3A_2196 : vector<16xf32>
      %get3A_2198 = arith.index_cast %scan3A_2046 : i32 to index
      %get3A_2199 = arith.constant 896 : index
      %get3A_2200 = tpu.vector_load %arg5[%get3A_2198, %get3A_2199] {strides = array<i32>} : memref<32x1024xf32, #tpu.memory_space<vmem>>, vector<1x16xf32>,
      %get3A_2201 = vector.shape_cast %get3A_2200 : vector<1x16xf32> to vector<16xf32>
      %add3A_2202 = arith.addf %scan3A_2071, %get3A_2201 : vector<16xf32>
      %get3A_2203 = arith.index_cast %scan3A_2046 : i32 to index
      %get3A_2204 = arith.constant 912 : index
      %get3A_2205 = tpu.vector_load %arg5[%get3A_2203, %get3A_2204] {strides = array<i32>} : memref<32x1024xf32, #tpu.memory_space<vmem>>, vector<1x16xf32>,
      %get3A_2206 = vector.shape_cast %get3A_2205 : vector<1x16xf32> to vector<16xf32>
      %add3A_2207 = arith.addf %scan3A_2072, %get3A_2206 : vector<16xf32>
      %get3A_2208 = arith.index_cast %scan3A_2046 : i32 to index
      %get3A_2209 = arith.constant 928 : index
      %get3A_2210 = tpu.vector_load %arg5[%get3A_2208, %get3A_2209] {strides = array<i32>} : memref<32x1024xf32, #tpu.memory_space<vmem>>, vector<1x16xf32>,
      %get3A_2211 = vector.shape_cast %get3A_2210 : vector<1x16xf32> to vector<16xf32>
      %add3A_2212 = arith.addf %scan3A_2073, %get3A_2211 : vector<16xf32>
      %get3A_2213 = arith.index_cast %scan3A_2046 : i32 to index
      %get3A_2214 = arith.constant 944 : index
      %get3A_2215 = tpu.vector_load %arg5[%get3A_2213, %get3A_2214] {strides = array<i32>} : memref<32x1024xf32, #tpu.memory_space<vmem>>, vector<1x16xf32>,
      %get3A_2216 = vector.shape_cast %get3A_2215 : vector<1x16xf32> to vector<16xf32>
      %add3A_2217 = arith.addf %scan3A_2074, %get3A_2216 : vector<16xf32>
      %get3A_2218 = arith.index_cast %scan3A_2046 : i32 to index
      %get3A_2219 = arith.constant 960 : index
      %get3A_2220 = tpu.vector_load %arg5[%get3A_2218, %get3A_2219] {strides = array<i32>} : memref<32x1024xf32, #tpu.memory_space<vmem>>, vector<1x16xf32>,
      %get3A_2221 = vector.shape_cast %get3A_2220 : vector<1x16xf32> to vector<16xf32>
      %add3A_2222 = arith.addf %scan3A_2075, %get3A_2221 : vector<16xf32>
      %get3A_2223 = arith.index_cast %scan3A_2046 : i32 to index
      %get3A_2224 = arith.constant 976 : index
      %get3A_2225 = tpu.vector_load %arg5[%get3A_2223, %get3A_2224] {strides = array<i32>} : memref<32x1024xf32, #tpu.memory_space<vmem>>, vector<1x16xf32>,
      %get3A_2226 = vector.shape_cast %get3A_2225 : vector<1x16xf32> to vector<16xf32>
      %add3A_2227 = arith.addf %scan3A_2076, %get3A_2226 : vector<16xf32>
      %get3A_2228 = arith.index_cast %scan3A_2046 : i32 to index
      %get3A_2229 = arith.constant 992 : index
      %get3A_2230 = tpu.vector_load %arg5[%get3A_2228, %get3A_2229] {strides = array<i32>} : memref<32x1024xf32, #tpu.memory_space<vmem>>, vector<1x16xf32>,
      %get3A_2231 = vector.shape_cast %get3A_2230 : vector<1x16xf32> to vector<16xf32>
      %add3A_2232 = arith.addf %scan3A_2077, %get3A_2231 : vector<16xf32>
      %get3A_2233 = arith.index_cast %scan3A_2046 : i32 to index
      %get3A_2234 = arith.constant 1008 : index
      %get3A_2235 = tpu.vector_load %arg5[%get3A_2233, %get3A_2234] {strides = array<i32>} : memref<32x1024xf32, #tpu.memory_space<vmem>>, vector<1x16xf32>,
      %get3A_2236 = vector.shape_cast %get3A_2235 : vector<1x16xf32> to vector<16xf32>
      %add3A_2237 = arith.addf %scan3A_2078, %get3A_2236 : vector<16xf32>
      scf.yield %add3A_2082, %add3A_2087, %add3A_2092, %add3A_2097, %add3A_2102, %add3A_2107, %add3A_2112, %add3A_2117, %add3A_2122, %add3A_2127, %add3A_2132, %add3A_2137, %add3A_2142, %add3A_2147, %add3A_2152, %add3A_2157, %add3A_2162, %add3A_2167, %add3A_2172, %add3A_2177, %add3A_2182, %add3A_2187, %add3A_2192, %add3A_2197, %add3A_2202, %add3A_2207, %add3A_2212, %add3A_2217, %add3A_2222, %add3A_2227, %add3A_2232, %add3A_2237 : vector<16xf32>, vector<16xf32>, vector<16xf32>, vector<16xf32>, vector<16xf32>, vector<16xf32>, vector<16xf32>, vector<16xf32>, vector<16xf32>, vector<16xf32>, vector<16xf32>, vector<16xf32>, vector<16xf32>, vector<16xf32>, vector<16xf32>, vector<16xf32>, vector<16xf32>, vector<16xf32>, vector<16xf32>, vector<16xf32>, vector<16xf32>, vector<16xf32>, vector<16xf32>, vector<16xf32>, vector<16xf32>, vector<16xf32>, vector<16xf32>, vector<16xf32>, vector<16xf32>, vector<16xf32>, vector<16xf32>, vector<16xf32>
    }
    %scan3A_1917 = arith.constant 32 : i32
    %swap3A_1918 = arith.constant 512 : index
    %swap3A_1919 = tpu.vector_load %arg6[%swap3A_1918] {strides = array<i32>} : memref<1024xf32, #tpu.memory_space<vmem>>, vector<16xf32>,
    %swap3A_1920 = vector.shape_cast %swap3A_1919 : vector<16xf32> to vector<16xf32>
    %swap3A_1921 = vector.shape_cast %scan3A_1916#0 : vector<16xf32> to vector<16xf32>
    tpu.vector_store %arg6[%swap3A_1918], %swap3A_1921 {add = true, strides = array<i32>} : memref<1024xf32, #tpu.memory_space<vmem>>, vector<16xf32>,
    %swap3A_1922 = arith.constant 528 : index
    %swap3A_1923 = tpu.vector_load %arg6[%swap3A_1922] {strides = array<i32>} : memref<1024xf32, #tpu.memory_space<vmem>>, vector<16xf32>,
    %swap3A_1924 = vector.shape_cast %swap3A_1923 : vector<16xf32> to vector<16xf32>
    %swap3A_1925 = vector.shape_cast %scan3A_1916#1 : vector<16xf32> to vector<16xf32>
    tpu.vector_store %arg6[%swap3A_1922], %swap3A_1925 {add = true, strides = array<i32>} : memref<1024xf32, #tpu.memory_space<vmem>>, vector<16xf32>,
    %swap3A_1926 = arith.constant 544 : index
    %swap3A_1927 = tpu.vector_load %arg6[%swap3A_1926] {strides = array<i32>} : memref<1024xf32, #tpu.memory_space<vmem>>, vector<16xf32>,
    %swap3A_1928 = vector.shape_cast %swap3A_1927 : vector<16xf32> to vector<16xf32>
    %swap3A_1929 = vector.shape_cast %scan3A_1916#2 : vector<16xf32> to vector<16xf32>
    tpu.vector_store %arg6[%swap3A_1926], %swap3A_1929 {add = true, strides = array<i32>} : memref<1024xf32, #tpu.memory_space<vmem>>, vector<16xf32>,
    %swap3A_1930 = arith.constant 560 : index
    %swap3A_1931 = tpu.vector_load %arg6[%swap3A_1930] {strides = array<i32>} : memref<1024xf32, #tpu.memory_space<vmem>>, vector<16xf32>,
    %swap3A_1932 = vector.shape_cast %swap3A_1931 : vector<16xf32> to vector<16xf32>
    %swap3A_1933 = vector.shape_cast %scan3A_1916#3 : vector<16xf32> to vector<16xf32>
    tpu.vector_store %arg6[%swap3A_1930], %swap3A_1933 {add = true, strides = array<i32>} : memref<1024xf32, #tpu.memory_space<vmem>>, vector<16xf32>,
    %swap3A_1934 = arith.constant 576 : index
    %swap3A_1935 = tpu.vector_load %arg6[%swap3A_1934] {strides = array<i32>} : memref<1024xf32, #tpu.memory_space<vmem>>, vector<16xf32>,
    %swap3A_1936 = vector.shape_cast %swap3A_1935 : vector<16xf32> to vector<16xf32>
    %swap3A_1937 = vector.shape_cast %scan3A_1916#4 : vector<16xf32> to vector<16xf32>
    tpu.vector_store %arg6[%swap3A_1934], %swap3A_1937 {add = true, strides = array<i32>} : memref<1024xf32, #tpu.memory_space<vmem>>, vector<16xf32>,
    %swap3A_1938 = arith.constant 592 : index
    %swap3A_1939 = tpu.vector_load %arg6[%swap3A_1938] {strides = array<i32>} : memref<1024xf32, #tpu.memory_space<vmem>>, vector<16xf32>,
    %swap3A_1940 = vector.shape_cast %swap3A_1939 : vector<16xf32> to vector<16xf32>
    %swap3A_1941 = vector.shape_cast %scan3A_1916#5 : vector<16xf32> to vector<16xf32>
    tpu.vector_store %arg6[%swap3A_1938], %swap3A_1941 {add = true, strides = array<i32>} : memref<1024xf32, #tpu.memory_space<vmem>>, vector<16xf32>,
    %swap3A_1942 = arith.constant 608 : index
    %swap3A_1943 = tpu.vector_load %arg6[%swap3A_1942] {strides = array<i32>} : memref<1024xf32, #tpu.memory_space<vmem>>, vector<16xf32>,
    %swap3A_1944 = vector.shape_cast %swap3A_1943 : vector<16xf32> to vector<16xf32>
    %swap3A_1945 = vector.shape_cast %scan3A_1916#6 : vector<16xf32> to vector<16xf32>
    tpu.vector_store %arg6[%swap3A_1942], %swap3A_1945 {add = true, strides = array<i32>} : memref<1024xf32, #tpu.memory_space<vmem>>, vector<16xf32>,
    %swap3A_1946 = arith.constant 624 : index
    %swap3A_1947 = tpu.vector_load %arg6[%swap3A_1946] {strides = array<i32>} : memref<1024xf32, #tpu.memory_space<vmem>>, vector<16xf32>,
    %swap3A_1948 = vector.shape_cast %swap3A_1947 : vector<16xf32> to vector<16xf32>
    %swap3A_1949 = vector.shape_cast %scan3A_1916#7 : vector<16xf32> to vector<16xf32>
    tpu.vector_store %arg6[%swap3A_1946], %swap3A_1949 {add = true, strides = array<i32>} : memref<1024xf32, #tpu.memory_space<vmem>>, vector<16xf32>,
    %swap3A_1950 = arith.constant 640 : index
    %swap3A_1951 = tpu.vector_load %arg6[%swap3A_1950] {strides = array<i32>} : memref<1024xf32, #tpu.memory_space<vmem>>, vector<16xf32>,
    %swap3A_1952 = vector.shape_cast %swap3A_1951 : vector<16xf32> to vector<16xf32>
    %swap3A_1953 = vector.shape_cast %scan3A_1916#8 : vector<16xf32> to vector<16xf32>
    tpu.vector_store %arg6[%swap3A_1950], %swap3A_1953 {add = true, strides = array<i32>} : memref<1024xf32, #tpu.memory_space<vmem>>, vector<16xf32>,
    %swap3A_1954 = arith.constant 656 : index
    %swap3A_1955 = tpu.vector_load %arg6[%swap3A_1954] {strides = array<i32>} : memref<1024xf32, #tpu.memory_space<vmem>>, vector<16xf32>,
    %swap3A_1956 = vector.shape_cast %swap3A_1955 : vector<16xf32> to vector<16xf32>
    %swap3A_1957 = vector.shape_cast %scan3A_1916#9 : vector<16xf32> to vector<16xf32>
    tpu.vector_store %arg6[%swap3A_1954], %swap3A_1957 {add = true, strides = array<i32>} : memref<1024xf32, #tpu.memory_space<vmem>>, vector<16xf32>,
    %swap3A_1958 = arith.constant 672 : index
    %swap3A_1959 = tpu.vector_load %arg6[%swap3A_1958] {strides = array<i32>} : memref<1024xf32, #tpu.memory_space<vmem>>, vector<16xf32>,
    %swap3A_1960 = vector.shape_cast %swap3A_1959 : vector<16xf32> to vector<16xf32>
    %swap3A_1961 = vector.shape_cast %scan3A_1916#10 : vector<16xf32> to vector<16xf32>
    tpu.vector_store %arg6[%swap3A_1958], %swap3A_1961 {add = true, strides = array<i32>} : memref<1024xf32, #tpu.memory_space<vmem>>, vector<16xf32>,
    %swap3A_1962 = arith.constant 688 : index
    %swap3A_1963 = tpu.vector_load %arg6[%swap3A_1962] {strides = array<i32>} : memref<1024xf32, #tpu.memory_space<vmem>>, vector<16xf32>,
    %swap3A_1964 = vector.shape_cast %swap3A_1963 : vector<16xf32> to vector<16xf32>
    %swap3A_1965 = vector.shape_cast %scan3A_1916#11 : vector<16xf32> to vector<16xf32>
    tpu.vector_store %arg6[%swap3A_1962], %swap3A_1965 {add = true, strides = array<i32>} : memref<1024xf32, #tpu.memory_space<vmem>>, vector<16xf32>,
    %swap3A_1966 = arith.constant 704 : index
    %swap3A_1967 = tpu.vector_load %arg6[%swap3A_1966] {strides = array<i32>} : memref<1024xf32, #tpu.memory_space<vmem>>, vector<16xf32>,
    %swap3A_1968 = vector.shape_cast %swap3A_1967 : vector<16xf32> to vector<16xf32>
    %swap3A_1969 = vector.shape_cast %scan3A_1916#12 : vector<16xf32> to vector<16xf32>
    tpu.vector_store %arg6[%swap3A_1966], %swap3A_1969 {add = true, strides = array<i32>} : memref<1024xf32, #tpu.memory_space<vmem>>, vector<16xf32>,
    %swap3A_1970 = arith.constant 720 : index
    %swap3A_1971 = tpu.vector_load %arg6[%swap3A_1970] {strides = array<i32>} : memref<1024xf32, #tpu.memory_space<vmem>>, vector<16xf32>,
    %swap3A_1972 = vector.shape_cast %swap3A_1971 : vector<16xf32> to vector<16xf32>
    %swap3A_1973 = vector.shape_cast %scan3A_1916#13 : vector<16xf32> to vector<16xf32>
    tpu.vector_store %arg6[%swap3A_1970], %swap3A_1973 {add = true, strides = array<i32>} : memref<1024xf32, #tpu.memory_space<vmem>>, vector<16xf32>,
    %swap3A_1974 = arith.constant 736 : index
    %swap3A_1975 = tpu.vector_load %arg6[%swap3A_1974] {strides = array<i32>} : memref<1024xf32, #tpu.memory_space<vmem>>, vector<16xf32>,
    %swap3A_1976 = vector.shape_cast %swap3A_1975 : vector<16xf32> to vector<16xf32>
    %swap3A_1977 = vector.shape_cast %scan3A_1916#14 : vector<16xf32> to vector<16xf32>
    tpu.vector_store %arg6[%swap3A_1974], %swap3A_1977 {add = true, strides = array<i32>} : memref<1024xf32, #tpu.memory_space<vmem>>, vector<16xf32>,
    %swap3A_1978 = arith.constant 752 : index
    %swap3A_1979 = tpu.vector_load %arg6[%swap3A_1978] {strides = array<i32>} : memref<1024xf32, #tpu.memory_space<vmem>>, vector<16xf32>,
    %swap3A_1980 = vector.shape_cast %swap3A_1979 : vector<16xf32> to vector<16xf32>
    %swap3A_1981 = vector.shape_cast %scan3A_1916#15 : vector<16xf32> to vector<16xf32>
    tpu.vector_store %arg6[%swap3A_1978], %swap3A_1981 {add = true, strides = array<i32>} : memref<1024xf32, #tpu.memory_space<vmem>>, vector<16xf32>,
    %swap3A_1982 = arith.constant 768 : index
    %swap3A_1983 = tpu.vector_load %arg6[%swap3A_1982] {strides = array<i32>} : memref<1024xf32, #tpu.memory_space<vmem>>, vector<16xf32>,
    %swap3A_1984 = vector.shape_cast %swap3A_1983 : vector<16xf32> to vector<16xf32>
    %swap3A_1985 = vector.shape_cast %scan3A_1916#16 : vector<16xf32> to vector<16xf32>
    tpu.vector_store %arg6[%swap3A_1982], %swap3A_1985 {add = true, strides = array<i32>} : memref<1024xf32, #tpu.memory_space<vmem>>, vector<16xf32>,
    %swap3A_1986 = arith.constant 784 : index
    %swap3A_1987 = tpu.vector_load %arg6[%swap3A_1986] {strides = array<i32>} : memref<1024xf32, #tpu.memory_space<vmem>>, vector<16xf32>,
    %swap3A_1988 = vector.shape_cast %swap3A_1987 : vector<16xf32> to vector<16xf32>
    %swap3A_1989 = vector.shape_cast %scan3A_1916#17 : vector<16xf32> to vector<16xf32>
    tpu.vector_store %arg6[%swap3A_1986], %swap3A_1989 {add = true, strides = array<i32>} : memref<1024xf32, #tpu.memory_space<vmem>>, vector<16xf32>,
    %swap3A_1990 = arith.constant 800 : index
    %swap3A_1991 = tpu.vector_load %arg6[%swap3A_1990] {strides = array<i32>} : memref<1024xf32, #tpu.memory_space<vmem>>, vector<16xf32>,
    %swap3A_1992 = vector.shape_cast %swap3A_1991 : vector<16xf32> to vector<16xf32>
    %swap3A_1993 = vector.shape_cast %scan3A_1916#18 : vector<16xf32> to vector<16xf32>
    tpu.vector_store %arg6[%swap3A_1990], %swap3A_1993 {add = true, strides = array<i32>} : memref<1024xf32, #tpu.memory_space<vmem>>, vector<16xf32>,
    %swap3A_1994 = arith.constant 816 : index
    %swap3A_1995 = tpu.vector_load %arg6[%swap3A_1994] {strides = array<i32>} : memref<1024xf32, #tpu.memory_space<vmem>>, vector<16xf32>,
    %swap3A_1996 = vector.shape_cast %swap3A_1995 : vector<16xf32> to vector<16xf32>
    %swap3A_1997 = vector.shape_cast %scan3A_1916#19 : vector<16xf32> to vector<16xf32>
    tpu.vector_store %arg6[%swap3A_1994], %swap3A_1997 {add = true, strides = array<i32>} : memref<1024xf32, #tpu.memory_space<vmem>>, vector<16xf32>,
    %swap3A_1998 = arith.constant 832 : index
    %swap3A_1999 = tpu.vector_load %arg6[%swap3A_1998] {strides = array<i32>} : memref<1024xf32, #tpu.memory_space<vmem>>, vector<16xf32>,
    %swap3A_2000 = vector.shape_cast %swap3A_1999 : vector<16xf32> to vector<16xf32>
    %swap3A_2001 = vector.shape_cast %scan3A_1916#20 : vector<16xf32> to vector<16xf32>
    tpu.vector_store %arg6[%swap3A_1998], %swap3A_2001 {add = true, strides = array<i32>} : memref<1024xf32, #tpu.memory_space<vmem>>, vector<16xf32>,
    %swap3A_2002 = arith.constant 848 : index
    %swap3A_2003 = tpu.vector_load %arg6[%swap3A_2002] {strides = array<i32>} : memref<1024xf32, #tpu.memory_space<vmem>>, vector<16xf32>,
    %swap3A_2004 = vector.shape_cast %swap3A_2003 : vector<16xf32> to vector<16xf32>
    %swap3A_2005 = vector.shape_cast %scan3A_1916#21 : vector<16xf32> to vector<16xf32>
    tpu.vector_store %arg6[%swap3A_2002], %swap3A_2005 {add = true, strides = array<i32>} : memref<1024xf32, #tpu.memory_space<vmem>>, vector<16xf32>,
    %swap3A_2006 = arith.constant 864 : index
    %swap3A_2007 = tpu.vector_load %arg6[%swap3A_2006] {strides = array<i32>} : memref<1024xf32, #tpu.memory_space<vmem>>, vector<16xf32>,
    %swap3A_2008 = vector.shape_cast %swap3A_2007 : vector<16xf32> to vector<16xf32>
    %swap3A_2009 = vector.shape_cast %scan3A_1916#22 : vector<16xf32> to vector<16xf32>
    tpu.vector_store %arg6[%swap3A_2006], %swap3A_2009 {add = true, strides = array<i32>} : memref<1024xf32, #tpu.memory_space<vmem>>, vector<16xf32>,
    %swap3A_2010 = arith.constant 880 : index
    %swap3A_2011 = tpu.vector_load %arg6[%swap3A_2010] {strides = array<i32>} : memref<1024xf32, #tpu.memory_space<vmem>>, vector<16xf32>,
    %swap3A_2012 = vector.shape_cast %swap3A_2011 : vector<16xf32> to vector<16xf32>
    %swap3A_2013 = vector.shape_cast %scan3A_1916#23 : vector<16xf32> to vector<16xf32>
    tpu.vector_store %arg6[%swap3A_2010], %swap3A_2013 {add = true, strides = array<i32>} : memref<1024xf32, #tpu.memory_space<vmem>>, vector<16xf32>,
    %swap3A_2014 = arith.constant 896 : index
    %swap3A_2015 = tpu.vector_load %arg6[%swap3A_2014] {strides = array<i32>} : memref<1024xf32, #tpu.memory_space<vmem>>, vector<16xf32>,
    %swap3A_2016 = vector.shape_cast %swap3A_2015 : vector<16xf32> to vector<16xf32>
    %swap3A_2017 = vector.shape_cast %scan3A_1916#24 : vector<16xf32> to vector<16xf32>
    tpu.vector_store %arg6[%swap3A_2014], %swap3A_2017 {add = true, strides = array<i32>} : memref<1024xf32, #tpu.memory_space<vmem>>, vector<16xf32>,
    %swap3A_2018 = arith.constant 912 : index
    %swap3A_2019 = tpu.vector_load %arg6[%swap3A_2018] {strides = array<i32>} : memref<1024xf32, #tpu.memory_space<vmem>>, vector<16xf32>,
    %swap3A_2020 = vector.shape_cast %swap3A_2019 : vector<16xf32> to vector<16xf32>
    %swap3A_2021 = vector.shape_cast %scan3A_1916#25 : vector<16xf32> to vector<16xf32>
    tpu.vector_store %arg6[%swap3A_2018], %swap3A_2021 {add = true, strides = array<i32>} : memref<1024xf32, #tpu.memory_space<vmem>>, vector<16xf32>,
    %swap3A_2022 = arith.constant 928 : index
    %swap3A_2023 = tpu.vector_load %arg6[%swap3A_2022] {strides = array<i32>} : memref<1024xf32, #tpu.memory_space<vmem>>, vector<16xf32>,
    %swap3A_2024 = vector.shape_cast %swap3A_2023 : vector<16xf32> to vector<16xf32>
    %swap3A_2025 = vector.shape_cast %scan3A_1916#26 : vector<16xf32> to vector<16xf32>
    tpu.vector_store %arg6[%swap3A_2022], %swap3A_2025 {add = true, strides = array<i32>} : memref<1024xf32, #tpu.memory_space<vmem>>, vector<16xf32>,
    %swap3A_2026 = arith.constant 944 : index
    %swap3A_2027 = tpu.vector_load %arg6[%swap3A_2026] {strides = array<i32>} : memref<1024xf32, #tpu.memory_space<vmem>>, vector<16xf32>,
    %swap3A_2028 = vector.shape_cast %swap3A_2027 : vector<16xf32> to vector<16xf32>
    %swap3A_2029 = vector.shape_cast %scan3A_1916#27 : vector<16xf32> to vector<16xf32>
    tpu.vector_store %arg6[%swap3A_2026], %swap3A_2029 {add = true, strides = array<i32>} : memref<1024xf32, #tpu.memory_space<vmem>>, vector<16xf32>,
    %swap3A_2030 = arith.constant 960 : index
    %swap3A_2031 = tpu.vector_load %arg6[%swap3A_2030] {strides = array<i32>} : memref<1024xf32, #tpu.memory_space<vmem>>, vector<16xf32>,
    %swap3A_2032 = vector.shape_cast %swap3A_2031 : vector<16xf32> to vector<16xf32>
    %swap3A_2033 = vector.shape_cast %scan3A_1916#28 : vector<16xf32> to vector<16xf32>
    tpu.vector_store %arg6[%swap3A_2030], %swap3A_2033 {add = true, strides = array<i32>} : memref<1024xf32, #tpu.memory_space<vmem>>, vector<16xf32>,
    %swap3A_2034 = arith.constant 976 : index
    %swap3A_2035 = tpu.vector_load %arg6[%swap3A_2034] {strides = array<i32>} : memref<1024xf32, #tpu.memory_space<vmem>>, vector<16xf32>,
    %swap3A_2036 = vector.shape_cast %swap3A_2035 : vector<16xf32> to vector<16xf32>
    %swap3A_2037 = vector.shape_cast %scan3A_1916#29 : vector<16xf32> to vector<16xf32>
    tpu.vector_store %arg6[%swap3A_2034], %swap3A_2037 {add = true, strides = array<i32>} : memref<1024xf32, #tpu.memory_space<vmem>>, vector<16xf32>,
    %swap3A_2038 = arith.constant 992 : index
    %swap3A_2039 = tpu.vector_load %arg6[%swap3A_2038] {strides = array<i32>} : memref<1024xf32, #tpu.memory_space<vmem>>, vector<16xf32>,
    %swap3A_2040 = vector.shape_cast %swap3A_2039 : vector<16xf32> to vector<16xf32>
    %swap3A_2041 = vector.shape_cast %scan3A_1916#30 : vector<16xf32> to vector<16xf32>
    tpu.vector_store %arg6[%swap3A_2038], %swap3A_2041 {add = true, strides = array<i32>} : memref<1024xf32, #tpu.memory_space<vmem>>, vector<16xf32>,
    %swap3A_2042 = arith.constant 1008 : index
    %swap3A_2043 = tpu.vector_load %arg6[%swap3A_2042] {strides = array<i32>} : memref<1024xf32, #tpu.memory_space<vmem>>, vector<16xf32>,
    %swap3A_2044 = vector.shape_cast %swap3A_2043 : vector<16xf32> to vector<16xf32>
    %swap3A_2045 = vector.shape_cast %scan3A_1916#31 : vector<16xf32> to vector<16xf32>
    tpu.vector_store %arg6[%swap3A_2042], %swap3A_2045 {add = true, strides = array<i32>} : memref<1024xf32, #tpu.memory_space<vmem>>, vector<16xf32>,
    "tpu.region"() ({
      %run_scoped3A = tpu.sem_alloc : memref<!tpu.dma_semaphore, #tpu.memory_space<semaphore_mem>>
      %dma_start3A_2046 = arith.constant 0 : i32
      %dma_start3A_2047 = tpu.memref_slice %arg3[%select_n3A_30, %select_n3A, %dma_start3A_2046] : memref<8x4x1024xf32, #tpu.memory_space<hbm>> -> memref<1x1x1024xf32, #tpu.memory_space<hbm>>
      %dma_start3A_2048 = tpu.memref_squeeze %dma_start3A_2047 : memref<1x1x1024xf32, #tpu.memory_space<hbm>> -> memref<1024xf32, #tpu.memory_space<hbm>>
      %dma_start3A_2049 = arith.constant 0 : i32
      %dma_start3A_2050 = tpu.memref_slice %arg3[%select_n3A_30, %select_n3A, %dma_start3A_2049] : memref<8x4x1024xf32, #tpu.memory_space<hbm>> -> memref<1x1x1024xf32, #tpu.memory_space<hbm>>
      %dma_start3A_2051 = tpu.memref_squeeze %dma_start3A_2050 : memref<1x1x1024xf32, #tpu.memory_space<hbm>> -> memref<1024xf32, #tpu.memory_space<hbm>>
      tpu.enqueue_dma source(%arg6 : memref<1024xf32, #tpu.memory_space<vmem>>) target(%dma_start3A_2051 : memref<1024xf32, #tpu.memory_space<hbm>>) target_semaphore(%run_scoped3A : memref<!tpu.dma_semaphore, #tpu.memory_space<semaphore_mem>>)
      %dma_wait3A_2052 = arith.constant 0 : i32
      %dma_wait3A_2053 = tpu.memref_slice %arg3[%select_n3A_30, %select_n3A, %dma_wait3A_2052] : memref<8x4x1024xf32, #tpu.memory_space<hbm>> -> memref<1x1x1024xf32, #tpu.memory_space<hbm>>
      %dma_wait3A_2054 = tpu.memref_squeeze %dma_wait3A_2053 : memref<1x1x1024xf32, #tpu.memory_space<hbm>> -> memref<1024xf32, #tpu.memory_space<hbm>>
      %dma_wait3A_2055 = arith.constant 0 : i32
      %dma_wait3A_2056 = tpu.memref_slice %arg3[%select_n3A_30, %select_n3A, %dma_wait3A_2055] : memref<8x4x1024xf32, #tpu.memory_space<hbm>> -> memref<1x1x1024xf32, #tpu.memory_space<hbm>>
      %dma_wait3A_2057 = tpu.memref_squeeze %dma_wait3A_2056 : memref<1x1x1024xf32, #tpu.memory_space<hbm>> -> memref<1024xf32, #tpu.memory_space<hbm>>
      tpu.wait_dma2 semaphore(%run_scoped3A : memref<!tpu.dma_semaphore, #tpu.memory_space<semaphore_mem>>) src(%arg6 : memref<1024xf32, #tpu.memory_space<vmem>>) dst(%dma_wait3A_2057 : memref<1024xf32, #tpu.memory_space<hbm>>)
      tpu.yield
    }) : () -> ()
    return
  }
}

module attributes {stable_mosaic.version = 14 : i64} {
  func.func @_tc_fused_body(%arg0: i32, %arg1: memref<1024x1024xf32, #tpu.memory_space<vmem>>, %arg2: memref<16xi32, #tpu.memory_space<vmem>>, %arg3: memref<768x1024xf32, #tpu.memory_space<vmem>>, %arg4: memref<768xf32, #tpu.memory_space<vmem>>, %arg5: memref<768xf32, #tpu.memory_space<vmem>>, %arg6: memref<768x768xf32, #tpu.memory_space<vmem>>, %arg7: memref<768xf32, #tpu.memory_space<vmem>>, %arg8: memref<1024x768xf32, #tpu.memory_space<vmem>>, %arg9: memref<1024xf32, #tpu.memory_space<vmem>>, %arg10: memref<12x1024xf32, #tpu.memory_space<vmem>>, %arg11: memref<12x1024xf32, #tpu.memory_space<vmem>>) attributes {dimension_semantics = [#tpu.dimension_semantics<arbitrary>], iteration_bounds = array<i64: 12>, scalar_prefetch = 0 : i64, scratch_operands = 1 : i64, tpu.core_type = #tpu.core_type<tc>, window_params = [{transform_indices = @transform_0, window_bounds = array<i64: 1024, 1024>}, {pipeline_mode = #tpu.pipeline_mode<synchronous>, transform_indices = @transform_1, window_bounds = array<i64: 16>}, {pipeline_mode = #tpu.pipeline_mode<synchronous>, transform_indices = @transform_2, window_bounds = array<i64: 768, 1024>}, {pipeline_mode = #tpu.pipeline_mode<synchronous>, transform_indices = @transform_3, window_bounds = array<i64: 768>}, {pipeline_mode = #tpu.pipeline_mode<synchronous>, transform_indices = @transform_4, window_bounds = array<i64: 768>}, {pipeline_mode = #tpu.pipeline_mode<synchronous>, transform_indices = @transform_5, window_bounds = array<i64: 768, 768>}, {pipeline_mode = #tpu.pipeline_mode<synchronous>, transform_indices = @transform_6, window_bounds = array<i64: 768>}, {pipeline_mode = #tpu.pipeline_mode<synchronous>, transform_indices = @transform_7, window_bounds = array<i64: 1024, 768>}, {pipeline_mode = #tpu.pipeline_mode<synchronous>, transform_indices = @transform_8, window_bounds = array<i64: 1024>}, {pipeline_mode = #tpu.pipeline_mode<synchronous>, transform_indices = @transform_9, window_bounds = array<i64: 12, 1024>}]} {
    %get3A = arith.constant 0 : index
    %get3A_0 = arith.constant 0 : index
    %get3A_1 = vector.load %arg1[%get3A, %get3A_0] : memref<1024x1024xf32, #tpu.memory_space<vmem>>, vector<1024x1024xf32>
    %reduce_sum3A = arith.constant dense<0.000000e+00> : vector<1024xf32>
    %reduce_sum3A_2 = vector.multi_reduction <add>, %get3A_1, %reduce_sum3A [0] : vector<1024x1024xf32> to vector<1024xf32>
    %broadcast_in_dim3A = vector.shape_cast %reduce_sum3A_2 : vector<1024xf32> to vector<1x1024xf32>
    %swap3A = arith.index_cast %arg0 : i32 to index
    %swap3A_3 = arith.constant 0 : index
    %swap3A_4 = vector.load %arg11[%swap3A, %swap3A_3] : memref<12x1024xf32, #tpu.memory_space<vmem>>, vector<1x1024xf32>
    tpu.vector_store %arg11[%swap3A, %swap3A_3], %broadcast_in_dim3A {strides = array<i32>} : memref<12x1024xf32, #tpu.memory_space<vmem>>, vector<1x1024xf32>,
    %eq3A = arith.constant 11 : i32
    %eq3A_5 = arith.cmpi eq, %arg0, %eq3A : i32
    %convert_element_type3A = arith.extui %eq3A_5 : i1 to i32
    %cond3A = arith.constant 0 : i32
    %cond3A_6 = arith.cmpi ne, %convert_element_type3A, %cond3A : i32
    scf.if %cond3A_6 {
      %get3A_7 = arith.constant 0 : index
      %get3A_8 = vector.load %arg2[%get3A_7] : memref<16xi32, #tpu.memory_space<vmem>>, vector<16xi32>
      %convert_element_type3A_9 = arith.sitofp %get3A_8 : vector<16xi32> to vector<16xf32>
      %slice3A = vector.extract_strided_slice %convert_element_type3A_9 {offsets = [0], sizes = [12], strides = [1]} : vector<16xf32> to vector<12xf32>
      %get3A_10 = arith.constant 0 : index
      %get3A_11 = arith.constant 0 : index
      %get3A_12 = vector.load %arg11[%get3A_10, %get3A_11] : memref<12x1024xf32, #tpu.memory_space<vmem>>, vector<12x1024xf32>
      %get3A_13 = arith.constant 0 : index
      %get3A_14 = arith.constant 0 : index
      %get3A_15 = vector.load %arg3[%get3A_13, %get3A_14] : memref<768x1024xf32, #tpu.memory_space<vmem>>, vector<768x1024xf32>
      %get3A_16 = arith.constant 0 : index
      %get3A_17 = vector.load %arg4[%get3A_16] : memref<768xf32, #tpu.memory_space<vmem>>, vector<768xf32>
      %get3A_18 = arith.constant 0 : index
      %get3A_19 = vector.load %arg5[%get3A_18] : memref<768xf32, #tpu.memory_space<vmem>>, vector<768xf32>
      %get3A_20 = arith.constant 0 : index
      %get3A_21 = arith.constant 0 : index
      %get3A_22 = vector.load %arg6[%get3A_20, %get3A_21] : memref<768x768xf32, #tpu.memory_space<vmem>>, vector<768x768xf32>
      %get3A_23 = arith.constant 0 : index
      %get3A_24 = vector.load %arg7[%get3A_23] : memref<768xf32, #tpu.memory_space<vmem>>, vector<768xf32>
      %get3A_25 = arith.constant 0 : index
      %get3A_26 = arith.constant 0 : index
      %get3A_27 = vector.load %arg8[%get3A_25, %get3A_26] : memref<1024x768xf32, #tpu.memory_space<vmem>>, vector<1024x768xf32>
      %get3A_28 = arith.constant 0 : index
      %get3A_29 = vector.load %arg9[%get3A_28] : memref<1024xf32, #tpu.memory_space<vmem>>, vector<1024xf32>
      %broadcast_in_dim3A_30 = vector.shape_cast %slice3A : vector<12xf32> to vector<12x1xf32>
      %dot_general3A = arith.constant dense<0.000000e+00> : vector<12x768xf32>
      %dot_general3A_31 = tpu.matmul %get3A_12, %get3A_15, %dot_general3A {dimension_numbers = #tpu.dot_dimension_numbers<[1], [1], [0], [0], [0, 0, 1, 0], [], []>, transpose_lhs_hint = false} : vector<12x1024xf32>, vector<768x1024xf32>, vector<12x768xf32> -> vector<12x768xf32>
      %broadcast_in_dim3A_32 = vector.shape_cast %get3A_17 : vector<768xf32> to vector<1x768xf32>
      %mul3A = vector.broadcast %broadcast_in_dim3A_30 : vector<12x1xf32> to vector<12x768xf32>
      %mul3A_33 = vector.broadcast %broadcast_in_dim3A_32 : vector<1x768xf32> to vector<12x768xf32>
      %mul3A_34 = arith.mulf %mul3A, %mul3A_33 : vector<12x768xf32>
      %add3A = arith.addf %dot_general3A_31, %mul3A_34 : vector<12x768xf32>
      %broadcast_in_dim3A_35 = vector.shape_cast %get3A_19 : vector<768xf32> to vector<1x768xf32>
      %add3A_36 = vector.broadcast %broadcast_in_dim3A_35 : vector<1x768xf32> to vector<12x768xf32>
      %add3A_37 = arith.addf %add3A, %add3A_36 : vector<12x768xf32>
      %add3A_38 = arith.constant 1.000000e+00 : f32
      %add3A_39 = vector.broadcast %add3A_38 : f32 to vector<12x1xf32>
      %add3A_40 = arith.addf %broadcast_in_dim3A_30, %add3A_39 : vector<12x1xf32>
      %div3A = vector.broadcast %add3A_40 : vector<12x1xf32> to vector<12x768xf32>
      %div3A_41 = arith.divf %add3A_37, %div3A : vector<12x768xf32>
      %dot_general3A_42 = arith.constant dense<0.000000e+00> : vector<12x768xf32>
      %dot_general3A_43 = tpu.matmul %div3A_41, %get3A_22, %dot_general3A_42 {dimension_numbers = #tpu.dot_dimension_numbers<[1], [1], [0], [0], [0, 0, 1, 0], [], []>, transpose_lhs_hint = false} : vector<12x768xf32>, vector<768x768xf32>, vector<12x768xf32> -> vector<12x768xf32>
      %broadcast_in_dim3A_44 = vector.shape_cast %get3A_24 : vector<768xf32> to vector<1x768xf32>
      %add3A_45 = vector.broadcast %broadcast_in_dim3A_44 : vector<1x768xf32> to vector<12x768xf32>
      %add3A_46 = arith.addf %dot_general3A_43, %add3A_45 : vector<12x768xf32>
      %tanh3A = math.tanh %add3A_46 : vector<12x768xf32>
      %dot_general3A_47 = arith.constant dense<0.000000e+00> : vector<12x1024xf32>
      %dot_general3A_48 = tpu.matmul %tanh3A, %get3A_27, %dot_general3A_47 {dimension_numbers = #tpu.dot_dimension_numbers<[1], [1], [0], [0], [0, 0, 1, 0], [], []>, transpose_lhs_hint = false} : vector<12x768xf32>, vector<1024x768xf32>, vector<12x1024xf32> -> vector<12x1024xf32>
      %broadcast_in_dim3A_49 = vector.shape_cast %get3A_29 : vector<1024xf32> to vector<1x1024xf32>
      %add3A_50 = vector.broadcast %broadcast_in_dim3A_49 : vector<1x1024xf32> to vector<12x1024xf32>
      %add3A_51 = arith.addf %dot_general3A_48, %add3A_50 : vector<12x1024xf32>
      %swap3A_52 = arith.constant 0 : index
      %swap3A_53 = arith.constant 0 : index
      %swap3A_54 = vector.load %arg10[%swap3A_52, %swap3A_53] : memref<12x1024xf32, #tpu.memory_space<vmem>>, vector<12x1024xf32>
      tpu.vector_store %arg10[%swap3A_52, %swap3A_53], %add3A_51 {strides = array<i32>} : memref<12x1024xf32, #tpu.memory_space<vmem>>, vector<12x1024xf32>,
    } else {
    }
    return
  }
  func.func @transform_0(%arg0: i32) -> (i32, i32) {
    %c0_i32 = arith.constant 0 : i32
    %c0_i32_0 = arith.constant 0 : i32
    return %arg0, %c0_i32 : i32, i32
  }
  func.func @transform_1(%arg0: i32) -> i32 {
    %c0_i32 = arith.constant 0 : i32
    %c0_i32_0 = arith.constant 0 : i32
    return %c0_i32 : i32
  }
  func.func @transform_2(%arg0: i32) -> (i32, i32) {
    %c0_i32 = arith.constant 0 : i32
    %c0_i32_0 = arith.constant 0 : i32
    %c0_i32_1 = arith.constant 0 : i32
    return %c0_i32, %c0_i32_0 : i32, i32
  }
  func.func @transform_3(%arg0: i32) -> i32 {
    %c0_i32 = arith.constant 0 : i32
    %c0_i32_0 = arith.constant 0 : i32
    return %c0_i32 : i32
  }
  func.func @transform_4(%arg0: i32) -> i32 {
    %c0_i32 = arith.constant 0 : i32
    %c0_i32_0 = arith.constant 0 : i32
    return %c0_i32 : i32
  }
  func.func @transform_5(%arg0: i32) -> (i32, i32) {
    %c0_i32 = arith.constant 0 : i32
    %c0_i32_0 = arith.constant 0 : i32
    %c0_i32_1 = arith.constant 0 : i32
    return %c0_i32, %c0_i32_0 : i32, i32
  }
  func.func @transform_6(%arg0: i32) -> i32 {
    %c0_i32 = arith.constant 0 : i32
    %c0_i32_0 = arith.constant 0 : i32
    return %c0_i32 : i32
  }
  func.func @transform_7(%arg0: i32) -> (i32, i32) {
    %c0_i32 = arith.constant 0 : i32
    %c0_i32_0 = arith.constant 0 : i32
    %c0_i32_1 = arith.constant 0 : i32
    return %c0_i32, %c0_i32_0 : i32, i32
  }
  func.func @transform_8(%arg0: i32) -> i32 {
    %c0_i32 = arith.constant 0 : i32
    %c0_i32_0 = arith.constant 0 : i32
    return %c0_i32 : i32
  }
  func.func @transform_9(%arg0: i32) -> (i32, i32) {
    %c0_i32 = arith.constant 0 : i32
    %c0_i32_0 = arith.constant 0 : i32
    %c0_i32_1 = arith.constant 0 : i32
    return %c0_i32, %c0_i32_0 : i32, i32
  }
}

module attributes {stable_mosaic.version = 14 : i64} {
  func.func @_sc_head_body(%arg0: memref<8x4x1024xf32, #tpu.memory_space<vmem>>, %arg1: memref<16xi32, #tpu.memory_space<vmem>>, %arg2: memref<768x1024xf32, #tpu.memory_space<vmem>>, %arg3: memref<768xf32, #tpu.memory_space<vmem>>, %arg4: memref<768xf32, #tpu.memory_space<vmem>>, %arg5: memref<768x768xf32, #tpu.memory_space<vmem>>, %arg6: memref<768xf32, #tpu.memory_space<vmem>>, %arg7: memref<1024x768xf32, #tpu.memory_space<vmem>>, %arg8: memref<1024xf32, #tpu.memory_space<vmem>>, %arg9: memref<4x1024xf32, #tpu.memory_space<vmem>>) attributes {dimension_semantics = [], scalar_prefetch = 0 : i64, scratch_operands = 0 : i64, tpu.core_type = #tpu.core_type<tc>} {
    %get3A = arith.constant 0 : index
    %get3A_0 = arith.constant 0 : index
    %get3A_1 = arith.constant 0 : index
    %get3A_2 = vector.load %arg0[%get3A, %get3A_0, %get3A_1] : memref<8x4x1024xf32, #tpu.memory_space<vmem>>, vector<8x4x1024xf32>
    %reduce_sum3A = arith.constant dense<0.000000e+00> : vector<4x1024xf32>
    %reduce_sum3A_3 = vector.multi_reduction <add>, %get3A_2, %reduce_sum3A [0] : vector<8x4x1024xf32> to vector<4x1024xf32>
    %get3A_4 = arith.constant 0 : index
    %get3A_5 = vector.load %arg1[%get3A_4] : memref<16xi32, #tpu.memory_space<vmem>>, vector<16xi32>
    %convert_element_type3A = arith.sitofp %get3A_5 : vector<16xi32> to vector<16xf32>
    %slice3A = vector.extract_strided_slice %convert_element_type3A {offsets = [12], sizes = [4], strides = [1]} : vector<16xf32> to vector<4xf32>
    %get3A_6 = arith.constant 0 : index
    %get3A_7 = arith.constant 0 : index
    %get3A_8 = vector.load %arg2[%get3A_6, %get3A_7] : memref<768x1024xf32, #tpu.memory_space<vmem>>, vector<768x1024xf32>
    %get3A_9 = arith.constant 0 : index
    %get3A_10 = vector.load %arg3[%get3A_9] : memref<768xf32, #tpu.memory_space<vmem>>, vector<768xf32>
    %get3A_11 = arith.constant 0 : index
    %get3A_12 = vector.load %arg4[%get3A_11] : memref<768xf32, #tpu.memory_space<vmem>>, vector<768xf32>
    %get3A_13 = arith.constant 0 : index
    %get3A_14 = arith.constant 0 : index
    %get3A_15 = vector.load %arg5[%get3A_13, %get3A_14] : memref<768x768xf32, #tpu.memory_space<vmem>>, vector<768x768xf32>
    %get3A_16 = arith.constant 0 : index
    %get3A_17 = vector.load %arg6[%get3A_16] : memref<768xf32, #tpu.memory_space<vmem>>, vector<768xf32>
    %get3A_18 = arith.constant 0 : index
    %get3A_19 = arith.constant 0 : index
    %get3A_20 = vector.load %arg7[%get3A_18, %get3A_19] : memref<1024x768xf32, #tpu.memory_space<vmem>>, vector<1024x768xf32>
    %get3A_21 = arith.constant 0 : index
    %get3A_22 = vector.load %arg8[%get3A_21] : memref<1024xf32, #tpu.memory_space<vmem>>, vector<1024xf32>
    %broadcast_in_dim3A = vector.shape_cast %slice3A : vector<4xf32> to vector<4x1xf32>
    %dot_general3A = arith.constant dense<0.000000e+00> : vector<4x768xf32>
    %dot_general3A_23 = tpu.matmul %reduce_sum3A_3, %get3A_8, %dot_general3A {dimension_numbers = #tpu.dot_dimension_numbers<[1], [1], [0], [0], [0, 0, 1, 0], [], []>, transpose_lhs_hint = false} : vector<4x1024xf32>, vector<768x1024xf32>, vector<4x768xf32> -> vector<4x768xf32>
    %broadcast_in_dim3A_24 = vector.shape_cast %get3A_10 : vector<768xf32> to vector<1x768xf32>
    %mul3A = vector.broadcast %broadcast_in_dim3A : vector<4x1xf32> to vector<4x768xf32>
    %mul3A_25 = vector.broadcast %broadcast_in_dim3A_24 : vector<1x768xf32> to vector<4x768xf32>
    %mul3A_26 = arith.mulf %mul3A, %mul3A_25 : vector<4x768xf32>
    %add3A = arith.addf %dot_general3A_23, %mul3A_26 : vector<4x768xf32>
    %broadcast_in_dim3A_27 = vector.shape_cast %get3A_12 : vector<768xf32> to vector<1x768xf32>
    %add3A_28 = vector.broadcast %broadcast_in_dim3A_27 : vector<1x768xf32> to vector<4x768xf32>
    %add3A_29 = arith.addf %add3A, %add3A_28 : vector<4x768xf32>
    %add3A_30 = arith.constant 1.000000e+00 : f32
    %add3A_31 = vector.broadcast %add3A_30 : f32 to vector<4x1xf32>
    %add3A_32 = arith.addf %broadcast_in_dim3A, %add3A_31 : vector<4x1xf32>
    %div3A = vector.broadcast %add3A_32 : vector<4x1xf32> to vector<4x768xf32>
    %div3A_33 = arith.divf %add3A_29, %div3A : vector<4x768xf32>
    %dot_general3A_34 = arith.constant dense<0.000000e+00> : vector<4x768xf32>
    %dot_general3A_35 = tpu.matmul %div3A_33, %get3A_15, %dot_general3A_34 {dimension_numbers = #tpu.dot_dimension_numbers<[1], [1], [0], [0], [0, 0, 1, 0], [], []>, transpose_lhs_hint = false} : vector<4x768xf32>, vector<768x768xf32>, vector<4x768xf32> -> vector<4x768xf32>
    %broadcast_in_dim3A_36 = vector.shape_cast %get3A_17 : vector<768xf32> to vector<1x768xf32>
    %add3A_37 = vector.broadcast %broadcast_in_dim3A_36 : vector<1x768xf32> to vector<4x768xf32>
    %add3A_38 = arith.addf %dot_general3A_35, %add3A_37 : vector<4x768xf32>
    %tanh3A = math.tanh %add3A_38 : vector<4x768xf32>
    %dot_general3A_39 = arith.constant dense<0.000000e+00> : vector<4x1024xf32>
    %dot_general3A_40 = tpu.matmul %tanh3A, %get3A_20, %dot_general3A_39 {dimension_numbers = #tpu.dot_dimension_numbers<[1], [1], [0], [0], [0, 0, 1, 0], [], []>, transpose_lhs_hint = false} : vector<4x768xf32>, vector<1024x768xf32>, vector<4x1024xf32> -> vector<4x1024xf32>
    %broadcast_in_dim3A_41 = vector.shape_cast %get3A_22 : vector<1024xf32> to vector<1x1024xf32>
    %add3A_42 = vector.broadcast %broadcast_in_dim3A_41 : vector<1x1024xf32> to vector<4x1024xf32>
    %add3A_43 = arith.addf %dot_general3A_40, %add3A_42 : vector<4x1024xf32>
    %swap3A = arith.constant 0 : index
    %swap3A_44 = arith.constant 0 : index
    %swap3A_45 = vector.load %arg9[%swap3A, %swap3A_44] : memref<4x1024xf32, #tpu.memory_space<vmem>>, vector<4x1024xf32>
    tpu.vector_store %arg9[%swap3A, %swap3A_44], %add3A_43 {strides = array<i32>} : memref<4x1024xf32, #tpu.memory_space<vmem>>, vector<4x1024xf32>,
    return
  }
}

</mosaic_0001>

<sc_bundles>
// kernel: kernel.5.cloned.1.call-start
scs
__scs_entry_jumppad:
0x0: {  	(pc) =	sbr.rel $0x88, $3  }
0x1: {  	(tag) =	ssettag $0x0;
	lr =	simm.s32 $0x1  }
0x2: {  	[smem:$0x3F98] =	sst lr;
	_ =	strace $0xD0000000  }
0x3: {  	_ = 	snop  }
0x4: {  	_ = 	snop  }
0x5: {  	_ = 	snop  }
0x6: {  	_ = 	snop  }
0x7: {  	_ = 	snop  }
__scs_overlays_trampoline_lowered:
0x8: {  	[smem:$0x3FA7] =	sst s0  }
0x9: {  	[smem:$0x3FA8] =	sst s1  }
0xa: {  	[smem:$0x3FA9] =	sst s2  }
0xb: {  	[smem:$0x3FAA] =	sst s3  }
0xc: {  	[smem:$0x3FAB] =	sst s4  }
0xd: {  	[smem:$0x3FAC] =	sst s5  }
0xe: {  	[smem:$0x3FAD] =	sst s6  }
0xf: {  	[smem:$0x3FAE] =	sst s7  }
0x10: {  	[smem:$0x3FAF] =	sst s8  }
0x11: {  	[smem:$0x3FB0] =	sst s9;
	s0 =	simm.s32 @!p0 $0x0  }
0x12: {  	s1 =	sld [smem:$0x3F96];
	s0 =	simm.s32 @p0 $0x1  }
0x13: {  	[smem:$0x3FB1] =	sst s0;
	s0 =	simm.s32 @!p1 $0x0  }
0x14: {  	s2 =	sld [smem:$0x3F95];
	s0 =	simm.s32 @p1 $0x1  }
0x15: {  	[smem:$0x3FB2] =	sst s0;
	s0 =	simm.s32 @!p2 $0x0  }
0x16: {  	s3 =	sld [smem:$0x3FDB];
	s0 =	simm.s32 @p2 $0x1  }
0x17: {  	s4 =	simm.s32 $0x1BF5;
	[smem:$0x3FB4] =	sst s0  }
0x18: {  	s0 =	sld [smem:$0x3F97];
	_ =	swait.ge [sflag:s4], $0x0  }
0x19: {  	s7 =	sld [smem:$0x3F98]  }
0x1a: {  	s8 =	sadd.s32 $0xFFFFE003, lr  }
0x1b: {  	s9 =	sadd.s32 $0xFFFFFEF7, lr;
	s5 =	simm.s32 $0xFFFFFFFF;
	p2 =	slt.u32 s8, $0xFFFFF086  }
0x1c: {  	p1 =	slt.u32 s9, $0xF7A;
	s5 =	simm.s32 @!p2 $0x0  }
0x1d: {  	s5 =	simm.s32 @p1 $0x1;
	p0 =	seq.s32 s7, s2  }
0x1e: {  	s7 =	smul.u32 @!p0 $0xF7A, s2;
	p2 =	seq.s32 @!p0 s5, $0x0  }
0x1f: {  	s9 =	smul.u32 $0xF7A, s1;
	s8 =	simm.s32 @!p0 $0x1BF5;
	p2 =	por !p2, p0  }
0x20: {  	[sflag:s8] =	ssyncset.s32 @!p0 $0xFFFFF086;
	s6 =	sadd.s32 @!p0 s3, s7;
	s7 =	simm.s32 @!p0 $0x108  }
0x21: {  	s3 =	sadd.s32 s3, s9;
	s6 =	sadd.s32 @!p0 $0x88, s6;
	s7 =	simm.s32 @p2 $0x1082  }
0x22: {  	[simem:s7], [sflag:s8] =	dma.local @!p0 [hbm:s6], $0xF7A  }
0x23: {  	s9 =	sor.u32 $0xD0000000, s2;
	s6 =	simm.s32 $0x108;
	_ =	swait.ge @!p0 [sflag:s8], $0x0  }
0x24: {  	s3 =	sadd.s32 $0x88, s3;
	s6 =	simm.s32 @!p1 $0x1082;
	[sflag:s4] =	ssyncset.s32 $0xFFFFF086  }
0x25: {  	[simem:s6], [sflag:s4] =	dma.local [hbm:s3], $0xF7A  }
0x26: {  	[smem:$0x3F98] =	sst s1;
	(tag) =	ssettag s2;
	_ =	strace s9  }
0x27: {  	s1 =	sld [smem:$0x3FA8]  }
0x28: {  	s2 =	sld [smem:$0x3FA9]  }
0x29: {  	s4 =	sld [smem:$0x3FAB]  }
0x2a: {  	p0 =	seq.s32 s5, $0x0;
	s5 =	sld [smem:$0x3FAC]  }
0x2b: {  	s6 =	sld [smem:$0x3FAD]  }
0x2c: {  	s7 =	sld [smem:$0x3FAE]  }
0x2d: {  	s3 =	simm.s32 $0x108;
	s8 =	sld [smem:$0x3FAF]  }
0x2e: {  	s3 =	simm.s32 @!p0 $0x1082;
	s9 =	sld [smem:$0x3FB0]  }
0x2f: {  	lr =	sadd.s32 s0, s3;
	s0 =	sld [smem:$0x3FA7]  }
0x30: {  	s3 =	sld [smem:$0x3FAA]  }
0x31: {  	[smem:$0x3FB3] =	sst s10  }
0x32: {  	s10 =	sld [smem:$0x3FB1];
	_ =	sdelay $0x3  }
0x33: {  	p0 =	seq.s32 s10, $0x1;
	s10 =	sld [smem:$0x3FB3];
	_ =	sdelay $0x3  }
0x34: {  	[smem:$0x3FB3] =	sst s10  }
0x35: {  	s10 =	sld [smem:$0x3FB2];
	_ =	sdelay $0x3  }
0x36: {  	p1 =	seq.s32 s10, $0x1;
	s10 =	sld [smem:$0x3FB3];
	_ =	sdelay $0x3  }
0x37: {  	[smem:$0x3FB3] =	sst s10  }
0x38: {  	s10 =	sld [smem:$0x3FB4]  }
0x39: {  	_ = 	snop;
	(pc) =	sbr.ind lr, $3  }
0x3a: {  	_ = 	snop  }
0x3b: {  	_ = 	snop  }
0x3c: {  	p2 =	seq.s32 s10, $0x1;
	s10 =	sld [smem:$0x3FB3]  }
0x3d: {  	_ =	shalt  }
0x3e: {  	_ =	shalt  }
0x3f: {  	_ =	shalt  }
0x40: {  	_ =	shalt  }
0x41: {  	_ =	shalt  }
0x42: {  	_ =	shalt  }
0x43: {  	_ =	shalt  }
0x44: {  	_ =	shalt  }
0x45: {  	_ =	shalt  }
0x46: {  	_ =	shalt  }
0x47: {  	_ =	shalt  }
0x48: {  	_ =	shalt  }
0x49: {  	_ =	shalt  }
0x4a: {  	_ =	shalt  }
0x4b: {  	_ =	shalt  }
0x4c: {  	_ =	shalt  }
0x4d: {  	_ =	shalt  }
0x4e: {  	_ =	shalt  }
0x4f: {  	_ =	shalt  }
0x50: {  	_ =	shalt  }
0x51: {  	_ =	shalt  }
0x52: {  	_ =	shalt  }
0x53: {  	_ =	shalt  }
0x54: {  	_ =	shalt  }
0x55: {  	_ =	shalt  }
0x56: {  	_ =	shalt  }
0x57: {  	_ =	shalt  }
0x58: {  	_ =	shalt  }
0x59: {  	_ =	shalt  }
0x5a: {  	_ =	shalt  }
0x5b: {  	_ =	shalt  }
0x5c: {  	_ =	shalt  }
0x5d: {  	_ =	shalt  }
0x5e: {  	_ =	shalt  }
0x5f: {  	_ =	shalt  }
0x60: {  	_ =	shalt  }
0x61: {  	_ =	shalt  }
0x62: {  	_ =	shalt  }
0x63: {  	_ =	shalt  }
0x64: {  	_ =	shalt  }
0x65: {  	_ =	shalt  }
0x66: {  	_ =	shalt  }
0x67: {  	_ =	shalt  }
0x68: {  	_ =	shalt  }
0x69: {  	_ =	shalt  }
0x6a: {  	_ =	shalt  }
0x6b: {  	_ =	shalt  }
0x6c: {  	_ =	shalt  }
0x6d: {  	_ =	shalt  }
0x6e: {  	_ =	shalt  }
0x6f: {  	_ =	shalt  }
0x70: {  	_ =	shalt  }
0x71: {  	_ =	shalt  }
0x72: {  	_ =	shalt  }
0x73: {  	_ =	shalt  }
0x74: {  	_ =	shalt  }
0x75: {  	_ =	shalt  }
0x76: {  	_ =	shalt  }
0x77: {  	_ =	shalt  }
0x78: {  	_ =	shalt  }
0x79: {  	_ =	shalt  }
0x7a: {  	_ =	shalt  }
0x7b: {  	_ =	shalt  }
0x7c: {  	_ =	shalt  }
0x7d: {  	_ =	shalt  }
0x7e: {  	_ =	shalt  }
0x7f: {  	_ =	shalt  }
0x80: {  	_ =	shalt  }
0x81: {  	_ =	shalt  }
0x82: {  	_ =	shalt  }
0x83: {  	_ =	shalt  }
0x84: {  	_ =	shalt  }
0x85: {  	_ =	shalt  }
0x86: {  	_ =	shalt  }
0x87: {  	_ =	shalt  }
.Lfunc_end0:
.L_simem_size_0:
called_computation_lowered:
.L_overlay_start_0:
0x88: {  	s2 =	sld [smem:$0x3FD9]  }
0x89: {  	s3 =	sld [smem:$0x3FFE];
	_ =	sdelay $0x1  }
0x8a: {  	s1 =	srdreg.scid  }
0x8b: {  	s0 =	sand.u32 $0x1, s1  }
0x8c: {  	s17 =	sshll.u32 s0, $0xA;
	s2 =	sadd.s32 s3, s2  }
0x8d: {  	s2 =	sadd.s32 s2, s17  }
0x8e: {  	[smem:$0x3FBF] =	sst s2  }
0x8f: {  	_ = 	snop  }
0x90: {  	s2 =	sld [smem:$0x3FC9];
	(tm) =	ssettm $0x1  }
0x91: {  	s18 =	sld [smem:$0x3FFB];
	_ =	sdelay $0x3  }
0x92: {  	_ =	strace s18  }
0x93: {  	s3 =	sld [smem:$0x3FFC];
	_ =	sdelay $0x3  }
0x94: {  	_ =	strace s3  }
0x95: {  	s3 =	sld [smem:$0x3FFD];
	_ =	sdelay $0x3  }
0x96: {  	_ =	strace s3  }
0x97: {  	_ =	strace $0x8FFFFFFF  }
0x98: {  	s19 =	sld [smem:$0x3FDB];
	_ =	sdelay $0x1  }
0x99: {  	s4 =	simm.s32 $_scs_section_size  }
0x9a: {  	s5 =	simm.s32 $_size__tile_overlayer_lowered;
	s6 =	simm.s32 $_tile_overlayer_lowered  }
0x9b: {  	s22 =	simm.s32 $0x1BFF;
	s21 =	sshll.u32 s6, $0x1;
	s3 =	sadd.s32 s4, s19  }
0x9c: {  	s7 =	simm.s32 $0x0;
	s20 =	sshll.u32 s5, $0x1;
	s5 =	sadd.s32 s21, s3  }
0x9d: {  	[timem:s7], [sflag:s22] =	dma.local [hbm:s5], s20  }
0x9e: {  	_ =	swait.ge [sflag:s22], s20  }
0x9f: {  	s4 =	ssub.s32 $0x0, s20;
	[sflag:s22] =	ssyncset.done $0x0  }
0xa0: {  	[sflag:s22] =	ssyncadd.s32 s4;
	_ =	sdelay $0x1  }
0xa1: {  	s23 =	simm.s32 $0x1B8B  }
0xa2: {  	_ =	swait.ge [sflag:s23], $0x1  }
0xa3: {  	[sflag:s23] =	ssyncset.done $0x0  }
0xa4: {  	s25 =	simm.s32 $0x1B8E;
	s24 =	sld [smem:$0x3FFE];
	[sflag:s23] =	ssyncadd.s32 $0xFFFFFFFF  }
0xa5: {  	s26 =	simm.s32 $execute0_lowered;
	[smem:$0x3FD2] =	sst s25  }
0xa6: {  	s5 =	sshll.u32 s26, $0x1;
	_ =	strace $0x80000046;
	[dreg:$0x1] =	wrdreg $0xFFFFFFFF  }
0xa7: {  	s28 =	simm.s32 $_size_execute0_lowered;
	s3 =	sadd.s32 s3, s5;
	[dreg:$0x0] =	wrdreg $0x0  }
0xa8: {  	s5 =	sshll.u32 s28, $0x1;
	[dreg:$0x2] =	wrdreg s3  }
0xa9: {  	[dreg:$0x3] =	wrdreg s5  }
0xaa: {  	[dreg:$0x4] =	wrdreg $0xC0  }
0xab: {  	_ =	task [dreg:s7], $0x5FFFF  }
0xac: {  	[dreg:$0x1] =	wrdreg $0xFFFFFFFF  }
0xad: {  	[dreg:$0x0] =	wrdreg $0x60  }
0xae: {  	[dreg:$0x2] =	wrdreg s2  }
0xaf: {  	[dreg:$0x3] =	wrdreg s24  }
0xb0: {  	[dreg:$0x4] =	wrdreg $0x9  }
0xb1: {  	_ =	task.clear_ibuf [dreg:s7], $0x5FFFF;
	_ =	strace $0x90000046  }
0xb2: {  	s29 =	simm.s32 $0x9;
	_ =	strace $0x80000048  }
0xb3: {  	_ =	swait.ge [sflag:s29], $0x1  }
0xb4: {  	[sflag:s29] =	ssyncadd.s32 $0xFFFFFFFF  }
0xb5: {  	_ =	strace $0x90000048  }
0xb6: {  	_ =	sfence  }
0xb7: {  	s30 =	sld [smem:$0x0];
	_ =	sdelay $0x2  }
0xb8: {  	s31 =	sshll.u32 s1, $0xD;
	s1 =	sshrl.u32 s1, $0x2  }
0xb9: {  	s3 =	sand.u32 $0x4000, s31;
	s1 =	sadd.s32 s1, s30  }
0xba: {  	s0 =	sor.u32 s3, s0;
	s1 =	sshll.u32 s1, $0x11  }
0xbb: {  	s0 =	sor.u32 s1, s0  }
0xbc: {  	s0 =	sadd.s32 $0x8F2B, s0  }
0xbd: {  	[sflag:s0] =	ssyncadd.remote.s32 $0x1  }
0xbe: {  	_ =	sfence.sel $0xFFFF  }
0xbf: {  	[dreg:$0x0] =	wrdreg $0xFFFFFFFF;
	(pc) =	sbr.abs _section_cstart, $3  }
0xc0: {  	[dreg:$0x1] =	wrdreg $0xFFFFFFFF  }
0xc1: {  	_ =	task.clear_ibuf [dreg:s7], $0x2FFFF;
	_ =	strace $0x9FFFFFFF  }
0xc2: {  	(tm) =	ssettm $0x7FFFFFFF  }
0xc3: {  	_ =	shalt  }
tec
execute0_lowered:
.L_overlay_start_1:
0x0: {  	(tag) =	ssettag $0x1  }
0x1: {  	s0 =	rddreg [dreg:$0x0]  }
0x2: {  	s1 =	rddreg [dreg:$0x1];
	s2 =	simm.s32 $0x0;
	s4 =	stileid.u32  }
0x3: {  	s3 =	srdreg.scid;
	s9 =	simm.s32 $0x1;
	s11 =	simm.s32 $0x10000  }
0x4: {  	s10 =	simm.s32 $0x10330;
	s6 =	simm.s32 $0x10370;
	s7 =	simm.s32 $0x10380  }
0x5: {  	s8 =	simm.s32 $0x10390;
	s12 =	simm.s32 $0x103B0;
	s13 =	simm.s32 $0x103C0  }
0x6: {  	s14 =	simm.s32 $0x103D0;
	s15 =	simm.s32 $0x103E0;
	s16 =	simm.s32 $0x103F0  }
0x7: {  	s17 =	simm.s32 $0x2;
	s18 =	simm.s32 $0x0;
	[smem:$0x7FF] =	sst s2  }
0x8: {  	s23 =	sshll.u32 s4, $0x2;
	s3 =	sand.u32 $0x1, s3;
	s4 =	sshll.u32 s4, $0x1  }
0x9: {  	_ =	strace $0x80000047;
	s24 =	ssub.s32 $0x2, s3;
	s3 =	sor.u32 s3, s4  }
0xa: {  	s2 =	sand.u32 $0x30, s23;
	s4 =	simm.s32 $0x10350;
	s5 =	sshll.u32 s3, $0xE  }
0xb: {  	s1 =	sadd.s32 s2, s1;
	s25 =	sshrl.u32 s24, $0x1;
	s0 =	sadd.s32 s5, s0  }
0xc: {  	s3 =	sshll.u32 s3, $0x9;
	s2 =	ssub.s32 s24, s25;
	s26 =	sadd.s32 $0x180000, s0  }
0xd: {  	s3 =	sand.u32 $0xE00, s3;
	s28 =	sadd.s32 $0x181000, s0;
	[dreg:$0x3] =	wrdreg s26  }
0xe: {  	s5 =	simm.s32 $0x10360;
	s29 =	sadd.s32 $0x182000, s0;
	[dreg:$0x4] =	wrdreg s28  }
0xf: {  	s1 =	sadd.s32 s3, s1;
	s0 =	sadd.s32 $0x183000, s0;
	[dreg:$0x5] =	wrdreg s29  }
0x10: {  	s31 =	smax.u32 s2, $0x1;
	s3 =	simm.s32 $0x10340;
	[dreg:$0x6] =	wrdreg s0  }
0x11: {  	s2 =	simm.s32 $0x103A0;
	s30 =	sadd.s32 $0x1600, s1;
	[dreg:$0x8] =	wrdreg s31  }
0x12: {  	s0 =	simm.s32 $0x10310;
	s1 =	simm.s32 $0x10320;
	[dreg:$0x7] =	wrdreg s30  }
.LBB2_1:
0x13: {  	v0 =	vimm.f32 $0.0e+00  }
0x14: {  	[tilespmem:$0x10000] =	vst v0  }
0x15: {  	[tilespmem:$0x10010] =	vst v0  }
0x16: {  	[tilespmem:$0x10020] =	vst v0  }
0x17: {  	[tilespmem:$0x10030] =	vst v0  }
0x18: {  	[tilespmem:$0x10040] =	vst v0  }
0x19: {  	[tilespmem:$0x10050] =	vst v0  }
0x1a: {  	[tilespmem:$0x10060] =	vst v0  }
0x1b: {  	[tilespmem:$0x10070] =	vst v0  }
0x1c: {  	[tilespmem:$0x10080] =	vst v0  }
0x1d: {  	[tilespmem:$0x10090] =	vst v0  }
0x1e: {  	[tilespmem:$0x100A0] =	vst v0  }
0x1f: {  	[tilespmem:$0x100B0] =	vst v0  }
0x20: {  	[tilespmem:$0x100C0] =	vst v0  }
0x21: {  	[tilespmem:$0x100D0] =	vst v0  }
0x22: {  	[tilespmem:$0x100E0] =	vst v0  }
0x23: {  	[tilespmem:$0x100F0] =	vst v0  }
0x24: {  	[tilespmem:$0x10100] =	vst v0  }
0x25: {  	[tilespmem:$0x10110] =	vst v0  }
0x26: {  	[tilespmem:$0x10120] =	vst v0  }
0x27: {  	[tilespmem:$0x10130] =	vst v0  }
0x28: {  	[tilespmem:$0x10140] =	vst v0  }
0x29: {  	[tilespmem:$0x10150] =	vst v0  }
0x2a: {  	[tilespmem:$0x10160] =	vst v0  }
0x2b: {  	[tilespmem:$0x10170] =	vst v0  }
0x2c: {  	[tilespmem:$0x10180] =	vst v0  }
0x2d: {  	[tilespmem:$0x10190] =	vst v0  }
0x2e: {  	[tilespmem:$0x101A0] =	vst v0  }
0x2f: {  	[tilespmem:$0x101B0] =	vst v0  }
0x30: {  	[tilespmem:$0x101C0] =	vst v0  }
0x31: {  	[tilespmem:$0x101D0] =	vst v0  }
0x32: {  	[tilespmem:$0x101E0] =	vst v0  }
0x33: {  	[tilespmem:$0x101F0] =	vst v0  }
0x34: {  	[tilespmem:$0x10200] =	vst v0  }
0x35: {  	[tilespmem:$0x10210] =	vst v0  }
0x36: {  	[tilespmem:$0x10220] =	vst v0  }
0x37: {  	[tilespmem:$0x10230] =	vst v0  }
0x38: {  	[tilespmem:$0x10240] =	vst v0  }
0x39: {  	[tilespmem:$0x10250] =	vst v0  }
0x3a: {  	[tilespmem:$0x10260] =	vst v0  }
0x3b: {  	[tilespmem:$0x10270] =	vst v0  }
0x3c: {  	[tilespmem:$0x10280] =	vst v0  }
0x3d: {  	[tilespmem:$0x10290] =	vst v0  }
0x3e: {  	[tilespmem:$0x102A0] =	vst v0  }
0x3f: {  	[tilespmem:$0x102B0] =	vst v0  }
0x40: {  	[tilespmem:$0x102C0] =	vst v0  }
0x41: {  	[tilespmem:$0x102D0] =	vst v0  }
0x42: {  	[tilespmem:$0x102E0] =	vst v0  }
0x43: {  	[tilespmem:$0x102F0] =	vst v0  }
0x44: {  	[tilespmem:$0x10300] =	vst v0  }
0x45: {  	[tilespmem:$0x10310] =	vst v0  }
0x46: {  	[tilespmem:$0x10320] =	vst v0  }
0x47: {  	[tilespmem:$0x10330] =	vst v0  }
0x48: {  	[tilespmem:$0x10340] =	vst v0  }
0x49: {  	[tilespmem:$0x10350] =	vst v0  }
0x4a: {  	[tilespmem:$0x10360] =	vst v0  }
0x4b: {  	[tilespmem:$0x10370] =	vst v0  }
0x4c: {  	[tilespmem:$0x10380] =	vst v0  }
0x4d: {  	[tilespmem:$0x10390] =	vst v0  }
0x4e: {  	[tilespmem:$0x103A0] =	vst v0  }
0x4f: {  	[tilespmem:$0x103B0] =	vst v0  }
0x50: {  	[tilespmem:$0x103C0] =	vst v0  }
0x51: {  	[tilespmem:$0x103D0] =	vst v0  }
0x52: {  	[tilespmem:$0x103E0] =	vst v0  }
0x53: {  	s20 =	simm.s32 $0x0;
	s19 =	rddreg [dreg:$0x3];
	[tilespmem:$0x103F0] =	vst v0  }
0x54: {  	[tilespmem:s20], [sflag:$0x1] =	stream.linear.gather [hbm4b:s19+s20], $0x8000, $0x38;
	[tilespmem:$0x10400] =	vst v63  }
0x55: {  	_ =	swait.ge [sflag:s9], $0x8000  }
0x56: {  	[sflag:s9] =	ssyncset.done $0x0  }
0x57: {  	s21 =	simm.s32 $0x8000;
	s29 =	rddreg [dreg:$0x4];
	[sflag:s9] =	ssyncadd.s32 $0xFFFF8000  }
0x58: {  	[tilespmem:s21], [sflag:$0x2] =	stream.linear.gather [hbm4b:s29+s20], $0x8000, $0x38;
	[tilespmem:$0x10400] =	vst v63  }
0x59: {  	s30 =	sand.u32 $0x6000, s20;
	s20 =	sand.u32 $0x380, s20  }
0x5a: {  	s19 =	sor.u32 s20, s30  }
0x5b: {  	v1 =	vld [tilespmem:s19+$0xC70]  }
0x5c: {  	v2 =	vld [tilespmem:s19+$0x0]  }
0x5d: {  	v3 =	vld [tilespmem:s19+$0x10]  }
0x5e: {  	v4 =	vld [tilespmem:s19+$0x20]  }
0x5f: {  	v5 =	vld [tilespmem:s19+$0x30]  }
0x60: {  	v6 =	vld [tilespmem:s19+$0x40]  }
0x61: {  	v7 =	vld [tilespmem:s19+$0x50]  }
0x62: {  	v8 =	vld [tilespmem:s19+$0x60]  }
0x63: {  	v9 =	vld [tilespmem:s19+$0x70]  }
0x64: {  	v10 =	vld [tilespmem:s19+$0x400]  }
0x65: {  	v11 =	vld [tilespmem:s19+$0x410]  }
0x66: {  	v12 =	vld [tilespmem:s19+$0x420]  }
0x67: {  	v13 =	vld [tilespmem:s19+$0x430]  }
0x68: {  	v14 =	vld [tilespmem:s19+$0x440]  }
0x69: {  	v15 =	vld [tilespmem:s19+$0x450]  }
0x6a: {  	v16 =	vld [tilespmem:s19+$0x460]  }
0x6b: {  	v32 =	vld [tilespmem:s19+$0x470]  }
0x6c: {  	v33 =	vld [tilespmem:s19+$0x800]  }
0x6d: {  	v1 =	vadd.f32 v1, v0;
	v31 =	vadd.f32 v2, v0;
	v2 =	vld [tilespmem:s19+$0x810]  }
0x6e: {  	v29 =	vadd.f32 v3, v0;
	v30 =	vadd.f32 v4, v0;
	v3 =	vld [tilespmem:s19+$0x820]  }
0x6f: {  	v27 =	vadd.f32 v5, v0;
	v28 =	vadd.f32 v6, v0;
	v4 =	vld [tilespmem:s19+$0x830]  }
0x70: {  	v25 =	vadd.f32 v7, v0;
	v26 =	vadd.f32 v8, v0;
	v5 =	vld [tilespmem:s19+$0x840]  }
0x71: {  	v23 =	vadd.f32 v9, v0;
	v24 =	vadd.f32 v10, v0;
	v6 =	vld [tilespmem:s19+$0x850]  }
0x72: {  	v21 =	vadd.f32 v11, v0;
	v22 =	vadd.f32 v12, v0;
	v7 =	vld [tilespmem:s19+$0x860]  }
0x73: {  	v19 =	vadd.f32 v13, v0;
	v20 =	vadd.f32 v14, v0;
	v8 =	vld [tilespmem:s19+$0x870]  }
0x74: {  	v17 =	vadd.f32 v15, v0;
	v18 =	vadd.f32 v16, v0;
	v11 =	vld [tilespmem:s19+$0xC00]  }
0x75: {  	v15 =	vadd.f32 v32, v0;
	v16 =	vadd.f32 v33, v0  }
0x76: {  	v35 =	vld [tilespmem:s19+$0xC10];
	v14 =	vadd.f32 v2, v0;
	v13 =	vadd.f32 v3, v0  }
0x77: {  	v34 =	vld [tilespmem:s19+$0xC20];
	v9 =	vadd.f32 v4, v0;
	v10 =	vadd.f32 v5, v0  }
0x78: {  	v32 =	vld [tilespmem:s19+$0xC30];
	v12 =	vimm.f32 $0.0e+00;
	v6 =	vadd.f32 v6, v0;
	v7 =	vadd.f32 v7, v0  }
0x79: {  	s31 =	simm.s32 $0x400;
	s20 =	simm.s32 $0x80;
	v33 =	vld [tilespmem:s19+$0xC40];
	v3 =	vadd.f32 v8, v0;
	v8 =	vadd.f32 v11, v0;
	v11 =	vimm.f32 $0.0e+00  }
0x7a: {  	s22 =	sand.u32 $0x6000, s31;
	s21 =	simm.s32 $0x800;
	s23 =	sand.u32 $0x380, s20;
	v36 =	vld [tilespmem:s19+$0xC50];
	v4 =	vimm.f32 $0.0e+00;
	v5 =	vimm.f32 $0.0e+00;
	v2 =	vimm.f32 $0.0e+00  }
.LBB2_2:
0x7b: {  	p0 =	sne.s32 s21, $0x7C00;
	v0 =	vadd.f32 v35, v0;
	v35 =	vld [tilespmem:s19+$0xC60];
	s19 =	sor.u32 s23, s22  }
0x7c: {  	v37 =	vld [tilespmem:s19+$0xC70];
	v11 =	vadd.f32 v34, v11  }
0x7d: {  	v34 =	vld [tilespmem:s19+$0x0];
	v4 =	vadd.f32 v32, v4  }
0x7e: {  	v32 =	vld [tilespmem:s19+$0x10];
	v12 =	vadd.f32 v33, v12  }
0x7f: {  	v33 =	vld [tilespmem:s19+$0x20];
	v5 =	vadd.f32 v36, v5  }
0x80: {  	v36 =	vld [tilespmem:s19+$0x30];
	v2 =	vadd.f32 v35, v2  }
0x81: {  	v35 =	vld [tilespmem:s19+$0x40];
	v1 =	vadd.f32 v37, v1  }
0x82: {  	v31 =	vadd.f32 v34, v31;
	v34 =	vld [tilespmem:s19+$0x50]  }
0x83: {  	v29 =	vadd.f32 v32, v29;
	v32 =	vld [tilespmem:s19+$0x60]  }
0x84: {  	v30 =	vadd.f32 v33, v30;
	v33 =	vld [tilespmem:s19+$0x70]  }
0x85: {  	v27 =	vadd.f32 v36, v27;
	v36 =	vld [tilespmem:s19+$0x400]  }
0x86: {  	v28 =	vadd.f32 v35, v28;
	v35 =	vld [tilespmem:s19+$0x410]  }
0x87: {  	v25 =	vadd.f32 v34, v25;
	v34 =	vld [tilespmem:s19+$0x420]  }
0x88: {  	v26 =	vadd.f32 v32, v26;
	v32 =	vld [tilespmem:s19+$0x430]  }
0x89: {  	v23 =	vadd.f32 v33, v23;
	v33 =	vld [tilespmem:s19+$0x440]  }
0x8a: {  	v24 =	vadd.f32 v36, v24;
	v36 =	vld [tilespmem:s19+$0x450]  }
0x8b: {  	v21 =	vadd.f32 v35, v21;
	v35 =	vld [tilespmem:s19+$0x460]  }
0x8c: {  	v22 =	vadd.f32 v34, v22;
	v34 =	vld [tilespmem:s19+$0x470]  }
0x8d: {  	v19 =	vadd.f32 v32, v19;
	v32 =	vld [tilespmem:s19+$0x800]  }
0x8e: {  	v20 =	vadd.f32 v33, v20;
	v33 =	vld [tilespmem:s19+$0x810]  }
0x8f: {  	v17 =	vadd.f32 v36, v17;
	v36 =	vld [tilespmem:s19+$0x820]  }
0x90: {  	v18 =	vadd.f32 v35, v18;
	v35 =	vld [tilespmem:s19+$0x830]  }
0x91: {  	v15 =	vadd.f32 v34, v15;
	v34 =	vld [tilespmem:s19+$0x840]  }
0x92: {  	v16 =	vadd.f32 v32, v16;
	v32 =	vld [tilespmem:s19+$0x850]  }
0x93: {  	v14 =	vadd.f32 v33, v14;
	v33 =	vld [tilespmem:s19+$0x860]  }
0x94: {  	v13 =	vadd.f32 v36, v13;
	v36 =	vld [tilespmem:s19+$0x870]  }
0x95: {  	v9 =	vadd.f32 v35, v9;
	v37 =	vld [tilespmem:s19+$0xC00]  }
.Ltmp0:
0x96: {  	v10 =	vadd.f32 v34, v10;
	v35 =	vld [tilespmem:s19+$0xC10];
	(pc) =	sbr.rel @p0 .LBB2_2-.Ltmp0, $4  }
0x97: {  	v6 =	vadd.f32 v32, v6;
	v34 =	vld [tilespmem:s19+$0xC20]  }
0x98: {  	v7 =	vadd.f32 v33, v7;
	v32 =	vld [tilespmem:s19+$0xC30]  }
0x99: {  	s20 =	sadd.s32 $0x80, s20;
	v3 =	vadd.f32 v36, v3;
	v33 =	vld [tilespmem:s19+$0xC40]  }
0x9a: {  	s22 =	sand.u32 $0x6000, s21;
	s21 =	sadd.s32 $0x400, s21;
	s23 =	sand.u32 $0x380, s20;
	v8 =	vadd.f32 v37, v8;
	v36 =	vld [tilespmem:s19+$0xC50]  }
0x9b: {  	s20 =	sor.u32 s23, s22;
	v37 =	vld [tilespmem:s19+$0xC60]  }
0x9c: {  	v63 =	vld [tilespmem:s20+$0xC70]  }
0x9d: {  	v39 =	vld [tilespmem:s20+$0x0]  }
0x9e: {  	v40 =	vld [tilespmem:s20+$0x10]  }
0x9f: {  	v41 =	vld [tilespmem:s20+$0x20]  }
0xa0: {  	v42 =	vld [tilespmem:s20+$0x30]  }
0xa1: {  	v43 =	vld [tilespmem:s20+$0x40]  }
0xa2: {  	v44 =	vld [tilespmem:s20+$0x50]  }
0xa3: {  	v45 =	vld [tilespmem:s20+$0x60]  }
0xa4: {  	v46 =	vld [tilespmem:s20+$0x70]  }
0xa5: {  	v47 =	vld [tilespmem:s20+$0x400]  }
0xa6: {  	v48 =	vld [tilespmem:s20+$0x410]  }
0xa7: {  	v49 =	vld [tilespmem:s20+$0x420]  }
0xa8: {  	v50 =	vld [tilespmem:s20+$0x430]  }
0xa9: {  	v51 =	vld [tilespmem:s20+$0x440]  }
0xaa: {  	v52 =	vld [tilespmem:s20+$0x450]  }
0xab: {  	v53 =	vld [tilespmem:s20+$0x460]  }
0xac: {  	v38 =	vld [tilespmem:s20+$0xC20]  }
0xad: {  	v54 =	vld [tilespmem:s20+$0x470]  }
0xae: {  	v55 =	vld [tilespmem:s20+$0x800]  }
0xaf: {  	v56 =	vld [tilespmem:s20+$0x810]  }
0xb0: {  	v57 =	vld [tilespmem:s20+$0x820]  }
0xb1: {  	[tilespmem:$0x1FFB0] =	vst v38;
	v38 =	vld [tilespmem:s20+$0xC30]  }
0xb2: {  	v58 =	vld [tilespmem:s20+$0x830]  }
0xb3: {  	v59 =	vld [tilespmem:s20+$0x840]  }
0xb4: {  	v60 =	vld [tilespmem:s20+$0x850]  }
0xb5: {  	v61 =	vld [tilespmem:s20+$0x860]  }
0xb6: {  	[tilespmem:$0x1FFC0] =	vst v38;
	v38 =	vld [tilespmem:s20+$0xC40]  }
0xb7: {  	v62 =	vld [tilespmem:s20+$0x870]  }
0xb8: {  	[tilespmem:$0x1FFD0] =	vst v37;
	v37 =	vld [tilespmem:s20+$0xC10]  }
0xb9: {  	[tilespmem:$0x1FFF0] =	vst v63;
	v63 =	vld [tilespmem:s20+$0xC00]  }
0xba: {  	v31 =	vadd.f32 v39, v31;
	v39 =	vld [tilespmem:s20+$0xC50]  }
0xbb: {  	v29 =	vadd.f32 v40, v29;
	[tilespmem:$0x1FFE0] =	vst v38;
	v38 =	vld [tilespmem:s20+$0xC60]  }
0xbc: {  	s30 =	simm.s32 $0x10010;
	v30 =	vadd.f32 v41, v30;
	[tilespmem:s11+$0x0] =	vst.add.f32.msk $0xffff, v31  }
0xbd: {  	s31 =	simm.s32 $0x10020;
	v27 =	vadd.f32 v42, v27;
	[tilespmem:s30+$0x0] =	vst.add.f32.msk $0xffff, v29  }
0xbe: {  	v28 =	vadd.f32 v43, v28;
	s20 =	simm.s32 $0x10030;
	[tilespmem:s31+$0x0] =	vst.add.f32.msk $0xffff, v30  }
0xbf: {  	s21 =	simm.s32 $0x10040;
	v25 =	vadd.f32 v44, v25;
	[tilespmem:s20+$0x0] =	vst.add.f32.msk $0xffff, v27  }
0xc0: {  	s22 =	simm.s32 $0x10050;
	v26 =	vadd.f32 v45, v26;
	[tilespmem:s21+$0x0] =	vst.add.f32.msk $0xffff, v28  }
0xc1: {  	s23 =	simm.s32 $0x10060;
	v23 =	vadd.f32 v46, v23;
	[tilespmem:s22+$0x0] =	vst.add.f32.msk $0xffff, v25  }
0xc2: {  	s24 =	simm.s32 $0x10070;
	v24 =	vadd.f32 v47, v24;
	[tilespmem:s23+$0x0] =	vst.add.f32.msk $0xffff, v26  }
0xc3: {  	s25 =	simm.s32 $0x10080;
	v21 =	vadd.f32 v48, v21;
	[tilespmem:s24+$0x0] =	vst.add.f32.msk $0xffff, v23  }
0xc4: {  	s26 =	simm.s32 $0x10090;
	v22 =	vadd.f32 v49, v22;
	[tilespmem:s25+$0x0] =	vst.add.f32.msk $0xffff, v24  }
0xc5: {  	s28 =	simm.s32 $0x100A0;
	v19 =	vadd.f32 v50, v19;
	[tilespmem:s26+$0x0] =	vst.add.f32.msk $0xffff, v21  }
0xc6: {  	s29 =	simm.s32 $0x100B0;
	v20 =	vadd.f32 v51, v20;
	[tilespmem:s28+$0x0] =	vst.add.f32.msk $0xffff, v22  }
0xc7: {  	v17 =	vadd.f32 v52, v17;
	s30 =	simm.s32 $0x100C0;
	[tilespmem:s29+$0x0] =	vst.add.f32.msk $0xffff, v19  }
0xc8: {  	v18 =	vadd.f32 v53, v18;
	s31 =	simm.s32 $0x100D0;
	[tilespmem:s30+$0x0] =	vst.add.f32.msk $0xffff, v20  }
0xc9: {  	v15 =	vadd.f32 v54, v15;
	s20 =	simm.s32 $0x100E0;
	[tilespmem:s31+$0x0] =	vst.add.f32.msk $0xffff, v17  }
0xca: {  	v16 =	vadd.f32 v55, v16;
	s21 =	simm.s32 $0x100F0;
	[tilespmem:s20+$0x0] =	vst.add.f32.msk $0xffff, v18  }
0xcb: {  	v14 =	vadd.f32 v56, v14;
	s22 =	simm.s32 $0x10100;
	[tilespmem:s21+$0x0] =	vst.add.f32.msk $0xffff, v15  }
0xcc: {  	v13 =	vadd.f32 v57, v13;
	s23 =	simm.s32 $0x10110;
	[tilespmem:s22+$0x0] =	vst.add.f32.msk $0xffff, v16  }
0xcd: {  	v9 =	vadd.f32 v58, v9;
	s24 =	simm.s32 $0x10120;
	[tilespmem:s23+$0x0] =	vst.add.f32.msk $0xffff, v14  }
0xce: {  	v10 =	vadd.f32 v59, v10;
	s25 =	simm.s32 $0x10130;
	[tilespmem:s24+$0x0] =	vst.add.f32.msk $0xffff, v13  }
0xcf: {  	v6 =	vadd.f32 v60, v6;
	s26 =	simm.s32 $0x10140;
	[tilespmem:s25+$0x0] =	vst.add.f32.msk $0xffff, v9  }
0xd0: {  	v7 =	vadd.f32 v61, v7;
	s28 =	simm.s32 $0x10150;
	[tilespmem:s26+$0x0] =	vst.add.f32.msk $0xffff, v10  }
0xd1: {  	s29 =	simm.s32 $0x10160;
	[tilespmem:s28+$0x0] =	vst.add.f32.msk $0xffff, v6  }
0xd2: {  	v0 =	vadd.f32 v35, v0;
	v3 =	vadd.f32 v62, v3;
	[tilespmem:s29+$0x0] =	vst.add.f32.msk $0xffff, v7  }
0xd3: {  	v8 =	vadd.f32 v63, v8;
	s30 =	simm.s32 $0x10170;
	v7 =	vld [tilespmem:$0x1FFB0]  }
0xd4: {  	v0 =	vadd.f32 v37, v0;
	s31 =	simm.s32 $0x10180;
	[tilespmem:s30+$0x0] =	vst.add.f32.msk $0xffff, v3  }
0xd5: {  	s20 =	simm.s32 $0x10190;
	[tilespmem:s31+$0x0] =	vst.add.f32.msk $0xffff, v8  }
0xd6: {  	[tilespmem:s20+$0x0] =	vst.add.f32.msk $0xffff, v0  }
0xd7: {  	v0 =	vld [tilespmem:$0x1FFD0];
	_ =	sdelay $0x1  }
0xd8: {  	v6 =	vadd.f32 v34, v11;
	_ =	sdelay $0x1  }
0xd9: {  	v6 =	vadd.f32 v7, v6;
	v7 =	vld [tilespmem:$0x1FFC0]  }
0xda: {  	v0 =	vadd.f32 v0, v2;
	v2 =	vld [tilespmem:$0x1FFE0];
	_ =	sdelay $0x1  }
0xdb: {  	v4 =	vadd.f32 v32, v4  }
0xdc: {  	v3 =	vadd.f32 v33, v12  }
0xdd: {  	s21 =	simm.s32 $0x101A0;
	v4 =	vadd.f32 v7, v4  }
0xde: {  	s22 =	simm.s32 $0x101B0;
	[tilespmem:s21+$0x0] =	vst.add.f32.msk $0xffff, v6;
	v2 =	vadd.f32 v2, v3  }
0xdf: {  	s23 =	simm.s32 $0x101C0;
	[tilespmem:s22+$0x0] =	vst.add.f32.msk $0xffff, v4  }
0xe0: {  	[tilespmem:s23+$0x0] =	vst.add.f32.msk $0xffff, v2  }
0xe1: {  	v2 =	vld [tilespmem:$0x1FFF0]  }
0xe2: {  	v5 =	vadd.f32 v36, v5;
	_ =	sdelay $0x1  }
0xe3: {  	v3 =	vadd.f32 v39, v5  }
0xe4: {  	s19 =	simm.s32 $0x0;
	s24 =	simm.s32 $0x101D0;
	s25 =	simm.s32 $0x0;
	v0 =	vadd.f32 v38, v0  }
0xe5: {  	s26 =	simm.s32 $0x101E0;
	s28 =	sand.u32 $0x380, s19;
	s21 =	sand.u32 $0x7, s19;
	[tilespmem:s24+$0x0] =	vst.add.f32.msk $0xffff, v3;
	v1 =	vadd.f32 v2, v1  }
0xe6: {  	s29 =	simm.s32 $0x101F0;
	s20 =	sand.u32 $0x6000, s25;
	s21 =	sshll.u32 s21, $0x7;
	[tilespmem:s26+$0x0] =	vst.add.f32.msk $0xffff, v0  }
0xe7: {  	s20 =	sor.u32 s28, s20;
	s21 =	sadd.s32 $0x0, s21;
	[tilespmem:s29+$0x0] =	vst.add.f32.msk $0xffff, v1  }
0xe8: {  	s30 =	sor.u32 $0x1C70, s21;
	v0 =	vld [tilespmem:s20+$0x1870]  }
0xe9: {  	s31 =	sor.u32 $0x1C00, s21;
	v1 =	vld [tilespmem:s30+$0x0]  }
0xea: {  	s24 =	sor.u32 $0x1C10, s21;
	v2 =	vld [tilespmem:s31+$0x0]  }
0xeb: {  	s25 =	sor.u32 $0x1C20, s21;
	v3 =	vld [tilespmem:s24+$0x0]  }
0xec: {  	s26 =	sor.u32 $0x1C30, s21;
	v5 =	vld [tilespmem:s25+$0x0]  }
0xed: {  	s28 =	sor.u32 $0x1C40, s21;
	v6 =	vld [tilespmem:s26+$0x0]  }
0xee: {  	s29 =	sor.u32 $0x1C50, s21;
	v10 =	vld [tilespmem:s28+$0x0]  }
0xef: {  	s21 =	sor.u32 $0x1C60, s21;
	v11 =	vld [tilespmem:s29+$0x0]  }
0xf0: {  	v12 =	vld [tilespmem:s21+$0x0]  }
0xf1: {  	v13 =	vld [tilespmem:s20+$0x1000]  }
0xf2: {  	v14 =	vld [tilespmem:s20+$0x1010]  }
0xf3: {  	v15 =	vld [tilespmem:s20+$0x1020]  }
0xf4: {  	v16 =	vld [tilespmem:s20+$0x1030]  }
0xf5: {  	v17 =	vld [tilespmem:s20+$0x1040]  }
0xf6: {  	v18 =	vld [tilespmem:s20+$0x1050]  }
0xf7: {  	v19 =	vld [tilespmem:s20+$0x1060]  }
0xf8: {  	v9 =	vimm.f32 $0.0e+00;
	v20 =	vld [tilespmem:s20+$0x1070]  }
0xf9: {  	v21 =	vld [tilespmem:s20+$0x1400];
	v4 =	vadd.f32 v0, v9  }
0xfa: {  	v24 =	vld [tilespmem:s20+$0x1410];
	v0 =	vadd.f32 v1, v9;
	v7 =	vadd.f32 v2, v9  }
0xfb: {  	v63 =	vld [tilespmem:s20+$0x1420];
	v8 =	vadd.f32 v3, v9;
	v5 =	vadd.f32 v5, v9  }
0xfc: {  	v6 =	vadd.f32 v6, v9;
	v2 =	vadd.f32 v10, v9;
	v10 =	vld [tilespmem:s20+$0x1430]  }
0xfd: {  	v3 =	vadd.f32 v11, v9;
	v1 =	vadd.f32 v12, v9;
	v11 =	vld [tilespmem:s20+$0x1440]  }
0xfe: {  	v31 =	vadd.f32 v13, v9;
	v29 =	vadd.f32 v14, v9;
	v14 =	vld [tilespmem:s20+$0x1450]  }
0xff: {  	v30 =	vadd.f32 v15, v9;
	v27 =	vadd.f32 v16, v9;
	v15 =	vld [tilespmem:s20+$0x1460]  }
0x100: {  	v28 =	vadd.f32 v17, v9;
	v25 =	vadd.f32 v18, v9;
	v16 =	vld [tilespmem:s20+$0x1470]  }
0x101: {  	v26 =	vadd.f32 v19, v9;
	v23 =	vadd.f32 v20, v9  }
0x102: {  	v35 =	vld [tilespmem:s20+$0x1800];
	v22 =	vadd.f32 v21, v9;
	v19 =	vadd.f32 v24, v9  }
0x103: {  	v34 =	vld [tilespmem:s20+$0x1810];
	v17 =	vadd.f32 v63, v9;
	v24 =	vimm.f32 $0.0e+00;
	v12 =	vadd.f32 v10, v9  }
0x104: {  	s22 =	simm.s32 $0x1;
	s23 =	simm.s32 $0x100;
	v32 =	vld [tilespmem:s20+$0x1820];
	v20 =	vimm.f32 $0.0e+00;
	v13 =	vadd.f32 v11, v9;
	v14 =	vadd.f32 v14, v9  }
0x105: {  	s30 =	simm.s32 $0x80;
	s21 =	simm.s32 $0xFFFF8400;
	s31 =	simm.s32 $0x400;
	v33 =	vld [tilespmem:s20+$0x1830];
	v21 =	vimm.f32 $0.0e+00;
	v18 =	vadd.f32 v15, v9;
	v11 =	vadd.f32 v16, v9  }
0x106: {  	s26 =	sand.u32 $0x7, s22;
	v36 =	vld [tilespmem:s20+$0x1840];
	s24 =	sand.u32 $0x380, s30;
	s25 =	sand.u32 $0x6000, s31;
	v15 =	vimm.f32 $0.0e+00;
	v16 =	vimm.f32 $0.0e+00;
	v10 =	vimm.f32 $0.0e+00  }
.LBB2_4:
0x107: {  	p0 =	sne.s32 s23, $0xF80;
	s26 =	sshll.u32 s26, $0x7;
	v9 =	vadd.f32 v35, v9;
	v35 =	vld [tilespmem:s20+$0x1850];
	s19 =	sadd.s32 $0x400, s19  }
0x108: {  	s26 =	sadd.s32 s26, s19;
	v24 =	vadd.f32 v34, v24;
	v34 =	vld [tilespmem:s20+$0x1860];
	s20 =	sor.u32 s24, s25  }
0x109: {  	v37 =	vld [tilespmem:s20+$0x1870];
	s24 =	sor.u32 $0x1C00, s26;
	s25 =	sor.u32 $0x1C10, s26;
	s28 =	sor.u32 $0x1C70, s26;
	v20 =	vadd.f32 v32, v20  }
0x10a: {  	s29 =	sor.u32 $0x1C20, s26;
	s30 =	sor.u32 $0x1C30, s26;
	s31 =	sor.u32 $0x1C40, s26;
	v32 =	vld [tilespmem:s28+$0x0];
	v15 =	vadd.f32 v33, v15  }
0x10b: {  	v33 =	vld [tilespmem:s24+$0x0];
	s24 =	sor.u32 $0x1C50, s26;
	s26 =	sor.u32 $0x1C60, s26;
	v21 =	vadd.f32 v36, v21  }
0x10c: {  	v36 =	vld [tilespmem:s25+$0x0];
	v16 =	vadd.f32 v35, v16  }
0x10d: {  	v35 =	vld [tilespmem:s29+$0x0];
	v10 =	vadd.f32 v34, v10  }
0x10e: {  	v34 =	vld [tilespmem:s30+$0x0]  }
0x10f: {  	v4 =	vadd.f32 v37, v4;
	v37 =	vld [tilespmem:s31+$0x0];
	v0 =	vadd.f32 v32, v0  }
0x110: {  	v7 =	vadd.f32 v33, v7;
	v32 =	vld [tilespmem:s24+$0x0]  }
0x111: {  	v8 =	vadd.f32 v36, v8;
	v33 =	vld [tilespmem:s26+$0x0]  }
0x112: {  	v36 =	vld [tilespmem:s20+$0x1000];
	v5 =	vadd.f32 v35, v5  }
0x113: {  	v35 =	vld [tilespmem:s20+$0x1010];
	v6 =	vadd.f32 v34, v6  }
0x114: {  	v34 =	vld [tilespmem:s20+$0x1020];
	v2 =	vadd.f32 v37, v2  }
0x115: {  	v37 =	vld [tilespmem:s20+$0x1030];
	v3 =	vadd.f32 v32, v3  }
0x116: {  	v32 =	vld [tilespmem:s20+$0x1040];
	v1 =	vadd.f32 v33, v1  }
0x117: {  	v31 =	vadd.f32 v36, v31;
	v33 =	vld [tilespmem:s20+$0x1050]  }
0x118: {  	v29 =	vadd.f32 v35, v29;
	v35 =	vld [tilespmem:s20+$0x1060]  }
0x119: {  	v30 =	vadd.f32 v34, v30;
	v34 =	vld [tilespmem:s20+$0x1070]  }
0x11a: {  	v27 =	vadd.f32 v37, v27;
	v36 =	vld [tilespmem:s20+$0x1400]  }
0x11b: {  	v28 =	vadd.f32 v32, v28;
	v32 =	vld [tilespmem:s20+$0x1410]  }
0x11c: {  	v25 =	vadd.f32 v33, v25;
	v33 =	vld [tilespmem:s20+$0x1420]  }
0x11d: {  	v26 =	vadd.f32 v35, v26;
	v35 =	vld [tilespmem:s20+$0x1430]  }
0x11e: {  	v23 =	vadd.f32 v34, v23;
	v34 =	vld [tilespmem:s20+$0x1440]  }
0x11f: {  	v22 =	vadd.f32 v36, v22;
	v36 =	vld [tilespmem:s20+$0x1450]  }
0x120: {  	v19 =	vadd.f32 v32, v19;
	v37 =	vld [tilespmem:s20+$0x1460]  }
0x121: {  	v17 =	vadd.f32 v33, v17;
	v38 =	vld [tilespmem:s20+$0x1470]  }
.Ltmp1:
0x122: {  	v12 =	vadd.f32 v35, v12;
	v35 =	vld [tilespmem:s20+$0x1800];
	(pc) =	sbr.rel @p0 .LBB2_4-.Ltmp1, $4  }
0x123: {  	v13 =	vadd.f32 v34, v13;
	v34 =	vld [tilespmem:s20+$0x1810]  }
0x124: {  	s21 =	sadd.s32 $0x400, s21;
	v14 =	vadd.f32 v36, v14;
	v32 =	vld [tilespmem:s20+$0x1820]  }
0x125: {  	s22 =	sadd.s32 $0x1, s22;
	s25 =	sadd.s32 $0x8000, s21;
	s24 =	sand.u32 $0x380, s23;
	v18 =	vadd.f32 v37, v18;
	v33 =	vld [tilespmem:s20+$0x1830]  }
0x126: {  	s25 =	sand.u32 $0x6000, s25;
	s23 =	sadd.s32 $0x80, s23;
	s26 =	sand.u32 $0x7, s22;
	v11 =	vadd.f32 v38, v11;
	v36 =	vld [tilespmem:s20+$0x1840]  }
0x127: {  	v43 =	vld [tilespmem:s20+$0x1850]  }
0x128: {  	s24 =	sor.u32 s24, s25;
	v42 =	vld [tilespmem:s20+$0x1860]  }
0x129: {  	v37 =	vld [tilespmem:s24+$0x1870]  }
0x12a: {  	v48 =	vld [tilespmem:s24+$0x1000]  }
0x12b: {  	v49 =	vld [tilespmem:s24+$0x1010]  }
0x12c: {  	v50 =	vld [tilespmem:s24+$0x1020]  }
0x12d: {  	v51 =	vld [tilespmem:s24+$0x1030]  }
0x12e: {  	v52 =	vld [tilespmem:s24+$0x1040]  }
0x12f: {  	v53 =	vld [tilespmem:s24+$0x1050]  }
0x130: {  	v54 =	vld [tilespmem:s24+$0x1060]  }
0x131: {  	v55 =	vld [tilespmem:s24+$0x1070]  }
0x132: {  	v56 =	vld [tilespmem:s24+$0x1400]  }
0x133: {  	v57 =	vld [tilespmem:s24+$0x1410]  }
0x134: {  	v62 =	vld [tilespmem:s24+$0x1460]  }
0x135: {  	v63 =	vld [tilespmem:s24+$0x1470]  }
0x136: {  	v38 =	vld [tilespmem:s24+$0x1810]  }
0x137: {  	s21 =	sshll.u32 s26, $0x7;
	s19 =	sadd.s32 $0x400, s19;
	v39 =	vld [tilespmem:s24+$0x1820]  }
0x138: {  	s19 =	sadd.s32 s21, s19;
	v40 =	vld [tilespmem:s24+$0x1830]  }
0x139: {  	v41 =	vld [tilespmem:s24+$0x1840];
	s25 =	sor.u32 $0x1C70, s19  }
0x13a: {  	s22 =	sor.u32 $0x1C00, s19;
	v58 =	vld [tilespmem:s25+$0x0]  }
0x13b: {  	s26 =	sor.u32 $0x1C10, s19;
	v47 =	vld [tilespmem:s22+$0x0]  }
0x13c: {  	s28 =	sor.u32 $0x1C20, s19;
	v59 =	vld [tilespmem:s26+$0x0]  }
0x13d: {  	s29 =	sor.u32 $0x1C30, s19;
	v60 =	vld [tilespmem:s28+$0x0]  }
0x13e: {  	s30 =	sor.u32 $0x1C40, s19;
	v44 =	vld [tilespmem:s29+$0x0]  }
0x13f: {  	s31 =	sor.u32 $0x1C50, s19;
	v45 =	vld [tilespmem:s30+$0x0]  }
0x140: {  	s19 =	sor.u32 $0x1C60, s19;
	v46 =	vld [tilespmem:s31+$0x0]  }
0x141: {  	v61 =	vld [tilespmem:s19+$0x0]  }
0x142: {  	[tilespmem:$0x1FF60] =	vst v37;
	v37 =	vld [tilespmem:s24+$0x1800]  }
0x143: {  	v31 =	vadd.f32 v48, v31;
	v48 =	vld [tilespmem:s24+$0x1850]  }
0x144: {  	v29 =	vadd.f32 v49, v29;
	v49 =	vld [tilespmem:s24+$0x1860]  }
0x145: {  	[tilespmem:$0x1FFA0] =	vst v58;
	v58 =	vld [tilespmem:s24+$0x1420]  }
0x146: {  	[tilespmem:$0x1FF70] =	vst v59;
	v59 =	vld [tilespmem:s24+$0x1430]  }
0x147: {  	[tilespmem:$0x1FF80] =	vst v60;
	v60 =	vld [tilespmem:s24+$0x1440]  }
0x148: {  	s21 =	simm.s32 $0x10200;
	[tilespmem:$0x1FF90] =	vst v61;
	v61 =	vld [tilespmem:s24+$0x1450]  }
0x149: {  	s22 =	simm.s32 $0x10210;
	v30 =	vadd.f32 v50, v30;
	[tilespmem:s21+$0x0] =	vst.add.f32.msk $0xffff, v31  }
0x14a: {  	s23 =	simm.s32 $0x10220;
	v27 =	vadd.f32 v51, v27;
	[tilespmem:s22+$0x0] =	vst.add.f32.msk $0xffff, v29  }
0x14b: {  	v28 =	vadd.f32 v52, v28;
	s24 =	simm.s32 $0x10230;
	[tilespmem:s23+$0x0] =	vst.add.f32.msk $0xffff, v30  }
0x14c: {  	s25 =	simm.s32 $0x10240;
	v25 =	vadd.f32 v53, v25;
	[tilespmem:s24+$0x0] =	vst.add.f32.msk $0xffff, v27  }
0x14d: {  	s26 =	simm.s32 $0x10250;
	v26 =	vadd.f32 v54, v26;
	[tilespmem:s25+$0x0] =	vst.add.f32.msk $0xffff, v28  }
0x14e: {  	s28 =	simm.s32 $0x10260;
	v23 =	vadd.f32 v55, v23;
	[tilespmem:s26+$0x0] =	vst.add.f32.msk $0xffff, v25  }
0x14f: {  	s29 =	simm.s32 $0x10270;
	v22 =	vadd.f32 v56, v22;
	[tilespmem:s28+$0x0] =	vst.add.f32.msk $0xffff, v26  }
0x150: {  	s30 =	simm.s32 $0x10280;
	v19 =	vadd.f32 v57, v19;
	[tilespmem:s29+$0x0] =	vst.add.f32.msk $0xffff, v23  }
0x151: {  	s31 =	simm.s32 $0x10290;
	v17 =	vadd.f32 v58, v17;
	[tilespmem:s30+$0x0] =	vst.add.f32.msk $0xffff, v22  }
0x152: {  	s20 =	simm.s32 $0x102A0;
	v12 =	vadd.f32 v59, v12;
	[tilespmem:s31+$0x0] =	vst.add.f32.msk $0xffff, v19  }
0x153: {  	s21 =	simm.s32 $0x102B0;
	v13 =	vadd.f32 v60, v13;
	[tilespmem:s20+$0x0] =	vst.add.f32.msk $0xffff, v17  }
0x154: {  	s22 =	simm.s32 $0x102C0;
	v14 =	vadd.f32 v61, v14;
	[tilespmem:s21+$0x0] =	vst.add.f32.msk $0xffff, v12  }
0x155: {  	v9 =	vadd.f32 v35, v9;
	s23 =	simm.s32 $0x102D0;
	v12 =	vadd.f32 v62, v18;
	[tilespmem:s22+$0x0] =	vst.add.f32.msk $0xffff, v13  }
0x156: {  	v11 =	vadd.f32 v63, v11;
	s24 =	simm.s32 $0x102E0;
	v13 =	vadd.f32 v34, v24;
	[tilespmem:s23+$0x0] =	vst.add.f32.msk $0xffff, v14  }
0x157: {  	v9 =	vadd.f32 v37, v9;
	s25 =	simm.s32 $0x102F0;
	v14 =	vadd.f32 v32, v20;
	[tilespmem:s24+$0x0] =	vst.add.f32.msk $0xffff, v12  }
0x158: {  	s26 =	simm.s32 $0x10300;
	v12 =	vadd.f32 v33, v15;
	v13 =	vadd.f32 v38, v13;
	[tilespmem:s25+$0x0] =	vst.add.f32.msk $0xffff, v11  }
0x159: {  	v11 =	vadd.f32 v36, v21;
	v14 =	vadd.f32 v39, v14;
	[tilespmem:s26+$0x0] =	vst.add.f32.msk $0xffff, v9  }
0x15a: {  	v12 =	vadd.f32 v40, v12;
	[tilespmem:s0+$0x0] =	vst.add.f32.msk $0xffff, v13  }
0x15b: {  	v11 =	vadd.f32 v41, v11;
	[tilespmem:s1+$0x0] =	vst.add.f32.msk $0xffff, v14  }
0x15c: {  	[tilespmem:s10+$0x0] =	vst.add.f32.msk $0xffff, v12  }
0x15d: {  	[tilespmem:s3+$0x0] =	vst.add.f32.msk $0xffff, v11  }
0x15e: {  	v9 =	vadd.f32 v43, v16;
	v11 =	vld [tilespmem:$0x1FF60];
	_ =	sdelay $0x1  }
0x15f: {  	v10 =	vadd.f32 v42, v10;
	v9 =	vadd.f32 v48, v9;
	_ =	sdelay $0x1  }
0x160: {  	v10 =	vadd.f32 v49, v10;
	[tilespmem:s4+$0x0] =	vst.add.f32.msk $0xffff, v9  }
0x161: {  	v9 =	vld [tilespmem:$0x1FF70];
	v4 =	vadd.f32 v11, v4  }
0x162: {  	[tilespmem:s5+$0x0] =	vst.add.f32.msk $0xffff, v10  }
0x163: {  	[tilespmem:s6+$0x0] =	vst.add.f32.msk $0xffff, v4  }
0x164: {  	v4 =	vld [tilespmem:$0x1FF80];
	_ =	sdelay $0x2  }
0x165: {  	v7 =	vadd.f32 v47, v7  }
0x166: {  	v8 =	vadd.f32 v9, v8  }
0x167: {  	[tilespmem:s7+$0x0] =	vst.add.f32.msk $0xffff, v7;
	v4 =	vadd.f32 v4, v5  }
0x168: {  	[tilespmem:s8+$0x0] =	vst.add.f32.msk $0xffff, v8  }
0x169: {  	v5 =	vadd.f32 v44, v6;
	[tilespmem:s2+$0x0] =	vst.add.f32.msk $0xffff, v4  }
0x16a: {  	v2 =	vadd.f32 v45, v2;
	v4 =	vld [tilespmem:$0x1FF90]  }
0x16b: {  	[tilespmem:s12+$0x0] =	vst.add.f32.msk $0xffff, v5  }
0x16c: {  	[tilespmem:s13+$0x0] =	vst.add.f32.msk $0xffff, v2  }
0x16d: {  	v2 =	vld [tilespmem:$0x1FFA0];
	_ =	sdelay $0x2  }
0x16e: {  	v3 =	vadd.f32 v46, v3  }
0x16f: {  	v1 =	vadd.f32 v4, v1  }
0x170: {  	[tilespmem:s14+$0x0] =	vst.add.f32.msk $0xffff, v3;
	v0 =	vadd.f32 v2, v0  }
0x171: {  	[tilespmem:s15+$0x0] =	vst.add.f32.msk $0xffff, v1  }
0x172: {  	[tilespmem:s16+$0x0] =	vst.add.f32.msk $0xffff, v0  }
0x173: {  	s28 =	simm.s32 $0x0;
	_ =	swait.ge [sflag:s17], $0x8000  }
0x174: {  	s19 =	sand.u32 $0x380, s28;
	s30 =	sand.u32 $0x6000, s28;
	[sflag:s17] =	ssyncset.done $0x0  }
0x175: {  	s19 =	sor.u32 s19, s30;
	s29 =	rddreg [dreg:$0x5];
	[sflag:s17] =	ssyncadd.s32 $0xFFFF8000  }
0x176: {  	[tilespmem:s28], [sflag:$0x1] =	stream.linear.gather [hbm4b:s29+s28], $0x8000, $0x38;
	[tilespmem:$0x10400] =	vst v63  }
0x177: {  	v0 =	vld [tilespmem:s19+$0x8C70]  }
0x178: {  	v2 =	vld [tilespmem:s19+$0x8000]  }
0x179: {  	v3 =	vld [tilespmem:s19+$0x8010]  }
0x17a: {  	v4 =	vld [tilespmem:s19+$0x8020]  }
0x17b: {  	v5 =	vld [tilespmem:s19+$0x8030]  }
0x17c: {  	v6 =	vld [tilespmem:s19+$0x8040]  }
0x17d: {  	v7 =	vld [tilespmem:s19+$0x8050]  }
0x17e: {  	v8 =	vld [tilespmem:s19+$0x8060]  }
0x17f: {  	v9 =	vld [tilespmem:s19+$0x8070]  }
0x180: {  	v10 =	vld [tilespmem:s19+$0x8400]  }
0x181: {  	v11 =	vld [tilespmem:s19+$0x8410]  }
0x182: {  	v12 =	vld [tilespmem:s19+$0x8420]  }
0x183: {  	v13 =	vld [tilespmem:s19+$0x8430]  }
0x184: {  	v14 =	vld [tilespmem:s19+$0x8440]  }
0x185: {  	v15 =	vld [tilespmem:s19+$0x8450]  }
0x186: {  	v16 =	vld [tilespmem:s19+$0x8460]  }
0x187: {  	v62 =	vld [tilespmem:s19+$0x8470]  }
0x188: {  	v1 =	vimm.f32 $0.0e+00;
	v63 =	vld [tilespmem:s19+$0x8800]  }
0x189: {  	v0 =	vadd.f32 v0, v1;
	v31 =	vadd.f32 v2, v1;
	v2 =	vld [tilespmem:s19+$0x8810]  }
0x18a: {  	v29 =	vadd.f32 v3, v1;
	v30 =	vadd.f32 v4, v1;
	v3 =	vld [tilespmem:s19+$0x8820]  }
0x18b: {  	v27 =	vadd.f32 v5, v1;
	v28 =	vadd.f32 v6, v1;
	v4 =	vld [tilespmem:s19+$0x8830]  }
0x18c: {  	v25 =	vadd.f32 v7, v1;
	v26 =	vadd.f32 v8, v1;
	v5 =	vld [tilespmem:s19+$0x8840]  }
0x18d: {  	v23 =	vadd.f32 v9, v1;
	v24 =	vadd.f32 v10, v1;
	v6 =	vld [tilespmem:s19+$0x8850]  }
0x18e: {  	v21 =	vadd.f32 v11, v1;
	v22 =	vadd.f32 v12, v1;
	v7 =	vld [tilespmem:s19+$0x8860]  }
0x18f: {  	v19 =	vadd.f32 v13, v1;
	v20 =	vadd.f32 v14, v1;
	v8 =	vld [tilespmem:s19+$0x8870]  }
0x190: {  	v17 =	vadd.f32 v15, v1;
	v18 =	vadd.f32 v16, v1;
	v11 =	vld [tilespmem:s19+$0x8C00]  }
0x191: {  	v15 =	vadd.f32 v62, v1;
	v16 =	vadd.f32 v63, v1  }
0x192: {  	v35 =	vld [tilespmem:s19+$0x8C10];
	v14 =	vadd.f32 v2, v1;
	v13 =	vadd.f32 v3, v1  }
0x193: {  	v34 =	vld [tilespmem:s19+$0x8C20];
	v9 =	vadd.f32 v4, v1;
	v10 =	vadd.f32 v5, v1  }
0x194: {  	v32 =	vld [tilespmem:s19+$0x8C30];
	v12 =	vimm.f32 $0.0e+00;
	v6 =	vadd.f32 v6, v1;
	v7 =	vadd.f32 v7, v1  }
0x195: {  	s31 =	simm.s32 $0x400;
	s20 =	simm.s32 $0x80;
	v33 =	vld [tilespmem:s19+$0x8C40];
	v3 =	vadd.f32 v8, v1;
	v8 =	vadd.f32 v11, v1;
	v11 =	vimm.f32 $0.0e+00  }
0x196: {  	s21 =	simm.s32 $0x800;
	s22 =	sand.u32 $0x6000, s31;
	s23 =	sand.u32 $0x380, s20;
	v36 =	vld [tilespmem:s19+$0x8C50];
	v4 =	vimm.f32 $0.0e+00;
	v5 =	vimm.f32 $0.0e+00;
	v2 =	vimm.f32 $0.0e+00  }
.LBB2_6:
0x197: {  	p0 =	sne.s32 s21, $0x7C00;
	v1 =	vadd.f32 v35, v1;
	v35 =	vld [tilespmem:s19+$0x8C60];
	s19 =	sor.u32 s23, s22  }
0x198: {  	v37 =	vld [tilespmem:s19+$0x8C70];
	v11 =	vadd.f32 v34, v11  }
0x199: {  	v34 =	vld [tilespmem:s19+$0x8000];
	v4 =	vadd.f32 v32, v4  }
0x19a: {  	v32 =	vld [tilespmem:s19+$0x8010];
	v12 =	vadd.f32 v33, v12  }
0x19b: {  	v33 =	vld [tilespmem:s19+$0x8020];
	v5 =	vadd.f32 v36, v5  }
0x19c: {  	v36 =	vld [tilespmem:s19+$0x8030];
	v2 =	vadd.f32 v35, v2  }
0x19d: {  	v35 =	vld [tilespmem:s19+$0x8040];
	v0 =	vadd.f32 v37, v0  }
0x19e: {  	v31 =	vadd.f32 v34, v31;
	v34 =	vld [tilespmem:s19+$0x8050]  }
0x19f: {  	v29 =	vadd.f32 v32, v29;
	v32 =	vld [tilespmem:s19+$0x8060]  }
0x1a0: {  	v30 =	vadd.f32 v33, v30;
	v33 =	vld [tilespmem:s19+$0x8070]  }
0x1a1: {  	v27 =	vadd.f32 v36, v27;
	v36 =	vld [tilespmem:s19+$0x8400]  }
0x1a2: {  	v28 =	vadd.f32 v35, v28;
	v35 =	vld [tilespmem:s19+$0x8410]  }
0x1a3: {  	v25 =	vadd.f32 v34, v25;
	v34 =	vld [tilespmem:s19+$0x8420]  }
0x1a4: {  	v26 =	vadd.f32 v32, v26;
	v32 =	vld [tilespmem:s19+$0x8430]  }
0x1a5: {  	v23 =	vadd.f32 v33, v23;
	v33 =	vld [tilespmem:s19+$0x8440]  }
0x1a6: {  	v24 =	vadd.f32 v36, v24;
	v36 =	vld [tilespmem:s19+$0x8450]  }
0x1a7: {  	v21 =	vadd.f32 v35, v21;
	v35 =	vld [tilespmem:s19+$0x8460]  }
0x1a8: {  	v22 =	vadd.f32 v34, v22;
	v34 =	vld [tilespmem:s19+$0x8470]  }
0x1a9: {  	v19 =	vadd.f32 v32, v19;
	v32 =	vld [tilespmem:s19+$0x8800]  }
0x1aa: {  	v20 =	vadd.f32 v33, v20;
	v33 =	vld [tilespmem:s19+$0x8810]  }
0x1ab: {  	v17 =	vadd.f32 v36, v17;
	v36 =	vld [tilespmem:s19+$0x8820]  }
0x1ac: {  	v18 =	vadd.f32 v35, v18;
	v35 =	vld [tilespmem:s19+$0x8830]  }
0x1ad: {  	v15 =	vadd.f32 v34, v15;
	v34 =	vld [tilespmem:s19+$0x8840]  }
0x1ae: {  	v16 =	vadd.f32 v32, v16;
	v32 =	vld [tilespmem:s19+$0x8850]  }
0x1af: {  	v14 =	vadd.f32 v33, v14;
	v33 =	vld [tilespmem:s19+$0x8860]  }
0x1b0: {  	v13 =	vadd.f32 v36, v13;
	v36 =	vld [tilespmem:s19+$0x8870]  }
0x1b1: {  	v9 =	vadd.f32 v35, v9;
	v37 =	vld [tilespmem:s19+$0x8C00]  }
.Ltmp2:
0x1b2: {  	v10 =	vadd.f32 v34, v10;
	v35 =	vld [tilespmem:s19+$0x8C10];
	(pc) =	sbr.rel @p0 .LBB2_6-.Ltmp2, $4  }
0x1b3: {  	v6 =	vadd.f32 v32, v6;
	v34 =	vld [tilespmem:s19+$0x8C20]  }
0x1b4: {  	v7 =	vadd.f32 v33, v7;
	v32 =	vld [tilespmem:s19+$0x8C30]  }
0x1b5: {  	s20 =	sadd.s32 $0x80, s20;
	v3 =	vadd.f32 v36, v3;
	v33 =	vld [tilespmem:s19+$0x8C40]  }
0x1b6: {  	s22 =	sand.u32 $0x6000, s21;
	s21 =	sadd.s32 $0x400, s21;
	s23 =	sand.u32 $0x380, s20;
	v8 =	vadd.f32 v37, v8;
	v36 =	vld [tilespmem:s19+$0x8C50]  }
0x1b7: {  	s20 =	sor.u32 s23, s22;
	v37 =	vld [tilespmem:s19+$0x8C60]  }
0x1b8: {  	v63 =	vld [tilespmem:s20+$0x8C70]  }
0x1b9: {  	v39 =	vld [tilespmem:s20+$0x8000]  }
0x1ba: {  	v40 =	vld [tilespmem:s20+$0x8010]  }
0x1bb: {  	v41 =	vld [tilespmem:s20+$0x8020]  }
0x1bc: {  	v42 =	vld [tilespmem:s20+$0x8030]  }
0x1bd: {  	v43 =	vld [tilespmem:s20+$0x8040]  }
0x1be: {  	v44 =	vld [tilespmem:s20+$0x8050]  }
0x1bf: {  	v45 =	vld [tilespmem:s20+$0x8060]  }
0x1c0: {  	v46 =	vld [tilespmem:s20+$0x8070]  }
0x1c1: {  	v47 =	vld [tilespmem:s20+$0x8400]  }
0x1c2: {  	v48 =	vld [tilespmem:s20+$0x8410]  }
0x1c3: {  	v49 =	vld [tilespmem:s20+$0x8420]  }
0x1c4: {  	v50 =	vld [tilespmem:s20+$0x8430]  }
0x1c5: {  	v51 =	vld [tilespmem:s20+$0x8440]  }
0x1c6: {  	v52 =	vld [tilespmem:s20+$0x8450]  }
0x1c7: {  	v53 =	vld [tilespmem:s20+$0x8460]  }
0x1c8: {  	v38 =	vld [tilespmem:s20+$0x8C20]  }
0x1c9: {  	v54 =	vld [tilespmem:s20+$0x8470]  }
0x1ca: {  	v55 =	vld [tilespmem:s20+$0x8800]  }
0x1cb: {  	v56 =	vld [tilespmem:s20+$0x8810]  }
0x1cc: {  	v57 =	vld [tilespmem:s20+$0x8820]  }
0x1cd: {  	[tilespmem:$0x1FF10] =	vst v38;
	v38 =	vld [tilespmem:s20+$0x8C30]  }
0x1ce: {  	v58 =	vld [tilespmem:s20+$0x8830]  }
0x1cf: {  	v59 =	vld [tilespmem:s20+$0x8840]  }
0x1d0: {  	v60 =	vld [tilespmem:s20+$0x8850]  }
0x1d1: {  	v61 =	vld [tilespmem:s20+$0x8860]  }
0x1d2: {  	[tilespmem:$0x1FF20] =	vst v38;
	v38 =	vld [tilespmem:s20+$0x8C40]  }
0x1d3: {  	v62 =	vld [tilespmem:s20+$0x8870]  }
0x1d4: {  	[tilespmem:$0x1FF30] =	vst v37;
	v37 =	vld [tilespmem:s20+$0x8C10]  }
0x1d5: {  	[tilespmem:$0x1FF50] =	vst v63;
	v63 =	vld [tilespmem:s20+$0x8C00]  }
0x1d6: {  	v31 =	vadd.f32 v39, v31;
	v39 =	vld [tilespmem:s20+$0x8C50]  }
0x1d7: {  	v29 =	vadd.f32 v40, v29;
	[tilespmem:$0x1FF40] =	vst v38;
	v38 =	vld [tilespmem:s20+$0x8C60]  }
0x1d8: {  	s30 =	simm.s32 $0x10010;
	v30 =	vadd.f32 v41, v30;
	[tilespmem:s11+$0x0] =	vst.add.f32.msk $0xffff, v31  }
0x1d9: {  	s31 =	simm.s32 $0x10020;
	v27 =	vadd.f32 v42, v27;
	[tilespmem:s30+$0x0] =	vst.add.f32.msk $0xffff, v29  }
0x1da: {  	v28 =	vadd.f32 v43, v28;
	s20 =	simm.s32 $0x10030;
	[tilespmem:s31+$0x0] =	vst.add.f32.msk $0xffff, v30  }
0x1db: {  	s21 =	simm.s32 $0x10040;
	v25 =	vadd.f32 v44, v25;
	[tilespmem:s20+$0x0] =	vst.add.f32.msk $0xffff, v27  }
0x1dc: {  	s22 =	simm.s32 $0x10050;
	v26 =	vadd.f32 v45, v26;
	[tilespmem:s21+$0x0] =	vst.add.f32.msk $0xffff, v28  }
0x1dd: {  	s23 =	simm.s32 $0x10060;
	v23 =	vadd.f32 v46, v23;
	[tilespmem:s22+$0x0] =	vst.add.f32.msk $0xffff, v25  }
0x1de: {  	s24 =	simm.s32 $0x10070;
	v24 =	vadd.f32 v47, v24;
	[tilespmem:s23+$0x0] =	vst.add.f32.msk $0xffff, v26  }
0x1df: {  	s25 =	simm.s32 $0x10080;
	v21 =	vadd.f32 v48, v21;
	[tilespmem:s24+$0x0] =	vst.add.f32.msk $0xffff, v23  }
0x1e0: {  	s26 =	simm.s32 $0x10090;
	v22 =	vadd.f32 v49, v22;
	[tilespmem:s25+$0x0] =	vst.add.f32.msk $0xffff, v24  }
0x1e1: {  	s28 =	simm.s32 $0x100A0;
	v19 =	vadd.f32 v50, v19;
	[tilespmem:s26+$0x0] =	vst.add.f32.msk $0xffff, v21  }
0x1e2: {  	s29 =	simm.s32 $0x100B0;
	v20 =	vadd.f32 v51, v20;
	[tilespmem:s28+$0x0] =	vst.add.f32.msk $0xffff, v22  }
0x1e3: {  	v17 =	vadd.f32 v52, v17;
	s30 =	simm.s32 $0x100C0;
	[tilespmem:s29+$0x0] =	vst.add.f32.msk $0xffff, v19  }
0x1e4: {  	v18 =	vadd.f32 v53, v18;
	s31 =	simm.s32 $0x100D0;
	[tilespmem:s30+$0x0] =	vst.add.f32.msk $0xffff, v20  }
0x1e5: {  	v15 =	vadd.f32 v54, v15;
	s20 =	simm.s32 $0x100E0;
	[tilespmem:s31+$0x0] =	vst.add.f32.msk $0xffff, v17  }
0x1e6: {  	v16 =	vadd.f32 v55, v16;
	s21 =	simm.s32 $0x100F0;
	[tilespmem:s20+$0x0] =	vst.add.f32.msk $0xffff, v18  }
0x1e7: {  	v14 =	vadd.f32 v56, v14;
	s22 =	simm.s32 $0x10100;
	[tilespmem:s21+$0x0] =	vst.add.f32.msk $0xffff, v15  }
0x1e8: {  	v13 =	vadd.f32 v57, v13;
	s23 =	simm.s32 $0x10110;
	[tilespmem:s22+$0x0] =	vst.add.f32.msk $0xffff, v16  }
0x1e9: {  	v9 =	vadd.f32 v58, v9;
	s24 =	simm.s32 $0x10120;
	[tilespmem:s23+$0x0] =	vst.add.f32.msk $0xffff, v14  }
0x1ea: {  	v10 =	vadd.f32 v59, v10;
	s25 =	simm.s32 $0x10130;
	[tilespmem:s24+$0x0] =	vst.add.f32.msk $0xffff, v13  }
0x1eb: {  	v6 =	vadd.f32 v60, v6;
	s26 =	simm.s32 $0x10140;
	[tilespmem:s25+$0x0] =	vst.add.f32.msk $0xffff, v9  }
0x1ec: {  	v7 =	vadd.f32 v61, v7;
	s28 =	simm.s32 $0x10150;
	[tilespmem:s26+$0x0] =	vst.add.f32.msk $0xffff, v10  }
0x1ed: {  	s29 =	simm.s32 $0x10160;
	[tilespmem:s28+$0x0] =	vst.add.f32.msk $0xffff, v6  }
0x1ee: {  	v1 =	vadd.f32 v35, v1;
	v3 =	vadd.f32 v62, v3;
	[tilespmem:s29+$0x0] =	vst.add.f32.msk $0xffff, v7  }
0x1ef: {  	v8 =	vadd.f32 v63, v8;
	s30 =	simm.s32 $0x10170;
	v7 =	vld [tilespmem:$0x1FF10]  }
0x1f0: {  	v1 =	vadd.f32 v37, v1;
	s31 =	simm.s32 $0x10180;
	[tilespmem:s30+$0x0] =	vst.add.f32.msk $0xffff, v3  }
0x1f1: {  	s20 =	simm.s32 $0x10190;
	[tilespmem:s31+$0x0] =	vst.add.f32.msk $0xffff, v8  }
0x1f2: {  	[tilespmem:s20+$0x0] =	vst.add.f32.msk $0xffff, v1  }
0x1f3: {  	v1 =	vld [tilespmem:$0x1FF30];
	_ =	sdelay $0x1  }
0x1f4: {  	v6 =	vadd.f32 v34, v11;
	_ =	sdelay $0x1  }
0x1f5: {  	v6 =	vadd.f32 v7, v6;
	v7 =	vld [tilespmem:$0x1FF20]  }
0x1f6: {  	v1 =	vadd.f32 v1, v2;
	v2 =	vld [tilespmem:$0x1FF40];
	_ =	sdelay $0x1  }
0x1f7: {  	v4 =	vadd.f32 v32, v4  }
0x1f8: {  	v3 =	vadd.f32 v33, v12  }
0x1f9: {  	s21 =	simm.s32 $0x101A0;
	v4 =	vadd.f32 v7, v4  }
0x1fa: {  	s22 =	simm.s32 $0x101B0;
	[tilespmem:s21+$0x0] =	vst.add.f32.msk $0xffff, v6;
	v2 =	vadd.f32 v2, v3  }
0x1fb: {  	s23 =	simm.s32 $0x101C0;
	[tilespmem:s22+$0x0] =	vst.add.f32.msk $0xffff, v4  }
0x1fc: {  	[tilespmem:s23+$0x0] =	vst.add.f32.msk $0xffff, v2  }
0x1fd: {  	v2 =	vld [tilespmem:$0x1FF50]  }
0x1fe: {  	v5 =	vadd.f32 v36, v5;
	_ =	sdelay $0x1  }
0x1ff: {  	v3 =	vadd.f32 v39, v5  }
0x200: {  	s19 =	simm.s32 $0x0;
	s24 =	simm.s32 $0x101D0;
	s25 =	simm.s32 $0x0;
	v1 =	vadd.f32 v38, v1  }
0x201: {  	s26 =	simm.s32 $0x101E0;
	s28 =	sand.u32 $0x380, s19;
	s21 =	sand.u32 $0x7, s19;
	[tilespmem:s24+$0x0] =	vst.add.f32.msk $0xffff, v3;
	v0 =	vadd.f32 v2, v0  }
0x202: {  	s29 =	simm.s32 $0x101F0;
	s20 =	sand.u32 $0x6000, s25;
	s21 =	sshll.u32 s21, $0x7;
	[tilespmem:s26+$0x0] =	vst.add.f32.msk $0xffff, v1  }
0x203: {  	s20 =	sor.u32 s28, s20;
	s21 =	sadd.s32 $0x0, s21;
	[tilespmem:s29+$0x0] =	vst.add.f32.msk $0xffff, v0  }
0x204: {  	s30 =	sor.u32 $0x1C70, s21;
	v0 =	vld [tilespmem:s20+$0x9870]  }
0x205: {  	s31 =	sor.u32 $0x1C00, s21;
	v1 =	vld [tilespmem:s30+$0x8000]  }
0x206: {  	s24 =	sor.u32 $0x1C10, s21;
	v2 =	vld [tilespmem:s31+$0x8000]  }
0x207: {  	s25 =	sor.u32 $0x1C20, s21;
	v3 =	vld [tilespmem:s24+$0x8000]  }
0x208: {  	s26 =	sor.u32 $0x1C30, s21;
	v5 =	vld [tilespmem:s25+$0x8000]  }
0x209: {  	s28 =	sor.u32 $0x1C40, s21;
	v6 =	vld [tilespmem:s26+$0x8000]  }
0x20a: {  	s29 =	sor.u32 $0x1C50, s21;
	v10 =	vld [tilespmem:s28+$0x8000]  }
0x20b: {  	s21 =	sor.u32 $0x1C60, s21;
	v11 =	vld [tilespmem:s29+$0x8000]  }
0x20c: {  	v12 =	vld [tilespmem:s21+$0x8000]  }
0x20d: {  	v13 =	vld [tilespmem:s20+$0x9000]  }
0x20e: {  	v14 =	vld [tilespmem:s20+$0x9010]  }
0x20f: {  	v15 =	vld [tilespmem:s20+$0x9020]  }
0x210: {  	v16 =	vld [tilespmem:s20+$0x9030]  }
0x211: {  	v17 =	vld [tilespmem:s20+$0x9040]  }
0x212: {  	v18 =	vld [tilespmem:s20+$0x9050]  }
0x213: {  	v19 =	vld [tilespmem:s20+$0x9060]  }
0x214: {  	v9 =	vimm.f32 $0.0e+00;
	v20 =	vld [tilespmem:s20+$0x9070]  }
0x215: {  	v21 =	vld [tilespmem:s20+$0x9400];
	v4 =	vadd.f32 v0, v9  }
0x216: {  	v24 =	vld [tilespmem:s20+$0x9410];
	v0 =	vadd.f32 v1, v9;
	v7 =	vadd.f32 v2, v9  }
0x217: {  	v63 =	vld [tilespmem:s20+$0x9420];
	v8 =	vadd.f32 v3, v9;
	v5 =	vadd.f32 v5, v9  }
0x218: {  	v6 =	vadd.f32 v6, v9;
	v2 =	vadd.f32 v10, v9;
	v10 =	vld [tilespmem:s20+$0x9430]  }
0x219: {  	v3 =	vadd.f32 v11, v9;
	v1 =	vadd.f32 v12, v9;
	v11 =	vld [tilespmem:s20+$0x9440]  }
0x21a: {  	v31 =	vadd.f32 v13, v9;
	v29 =	vadd.f32 v14, v9;
	v14 =	vld [tilespmem:s20+$0x9450]  }
0x21b: {  	v30 =	vadd.f32 v15, v9;
	v27 =	vadd.f32 v16, v9;
	v15 =	vld [tilespmem:s20+$0x9460]  }
0x21c: {  	v28 =	vadd.f32 v17, v9;
	v25 =	vadd.f32 v18, v9;
	v16 =	vld [tilespmem:s20+$0x9470]  }
0x21d: {  	v26 =	vadd.f32 v19, v9;
	v23 =	vadd.f32 v20, v9  }
0x21e: {  	v35 =	vld [tilespmem:s20+$0x9800];
	v22 =	vadd.f32 v21, v9;
	v19 =	vadd.f32 v24, v9  }
0x21f: {  	v34 =	vld [tilespmem:s20+$0x9810];
	v17 =	vadd.f32 v63, v9;
	v24 =	vimm.f32 $0.0e+00;
	v12 =	vadd.f32 v10, v9  }
0x220: {  	s22 =	simm.s32 $0x1;
	s23 =	simm.s32 $0x100;
	v32 =	vld [tilespmem:s20+$0x9820];
	v20 =	vimm.f32 $0.0e+00;
	v13 =	vadd.f32 v11, v9;
	v14 =	vadd.f32 v14, v9  }
0x221: {  	s30 =	simm.s32 $0x80;
	s21 =	simm.s32 $0xFFFF8400;
	s31 =	simm.s32 $0x400;
	v33 =	vld [tilespmem:s20+$0x9830];
	v21 =	vimm.f32 $0.0e+00;
	v18 =	vadd.f32 v15, v9;
	v11 =	vadd.f32 v16, v9  }
0x222: {  	s26 =	sand.u32 $0x7, s22;
	v36 =	vld [tilespmem:s20+$0x9840];
	s24 =	sand.u32 $0x380, s30;
	s25 =	sand.u32 $0x6000, s31;
	v15 =	vimm.f32 $0.0e+00;
	v16 =	vimm.f32 $0.0e+00;
	v10 =	vimm.f32 $0.0e+00  }
.LBB2_8:
0x223: {  	p0 =	sne.s32 s23, $0xF80;
	s26 =	sshll.u32 s26, $0x7;
	v9 =	vadd.f32 v35, v9;
	v35 =	vld [tilespmem:s20+$0x9850];
	s19 =	sadd.s32 $0x400, s19  }
0x224: {  	s26 =	sadd.s32 s26, s19;
	v24 =	vadd.f32 v34, v24;
	v34 =	vld [tilespmem:s20+$0x9860];
	s20 =	sor.u32 s24, s25  }
0x225: {  	v37 =	vld [tilespmem:s20+$0x9870];
	s24 =	sor.u32 $0x1C00, s26;
	s25 =	sor.u32 $0x1C10, s26;
	s28 =	sor.u32 $0x1C70, s26;
	v20 =	vadd.f32 v32, v20  }
0x226: {  	s29 =	sor.u32 $0x1C20, s26;
	s30 =	sor.u32 $0x1C30, s26;
	s31 =	sor.u32 $0x1C40, s26;
	v32 =	vld [tilespmem:s28+$0x8000];
	v15 =	vadd.f32 v33, v15  }
0x227: {  	v33 =	vld [tilespmem:s24+$0x8000];
	s24 =	sor.u32 $0x1C50, s26;
	s26 =	sor.u32 $0x1C60, s26;
	v21 =	vadd.f32 v36, v21  }
0x228: {  	v36 =	vld [tilespmem:s25+$0x8000];
	v16 =	vadd.f32 v35, v16  }
0x229: {  	v35 =	vld [tilespmem:s29+$0x8000];
	v10 =	vadd.f32 v34, v10  }
0x22a: {  	v34 =	vld [tilespmem:s30+$0x8000]  }
0x22b: {  	v4 =	vadd.f32 v37, v4;
	v37 =	vld [tilespmem:s31+$0x8000];
	v0 =	vadd.f32 v32, v0  }
0x22c: {  	v7 =	vadd.f32 v33, v7;
	v32 =	vld [tilespmem:s24+$0x8000]  }
0x22d: {  	v8 =	vadd.f32 v36, v8;
	v33 =	vld [tilespmem:s26+$0x8000]  }
0x22e: {  	v36 =	vld [tilespmem:s20+$0x9000];
	v5 =	vadd.f32 v35, v5  }
0x22f: {  	v35 =	vld [tilespmem:s20+$0x9010];
	v6 =	vadd.f32 v34, v6  }
0x230: {  	v34 =	vld [tilespmem:s20+$0x9020];
	v2 =	vadd.f32 v37, v2  }
0x231: {  	v37 =	vld [tilespmem:s20+$0x9030];
	v3 =	vadd.f32 v32, v3  }
0x232: {  	v32 =	vld [tilespmem:s20+$0x9040];
	v1 =	vadd.f32 v33, v1  }
0x233: {  	v31 =	vadd.f32 v36, v31;
	v33 =	vld [tilespmem:s20+$0x9050]  }
0x234: {  	v29 =	vadd.f32 v35, v29;
	v35 =	vld [tilespmem:s20+$0x9060]  }
0x235: {  	v30 =	vadd.f32 v34, v30;
	v34 =	vld [tilespmem:s20+$0x9070]  }
0x236: {  	v27 =	vadd.f32 v37, v27;
	v36 =	vld [tilespmem:s20+$0x9400]  }
0x237: {  	v28 =	vadd.f32 v32, v28;
	v32 =	vld [tilespmem:s20+$0x9410]  }
0x238: {  	v25 =	vadd.f32 v33, v25;
	v33 =	vld [tilespmem:s20+$0x9420]  }
0x239: {  	v26 =	vadd.f32 v35, v26;
	v35 =	vld [tilespmem:s20+$0x9430]  }
0x23a: {  	v23 =	vadd.f32 v34, v23;
	v34 =	vld [tilespmem:s20+$0x9440]  }
0x23b: {  	v22 =	vadd.f32 v36, v22;
	v36 =	vld [tilespmem:s20+$0x9450]  }
0x23c: {  	v19 =	vadd.f32 v32, v19;
	v37 =	vld [tilespmem:s20+$0x9460]  }
0x23d: {  	v17 =	vadd.f32 v33, v17;
	v38 =	vld [tilespmem:s20+$0x9470]  }
.Ltmp3:
0x23e: {  	v12 =	vadd.f32 v35, v12;
	v35 =	vld [tilespmem:s20+$0x9800];
	(pc) =	sbr.rel @p0 .LBB2_8-.Ltmp3, $4  }
0x23f: {  	v13 =	vadd.f32 v34, v13;
	v34 =	vld [tilespmem:s20+$0x9810]  }
0x240: {  	s21 =	sadd.s32 $0x400, s21;
	v14 =	vadd.f32 v36, v14;
	v32 =	vld [tilespmem:s20+$0x9820]  }
0x241: {  	s22 =	sadd.s32 $0x1, s22;
	s25 =	sadd.s32 $0x8000, s21;
	s24 =	sand.u32 $0x380, s23;
	v18 =	vadd.f32 v37, v18;
	v33 =	vld [tilespmem:s20+$0x9830]  }
0x242: {  	s25 =	sand.u32 $0x6000, s25;
	s23 =	sadd.s32 $0x80, s23;
	s26 =	sand.u32 $0x7, s22;
	v11 =	vadd.f32 v38, v11;
	v36 =	vld [tilespmem:s20+$0x9840]  }
0x243: {  	v43 =	vld [tilespmem:s20+$0x9850]  }
0x244: {  	s24 =	sor.u32 s24, s25;
	v42 =	vld [tilespmem:s20+$0x9860]  }
0x245: {  	v37 =	vld [tilespmem:s24+$0x9870]  }
0x246: {  	v48 =	vld [tilespmem:s24+$0x9000]  }
0x247: {  	v49 =	vld [tilespmem:s24+$0x9010]  }
0x248: {  	v50 =	vld [tilespmem:s24+$0x9020]  }
0x249: {  	v51 =	vld [tilespmem:s24+$0x9030]  }
0x24a: {  	v52 =	vld [tilespmem:s24+$0x9040]  }
0x24b: {  	v53 =	vld [tilespmem:s24+$0x9050]  }
0x24c: {  	v54 =	vld [tilespmem:s24+$0x9060]  }
0x24d: {  	v55 =	vld [tilespmem:s24+$0x9070]  }
0x24e: {  	v56 =	vld [tilespmem:s24+$0x9400]  }
0x24f: {  	v57 =	vld [tilespmem:s24+$0x9410]  }
0x250: {  	v62 =	vld [tilespmem:s24+$0x9460]  }
0x251: {  	v63 =	vld [tilespmem:s24+$0x9470]  }
0x252: {  	v38 =	vld [tilespmem:s24+$0x9810]  }
0x253: {  	s21 =	sshll.u32 s26, $0x7;
	s19 =	sadd.s32 $0x400, s19;
	v39 =	vld [tilespmem:s24+$0x9820]  }
0x254: {  	s19 =	sadd.s32 s21, s19;
	v40 =	vld [tilespmem:s24+$0x9830]  }
0x255: {  	v41 =	vld [tilespmem:s24+$0x9840];
	s25 =	sor.u32 $0x1C70, s19  }
0x256: {  	s22 =	sor.u32 $0x1C00, s19;
	v58 =	vld [tilespmem:s25+$0x8000]  }
0x257: {  	s26 =	sor.u32 $0x1C10, s19;
	v47 =	vld [tilespmem:s22+$0x8000]  }
0x258: {  	s28 =	sor.u32 $0x1C20, s19;
	v59 =	vld [tilespmem:s26+$0x8000]  }
0x259: {  	s29 =	sor.u32 $0x1C30, s19;
	v60 =	vld [tilespmem:s28+$0x8000]  }
0x25a: {  	s30 =	sor.u32 $0x1C40, s19;
	v44 =	vld [tilespmem:s29+$0x8000]  }
0x25b: {  	s31 =	sor.u32 $0x1C50, s19;
	v45 =	vld [tilespmem:s30+$0x8000]  }
0x25c: {  	s19 =	sor.u32 $0x1C60, s19;
	v46 =	vld [tilespmem:s31+$0x8000]  }
0x25d: {  	v61 =	vld [tilespmem:s19+$0x8000]  }
0x25e: {  	[tilespmem:$0x1FEC0] =	vst v37;
	v37 =	vld [tilespmem:s24+$0x9800]  }
0x25f: {  	v31 =	vadd.f32 v48, v31;
	v48 =	vld [tilespmem:s24+$0x9850]  }
0x260: {  	v29 =	vadd.f32 v49, v29;
	v49 =	vld [tilespmem:s24+$0x9860]  }
0x261: {  	[tilespmem:$0x1FF00] =	vst v58;
	v58 =	vld [tilespmem:s24+$0x9420]  }
0x262: {  	[tilespmem:$0x1FED0] =	vst v59;
	v59 =	vld [tilespmem:s24+$0x9430]  }
0x263: {  	[tilespmem:$0x1FEE0] =	vst v60;
	v60 =	vld [tilespmem:s24+$0x9440]  }
0x264: {  	s20 =	simm.s32 $0x10200;
	[tilespmem:$0x1FEF0] =	vst v61;
	v61 =	vld [tilespmem:s24+$0x9450]  }
0x265: {  	s21 =	simm.s32 $0x10210;
	v30 =	vadd.f32 v50, v30;
	[tilespmem:s20+$0x0] =	vst.add.f32.msk $0xffff, v31  }
0x266: {  	s22 =	simm.s32 $0x10220;
	v27 =	vadd.f32 v51, v27;
	[tilespmem:s21+$0x0] =	vst.add.f32.msk $0xffff, v29  }
0x267: {  	s23 =	simm.s32 $0x10230;
	v28 =	vadd.f32 v52, v28;
	[tilespmem:s22+$0x0] =	vst.add.f32.msk $0xffff, v30  }
0x268: {  	v25 =	vadd.f32 v53, v25;
	s24 =	simm.s32 $0x10240;
	[tilespmem:s23+$0x0] =	vst.add.f32.msk $0xffff, v27  }
0x269: {  	s25 =	simm.s32 $0x10250;
	v26 =	vadd.f32 v54, v26;
	[tilespmem:s24+$0x0] =	vst.add.f32.msk $0xffff, v28  }
0x26a: {  	s26 =	simm.s32 $0x10260;
	v23 =	vadd.f32 v55, v23;
	[tilespmem:s25+$0x0] =	vst.add.f32.msk $0xffff, v25  }
0x26b: {  	s28 =	simm.s32 $0x10270;
	v22 =	vadd.f32 v56, v22;
	[tilespmem:s26+$0x0] =	vst.add.f32.msk $0xffff, v26  }
0x26c: {  	s29 =	simm.s32 $0x10280;
	v19 =	vadd.f32 v57, v19;
	[tilespmem:s28+$0x0] =	vst.add.f32.msk $0xffff, v23  }
0x26d: {  	s30 =	simm.s32 $0x10290;
	v17 =	vadd.f32 v58, v17;
	[tilespmem:s29+$0x0] =	vst.add.f32.msk $0xffff, v22  }
0x26e: {  	s31 =	simm.s32 $0x102A0;
	v12 =	vadd.f32 v59, v12;
	[tilespmem:s30+$0x0] =	vst.add.f32.msk $0xffff, v19  }
0x26f: {  	s20 =	simm.s32 $0x102B0;
	v13 =	vadd.f32 v60, v13;
	[tilespmem:s31+$0x0] =	vst.add.f32.msk $0xffff, v17  }
0x270: {  	s21 =	simm.s32 $0x102C0;
	v14 =	vadd.f32 v61, v14;
	[tilespmem:s20+$0x0] =	vst.add.f32.msk $0xffff, v12  }
0x271: {  	v9 =	vadd.f32 v35, v9;
	s22 =	simm.s32 $0x102D0;
	v12 =	vadd.f32 v62, v18;
	[tilespmem:s21+$0x0] =	vst.add.f32.msk $0xffff, v13  }
0x272: {  	v11 =	vadd.f32 v63, v11;
	s23 =	simm.s32 $0x102E0;
	v13 =	vadd.f32 v34, v24;
	[tilespmem:s22+$0x0] =	vst.add.f32.msk $0xffff, v14  }
0x273: {  	v9 =	vadd.f32 v37, v9;
	s24 =	simm.s32 $0x102F0;
	v14 =	vadd.f32 v32, v20;
	[tilespmem:s23+$0x0] =	vst.add.f32.msk $0xffff, v12  }
0x274: {  	s25 =	simm.s32 $0x10300;
	v12 =	vadd.f32 v33, v15;
	v13 =	vadd.f32 v38, v13;
	[tilespmem:s24+$0x0] =	vst.add.f32.msk $0xffff, v11  }
0x275: {  	v11 =	vadd.f32 v36, v21;
	v14 =	vadd.f32 v39, v14;
	[tilespmem:s25+$0x0] =	vst.add.f32.msk $0xffff, v9  }
0x276: {  	v12 =	vadd.f32 v40, v12;
	[tilespmem:s0+$0x0] =	vst.add.f32.msk $0xffff, v13  }
0x277: {  	v11 =	vadd.f32 v41, v11;
	[tilespmem:s1+$0x0] =	vst.add.f32.msk $0xffff, v14  }
0x278: {  	[tilespmem:s10+$0x0] =	vst.add.f32.msk $0xffff, v12  }
0x279: {  	[tilespmem:s3+$0x0] =	vst.add.f32.msk $0xffff, v11  }
0x27a: {  	v9 =	vadd.f32 v43, v16;
	v11 =	vld [tilespmem:$0x1FEC0];
	_ =	sdelay $0x1  }
0x27b: {  	v10 =	vadd.f32 v42, v10;
	v9 =	vadd.f32 v48, v9;
	_ =	sdelay $0x1  }
0x27c: {  	v10 =	vadd.f32 v49, v10;
	[tilespmem:s4+$0x0] =	vst.add.f32.msk $0xffff, v9  }
0x27d: {  	v9 =	vld [tilespmem:$0x1FED0];
	v4 =	vadd.f32 v11, v4  }
0x27e: {  	[tilespmem:s5+$0x0] =	vst.add.f32.msk $0xffff, v10  }
0x27f: {  	[tilespmem:s6+$0x0] =	vst.add.f32.msk $0xffff, v4  }
0x280: {  	v4 =	vld [tilespmem:$0x1FEE0];
	_ =	sdelay $0x2  }
0x281: {  	v7 =	vadd.f32 v47, v7  }
0x282: {  	v8 =	vadd.f32 v9, v8  }
0x283: {  	[tilespmem:s7+$0x0] =	vst.add.f32.msk $0xffff, v7;
	v4 =	vadd.f32 v4, v5  }
0x284: {  	[tilespmem:s8+$0x0] =	vst.add.f32.msk $0xffff, v8  }
0x285: {  	v5 =	vadd.f32 v44, v6;
	[tilespmem:s2+$0x0] =	vst.add.f32.msk $0xffff, v4  }
0x286: {  	v2 =	vadd.f32 v45, v2;
	v4 =	vld [tilespmem:$0x1FEF0]  }
0x287: {  	[tilespmem:s12+$0x0] =	vst.add.f32.msk $0xffff, v5  }
0x288: {  	[tilespmem:s13+$0x0] =	vst.add.f32.msk $0xffff, v2  }
0x289: {  	v2 =	vld [tilespmem:$0x1FF00];
	_ =	sdelay $0x2  }
0x28a: {  	v3 =	vadd.f32 v46, v3  }
0x28b: {  	v1 =	vadd.f32 v4, v1  }
0x28c: {  	[tilespmem:s14+$0x0] =	vst.add.f32.msk $0xffff, v3;
	v0 =	vadd.f32 v2, v0  }
0x28d: {  	[tilespmem:s15+$0x0] =	vst.add.f32.msk $0xffff, v1  }
0x28e: {  	s26 =	simm.s32 $0x0;
	[tilespmem:s16+$0x0] =	vst.add.f32.msk $0xffff, v0  }
0x28f: {  	s19 =	sand.u32 $0x380, s26;
	_ =	swait.ge [sflag:s9], $0x8000  }
0x290: {  	s29 =	simm.s32 $0x8000;
	s30 =	sand.u32 $0x6000, s26;
	[sflag:s9] =	ssyncset.done $0x0  }
0x291: {  	s19 =	sor.u32 s19, s30;
	s28 =	rddreg [dreg:$0x6];
	[sflag:s9] =	ssyncadd.s32 $0xFFFF8000  }
0x292: {  	[tilespmem:s29], [sflag:$0x2] =	stream.linear.gather [hbm4b:s28+s26], $0x8000, $0x38;
	[tilespmem:$0x10400] =	vst v63  }
0x293: {  	v0 =	vld [tilespmem:s19+$0xC70]  }
0x294: {  	v2 =	vld [tilespmem:s19+$0x0]  }
0x295: {  	v3 =	vld [tilespmem:s19+$0x10]  }
0x296: {  	v4 =	vld [tilespmem:s19+$0x20]  }
0x297: {  	v5 =	vld [tilespmem:s19+$0x30]  }
0x298: {  	v6 =	vld [tilespmem:s19+$0x40]  }
0x299: {  	v7 =	vld [tilespmem:s19+$0x50]  }
0x29a: {  	v8 =	vld [tilespmem:s19+$0x60]  }
0x29b: {  	v9 =	vld [tilespmem:s19+$0x70]  }
0x29c: {  	v10 =	vld [tilespmem:s19+$0x400]  }
0x29d: {  	v11 =	vld [tilespmem:s19+$0x410]  }
0x29e: {  	v12 =	vld [tilespmem:s19+$0x420]  }
0x29f: {  	v13 =	vld [tilespmem:s19+$0x430]  }
0x2a0: {  	v14 =	vld [tilespmem:s19+$0x440]  }
0x2a1: {  	v15 =	vld [tilespmem:s19+$0x450]  }
0x2a2: {  	v16 =	vld [tilespmem:s19+$0x460]  }
0x2a3: {  	v62 =	vld [tilespmem:s19+$0x470]  }
0x2a4: {  	v1 =	vimm.f32 $0.0e+00;
	v63 =	vld [tilespmem:s19+$0x800]  }
0x2a5: {  	v0 =	vadd.f32 v0, v1;
	v31 =	vadd.f32 v2, v1;
	v2 =	vld [tilespmem:s19+$0x810]  }
0x2a6: {  	v29 =	vadd.f32 v3, v1;
	v30 =	vadd.f32 v4, v1;
	v3 =	vld [tilespmem:s19+$0x820]  }
0x2a7: {  	v27 =	vadd.f32 v5, v1;
	v28 =	vadd.f32 v6, v1;
	v4 =	vld [tilespmem:s19+$0x830]  }
0x2a8: {  	v25 =	vadd.f32 v7, v1;
	v26 =	vadd.f32 v8, v1;
	v5 =	vld [tilespmem:s19+$0x840]  }
0x2a9: {  	v23 =	vadd.f32 v9, v1;
	v24 =	vadd.f32 v10, v1;
	v6 =	vld [tilespmem:s19+$0x850]  }
0x2aa: {  	v21 =	vadd.f32 v11, v1;
	v22 =	vadd.f32 v12, v1;
	v7 =	vld [tilespmem:s19+$0x860]  }
0x2ab: {  	v19 =	vadd.f32 v13, v1;
	v20 =	vadd.f32 v14, v1;
	v8 =	vld [tilespmem:s19+$0x870]  }
0x2ac: {  	v17 =	vadd.f32 v15, v1;
	v18 =	vadd.f32 v16, v1;
	v11 =	vld [tilespmem:s19+$0xC00]  }
0x2ad: {  	v15 =	vadd.f32 v62, v1;
	v16 =	vadd.f32 v63, v1  }
0x2ae: {  	v35 =	vld [tilespmem:s19+$0xC10];
	v14 =	vadd.f32 v2, v1;
	v13 =	vadd.f32 v3, v1  }
0x2af: {  	v34 =	vld [tilespmem:s19+$0xC20];
	v9 =	vadd.f32 v4, v1;
	v10 =	vadd.f32 v5, v1  }
0x2b0: {  	v32 =	vld [tilespmem:s19+$0xC30];
	v12 =	vimm.f32 $0.0e+00;
	v6 =	vadd.f32 v6, v1;
	v7 =	vadd.f32 v7, v1  }
0x2b1: {  	s31 =	simm.s32 $0x400;
	s20 =	simm.s32 $0x80;
	v33 =	vld [tilespmem:s19+$0xC40];
	v3 =	vadd.f32 v8, v1;
	v8 =	vadd.f32 v11, v1;
	v11 =	vimm.f32 $0.0e+00  }
0x2b2: {  	s21 =	simm.s32 $0x800;
	s22 =	sand.u32 $0x6000, s31;
	s23 =	sand.u32 $0x380, s20;
	v36 =	vld [tilespmem:s19+$0xC50];
	v4 =	vimm.f32 $0.0e+00;
	v5 =	vimm.f32 $0.0e+00;
	v2 =	vimm.f32 $0.0e+00  }
.LBB2_10:
0x2b3: {  	p0 =	sne.s32 s21, $0x7C00;
	v1 =	vadd.f32 v35, v1;
	v35 =	vld [tilespmem:s19+$0xC60];
	s19 =	sor.u32 s23, s22  }
0x2b4: {  	v37 =	vld [tilespmem:s19+$0xC70];
	v11 =	vadd.f32 v34, v11  }
0x2b5: {  	v34 =	vld [tilespmem:s19+$0x0];
	v4 =	vadd.f32 v32, v4  }
0x2b6: {  	v32 =	vld [tilespmem:s19+$0x10];
	v12 =	vadd.f32 v33, v12  }
0x2b7: {  	v33 =	vld [tilespmem:s19+$0x20];
	v5 =	vadd.f32 v36, v5  }
0x2b8: {  	v36 =	vld [tilespmem:s19+$0x30];
	v2 =	vadd.f32 v35, v2  }
0x2b9: {  	v35 =	vld [tilespmem:s19+$0x40];
	v0 =	vadd.f32 v37, v0  }
0x2ba: {  	v31 =	vadd.f32 v34, v31;
	v34 =	vld [tilespmem:s19+$0x50]  }
0x2bb: {  	v29 =	vadd.f32 v32, v29;
	v32 =	vld [tilespmem:s19+$0x60]  }
0x2bc: {  	v30 =	vadd.f32 v33, v30;
	v33 =	vld [tilespmem:s19+$0x70]  }
0x2bd: {  	v27 =	vadd.f32 v36, v27;
	v36 =	vld [tilespmem:s19+$0x400]  }
0x2be: {  	v28 =	vadd.f32 v35, v28;
	v35 =	vld [tilespmem:s19+$0x410]  }
0x2bf: {  	v25 =	vadd.f32 v34, v25;
	v34 =	vld [tilespmem:s19+$0x420]  }
0x2c0: {  	v26 =	vadd.f32 v32, v26;
	v32 =	vld [tilespmem:s19+$0x430]  }
0x2c1: {  	v23 =	vadd.f32 v33, v23;
	v33 =	vld [tilespmem:s19+$0x440]  }
0x2c2: {  	v24 =	vadd.f32 v36, v24;
	v36 =	vld [tilespmem:s19+$0x450]  }
0x2c3: {  	v21 =	vadd.f32 v35, v21;
	v35 =	vld [tilespmem:s19+$0x460]  }
0x2c4: {  	v22 =	vadd.f32 v34, v22;
	v34 =	vld [tilespmem:s19+$0x470]  }
0x2c5: {  	v19 =	vadd.f32 v32, v19;
	v32 =	vld [tilespmem:s19+$0x800]  }
0x2c6: {  	v20 =	vadd.f32 v33, v20;
	v33 =	vld [tilespmem:s19+$0x810]  }
0x2c7: {  	v17 =	vadd.f32 v36, v17;
	v36 =	vld [tilespmem:s19+$0x820]  }
0x2c8: {  	v18 =	vadd.f32 v35, v18;
	v35 =	vld [tilespmem:s19+$0x830]  }
0x2c9: {  	v15 =	vadd.f32 v34, v15;
	v34 =	vld [tilespmem:s19+$0x840]  }
0x2ca: {  	v16 =	vadd.f32 v32, v16;
	v32 =	vld [tilespmem:s19+$0x850]  }
0x2cb: {  	v14 =	vadd.f32 v33, v14;
	v33 =	vld [tilespmem:s19+$0x860]  }
0x2cc: {  	v13 =	vadd.f32 v36, v13;
	v36 =	vld [tilespmem:s19+$0x870]  }
0x2cd: {  	v9 =	vadd.f32 v35, v9;
	v37 =	vld [tilespmem:s19+$0xC00]  }
.Ltmp4:
0x2ce: {  	v10 =	vadd.f32 v34, v10;
	v35 =	vld [tilespmem:s19+$0xC10];
	(pc) =	sbr.rel @p0 .LBB2_10-.Ltmp4, $4  }
0x2cf: {  	v6 =	vadd.f32 v32, v6;
	v34 =	vld [tilespmem:s19+$0xC20]  }
0x2d0: {  	v7 =	vadd.f32 v33, v7;
	v32 =	vld [tilespmem:s19+$0xC30]  }
0x2d1: {  	s20 =	sadd.s32 $0x80, s20;
	v3 =	vadd.f32 v36, v3;
	v33 =	vld [tilespmem:s19+$0xC40]  }
0x2d2: {  	s22 =	sand.u32 $0x6000, s21;
	s21 =	sadd.s32 $0x400, s21;
	s23 =	sand.u32 $0x380, s20;
	v8 =	vadd.f32 v37, v8;
	v36 =	vld [tilespmem:s19+$0xC50]  }
0x2d3: {  	s20 =	sor.u32 s23, s22;
	v37 =	vld [tilespmem:s19+$0xC60]  }
0x2d4: {  	v63 =	vld [tilespmem:s20+$0xC70]  }
0x2d5: {  	v39 =	vld [tilespmem:s20+$0x0]  }
0x2d6: {  	v40 =	vld [tilespmem:s20+$0x10]  }
0x2d7: {  	v41 =	vld [tilespmem:s20+$0x20]  }
0x2d8: {  	v42 =	vld [tilespmem:s20+$0x30]  }
0x2d9: {  	v43 =	vld [tilespmem:s20+$0x40]  }
0x2da: {  	v44 =	vld [tilespmem:s20+$0x50]  }
0x2db: {  	v45 =	vld [tilespmem:s20+$0x60]  }
0x2dc: {  	v46 =	vld [tilespmem:s20+$0x70]  }
0x2dd: {  	v47 =	vld [tilespmem:s20+$0x400]  }
0x2de: {  	v48 =	vld [tilespmem:s20+$0x410]  }
0x2df: {  	v49 =	vld [tilespmem:s20+$0x420]  }
0x2e0: {  	v50 =	vld [tilespmem:s20+$0x430]  }
0x2e1: {  	v51 =	vld [tilespmem:s20+$0x440]  }
0x2e2: {  	v52 =	vld [tilespmem:s20+$0x450]  }
0x2e3: {  	v53 =	vld [tilespmem:s20+$0x460]  }
0x2e4: {  	v38 =	vld [tilespmem:s20+$0xC20]  }
0x2e5: {  	v54 =	vld [tilespmem:s20+$0x470]  }
0x2e6: {  	v55 =	vld [tilespmem:s20+$0x800]  }
0x2e7: {  	v56 =	vld [tilespmem:s20+$0x810]  }
0x2e8: {  	v57 =	vld [tilespmem:s20+$0x820]  }
0x2e9: {  	[tilespmem:$0x1FE70] =	vst v38;
	v38 =	vld [tilespmem:s20+$0xC30]  }
0x2ea: {  	v58 =	vld [tilespmem:s20+$0x830]  }
0x2eb: {  	v59 =	vld [tilespmem:s20+$0x840]  }
0x2ec: {  	v60 =	vld [tilespmem:s20+$0x850]  }
0x2ed: {  	v61 =	vld [tilespmem:s20+$0x860]  }
0x2ee: {  	[tilespmem:$0x1FE80] =	vst v38;
	v38 =	vld [tilespmem:s20+$0xC40]  }
0x2ef: {  	v62 =	vld [tilespmem:s20+$0x870]  }
0x2f0: {  	[tilespmem:$0x1FE90] =	vst v37;
	v37 =	vld [tilespmem:s20+$0xC10]  }
0x2f1: {  	[tilespmem:$0x1FEB0] =	vst v63;
	v63 =	vld [tilespmem:s20+$0xC00]  }
0x2f2: {  	v31 =	vadd.f32 v39, v31;
	v39 =	vld [tilespmem:s20+$0xC50]  }
0x2f3: {  	v29 =	vadd.f32 v40, v29;
	[tilespmem:$0x1FEA0] =	vst v38;
	v38 =	vld [tilespmem:s20+$0xC60]  }
0x2f4: {  	s30 =	simm.s32 $0x10010;
	v30 =	vadd.f32 v41, v30;
	[tilespmem:s11+$0x0] =	vst.add.f32.msk $0xffff, v31  }
0x2f5: {  	s31 =	simm.s32 $0x10020;
	v27 =	vadd.f32 v42, v27;
	[tilespmem:s30+$0x0] =	vst.add.f32.msk $0xffff, v29  }
0x2f6: {  	v28 =	vadd.f32 v43, v28;
	s20 =	simm.s32 $0x10030;
	[tilespmem:s31+$0x0] =	vst.add.f32.msk $0xffff, v30  }
0x2f7: {  	s21 =	simm.s32 $0x10040;
	v25 =	vadd.f32 v44, v25;
	[tilespmem:s20+$0x0] =	vst.add.f32.msk $0xffff, v27  }
0x2f8: {  	s22 =	simm.s32 $0x10050;
	v26 =	vadd.f32 v45, v26;
	[tilespmem:s21+$0x0] =	vst.add.f32.msk $0xffff, v28  }
0x2f9: {  	s23 =	simm.s32 $0x10060;
	v23 =	vadd.f32 v46, v23;
	[tilespmem:s22+$0x0] =	vst.add.f32.msk $0xffff, v25  }
0x2fa: {  	s24 =	simm.s32 $0x10070;
	v24 =	vadd.f32 v47, v24;
	[tilespmem:s23+$0x0] =	vst.add.f32.msk $0xffff, v26  }
0x2fb: {  	s25 =	simm.s32 $0x10080;
	v21 =	vadd.f32 v48, v21;
	[tilespmem:s24+$0x0] =	vst.add.f32.msk $0xffff, v23  }
0x2fc: {  	s26 =	simm.s32 $0x10090;
	v22 =	vadd.f32 v49, v22;
	[tilespmem:s25+$0x0] =	vst.add.f32.msk $0xffff, v24  }
0x2fd: {  	s28 =	simm.s32 $0x100A0;
	v19 =	vadd.f32 v50, v19;
	[tilespmem:s26+$0x0] =	vst.add.f32.msk $0xffff, v21  }
0x2fe: {  	s29 =	simm.s32 $0x100B0;
	v20 =	vadd.f32 v51, v20;
	[tilespmem:s28+$0x0] =	vst.add.f32.msk $0xffff, v22  }
0x2ff: {  	v17 =	vadd.f32 v52, v17;
	s30 =	simm.s32 $0x100C0;
	[tilespmem:s29+$0x0] =	vst.add.f32.msk $0xffff, v19  }
0x300: {  	v18 =	vadd.f32 v53, v18;
	s31 =	simm.s32 $0x100D0;
	[tilespmem:s30+$0x0] =	vst.add.f32.msk $0xffff, v20  }
0x301: {  	v15 =	vadd.f32 v54, v15;
	s20 =	simm.s32 $0x100E0;
	[tilespmem:s31+$0x0] =	vst.add.f32.msk $0xffff, v17  }
0x302: {  	v16 =	vadd.f32 v55, v16;
	s21 =	simm.s32 $0x100F0;
	[tilespmem:s20+$0x0] =	vst.add.f32.msk $0xffff, v18  }
0x303: {  	v14 =	vadd.f32 v56, v14;
	s22 =	simm.s32 $0x10100;
	[tilespmem:s21+$0x0] =	vst.add.f32.msk $0xffff, v15  }
0x304: {  	v13 =	vadd.f32 v57, v13;
	s23 =	simm.s32 $0x10110;
	[tilespmem:s22+$0x0] =	vst.add.f32.msk $0xffff, v16  }
0x305: {  	v9 =	vadd.f32 v58, v9;
	s24 =	simm.s32 $0x10120;
	[tilespmem:s23+$0x0] =	vst.add.f32.msk $0xffff, v14  }
0x306: {  	v10 =	vadd.f32 v59, v10;
	s25 =	simm.s32 $0x10130;
	[tilespmem:s24+$0x0] =	vst.add.f32.msk $0xffff, v13  }
0x307: {  	v6 =	vadd.f32 v60, v6;
	s26 =	simm.s32 $0x10140;
	[tilespmem:s25+$0x0] =	vst.add.f32.msk $0xffff, v9  }
0x308: {  	v7 =	vadd.f32 v61, v7;
	s28 =	simm.s32 $0x10150;
	[tilespmem:s26+$0x0] =	vst.add.f32.msk $0xffff, v10  }
0x309: {  	s29 =	simm.s32 $0x10160;
	[tilespmem:s28+$0x0] =	vst.add.f32.msk $0xffff, v6  }
0x30a: {  	v1 =	vadd.f32 v35, v1;
	v3 =	vadd.f32 v62, v3;
	[tilespmem:s29+$0x0] =	vst.add.f32.msk $0xffff, v7  }
0x30b: {  	v8 =	vadd.f32 v63, v8;
	s30 =	simm.s32 $0x10170;
	v7 =	vld [tilespmem:$0x1FE70]  }
0x30c: {  	v1 =	vadd.f32 v37, v1;
	s31 =	simm.s32 $0x10180;
	[tilespmem:s30+$0x0] =	vst.add.f32.msk $0xffff, v3  }
0x30d: {  	s20 =	simm.s32 $0x10190;
	[tilespmem:s31+$0x0] =	vst.add.f32.msk $0xffff, v8  }
0x30e: {  	[tilespmem:s20+$0x0] =	vst.add.f32.msk $0xffff, v1  }
0x30f: {  	v1 =	vld [tilespmem:$0x1FE90];
	_ =	sdelay $0x1  }
0x310: {  	v6 =	vadd.f32 v34, v11;
	_ =	sdelay $0x1  }
0x311: {  	v6 =	vadd.f32 v7, v6;
	v7 =	vld [tilespmem:$0x1FE80]  }
0x312: {  	v1 =	vadd.f32 v1, v2;
	v2 =	vld [tilespmem:$0x1FEA0];
	_ =	sdelay $0x1  }
0x313: {  	v4 =	vadd.f32 v32, v4  }
0x314: {  	v3 =	vadd.f32 v33, v12  }
0x315: {  	s21 =	simm.s32 $0x101A0;
	v4 =	vadd.f32 v7, v4  }
0x316: {  	s22 =	simm.s32 $0x101B0;
	[tilespmem:s21+$0x0] =	vst.add.f32.msk $0xffff, v6;
	v2 =	vadd.f32 v2, v3  }
0x317: {  	s23 =	simm.s32 $0x101C0;
	[tilespmem:s22+$0x0] =	vst.add.f32.msk $0xffff, v4  }
0x318: {  	[tilespmem:s23+$0x0] =	vst.add.f32.msk $0xffff, v2  }
0x319: {  	v2 =	vld [tilespmem:$0x1FEB0]  }
0x31a: {  	v5 =	vadd.f32 v36, v5;
	_ =	sdelay $0x1  }
0x31b: {  	v3 =	vadd.f32 v39, v5  }
0x31c: {  	s19 =	simm.s32 $0x0;
	s24 =	simm.s32 $0x101D0;
	s25 =	simm.s32 $0x0;
	v1 =	vadd.f32 v38, v1  }
0x31d: {  	s26 =	simm.s32 $0x101E0;
	s28 =	sand.u32 $0x380, s19;
	s21 =	sand.u32 $0x7, s19;
	[tilespmem:s24+$0x0] =	vst.add.f32.msk $0xffff, v3;
	v0 =	vadd.f32 v2, v0  }
0x31e: {  	s29 =	simm.s32 $0x101F0;
	s20 =	sand.u32 $0x6000, s25;
	s21 =	sshll.u32 s21, $0x7;
	[tilespmem:s26+$0x0] =	vst.add.f32.msk $0xffff, v1  }
0x31f: {  	s20 =	sor.u32 s28, s20;
	s21 =	sadd.s32 $0x0, s21;
	[tilespmem:s29+$0x0] =	vst.add.f32.msk $0xffff, v0  }
0x320: {  	s30 =	sor.u32 $0x1C70, s21;
	v0 =	vld [tilespmem:s20+$0x1870]  }
0x321: {  	s31 =	sor.u32 $0x1C00, s21;
	v1 =	vld [tilespmem:s30+$0x0]  }
0x322: {  	s24 =	sor.u32 $0x1C10, s21;
	v2 =	vld [tilespmem:s31+$0x0]  }
0x323: {  	s25 =	sor.u32 $0x1C20, s21;
	v3 =	vld [tilespmem:s24+$0x0]  }
0x324: {  	s26 =	sor.u32 $0x1C30, s21;
	v5 =	vld [tilespmem:s25+$0x0]  }
0x325: {  	s28 =	sor.u32 $0x1C40, s21;
	v6 =	vld [tilespmem:s26+$0x0]  }
0x326: {  	s29 =	sor.u32 $0x1C50, s21;
	v10 =	vld [tilespmem:s28+$0x0]  }
0x327: {  	s21 =	sor.u32 $0x1C60, s21;
	v11 =	vld [tilespmem:s29+$0x0]  }
0x328: {  	v12 =	vld [tilespmem:s21+$0x0]  }
0x329: {  	v13 =	vld [tilespmem:s20+$0x1000]  }
0x32a: {  	v14 =	vld [tilespmem:s20+$0x1010]  }
0x32b: {  	v15 =	vld [tilespmem:s20+$0x1020]  }
0x32c: {  	v16 =	vld [tilespmem:s20+$0x1030]  }
0x32d: {  	v17 =	vld [tilespmem:s20+$0x1040]  }
0x32e: {  	v18 =	vld [tilespmem:s20+$0x1050]  }
0x32f: {  	v19 =	vld [tilespmem:s20+$0x1060]  }
0x330: {  	v9 =	vimm.f32 $0.0e+00;
	v20 =	vld [tilespmem:s20+$0x1070]  }
0x331: {  	v21 =	vld [tilespmem:s20+$0x1400];
	v4 =	vadd.f32 v0, v9  }
0x332: {  	v24 =	vld [tilespmem:s20+$0x1410];
	v0 =	vadd.f32 v1, v9;
	v7 =	vadd.f32 v2, v9  }
0x333: {  	v63 =	vld [tilespmem:s20+$0x1420];
	v8 =	vadd.f32 v3, v9;
	v5 =	vadd.f32 v5, v9  }
0x334: {  	v6 =	vadd.f32 v6, v9;
	v2 =	vadd.f32 v10, v9;
	v10 =	vld [tilespmem:s20+$0x1430]  }
0x335: {  	v3 =	vadd.f32 v11, v9;
	v1 =	vadd.f32 v12, v9;
	v11 =	vld [tilespmem:s20+$0x1440]  }
0x336: {  	v31 =	vadd.f32 v13, v9;
	v29 =	vadd.f32 v14, v9;
	v14 =	vld [tilespmem:s20+$0x1450]  }
0x337: {  	v30 =	vadd.f32 v15, v9;
	v27 =	vadd.f32 v16, v9;
	v15 =	vld [tilespmem:s20+$0x1460]  }
0x338: {  	v28 =	vadd.f32 v17, v9;
	v25 =	vadd.f32 v18, v9;
	v16 =	vld [tilespmem:s20+$0x1470]  }
0x339: {  	v26 =	vadd.f32 v19, v9;
	v23 =	vadd.f32 v20, v9  }
0x33a: {  	v35 =	vld [tilespmem:s20+$0x1800];
	v22 =	vadd.f32 v21, v9;
	v19 =	vadd.f32 v24, v9  }
0x33b: {  	v34 =	vld [tilespmem:s20+$0x1810];
	v17 =	vadd.f32 v63, v9;
	v24 =	vimm.f32 $0.0e+00;
	v12 =	vadd.f32 v10, v9  }
0x33c: {  	s22 =	simm.s32 $0x1;
	s23 =	simm.s32 $0x100;
	v32 =	vld [tilespmem:s20+$0x1820];
	v20 =	vimm.f32 $0.0e+00;
	v13 =	vadd.f32 v11, v9;
	v14 =	vadd.f32 v14, v9  }
0x33d: {  	s30 =	simm.s32 $0x80;
	s21 =	simm.s32 $0xFFFF8400;
	s31 =	simm.s32 $0x400;
	v33 =	vld [tilespmem:s20+$0x1830];
	v21 =	vimm.f32 $0.0e+00;
	v18 =	vadd.f32 v15, v9;
	v11 =	vadd.f32 v16, v9  }
0x33e: {  	s26 =	sand.u32 $0x7, s22;
	v36 =	vld [tilespmem:s20+$0x1840];
	s24 =	sand.u32 $0x380, s30;
	s25 =	sand.u32 $0x6000, s31;
	v15 =	vimm.f32 $0.0e+00;
	v16 =	vimm.f32 $0.0e+00;
	v10 =	vimm.f32 $0.0e+00  }
.LBB2_12:
0x33f: {  	p0 =	sne.s32 s23, $0xF80;
	s26 =	sshll.u32 s26, $0x7;
	v9 =	vadd.f32 v35, v9;
	v35 =	vld [tilespmem:s20+$0x1850];
	s19 =	sadd.s32 $0x400, s19  }
0x340: {  	s26 =	sadd.s32 s26, s19;
	v24 =	vadd.f32 v34, v24;
	v34 =	vld [tilespmem:s20+$0x1860];
	s20 =	sor.u32 s24, s25  }
0x341: {  	v37 =	vld [tilespmem:s20+$0x1870];
	s24 =	sor.u32 $0x1C00, s26;
	s25 =	sor.u32 $0x1C10, s26;
	s28 =	sor.u32 $0x1C70, s26;
	v20 =	vadd.f32 v32, v20  }
0x342: {  	s29 =	sor.u32 $0x1C20, s26;
	s30 =	sor.u32 $0x1C30, s26;
	s31 =	sor.u32 $0x1C40, s26;
	v32 =	vld [tilespmem:s28+$0x0];
	v15 =	vadd.f32 v33, v15  }
0x343: {  	v33 =	vld [tilespmem:s24+$0x0];
	s24 =	sor.u32 $0x1C50, s26;
	s26 =	sor.u32 $0x1C60, s26;
	v21 =	vadd.f32 v36, v21  }
0x344: {  	v36 =	vld [tilespmem:s25+$0x0];
	v16 =	vadd.f32 v35, v16  }
0x345: {  	v35 =	vld [tilespmem:s29+$0x0];
	v10 =	vadd.f32 v34, v10  }
0x346: {  	v34 =	vld [tilespmem:s30+$0x0]  }
0x347: {  	v4 =	vadd.f32 v37, v4;
	v37 =	vld [tilespmem:s31+$0x0];
	v0 =	vadd.f32 v32, v0  }
0x348: {  	v7 =	vadd.f32 v33, v7;
	v32 =	vld [tilespmem:s24+$0x0]  }
0x349: {  	v8 =	vadd.f32 v36, v8;
	v33 =	vld [tilespmem:s26+$0x0]  }
0x34a: {  	v36 =	vld [tilespmem:s20+$0x1000];
	v5 =	vadd.f32 v35, v5  }
0x34b: {  	v35 =	vld [tilespmem:s20+$0x1010];
	v6 =	vadd.f32 v34, v6  }
0x34c: {  	v34 =	vld [tilespmem:s20+$0x1020];
	v2 =	vadd.f32 v37, v2  }
0x34d: {  	v37 =	vld [tilespmem:s20+$0x1030];
	v3 =	vadd.f32 v32, v3  }
0x34e: {  	v32 =	vld [tilespmem:s20+$0x1040];
	v1 =	vadd.f32 v33, v1  }
0x34f: {  	v31 =	vadd.f32 v36, v31;
	v33 =	vld [tilespmem:s20+$0x1050]  }
0x350: {  	v29 =	vadd.f32 v35, v29;
	v35 =	vld [tilespmem:s20+$0x1060]  }
0x351: {  	v30 =	vadd.f32 v34, v30;
	v34 =	vld [tilespmem:s20+$0x1070]  }
0x352: {  	v27 =	vadd.f32 v37, v27;
	v36 =	vld [tilespmem:s20+$0x1400]  }
0x353: {  	v28 =	vadd.f32 v32, v28;
	v32 =	vld [tilespmem:s20+$0x1410]  }
0x354: {  	v25 =	vadd.f32 v33, v25;
	v33 =	vld [tilespmem:s20+$0x1420]  }
0x355: {  	v26 =	vadd.f32 v35, v26;
	v35 =	vld [tilespmem:s20+$0x1430]  }
0x356: {  	v23 =	vadd.f32 v34, v23;
	v34 =	vld [tilespmem:s20+$0x1440]  }
0x357: {  	v22 =	vadd.f32 v36, v22;
	v36 =	vld [tilespmem:s20+$0x1450]  }
0x358: {  	v19 =	vadd.f32 v32, v19;
	v37 =	vld [tilespmem:s20+$0x1460]  }
0x359: {  	v17 =	vadd.f32 v33, v17;
	v38 =	vld [tilespmem:s20+$0x1470]  }
.Ltmp5:
0x35a: {  	v12 =	vadd.f32 v35, v12;
	v35 =	vld [tilespmem:s20+$0x1800];
	(pc) =	sbr.rel @p0 .LBB2_12-.Ltmp5, $4  }
0x35b: {  	v13 =	vadd.f32 v34, v13;
	v34 =	vld [tilespmem:s20+$0x1810]  }
0x35c: {  	s21 =	sadd.s32 $0x400, s21;
	v14 =	vadd.f32 v36, v14;
	v32 =	vld [tilespmem:s20+$0x1820]  }
0x35d: {  	s22 =	sadd.s32 $0x1, s22;
	s25 =	sadd.s32 $0x8000, s21;
	s24 =	sand.u32 $0x380, s23;
	v18 =	vadd.f32 v37, v18;
	v33 =	vld [tilespmem:s20+$0x1830]  }
0x35e: {  	s25 =	sand.u32 $0x6000, s25;
	s23 =	sadd.s32 $0x80, s23;
	s26 =	sand.u32 $0x7, s22;
	v11 =	vadd.f32 v38, v11;
	v36 =	vld [tilespmem:s20+$0x1840]  }
0x35f: {  	v43 =	vld [tilespmem:s20+$0x1850]  }
0x360: {  	s24 =	sor.u32 s24, s25;
	v42 =	vld [tilespmem:s20+$0x1860]  }
0x361: {  	v37 =	vld [tilespmem:s24+$0x1870]  }
0x362: {  	v48 =	vld [tilespmem:s24+$0x1000]  }
0x363: {  	v49 =	vld [tilespmem:s24+$0x1010]  }
0x364: {  	v50 =	vld [tilespmem:s24+$0x1020]  }
0x365: {  	v51 =	vld [tilespmem:s24+$0x1030]  }
0x366: {  	v52 =	vld [tilespmem:s24+$0x1040]  }
0x367: {  	v53 =	vld [tilespmem:s24+$0x1050]  }
0x368: {  	v54 =	vld [tilespmem:s24+$0x1060]  }
0x369: {  	v55 =	vld [tilespmem:s24+$0x1070]  }
0x36a: {  	v56 =	vld [tilespmem:s24+$0x1400]  }
0x36b: {  	v57 =	vld [tilespmem:s24+$0x1410]  }
0x36c: {  	v62 =	vld [tilespmem:s24+$0x1460]  }
0x36d: {  	v63 =	vld [tilespmem:s24+$0x1470]  }
0x36e: {  	v38 =	vld [tilespmem:s24+$0x1810]  }
0x36f: {  	s21 =	sshll.u32 s26, $0x7;
	s19 =	sadd.s32 $0x400, s19;
	v39 =	vld [tilespmem:s24+$0x1820]  }
0x370: {  	s19 =	sadd.s32 s21, s19;
	v40 =	vld [tilespmem:s24+$0x1830]  }
0x371: {  	v41 =	vld [tilespmem:s24+$0x1840];
	s25 =	sor.u32 $0x1C70, s19  }
0x372: {  	s22 =	sor.u32 $0x1C00, s19;
	v58 =	vld [tilespmem:s25+$0x0]  }
0x373: {  	s26 =	sor.u32 $0x1C10, s19;
	v47 =	vld [tilespmem:s22+$0x0]  }
0x374: {  	s28 =	sor.u32 $0x1C20, s19;
	v59 =	vld [tilespmem:s26+$0x0]  }
0x375: {  	s29 =	sor.u32 $0x1C30, s19;
	v60 =	vld [tilespmem:s28+$0x0]  }
0x376: {  	s30 =	sor.u32 $0x1C40, s19;
	v44 =	vld [tilespmem:s29+$0x0]  }
0x377: {  	s31 =	sor.u32 $0x1C50, s19;
	v45 =	vld [tilespmem:s30+$0x0]  }
0x378: {  	s19 =	sor.u32 $0x1C60, s19;
	v46 =	vld [tilespmem:s31+$0x0]  }
0x379: {  	v61 =	vld [tilespmem:s19+$0x0]  }
0x37a: {  	[tilespmem:$0x1FE20] =	vst v37;
	v37 =	vld [tilespmem:s24+$0x1800]  }
0x37b: {  	v31 =	vadd.f32 v48, v31;
	v48 =	vld [tilespmem:s24+$0x1850]  }
0x37c: {  	v29 =	vadd.f32 v49, v29;
	v49 =	vld [tilespmem:s24+$0x1860]  }
0x37d: {  	[tilespmem:$0x1FE60] =	vst v58;
	v58 =	vld [tilespmem:s24+$0x1420]  }
0x37e: {  	[tilespmem:$0x1FE30] =	vst v59;
	v59 =	vld [tilespmem:s24+$0x1430]  }
0x37f: {  	[tilespmem:$0x1FE40] =	vst v60;
	v60 =	vld [tilespmem:s24+$0x1440]  }
0x380: {  	s22 =	simm.s32 $0x10200;
	[tilespmem:$0x1FE50] =	vst v61;
	v61 =	vld [tilespmem:s24+$0x1450]  }
0x381: {  	s23 =	simm.s32 $0x10210;
	v30 =	vadd.f32 v50, v30;
	[tilespmem:s22+$0x0] =	vst.add.f32.msk $0xffff, v31  }
0x382: {  	v27 =	vadd.f32 v51, v27;
	s24 =	simm.s32 $0x10220;
	[tilespmem:s23+$0x0] =	vst.add.f32.msk $0xffff, v29  }
0x383: {  	s25 =	simm.s32 $0x10230;
	v28 =	vadd.f32 v52, v28;
	[tilespmem:s24+$0x0] =	vst.add.f32.msk $0xffff, v30  }
0x384: {  	s26 =	simm.s32 $0x10240;
	v25 =	vadd.f32 v53, v25;
	[tilespmem:s25+$0x0] =	vst.add.f32.msk $0xffff, v27  }
0x385: {  	s28 =	simm.s32 $0x10250;
	v26 =	vadd.f32 v54, v26;
	[tilespmem:s26+$0x0] =	vst.add.f32.msk $0xffff, v28  }
0x386: {  	s29 =	simm.s32 $0x10260;
	v23 =	vadd.f32 v55, v23;
	[tilespmem:s28+$0x0] =	vst.add.f32.msk $0xffff, v25  }
0x387: {  	s30 =	simm.s32 $0x10270;
	v22 =	vadd.f32 v56, v22;
	[tilespmem:s29+$0x0] =	vst.add.f32.msk $0xffff, v26  }
0x388: {  	s31 =	simm.s32 $0x10280;
	v19 =	vadd.f32 v57, v19;
	[tilespmem:s30+$0x0] =	vst.add.f32.msk $0xffff, v23  }
0x389: {  	s20 =	simm.s32 $0x10290;
	v17 =	vadd.f32 v58, v17;
	[tilespmem:s31+$0x0] =	vst.add.f32.msk $0xffff, v22  }
0x38a: {  	s21 =	simm.s32 $0x102A0;
	v12 =	vadd.f32 v59, v12;
	[tilespmem:s20+$0x0] =	vst.add.f32.msk $0xffff, v19  }
0x38b: {  	s22 =	simm.s32 $0x102B0;
	v13 =	vadd.f32 v60, v13;
	[tilespmem:s21+$0x0] =	vst.add.f32.msk $0xffff, v17  }
0x38c: {  	s23 =	simm.s32 $0x102C0;
	v14 =	vadd.f32 v61, v14;
	[tilespmem:s22+$0x0] =	vst.add.f32.msk $0xffff, v12  }
0x38d: {  	v9 =	vadd.f32 v35, v9;
	s24 =	simm.s32 $0x102D0;
	v12 =	vadd.f32 v62, v18;
	[tilespmem:s23+$0x0] =	vst.add.f32.msk $0xffff, v13  }
0x38e: {  	v11 =	vadd.f32 v63, v11;
	s25 =	simm.s32 $0x102E0;
	v13 =	vadd.f32 v34, v24;
	[tilespmem:s24+$0x0] =	vst.add.f32.msk $0xffff, v14  }
0x38f: {  	v9 =	vadd.f32 v37, v9;
	s26 =	simm.s32 $0x102F0;
	v14 =	vadd.f32 v32, v20;
	[tilespmem:s25+$0x0] =	vst.add.f32.msk $0xffff, v12  }
0x390: {  	s28 =	simm.s32 $0x10300;
	v12 =	vadd.f32 v33, v15;
	v13 =	vadd.f32 v38, v13;
	[tilespmem:s26+$0x0] =	vst.add.f32.msk $0xffff, v11  }
0x391: {  	v11 =	vadd.f32 v36, v21;
	v14 =	vadd.f32 v39, v14;
	[tilespmem:s28+$0x0] =	vst.add.f32.msk $0xffff, v9  }
0x392: {  	v12 =	vadd.f32 v40, v12;
	[tilespmem:s0+$0x0] =	vst.add.f32.msk $0xffff, v13  }
0x393: {  	v11 =	vadd.f32 v41, v11;
	[tilespmem:s1+$0x0] =	vst.add.f32.msk $0xffff, v14  }
0x394: {  	[tilespmem:s10+$0x0] =	vst.add.f32.msk $0xffff, v12  }
0x395: {  	[tilespmem:s3+$0x0] =	vst.add.f32.msk $0xffff, v11  }
0x396: {  	v9 =	vadd.f32 v43, v16;
	v11 =	vld [tilespmem:$0x1FE20];
	_ =	sdelay $0x1  }
0x397: {  	v10 =	vadd.f32 v42, v10;
	v9 =	vadd.f32 v48, v9;
	_ =	sdelay $0x1  }
0x398: {  	v10 =	vadd.f32 v49, v10;
	[tilespmem:s4+$0x0] =	vst.add.f32.msk $0xffff, v9  }
0x399: {  	v9 =	vld [tilespmem:$0x1FE30];
	v4 =	vadd.f32 v11, v4  }
0x39a: {  	[tilespmem:s5+$0x0] =	vst.add.f32.msk $0xffff, v10  }
0x39b: {  	[tilespmem:s6+$0x0] =	vst.add.f32.msk $0xffff, v4  }
0x39c: {  	v4 =	vld [tilespmem:$0x1FE40];
	_ =	sdelay $0x2  }
0x39d: {  	v7 =	vadd.f32 v47, v7  }
0x39e: {  	v8 =	vadd.f32 v9, v8  }
0x39f: {  	[tilespmem:s7+$0x0] =	vst.add.f32.msk $0xffff, v7;
	v4 =	vadd.f32 v4, v5  }
0x3a0: {  	[tilespmem:s8+$0x0] =	vst.add.f32.msk $0xffff, v8  }
0x3a1: {  	v5 =	vadd.f32 v44, v6;
	[tilespmem:s2+$0x0] =	vst.add.f32.msk $0xffff, v4  }
0x3a2: {  	v2 =	vadd.f32 v45, v2;
	v4 =	vld [tilespmem:$0x1FE50]  }
0x3a3: {  	[tilespmem:s12+$0x0] =	vst.add.f32.msk $0xffff, v5  }
0x3a4: {  	[tilespmem:s13+$0x0] =	vst.add.f32.msk $0xffff, v2  }
0x3a5: {  	v2 =	vld [tilespmem:$0x1FE60];
	_ =	sdelay $0x2  }
0x3a6: {  	v3 =	vadd.f32 v46, v3  }
0x3a7: {  	v1 =	vadd.f32 v4, v1  }
0x3a8: {  	[tilespmem:s14+$0x0] =	vst.add.f32.msk $0xffff, v3;
	v0 =	vadd.f32 v2, v0  }
0x3a9: {  	[tilespmem:s15+$0x0] =	vst.add.f32.msk $0xffff, v1  }
0x3aa: {  	[tilespmem:s16+$0x0] =	vst.add.f32.msk $0xffff, v0  }
0x3ab: {  	s29 =	simm.s32 $0x0;
	_ =	swait.ge [sflag:s17], $0x8000  }
0x3ac: {  	s30 =	sand.u32 $0x6000, s29;
	s19 =	sand.u32 $0x380, s29;
	[sflag:s17] =	ssyncset.done $0x0  }
0x3ad: {  	s19 =	sor.u32 s19, s30;
	[sflag:s17] =	ssyncadd.s32 $0xFFFF8000  }
0x3ae: {  	v0 =	vld [tilespmem:s19+$0x8C70]  }
0x3af: {  	v2 =	vld [tilespmem:s19+$0x8000]  }
0x3b0: {  	v3 =	vld [tilespmem:s19+$0x8010]  }
0x3b1: {  	v4 =	vld [tilespmem:s19+$0x8020]  }
0x3b2: {  	v5 =	vld [tilespmem:s19+$0x8030]  }
0x3b3: {  	v6 =	vld [tilespmem:s19+$0x8040]  }
0x3b4: {  	v7 =	vld [tilespmem:s19+$0x8050]  }
0x3b5: {  	v8 =	vld [tilespmem:s19+$0x8060]  }
0x3b6: {  	v9 =	vld [tilespmem:s19+$0x8070]  }
0x3b7: {  	v10 =	vld [tilespmem:s19+$0x8400]  }
0x3b8: {  	v11 =	vld [tilespmem:s19+$0x8410]  }
0x3b9: {  	v12 =	vld [tilespmem:s19+$0x8420]  }
0x3ba: {  	v13 =	vld [tilespmem:s19+$0x8430]  }
0x3bb: {  	v14 =	vld [tilespmem:s19+$0x8440]  }
0x3bc: {  	v15 =	vld [tilespmem:s19+$0x8450]  }
0x3bd: {  	v16 =	vld [tilespmem:s19+$0x8460]  }
0x3be: {  	v62 =	vld [tilespmem:s19+$0x8470]  }
0x3bf: {  	v1 =	vimm.f32 $0.0e+00;
	v63 =	vld [tilespmem:s19+$0x8800]  }
0x3c0: {  	v0 =	vadd.f32 v0, v1;
	v31 =	vadd.f32 v2, v1;
	v2 =	vld [tilespmem:s19+$0x8810]  }
0x3c1: {  	v29 =	vadd.f32 v3, v1;
	v30 =	vadd.f32 v4, v1;
	v3 =	vld [tilespmem:s19+$0x8820]  }
0x3c2: {  	v27 =	vadd.f32 v5, v1;
	v28 =	vadd.f32 v6, v1;
	v4 =	vld [tilespmem:s19+$0x8830]  }
0x3c3: {  	v25 =	vadd.f32 v7, v1;
	v26 =	vadd.f32 v8, v1;
	v5 =	vld [tilespmem:s19+$0x8840]  }
0x3c4: {  	v23 =	vadd.f32 v9, v1;
	v24 =	vadd.f32 v10, v1;
	v6 =	vld [tilespmem:s19+$0x8850]  }
0x3c5: {  	v21 =	vadd.f32 v11, v1;
	v22 =	vadd.f32 v12, v1;
	v7 =	vld [tilespmem:s19+$0x8860]  }
0x3c6: {  	v19 =	vadd.f32 v13, v1;
	v20 =	vadd.f32 v14, v1;
	v8 =	vld [tilespmem:s19+$0x8870]  }
0x3c7: {  	v17 =	vadd.f32 v15, v1;
	v18 =	vadd.f32 v16, v1;
	v11 =	vld [tilespmem:s19+$0x8C00]  }
0x3c8: {  	v15 =	vadd.f32 v62, v1;
	v16 =	vadd.f32 v63, v1  }
0x3c9: {  	v35 =	vld [tilespmem:s19+$0x8C10];
	v14 =	vadd.f32 v2, v1;
	v13 =	vadd.f32 v3, v1  }
0x3ca: {  	v34 =	vld [tilespmem:s19+$0x8C20];
	v9 =	vadd.f32 v4, v1;
	v10 =	vadd.f32 v5, v1  }
0x3cb: {  	v32 =	vld [tilespmem:s19+$0x8C30];
	v12 =	vimm.f32 $0.0e+00;
	v6 =	vadd.f32 v6, v1;
	v7 =	vadd.f32 v7, v1  }
0x3cc: {  	s31 =	simm.s32 $0x400;
	s20 =	simm.s32 $0x80;
	v33 =	vld [tilespmem:s19+$0x8C40];
	v3 =	vadd.f32 v8, v1;
	v8 =	vadd.f32 v11, v1;
	v11 =	vimm.f32 $0.0e+00  }
0x3cd: {  	s21 =	simm.s32 $0x800;
	s22 =	sand.u32 $0x6000, s31;
	s23 =	sand.u32 $0x380, s20;
	v36 =	vld [tilespmem:s19+$0x8C50];
	v4 =	vimm.f32 $0.0e+00;
	v5 =	vimm.f32 $0.0e+00;
	v2 =	vimm.f32 $0.0e+00  }
.LBB2_14:
0x3ce: {  	p0 =	sne.s32 s21, $0x7C00;
	v1 =	vadd.f32 v35, v1;
	v35 =	vld [tilespmem:s19+$0x8C60];
	s19 =	sor.u32 s23, s22  }
0x3cf: {  	v37 =	vld [tilespmem:s19+$0x8C70];
	v11 =	vadd.f32 v34, v11  }
0x3d0: {  	v34 =	vld [tilespmem:s19+$0x8000];
	v4 =	vadd.f32 v32, v4  }
0x3d1: {  	v32 =	vld [tilespmem:s19+$0x8010];
	v12 =	vadd.f32 v33, v12  }
0x3d2: {  	v33 =	vld [tilespmem:s19+$0x8020];
	v5 =	vadd.f32 v36, v5  }
0x3d3: {  	v36 =	vld [tilespmem:s19+$0x8030];
	v2 =	vadd.f32 v35, v2  }
0x3d4: {  	v35 =	vld [tilespmem:s19+$0x8040];
	v0 =	vadd.f32 v37, v0  }
0x3d5: {  	v31 =	vadd.f32 v34, v31;
	v34 =	vld [tilespmem:s19+$0x8050]  }
0x3d6: {  	v29 =	vadd.f32 v32, v29;
	v32 =	vld [tilespmem:s19+$0x8060]  }
0x3d7: {  	v30 =	vadd.f32 v33, v30;
	v33 =	vld [tilespmem:s19+$0x8070]  }
0x3d8: {  	v27 =	vadd.f32 v36, v27;
	v36 =	vld [tilespmem:s19+$0x8400]  }
0x3d9: {  	v28 =	vadd.f32 v35, v28;
	v35 =	vld [tilespmem:s19+$0x8410]  }
0x3da: {  	v25 =	vadd.f32 v34, v25;
	v34 =	vld [tilespmem:s19+$0x8420]  }
0x3db: {  	v26 =	vadd.f32 v32, v26;
	v32 =	vld [tilespmem:s19+$0x8430]  }
0x3dc: {  	v23 =	vadd.f32 v33, v23;
	v33 =	vld [tilespmem:s19+$0x8440]  }
0x3dd: {  	v24 =	vadd.f32 v36, v24;
	v36 =	vld [tilespmem:s19+$0x8450]  }
0x3de: {  	v21 =	vadd.f32 v35, v21;
	v35 =	vld [tilespmem:s19+$0x8460]  }
0x3df: {  	v22 =	vadd.f32 v34, v22;
	v34 =	vld [tilespmem:s19+$0x8470]  }
0x3e0: {  	v19 =	vadd.f32 v32, v19;
	v32 =	vld [tilespmem:s19+$0x8800]  }
0x3e1: {  	v20 =	vadd.f32 v33, v20;
	v33 =	vld [tilespmem:s19+$0x8810]  }
0x3e2: {  	v17 =	vadd.f32 v36, v17;
	v36 =	vld [tilespmem:s19+$0x8820]  }
0x3e3: {  	v18 =	vadd.f32 v35, v18;
	v35 =	vld [tilespmem:s19+$0x8830]  }
0x3e4: {  	v15 =	vadd.f32 v34, v15;
	v34 =	vld [tilespmem:s19+$0x8840]  }
0x3e5: {  	v16 =	vadd.f32 v32, v16;
	v32 =	vld [tilespmem:s19+$0x8850]  }
0x3e6: {  	v14 =	vadd.f32 v33, v14;
	v33 =	vld [tilespmem:s19+$0x8860]  }
0x3e7: {  	v13 =	vadd.f32 v36, v13;
	v36 =	vld [tilespmem:s19+$0x8870]  }
0x3e8: {  	v9 =	vadd.f32 v35, v9;
	v37 =	vld [tilespmem:s19+$0x8C00]  }
.Ltmp6:
0x3e9: {  	v10 =	vadd.f32 v34, v10;
	v35 =	vld [tilespmem:s19+$0x8C10];
	(pc) =	sbr.rel @p0 .LBB2_14-.Ltmp6, $4  }
0x3ea: {  	v6 =	vadd.f32 v32, v6;
	v34 =	vld [tilespmem:s19+$0x8C20]  }
0x3eb: {  	v7 =	vadd.f32 v33, v7;
	v32 =	vld [tilespmem:s19+$0x8C30]  }
0x3ec: {  	s20 =	sadd.s32 $0x80, s20;
	v3 =	vadd.f32 v36, v3;
	v33 =	vld [tilespmem:s19+$0x8C40]  }
0x3ed: {  	s22 =	sand.u32 $0x6000, s21;
	s21 =	sadd.s32 $0x400, s21;
	s23 =	sand.u32 $0x380, s20;
	v8 =	vadd.f32 v37, v8;
	v36 =	vld [tilespmem:s19+$0x8C50]  }
0x3ee: {  	s20 =	sor.u32 s23, s22;
	v37 =	vld [tilespmem:s19+$0x8C60]  }
0x3ef: {  	v63 =	vld [tilespmem:s20+$0x8C70]  }
0x3f0: {  	v39 =	vld [tilespmem:s20+$0x8000]  }
0x3f1: {  	v40 =	vld [tilespmem:s20+$0x8010]  }
0x3f2: {  	v41 =	vld [tilespmem:s20+$0x8020]  }
0x3f3: {  	v42 =	vld [tilespmem:s20+$0x8030]  }
0x3f4: {  	v43 =	vld [tilespmem:s20+$0x8040]  }
0x3f5: {  	v44 =	vld [tilespmem:s20+$0x8050]  }
0x3f6: {  	v45 =	vld [tilespmem:s20+$0x8060]  }
0x3f7: {  	v46 =	vld [tilespmem:s20+$0x8070]  }
0x3f8: {  	v47 =	vld [tilespmem:s20+$0x8400]  }
0x3f9: {  	v48 =	vld [tilespmem:s20+$0x8410]  }
0x3fa: {  	v49 =	vld [tilespmem:s20+$0x8420]  }
0x3fb: {  	v50 =	vld [tilespmem:s20+$0x8430]  }
0x3fc: {  	v51 =	vld [tilespmem:s20+$0x8440]  }
0x3fd: {  	v52 =	vld [tilespmem:s20+$0x8450]  }
0x3fe: {  	v53 =	vld [tilespmem:s20+$0x8460]  }
0x3ff: {  	v38 =	vld [tilespmem:s20+$0x8C20]  }
0x400: {  	v54 =	vld [tilespmem:s20+$0x8470]  }
0x401: {  	v55 =	vld [tilespmem:s20+$0x8800]  }
0x402: {  	v56 =	vld [tilespmem:s20+$0x8810]  }
0x403: {  	v57 =	vld [tilespmem:s20+$0x8820]  }
0x404: {  	[tilespmem:$0x1FDD0] =	vst v38;
	v38 =	vld [tilespmem:s20+$0x8C30]  }
0x405: {  	v58 =	vld [tilespmem:s20+$0x8830]  }
0x406: {  	v59 =	vld [tilespmem:s20+$0x8840]  }
0x407: {  	v60 =	vld [tilespmem:s20+$0x8850]  }
0x408: {  	v61 =	vld [tilespmem:s20+$0x8860]  }
0x409: {  	[tilespmem:$0x1FDE0] =	vst v38;
	v38 =	vld [tilespmem:s20+$0x8C40]  }
0x40a: {  	v62 =	vld [tilespmem:s20+$0x8870]  }
0x40b: {  	[tilespmem:$0x1FDF0] =	vst v37;
	v37 =	vld [tilespmem:s20+$0x8C10]  }
0x40c: {  	[tilespmem:$0x1FE10] =	vst v63;
	v63 =	vld [tilespmem:s20+$0x8C00]  }
0x40d: {  	v31 =	vadd.f32 v39, v31;
	v39 =	vld [tilespmem:s20+$0x8C50]  }
0x40e: {  	v29 =	vadd.f32 v40, v29;
	[tilespmem:$0x1FE00] =	vst v38;
	v38 =	vld [tilespmem:s20+$0x8C60]  }
0x40f: {  	s30 =	simm.s32 $0x10010;
	v30 =	vadd.f32 v41, v30;
	[tilespmem:s11+$0x0] =	vst.add.f32.msk $0xffff, v31  }
0x410: {  	s31 =	simm.s32 $0x10020;
	v27 =	vadd.f32 v42, v27;
	[tilespmem:s30+$0x0] =	vst.add.f32.msk $0xffff, v29  }
0x411: {  	v28 =	vadd.f32 v43, v28;
	s20 =	simm.s32 $0x10030;
	[tilespmem:s31+$0x0] =	vst.add.f32.msk $0xffff, v30  }
0x412: {  	s21 =	simm.s32 $0x10040;
	v25 =	vadd.f32 v44, v25;
	[tilespmem:s20+$0x0] =	vst.add.f32.msk $0xffff, v27  }
0x413: {  	s22 =	simm.s32 $0x10050;
	v26 =	vadd.f32 v45, v26;
	[tilespmem:s21+$0x0] =	vst.add.f32.msk $0xffff, v28  }
0x414: {  	s23 =	simm.s32 $0x10060;
	v23 =	vadd.f32 v46, v23;
	[tilespmem:s22+$0x0] =	vst.add.f32.msk $0xffff, v25  }
0x415: {  	s24 =	simm.s32 $0x10070;
	v24 =	vadd.f32 v47, v24;
	[tilespmem:s23+$0x0] =	vst.add.f32.msk $0xffff, v26  }
0x416: {  	s25 =	simm.s32 $0x10080;
	v21 =	vadd.f32 v48, v21;
	[tilespmem:s24+$0x0] =	vst.add.f32.msk $0xffff, v23  }
0x417: {  	s26 =	simm.s32 $0x10090;
	v22 =	vadd.f32 v49, v22;
	[tilespmem:s25+$0x0] =	vst.add.f32.msk $0xffff, v24  }
0x418: {  	s28 =	simm.s32 $0x100A0;
	v19 =	vadd.f32 v50, v19;
	[tilespmem:s26+$0x0] =	vst.add.f32.msk $0xffff, v21  }
0x419: {  	s29 =	simm.s32 $0x100B0;
	v20 =	vadd.f32 v51, v20;
	[tilespmem:s28+$0x0] =	vst.add.f32.msk $0xffff, v22  }
0x41a: {  	v17 =	vadd.f32 v52, v17;
	s30 =	simm.s32 $0x100C0;
	[tilespmem:s29+$0x0] =	vst.add.f32.msk $0xffff, v19  }
0x41b: {  	v18 =	vadd.f32 v53, v18;
	s31 =	simm.s32 $0x100D0;
	[tilespmem:s30+$0x0] =	vst.add.f32.msk $0xffff, v20  }
0x41c: {  	v15 =	vadd.f32 v54, v15;
	s20 =	simm.s32 $0x100E0;
	[tilespmem:s31+$0x0] =	vst.add.f32.msk $0xffff, v17  }
0x41d: {  	v16 =	vadd.f32 v55, v16;
	s21 =	simm.s32 $0x100F0;
	[tilespmem:s20+$0x0] =	vst.add.f32.msk $0xffff, v18  }
0x41e: {  	v14 =	vadd.f32 v56, v14;
	s22 =	simm.s32 $0x10100;
	[tilespmem:s21+$0x0] =	vst.add.f32.msk $0xffff, v15  }
0x41f: {  	v13 =	vadd.f32 v57, v13;
	s23 =	simm.s32 $0x10110;
	[tilespmem:s22+$0x0] =	vst.add.f32.msk $0xffff, v16  }
0x420: {  	v9 =	vadd.f32 v58, v9;
	s24 =	simm.s32 $0x10120;
	[tilespmem:s23+$0x0] =	vst.add.f32.msk $0xffff, v14  }
0x421: {  	v10 =	vadd.f32 v59, v10;
	s25 =	simm.s32 $0x10130;
	[tilespmem:s24+$0x0] =	vst.add.f32.msk $0xffff, v13  }
0x422: {  	v6 =	vadd.f32 v60, v6;
	s26 =	simm.s32 $0x10140;
	[tilespmem:s25+$0x0] =	vst.add.f32.msk $0xffff, v9  }
0x423: {  	v7 =	vadd.f32 v61, v7;
	s28 =	simm.s32 $0x10150;
	[tilespmem:s26+$0x0] =	vst.add.f32.msk $0xffff, v10  }
0x424: {  	s29 =	simm.s32 $0x10160;
	[tilespmem:s28+$0x0] =	vst.add.f32.msk $0xffff, v6  }
0x425: {  	v1 =	vadd.f32 v35, v1;
	v3 =	vadd.f32 v62, v3;
	[tilespmem:s29+$0x0] =	vst.add.f32.msk $0xffff, v7  }
0x426: {  	v8 =	vadd.f32 v63, v8;
	s30 =	simm.s32 $0x10170;
	v7 =	vld [tilespmem:$0x1FDD0]  }
0x427: {  	v1 =	vadd.f32 v37, v1;
	s31 =	simm.s32 $0x10180;
	[tilespmem:s30+$0x0] =	vst.add.f32.msk $0xffff, v3  }
0x428: {  	s20 =	simm.s32 $0x10190;
	[tilespmem:s31+$0x0] =	vst.add.f32.msk $0xffff, v8  }
0x429: {  	[tilespmem:s20+$0x0] =	vst.add.f32.msk $0xffff, v1  }
0x42a: {  	v1 =	vld [tilespmem:$0x1FDF0];
	_ =	sdelay $0x1  }
0x42b: {  	v6 =	vadd.f32 v34, v11;
	_ =	sdelay $0x1  }
0x42c: {  	v6 =	vadd.f32 v7, v6;
	v7 =	vld [tilespmem:$0x1FDE0]  }
0x42d: {  	v1 =	vadd.f32 v1, v2;
	v2 =	vld [tilespmem:$0x1FE00];
	_ =	sdelay $0x1  }
0x42e: {  	v4 =	vadd.f32 v32, v4  }
0x42f: {  	v3 =	vadd.f32 v33, v12  }
0x430: {  	s21 =	simm.s32 $0x101A0;
	v4 =	vadd.f32 v7, v4  }
0x431: {  	s22 =	simm.s32 $0x101B0;
	[tilespmem:s21+$0x0] =	vst.add.f32.msk $0xffff, v6;
	v2 =	vadd.f32 v2, v3  }
0x432: {  	s23 =	simm.s32 $0x101C0;
	[tilespmem:s22+$0x0] =	vst.add.f32.msk $0xffff, v4  }
0x433: {  	[tilespmem:s23+$0x0] =	vst.add.f32.msk $0xffff, v2  }
0x434: {  	v2 =	vld [tilespmem:$0x1FE10]  }
0x435: {  	v5 =	vadd.f32 v36, v5;
	_ =	sdelay $0x1  }
0x436: {  	v3 =	vadd.f32 v39, v5  }
0x437: {  	s19 =	simm.s32 $0x0;
	s24 =	simm.s32 $0x101D0;
	s25 =	simm.s32 $0x0;
	v1 =	vadd.f32 v38, v1  }
0x438: {  	s26 =	simm.s32 $0x101E0;
	s28 =	sand.u32 $0x380, s19;
	s21 =	sand.u32 $0x7, s19;
	[tilespmem:s24+$0x0] =	vst.add.f32.msk $0xffff, v3;
	v0 =	vadd.f32 v2, v0  }
0x439: {  	s29 =	simm.s32 $0x101F0;
	s20 =	sand.u32 $0x6000, s25;
	s21 =	sshll.u32 s21, $0x7;
	[tilespmem:s26+$0x0] =	vst.add.f32.msk $0xffff, v1  }
0x43a: {  	s20 =	sor.u32 s28, s20;
	s21 =	sadd.s32 $0x0, s21;
	[tilespmem:s29+$0x0] =	vst.add.f32.msk $0xffff, v0  }
0x43b: {  	s30 =	sor.u32 $0x1C70, s21;
	v0 =	vld [tilespmem:s20+$0x9870]  }
0x43c: {  	s31 =	sor.u32 $0x1C00, s21;
	v1 =	vld [tilespmem:s30+$0x8000]  }
0x43d: {  	s24 =	sor.u32 $0x1C10, s21;
	v2 =	vld [tilespmem:s31+$0x8000]  }
0x43e: {  	s25 =	sor.u32 $0x1C20, s21;
	v3 =	vld [tilespmem:s24+$0x8000]  }
0x43f: {  	s26 =	sor.u32 $0x1C30, s21;
	v5 =	vld [tilespmem:s25+$0x8000]  }
0x440: {  	s28 =	sor.u32 $0x1C40, s21;
	v6 =	vld [tilespmem:s26+$0x8000]  }
0x441: {  	s29 =	sor.u32 $0x1C50, s21;
	v10 =	vld [tilespmem:s28+$0x8000]  }
0x442: {  	s21 =	sor.u32 $0x1C60, s21;
	v11 =	vld [tilespmem:s29+$0x8000]  }
0x443: {  	v12 =	vld [tilespmem:s21+$0x8000]  }
0x444: {  	v13 =	vld [tilespmem:s20+$0x9000]  }
0x445: {  	v14 =	vld [tilespmem:s20+$0x9010]  }
0x446: {  	v15 =	vld [tilespmem:s20+$0x9020]  }
0x447: {  	v16 =	vld [tilespmem:s20+$0x9030]  }
0x448: {  	v17 =	vld [tilespmem:s20+$0x9040]  }
0x449: {  	v18 =	vld [tilespmem:s20+$0x9050]  }
0x44a: {  	v19 =	vld [tilespmem:s20+$0x9060]  }
0x44b: {  	v9 =	vimm.f32 $0.0e+00;
	v20 =	vld [tilespmem:s20+$0x9070]  }
0x44c: {  	v21 =	vld [tilespmem:s20+$0x9400];
	v4 =	vadd.f32 v0, v9  }
0x44d: {  	v24 =	vld [tilespmem:s20+$0x9410];
	v0 =	vadd.f32 v1, v9;
	v7 =	vadd.f32 v2, v9  }
0x44e: {  	v63 =	vld [tilespmem:s20+$0x9420];
	v8 =	vadd.f32 v3, v9;
	v5 =	vadd.f32 v5, v9  }
0x44f: {  	v6 =	vadd.f32 v6, v9;
	v2 =	vadd.f32 v10, v9;
	v10 =	vld [tilespmem:s20+$0x9430]  }
0x450: {  	v3 =	vadd.f32 v11, v9;
	v1 =	vadd.f32 v12, v9;
	v11 =	vld [tilespmem:s20+$0x9440]  }
0x451: {  	v31 =	vadd.f32 v13, v9;
	v29 =	vadd.f32 v14, v9;
	v14 =	vld [tilespmem:s20+$0x9450]  }
0x452: {  	v30 =	vadd.f32 v15, v9;
	v27 =	vadd.f32 v16, v9;
	v15 =	vld [tilespmem:s20+$0x9460]  }
0x453: {  	v28 =	vadd.f32 v17, v9;
	v25 =	vadd.f32 v18, v9;
	v16 =	vld [tilespmem:s20+$0x9470]  }
0x454: {  	v26 =	vadd.f32 v19, v9;
	v23 =	vadd.f32 v20, v9  }
0x455: {  	v35 =	vld [tilespmem:s20+$0x9800];
	v22 =	vadd.f32 v21, v9;
	v19 =	vadd.f32 v24, v9  }
0x456: {  	v34 =	vld [tilespmem:s20+$0x9810];
	v17 =	vadd.f32 v63, v9;
	v24 =	vimm.f32 $0.0e+00;
	v12 =	vadd.f32 v10, v9  }
0x457: {  	s22 =	simm.s32 $0x1;
	s23 =	simm.s32 $0x100;
	v32 =	vld [tilespmem:s20+$0x9820];
	v20 =	vimm.f32 $0.0e+00;
	v13 =	vadd.f32 v11, v9;
	v14 =	vadd.f32 v14, v9  }
0x458: {  	s30 =	simm.s32 $0x80;
	s21 =	simm.s32 $0xFFFF8400;
	s31 =	simm.s32 $0x400;
	v33 =	vld [tilespmem:s20+$0x9830];
	v21 =	vimm.f32 $0.0e+00;
	v18 =	vadd.f32 v15, v9;
	v11 =	vadd.f32 v16, v9  }
0x459: {  	s26 =	sand.u32 $0x7, s22;
	v36 =	vld [tilespmem:s20+$0x9840];
	s24 =	sand.u32 $0x380, s30;
	s25 =	sand.u32 $0x6000, s31;
	v15 =	vimm.f32 $0.0e+00;
	v16 =	vimm.f32 $0.0e+00;
	v10 =	vimm.f32 $0.0e+00  }
.LBB2_16:
0x45a: {  	p0 =	sne.s32 s23, $0xF80;
	s26 =	sshll.u32 s26, $0x7;
	v9 =	vadd.f32 v35, v9;
	v35 =	vld [tilespmem:s20+$0x9850];
	s19 =	sadd.s32 $0x400, s19  }
0x45b: {  	s26 =	sadd.s32 s26, s19;
	v24 =	vadd.f32 v34, v24;
	v34 =	vld [tilespmem:s20+$0x9860];
	s20 =	sor.u32 s24, s25  }
0x45c: {  	v37 =	vld [tilespmem:s20+$0x9870];
	s24 =	sor.u32 $0x1C00, s26;
	s25 =	sor.u32 $0x1C10, s26;
	s28 =	sor.u32 $0x1C70, s26;
	v20 =	vadd.f32 v32, v20  }
0x45d: {  	s29 =	sor.u32 $0x1C20, s26;
	s30 =	sor.u32 $0x1C30, s26;
	s31 =	sor.u32 $0x1C40, s26;
	v32 =	vld [tilespmem:s28+$0x8000];
	v15 =	vadd.f32 v33, v15  }
0x45e: {  	v33 =	vld [tilespmem:s24+$0x8000];
	s24 =	sor.u32 $0x1C50, s26;
	s26 =	sor.u32 $0x1C60, s26;
	v21 =	vadd.f32 v36, v21  }
0x45f: {  	v36 =	vld [tilespmem:s25+$0x8000];
	v16 =	vadd.f32 v35, v16  }
0x460: {  	v35 =	vld [tilespmem:s29+$0x8000];
	v10 =	vadd.f32 v34, v10  }
0x461: {  	v34 =	vld [tilespmem:s30+$0x8000]  }
0x462: {  	v4 =	vadd.f32 v37, v4;
	v37 =	vld [tilespmem:s31+$0x8000];
	v0 =	vadd.f32 v32, v0  }
0x463: {  	v7 =	vadd.f32 v33, v7;
	v32 =	vld [tilespmem:s24+$0x8000]  }
0x464: {  	v8 =	vadd.f32 v36, v8;
	v33 =	vld [tilespmem:s26+$0x8000]  }
0x465: {  	v36 =	vld [tilespmem:s20+$0x9000];
	v5 =	vadd.f32 v35, v5  }
0x466: {  	v35 =	vld [tilespmem:s20+$0x9010];
	v6 =	vadd.f32 v34, v6  }
0x467: {  	v34 =	vld [tilespmem:s20+$0x9020];
	v2 =	vadd.f32 v37, v2  }
0x468: {  	v37 =	vld [tilespmem:s20+$0x9030];
	v3 =	vadd.f32 v32, v3  }
0x469: {  	v32 =	vld [tilespmem:s20+$0x9040];
	v1 =	vadd.f32 v33, v1  }
0x46a: {  	v31 =	vadd.f32 v36, v31;
	v33 =	vld [tilespmem:s20+$0x9050]  }
0x46b: {  	v29 =	vadd.f32 v35, v29;
	v35 =	vld [tilespmem:s20+$0x9060]  }
0x46c: {  	v30 =	vadd.f32 v34, v30;
	v34 =	vld [tilespmem:s20+$0x9070]  }
0x46d: {  	v27 =	vadd.f32 v37, v27;
	v36 =	vld [tilespmem:s20+$0x9400]  }
0x46e: {  	v28 =	vadd.f32 v32, v28;
	v32 =	vld [tilespmem:s20+$0x9410]  }
0x46f: {  	v25 =	vadd.f32 v33, v25;
	v33 =	vld [tilespmem:s20+$0x9420]  }
0x470: {  	v26 =	vadd.f32 v35, v26;
	v35 =	vld [tilespmem:s20+$0x9430]  }
0x471: {  	v23 =	vadd.f32 v34, v23;
	v34 =	vld [tilespmem:s20+$0x9440]  }
0x472: {  	v22 =	vadd.f32 v36, v22;
	v36 =	vld [tilespmem:s20+$0x9450]  }
0x473: {  	v19 =	vadd.f32 v32, v19;
	v37 =	vld [tilespmem:s20+$0x9460]  }
0x474: {  	v17 =	vadd.f32 v33, v17;
	v38 =	vld [tilespmem:s20+$0x9470]  }
.Ltmp7:
0x475: {  	v12 =	vadd.f32 v35, v12;
	v35 =	vld [tilespmem:s20+$0x9800];
	(pc) =	sbr.rel @p0 .LBB2_16-.Ltmp7, $4  }
0x476: {  	v13 =	vadd.f32 v34, v13;
	v34 =	vld [tilespmem:s20+$0x9810]  }
0x477: {  	s21 =	sadd.s32 $0x400, s21;
	v14 =	vadd.f32 v36, v14;
	v32 =	vld [tilespmem:s20+$0x9820]  }
0x478: {  	s22 =	sadd.s32 $0x1, s22;
	s25 =	sadd.s32 $0x8000, s21;
	s24 =	sand.u32 $0x380, s23;
	v18 =	vadd.f32 v37, v18;
	v33 =	vld [tilespmem:s20+$0x9830]  }
0x479: {  	s25 =	sand.u32 $0x6000, s25;
	s23 =	sadd.s32 $0x80, s23;
	s26 =	sand.u32 $0x7, s22;
	v11 =	vadd.f32 v38, v11;
	v36 =	vld [tilespmem:s20+$0x9840]  }
0x47a: {  	v42 =	vld [tilespmem:s20+$0x9850]  }
0x47b: {  	v43 =	vld [tilespmem:s20+$0x9860];
	s31 =	sor.u32 s24, s25  }
0x47c: {  	v47 =	vld [tilespmem:s31+$0x9870]  }
0x47d: {  	v48 =	vld [tilespmem:s31+$0x9000]  }
0x47e: {  	v53 =	vld [tilespmem:s31+$0x9050]  }
0x47f: {  	v54 =	vld [tilespmem:s31+$0x9060]  }
0x480: {  	v55 =	vld [tilespmem:s31+$0x9070]  }
0x481: {  	v56 =	vld [tilespmem:s31+$0x9400]  }
0x482: {  	v57 =	vld [tilespmem:s31+$0x9410]  }
0x483: {  	v58 =	vld [tilespmem:s31+$0x9420]  }
0x484: {  	v59 =	vld [tilespmem:s31+$0x9430]  }
0x485: {  	v60 =	vld [tilespmem:s31+$0x9440]  }
0x486: {  	v61 =	vld [tilespmem:s31+$0x9450]  }
0x487: {  	v62 =	vld [tilespmem:s31+$0x9460]  }
0x488: {  	v63 =	vld [tilespmem:s31+$0x9470]  }
0x489: {  	v38 =	vld [tilespmem:s31+$0x9810]  }
0x48a: {  	s21 =	sshll.u32 s26, $0x7;
	s19 =	sadd.s32 $0x400, s19;
	v39 =	vld [tilespmem:s31+$0x9820]  }
0x48b: {  	s19 =	sadd.s32 s21, s19;
	v40 =	vld [tilespmem:s31+$0x9830]  }
0x48c: {  	v41 =	vld [tilespmem:s31+$0x9840];
	s21 =	sor.u32 $0x1C70, s19  }
0x48d: {  	s22 =	sor.u32 $0x1C00, s19;
	v37 =	vld [tilespmem:s21+$0x8000]  }
0x48e: {  	s23 =	sor.u32 $0x1C10, s19;
	v49 =	vld [tilespmem:s22+$0x8000]  }
0x48f: {  	s26 =	sor.u32 $0x1C20, s19;
	v50 =	vld [tilespmem:s23+$0x8000]  }
0x490: {  	s28 =	sor.u32 $0x1C30, s19;
	v51 =	vld [tilespmem:s26+$0x8000]  }
0x491: {  	s29 =	sor.u32 $0x1C40, s19;
	v52 =	vld [tilespmem:s28+$0x8000]  }
0x492: {  	s30 =	sor.u32 $0x1C50, s19;
	v44 =	vld [tilespmem:s29+$0x8000]  }
0x493: {  	s19 =	sor.u32 $0x1C60, s19;
	v45 =	vld [tilespmem:s30+$0x8000]  }
0x494: {  	v46 =	vld [tilespmem:s19+$0x8000]  }
0x495: {  	v31 =	vadd.f32 v48, v31;
	v48 =	vld [tilespmem:s31+$0x9850]  }
0x496: {  	[tilespmem:$0x1FD80] =	vst v49;
	v49 =	vld [tilespmem:s31+$0x9010]  }
0x497: {  	[tilespmem:$0x1FD90] =	vst v50;
	v50 =	vld [tilespmem:s31+$0x9020]  }
0x498: {  	[tilespmem:$0x1FDA0] =	vst v51;
	v51 =	vld [tilespmem:s31+$0x9030]  }
0x499: {  	[tilespmem:$0x1FDB0] =	vst v52;
	v52 =	vld [tilespmem:s31+$0x9040]  }
0x49a: {  	[tilespmem:$0x1FDC0] =	vst v37;
	v37 =	vld [tilespmem:s31+$0x9800]  }
0x49b: {  	v12 =	vadd.f32 v59, v12;
	v59 =	vld [tilespmem:$0x1FD80]  }
0x49c: {  	v13 =	vadd.f32 v60, v13;
	v60 =	vld [tilespmem:$0x1FD90]  }
0x49d: {  	v14 =	vadd.f32 v61, v14;
	v61 =	vld [tilespmem:$0x1FDA0]  }
0x49e: {  	v25 =	vadd.f32 v53, v25;
	v53 =	vadd.f32 v62, v18;
	v62 =	vld [tilespmem:$0x1FDB0]  }
0x49f: {  	v11 =	vadd.f32 v63, v11;
	v63 =	vld [tilespmem:$0x1FDC0]  }
0x4a0: {  	s20 =	simm.s32 $0x10200;
	v29 =	vadd.f32 v49, v29;
	v49 =	vld [tilespmem:s31+$0x9860]  }
0x4a1: {  	s21 =	simm.s32 $0x10210;
	v30 =	vadd.f32 v50, v30;
	[tilespmem:s20+$0x0] =	vst.add.f32.msk $0xffff, v31  }
0x4a2: {  	s22 =	simm.s32 $0x10220;
	v27 =	vadd.f32 v51, v27;
	[tilespmem:s21+$0x0] =	vst.add.f32.msk $0xffff, v29  }
0x4a3: {  	s23 =	simm.s32 $0x10230;
	v28 =	vadd.f32 v52, v28;
	[tilespmem:s22+$0x0] =	vst.add.f32.msk $0xffff, v30  }
0x4a4: {  	s24 =	simm.s32 $0x10240;
	[tilespmem:s23+$0x0] =	vst.add.f32.msk $0xffff, v27  }
0x4a5: {  	s25 =	simm.s32 $0x10250;
	v26 =	vadd.f32 v54, v26;
	[tilespmem:s24+$0x0] =	vst.add.f32.msk $0xffff, v28  }
0x4a6: {  	s26 =	simm.s32 $0x10260;
	v23 =	vadd.f32 v55, v23;
	[tilespmem:s25+$0x0] =	vst.add.f32.msk $0xffff, v25  }
0x4a7: {  	s28 =	simm.s32 $0x10270;
	v22 =	vadd.f32 v56, v22;
	[tilespmem:s26+$0x0] =	vst.add.f32.msk $0xffff, v26  }
0x4a8: {  	s29 =	simm.s32 $0x10280;
	v19 =	vadd.f32 v57, v19;
	[tilespmem:s28+$0x0] =	vst.add.f32.msk $0xffff, v23  }
0x4a9: {  	s30 =	simm.s32 $0x10290;
	v17 =	vadd.f32 v58, v17;
	[tilespmem:s29+$0x0] =	vst.add.f32.msk $0xffff, v22  }
0x4aa: {  	s31 =	simm.s32 $0x102A0;
	[tilespmem:s30+$0x0] =	vst.add.f32.msk $0xffff, v19  }
0x4ab: {  	s20 =	simm.s32 $0x102B0;
	[tilespmem:s31+$0x0] =	vst.add.f32.msk $0xffff, v17  }
0x4ac: {  	s21 =	simm.s32 $0x102C0;
	[tilespmem:s20+$0x0] =	vst.add.f32.msk $0xffff, v12  }
0x4ad: {  	v9 =	vadd.f32 v35, v9;
	s22 =	simm.s32 $0x102D0;
	[tilespmem:s21+$0x0] =	vst.add.f32.msk $0xffff, v13  }
0x4ae: {  	v54 =	vadd.f32 v34, v24;
	s23 =	simm.s32 $0x102E0;
	[tilespmem:s22+$0x0] =	vst.add.f32.msk $0xffff, v14  }
0x4af: {  	v55 =	vadd.f32 v32, v20;
	v9 =	vadd.f32 v37, v9;
	s24 =	simm.s32 $0x102F0;
	[tilespmem:s23+$0x0] =	vst.add.f32.msk $0xffff, v53  }
0x4b0: {  	v56 =	vadd.f32 v33, v15;
	s25 =	simm.s32 $0x10300;
	v13 =	vadd.f32 v38, v54;
	[tilespmem:s24+$0x0] =	vst.add.f32.msk $0xffff, v11  }
0x4b1: {  	v57 =	vadd.f32 v36, v21;
	v14 =	vadd.f32 v39, v55;
	[tilespmem:s25+$0x0] =	vst.add.f32.msk $0xffff, v9  }
0x4b2: {  	v58 =	vadd.f32 v42, v16;
	v12 =	vadd.f32 v40, v56;
	[tilespmem:s0+$0x0] =	vst.add.f32.msk $0xffff, v13  }
0x4b3: {  	v10 =	vadd.f32 v43, v10;
	v11 =	vadd.f32 v41, v57;
	[tilespmem:s1+$0x0] =	vst.add.f32.msk $0xffff, v14  }
0x4b4: {  	v9 =	vadd.f32 v48, v58;
	[tilespmem:s10+$0x0] =	vst.add.f32.msk $0xffff, v12  }
0x4b5: {  	v10 =	vadd.f32 v49, v10;
	[tilespmem:s3+$0x0] =	vst.add.f32.msk $0xffff, v11  }
0x4b6: {  	v4 =	vadd.f32 v47, v4;
	[tilespmem:s4+$0x0] =	vst.add.f32.msk $0xffff, v9  }
0x4b7: {  	v7 =	vadd.f32 v59, v7;
	[tilespmem:s5+$0x0] =	vst.add.f32.msk $0xffff, v10  }
0x4b8: {  	v8 =	vadd.f32 v60, v8;
	[tilespmem:s6+$0x0] =	vst.add.f32.msk $0xffff, v4  }
0x4b9: {  	v4 =	vadd.f32 v61, v5;
	[tilespmem:s7+$0x0] =	vst.add.f32.msk $0xffff, v7  }
0x4ba: {  	v5 =	vadd.f32 v62, v6;
	[tilespmem:s8+$0x0] =	vst.add.f32.msk $0xffff, v8  }
0x4bb: {  	v2 =	vadd.f32 v44, v2;
	[tilespmem:s2+$0x0] =	vst.add.f32.msk $0xffff, v4  }
0x4bc: {  	v3 =	vadd.f32 v45, v3;
	[tilespmem:s12+$0x0] =	vst.add.f32.msk $0xffff, v5  }
0x4bd: {  	v1 =	vadd.f32 v46, v1;
	[tilespmem:s13+$0x0] =	vst.add.f32.msk $0xffff, v2  }
0x4be: {  	v0 =	vadd.f32 v63, v0;
	[tilespmem:s14+$0x0] =	vst.add.f32.msk $0xffff, v3  }
0x4bf: {  	s26 =	rddreg [dreg:$0x7];
	[tilespmem:s15+$0x0] =	vst.add.f32.msk $0xffff, v1  }
0x4c0: {  	s28 =	simm.s32 $0x80;
	s29 =	simm.s32 $0x200;
	s30 =	simm.s32 $0x3;
	[tilespmem:s16+$0x0] =	vst.add.f32.msk $0xffff, v0  }
0x4c1: {  	[hbm4b:s26+s28] =	stream.strided.scatter [tilespmem:s11], [sflag:$0x3], $0x400, s29, s28, $0x38;
	[tilespmem:$0x10400] =	vst v63  }
0x4c2: {  	_ =	swait.ge [sflag:s30], $0x400  }
0x4c3: {  	s18 =	sadd.s32 $0x1, s18;
	s31 =	rddreg [dreg:$0x8]  }
0x4c4: {  	p0 =	sne.s32 s18, s31  }
.Ltmp8:
0x4c5: {  	_ = 	snop;
	(pc) =	sbr.rel @p0 .LBB2_1-.Ltmp8, $3  }
0x4c6: {  	_ =	sdelay $0x1  }
0x4c7: {  	[sflag:s30] =	ssyncset.done $0x0  }
0x4c8: {  	[sflag:s30] =	ssyncadd.s32 $0xFFFFFC00  }
0x4c9: {  	_ =	sfence.sel $0x180000  }
0x4ca: {  	[bflag:$0x0] =	sbarrier.arrive $0xFFFF  }
0x4cb: {  	_ =	strace $0x90000047  }
0x4cc: {  	s0 =	stileid.u32;
	[bflag:$0x2] =	sbarrier.arrive $0xFFFF  }
0x4cd: {  	p0 =	sne.s32 s0, $0x0;
	s0 =	rddreg [dreg:$0x2]  }
0x4ce: {  	s0 =	sadd.s32 @!p0 $0x100000, s0  }
0x4cf: {  	[sflag:s0] =	ssyncadd.tile.s32 @!p0 $0x1;
	_ =	shalt  }
.Lfunc_end2:
_tile_overlayer_lowered:
.L_overlay_start_2:
0x4d0: {  	(tag) =	ssettag $0x2  }
0x4d1: {  	s0 =	rddreg [dreg:$0x0];
	s2 =	stileid.u32  }
0x4d2: {  	s1 =	rddreg [dreg:$0x1];
	p0 =	sne.s32 s2, $0x0  }
0x4d3: {  	s3 =	rddreg [dreg:$0x2];
	[bflag:$0x3] =	sbarrier.arrive $0xFFFF;
	s2 =	simm.s32 @!p0 $0x1C03  }
0x4d4: {  	[timem:s3], [sflag:s2] =	dma.local @!p0 [hbm:s0], s1  }
0x4d5: {  	s0 =	simm.s32 @!p0 $0x3  }
0x4d6: {  	_ =	swait.ge @!p0 [sflag:s0], s1  }
0x4d7: {  	s1 =	ssub.s32 @!p0 $0x0, s1;
	[sflag:s0] =	ssyncset.done @!p0 $0x0  }
0x4d8: {  	[sflag:s0] =	ssyncadd.s32 @!p0 s1  }
0x4d9: {  	[bflag:$0x3] =	sbarrier.arrive $0xFFFF  }
0x4da: {  	_ =	shalt  }

</sc_bundles>
